<compile_context>
chip_gen: v7x
topology: tpu7x:2x2x1
jax: 0.10.2.dev20260603
libtpu: 0.0.44.dev20260713+nightly
codegen_flags: <defaults>
</compile_context>

<pallas_src>
import functools

import jax
import jax.numpy as jnp
import numpy as np
from jax import lax
from jax.experimental import pallas as pl
from jax.experimental.pallas import tpu as pltpu
from jax.experimental.pallas import tpu_sc as plsc

HD = 128
NF = 128
NL = 6
B, N, E, M = 2, 10000, 160000, 2048

NP = 10240
NTILES = 16
ROWS_PT = NP // NTILES
CH = 128
CPT = 80
EPT = CPT * CH
EPAD = NTILES * EPT
MF = M * 4
MCCH = 128
MCH = MF // NTILES // MCCH


def _silu(x):
    return x * lax.logistic(x)


def _dot(a, b):
    return jnp.dot(a.astype(jnp.bfloat16), b.astype(jnp.bfloat16),
                   preferred_element_type=jnp.float32)



_BLK = 1024


def _embed_body(te_ref, nf_ref, wt1, bt1, wt2, bt2, we1, be1, we2, be2,
                out_ref):
    te = te_ref[0]
    t1 = _silu(_dot(te, wt1[...])
               + bt1[...])
    temb = _dot(t1, wt2[...]) + bt2[...]
    nf = nf_ref[0]
    h1 = _silu(_dot(nf, we1[...])
               + be1[...])
    h = _dot(h1, we2[...]) + be2[...]
    out_ref[0] = h + temb


def _layer_body(h_ref, agg_ref, wa, wb, bgr, out_ref):
    h = h_ref[0]
    a = agg_ref[0]
    z = _dot(h, wa[...]) + _dot(a, wb[...]) + bgr[...]
    out_ref[0] = h + _silu(z)


def _score_body(hm_ref, mask_ref, w1, b1, w2, b2, w3, b3, out_ref):
    x = hm_ref[0]
    s = _silu(_dot(x, w1[...]) + b1[...])
    s = _silu(_dot(s, w2[...]) + b2[...])
    sc = _dot(s, w3[...]) + b3[...]
    m = mask_ref[0]
    out_ref[0] = jnp.where(m != 0, sc, -jnp.inf)


def _full(shape):
    return pl.BlockSpec(shape, lambda b, i: tuple(0 for _ in shape))


def _embed_tc(te3, nf_pad, wt1, bt1, wt2, bt2, we1, be1, we2, be2):
    grid = (B, NP // _BLK)
    return pl.pallas_call(
        _embed_body,
        grid=grid,
        in_specs=[
            pl.BlockSpec((1, 1, 16), lambda b, i: (b, 0, 0)),
            pl.BlockSpec((1, _BLK, NF), lambda b, i: (b, i, 0)),
            _full((16, HD)), _full((1, HD)),
            _full((HD, HD)), _full((1, HD)),
            _full((NF, HD)), _full((1, HD)),
            _full((HD, HD)), _full((1, HD)),
        ],
        out_specs=pl.BlockSpec((1, _BLK, HD), lambda b, i: (b, i, 0)),
        out_shape=jax.ShapeDtypeStruct((B, NP, HD), jnp.float32),
    )(te3, nf_pad, wt1, bt1, wt2, bt2, we1, be1, we2, be2)


def _layer_tc(h, agg, wa, wb, bgr):
    grid = (B, NP // _BLK)
    return pl.pallas_call(
        _layer_body,
        grid=grid,
        in_specs=[
            pl.BlockSpec((1, _BLK, HD), lambda b, i: (b, i, 0)),
            pl.BlockSpec((1, _BLK, HD), lambda b, i: (b, i, 0)),
            _full((HD, HD)), _full((HD, HD)), _full((1, HD)),
        ],
        out_specs=pl.BlockSpec((1, _BLK, HD), lambda b, i: (b, i, 0)),
        out_shape=jax.ShapeDtypeStruct((B, NP, HD), jnp.float32),
    )(h, agg, wa, wb, bgr)


def _score_tc(hm, mask3, w1, b1, w2, b2, w3, b3):
    grid = (B,)
    return pl.pallas_call(
        _score_body,
        grid=grid,
        in_specs=[
            pl.BlockSpec((1, M, 4 * HD), lambda b: (b, 0, 0)),
            pl.BlockSpec((1, M, 1), lambda b: (b, 0, 0)),
            pl.BlockSpec((4 * HD, HD), lambda b: (0, 0)),
            pl.BlockSpec((1, HD), lambda b: (0, 0)),
            pl.BlockSpec((HD, HD), lambda b: (0, 0)),
            pl.BlockSpec((1, HD), lambda b: (0, 0)),
            pl.BlockSpec((HD, 1), lambda b: (0, 0)),
            pl.BlockSpec((1, 1), lambda b: (0, 0)),
        ],
        out_specs=pl.BlockSpec((1, M, 1), lambda b: (b, 0, 0)),
        out_shape=jax.ShapeDtypeStruct((B, M, 1), jnp.float32),
    )(hm, mask3, w1, b1, w2, b2, w3, b3)



_SC_MESH = plsc.VectorSubcoreMesh(core_axis_name="c", subcore_axis_name="s")


@functools.partial(
    pl.kernel,
    out_type=jax.ShapeDtypeStruct((B * NP, HD), jnp.float32),
    mesh=_SC_MESH,
    scratch_types=[
        pltpu.VMEM((CPT, CH), jnp.int32),
        pltpu.VMEM((CPT, CH), jnp.int32),
        pltpu.VMEM((CH, HD), jnp.float32),
        pltpu.VMEM_SHARED((NP, HD), jnp.float32),
        pltpu.SemaphoreType.DMA,
    ],
)
def _agg_sc(h_hbm, src_hbm, dst_hbm, zeros_hbm, out_hbm,
            src_v, dst_v, rows_v, agg_sh, sem):
    c = lax.axis_index("c")
    s = lax.axis_index("s")
    w = c * NTILES + s
    pltpu.sync_copy(src_hbm.at[w], src_v)
    pltpu.sync_copy(dst_hbm.at[s], dst_v)
    pltpu.sync_copy(zeros_hbm, rows_v)
    for k in range(ROWS_PT // CH):
        pltpu.sync_copy(rows_v, agg_sh.at[pl.ds(s * ROWS_PT + k * CH, CH)])
    plsc.subcore_barrier()

    def edge_chunk(j, carry):
        pltpu.async_copy(h_hbm.at[src_v.at[j]], rows_v, sem).wait()
        pltpu.sync_copy(rows_v, agg_sh.at[dst_v.at[j]], add=True)
        return carry

    lax.fori_loop(0, CPT, edge_chunk, 0)
    plsc.subcore_barrier()
    base = c * NP + s * ROWS_PT
    for k in range(ROWS_PT // CH):
        pltpu.sync_copy(agg_sh.at[pl.ds(s * ROWS_PT + k * CH, CH)], rows_v)
        pltpu.sync_copy(rows_v, out_hbm.at[pl.ds(base + k * CH, CH)])


@functools.partial(
    pl.kernel,
    out_type=jax.ShapeDtypeStruct((B * MF, HD), jnp.float32),
    mesh=_SC_MESH,
    scratch_types=[
        pltpu.VMEM((MCH, MCCH), jnp.int32),
        pltpu.VMEM((MCH * MCCH, HD), jnp.float32),
        pltpu.SemaphoreType.DMA,
        pltpu.SemaphoreType.DMA,
        pltpu.SemaphoreType.DMA,
        pltpu.SemaphoreType.DMA,
    ],
)
def _gather_sc(h_hbm, idx_hbm, out_hbm, idx_v, rows_v, g0, g1, g2, g3):
    sems = (g0, g1, g2, g3)
    c = lax.axis_index("c")
    s = lax.axis_index("s")
    w = c * NTILES + s
    pltpu.sync_copy(idx_hbm.at[w], idx_v)
    base = c * MF + s * (MCH * MCCH)
    for j in range(MCH):
        pltpu.async_copy(h_hbm.at[idx_v.at[j]],
                         rows_v.at[pl.ds(j * MCCH, MCCH)], sems[j])
    for j in range(MCH):
        pltpu.make_async_copy(h_hbm.at[idx_v.at[j]],
                              rows_v.at[pl.ds(j * MCCH, MCCH)], sems[j]).wait()
    pltpu.sync_copy(rows_v, out_hbm.at[pl.ds(base, MCH * MCCH)])




def kernel(node_features, edge_index, move_nodes, move_mask, t,
           Wt1, bt1, Wt2, bt2, We1, be1, We2, be2, Wg, bg,
           Wd1, bd1, Wd2, bd2, Wd3, bd3):
    freqs = jnp.exp(jnp.arange(0, 8, dtype=jnp.float32)
                    * (-np.log(10000.0) / 8.0))
    args = t[:, None] * freqs
    te3 = jnp.concatenate([jnp.sin(args), jnp.cos(args)],
                          axis=-1).reshape(B, 1, 16)

    nf_pad = jnp.pad(node_features, ((0, 0), (0, NP - N), (0, 0)))

    boff = (jnp.arange(B, dtype=jnp.int32) * NP)[:, None]
    src = jnp.concatenate(
        [edge_index[0], jnp.zeros((EPAD - E,), jnp.int32)])
    dst = jnp.concatenate(
        [edge_index[1], jnp.full((EPAD - E,), N, jnp.int32)])
    src2 = (src[None, :] + boff).reshape(B * NTILES, CPT, CH)
    dstt = dst.reshape(NTILES, CPT, CH)
    zeros_rows = jnp.zeros((CH, HD), jnp.float32)

    midx = (jnp.clip(move_nodes, 0, N - 1).reshape(B, MF)
            + boff).reshape(B * NTILES, MCH, MCCH)
    mask3 = move_mask.astype(jnp.int32).reshape(B, M, 1)

    b2 = lambda v: v.reshape(1, -1)

    h = _embed_tc(te3, nf_pad, Wt1, b2(bt1), Wt2, b2(bt2),
                  We1, b2(be1), We2, b2(be2))
    for l in range(NL):
        hf = h.reshape(B * NP, HD)
        agg = _agg_sc(hf, src2, dstt, zeros_rows).reshape(B, NP, HD)
        h = _layer_tc(h, agg, Wg[l, :HD, :], Wg[l, HD:, :], b2(bg[l]))

    hm = _gather_sc(h.reshape(B * NP, HD), midx).reshape(B, M, 4 * HD)
    out = _score_tc(hm, mask3, Wd1, b2(bd1), Wd2, b2(bd2), Wd3,
                    bd3.reshape(1, 1))
    return out.reshape(B, M)

# --- scband reference (transcript-rebuilt; emitter-appended) ---
"""Pipeline reference for scband-potential-scorer-48146583388858 (READ-ONLY COPY).

The authoritative reference and input builder live on the scoring server;
editing this copy changes nothing except your own understanding.
"""

import jax, jax.numpy as jnp
import numpy as np

HD = 128
NF = 128
NL = 6
B, N, E, M = 2, 10000, 160000, 2048


def _lin(k, i, o):
    return jax.random.normal(k, (i, o), dtype=jnp.float32) * (1.0 / np.sqrt(i))


def setup_inputs(seed: int = 0) -> dict:
    key = jax.random.key(seed)
    ks = jax.random.split(key, 24)
    inp = {}
    inp["node_features"] = jax.random.normal(ks[0], (B, N, NF), dtype=jnp.float32)
    inp["edge_index"] = jax.random.randint(ks[1], (2, E), 0, N, dtype=jnp.int32)
    inp["move_nodes"] = jax.random.randint(ks[2], (B, M, 4), 0, N, dtype=jnp.int32)
    inp["move_mask"] = jnp.ones((B, M), dtype=bool)
    inp["t"] = jax.random.uniform(ks[3], (B,), dtype=jnp.float32)
    # time_embed params
    inp["Wt1"] = _lin(ks[4], 16, HD); inp["bt1"] = jnp.zeros((HD,), jnp.float32)
    inp["Wt2"] = _lin(ks[5], HD, HD); inp["bt2"] = jnp.zeros((HD,), jnp.float32)
    # embed params
    inp["We1"] = _lin(ks[6], NF, HD); inp["be1"] = jnp.zeros((HD,), jnp.float32)
    inp["We2"] = _lin(ks[7], HD, HD); inp["be2"] = jnp.zeros((HD,), jnp.float32)
    # GNN layer params (stacked over layers)
    inp["Wg"] = jnp.stack([_lin(jax.random.fold_in(ks[8], l), 2 * HD, HD) for l in range(NL)])
    inp["bg"] = jnp.zeros((NL, HD), jnp.float32)
    # diff_scorer params
    inp["Wd1"] = _lin(ks[9], 4 * HD, HD); inp["bd1"] = jnp.zeros((HD,), jnp.float32)
    inp["Wd2"] = _lin(ks[10], HD, HD); inp["bd2"] = jnp.zeros((HD,), jnp.float32)
    inp["Wd3"] = _lin(ks[11], HD, 1); inp["bd3"] = jnp.zeros((1,), jnp.float32)
    return inp


def _time_encoding(t):
    freqs = jnp.exp(jnp.arange(0, 8, dtype=jnp.float32) * (-np.log(10000.0) / 8.0))
    args = t[:, None] * freqs
    return jnp.concatenate([jnp.sin(args), jnp.cos(args)], axis=-1)


def reference(node_features, edge_index, move_nodes, move_mask, t,
              Wt1, bt1, Wt2, bt2, We1, be1, We2, be2, Wg, bg,
              Wd1, bd1, Wd2, bd2, Wd3, bd3):
    te = _time_encoding(t)
    t_emb = jax.nn.silu(te @ Wt1 + bt1) @ Wt2 + bt2  # (B, HD)
    h = jax.nn.silu(node_features @ We1 + be1) @ We2 + be2  # (B, N, HD)
    h = h + t_emb[:, None, :]
    src = edge_index[0]
    dst = edge_index[1]
    for l in range(NL):
        msgs = h[:, src, :]  # gather (B, E, HD)
        agg = jnp.zeros_like(h).at[:, dst, :].add(msgs)  # scatter-add to dst
        h = h + jax.nn.silu(jnp.concatenate([h, agg], axis=-1) @ Wg[l] + bg[l])
    idx = jnp.clip(move_nodes, 0, N - 1)  # (B, M, 4)
    parts = []
    for p in range(4):
        gidx = jnp.broadcast_to(idx[:, :, p][:, :, None], (B, M, HD))
        parts.append(jnp.take_along_axis(h, gidx, axis=1))
    h_moves = jnp.concatenate(parts, axis=-1)  # (B, M, 4*HD)
    s = jax.nn.silu(h_moves @ Wd1 + bd1)
    s = jax.nn.silu(s @ Wd2 + bd2)
    scores = (s @ Wd3 + bd3)[..., 0]  # (B, M)
    scores = jnp.where(move_mask, scores, -jnp.inf)
    return scores

if __name__ == "__main__":
    import jax
    _d = setup_inputs()
    print(jax.jit(kernel)(*tuple(_d.values())))

</pallas_src>

<mosaic_0001>
#map = affine_map<(d0, d1) -> (0, 0)>
#map1 = affine_map<(d0, d1) -> (0, 0, 0)>
module attributes {stable_mosaic.version = 14 : i64} {
  func.func @_agg_sc(%arg0: i32, %arg1: i32, %arg2: memref<20480x128xf32, #tpu.memory_space<hbm>>, %arg3: memref<32x80x128xi32, #tpu.memory_space<hbm>>, %arg4: memref<16x80x128xi32, #tpu.memory_space<hbm>>, %arg5: memref<128x128xf32, #tpu.memory_space<hbm>>, %arg6: memref<20480x128xf32, #tpu.memory_space<hbm>>, %arg7: memref<80x128xi32, #tpu.memory_space<vmem>>, %arg8: memref<80x128xi32, #tpu.memory_space<vmem>>, %arg9: memref<128x128xf32, #tpu.memory_space<vmem>>, %arg10: memref<10240x128xf32, #tpu.memory_space<vmem_shared>>, %arg11: memref<!tpu.dma_semaphore, #tpu.memory_space<semaphore_mem>>) attributes {dimension_semantics = [#tpu.dimension_semantics<core_parallel>, #tpu.dimension_semantics<subcore_parallel>], iteration_bounds = array<i64: 2, 16>, scalar_prefetch = 0 : i64, scratch_operands = 5 : i64, tpu.core_type = #tpu.core_type<sc_vector_subcore>, window_params = [{transform_indices = #map}, {transform_indices = #map1}, {transform_indices = #map1}, {transform_indices = #map}, {transform_indices = #map}]} {
    %mul3A = arith.constant 16 : i32
    %mul3A_0 = arith.muli %arg0, %mul3A : i32
    %add3A = arith.addi %mul3A_0, %arg1 : i32
    "tpu.region"() ({
      %run_scoped3A = tpu.sem_alloc : memref<!tpu.dma_semaphore, #tpu.memory_space<semaphore_mem>>
      %dma_start3A = arith.constant 0 : i32
      %dma_start3A_62 = arith.constant 0 : i32
      %dma_start3A_63 = tpu.memref_slice %arg3[%add3A, %dma_start3A, %dma_start3A_62] : memref<32x80x128xi32, #tpu.memory_space<hbm>> -> memref<1x80x128xi32, #tpu.memory_space<hbm>>
      %dma_start3A_64 = tpu.memref_squeeze %dma_start3A_63 : memref<1x80x128xi32, #tpu.memory_space<hbm>> -> memref<80x128xi32, #tpu.memory_space<hbm>>
      %dma_start3A_65 = arith.constant 0 : i32
      %dma_start3A_66 = arith.constant 0 : i32
      %dma_start3A_67 = tpu.memref_slice %arg3[%add3A, %dma_start3A_65, %dma_start3A_66] : memref<32x80x128xi32, #tpu.memory_space<hbm>> -> memref<1x80x128xi32, #tpu.memory_space<hbm>>
      %dma_start3A_68 = tpu.memref_squeeze %dma_start3A_67 : memref<1x80x128xi32, #tpu.memory_space<hbm>> -> memref<80x128xi32, #tpu.memory_space<hbm>>
      tpu.enqueue_dma source(%dma_start3A_68 : memref<80x128xi32, #tpu.memory_space<hbm>>) target(%arg7 : memref<80x128xi32, #tpu.memory_space<vmem>>) target_semaphore(%run_scoped3A : memref<!tpu.dma_semaphore, #tpu.memory_space<semaphore_mem>>)
      %dma_wait3A = arith.constant 0 : i32
      %dma_wait3A_69 = arith.constant 0 : i32
      %dma_wait3A_70 = tpu.memref_slice %arg3[%add3A, %dma_wait3A, %dma_wait3A_69] : memref<32x80x128xi32, #tpu.memory_space<hbm>> -> memref<1x80x128xi32, #tpu.memory_space<hbm>>
      %dma_wait3A_71 = tpu.memref_squeeze %dma_wait3A_70 : memref<1x80x128xi32, #tpu.memory_space<hbm>> -> memref<80x128xi32, #tpu.memory_space<hbm>>
      %dma_wait3A_72 = arith.constant 0 : i32
      %dma_wait3A_73 = arith.constant 0 : i32
      %dma_wait3A_74 = tpu.memref_slice %arg3[%add3A, %dma_wait3A_72, %dma_wait3A_73] : memref<32x80x128xi32, #tpu.memory_space<hbm>> -> memref<1x80x128xi32, #tpu.memory_space<hbm>>
      %dma_wait3A_75 = tpu.memref_squeeze %dma_wait3A_74 : memref<1x80x128xi32, #tpu.memory_space<hbm>> -> memref<80x128xi32, #tpu.memory_space<hbm>>
      tpu.wait_dma2 semaphore(%run_scoped3A : memref<!tpu.dma_semaphore, #tpu.memory_space<semaphore_mem>>) src(%dma_wait3A_75 : memref<80x128xi32, #tpu.memory_space<hbm>>) dst(%arg7 : memref<80x128xi32, #tpu.memory_space<vmem>>)
      tpu.yield
    }) : () -> ()
    "tpu.region"() ({
      %run_scoped3A = tpu.sem_alloc : memref<!tpu.dma_semaphore, #tpu.memory_space<semaphore_mem>>
      %dma_start3A = arith.constant 0 : i32
      %dma_start3A_62 = arith.constant 0 : i32
      %dma_start3A_63 = tpu.memref_slice %arg4[%arg1, %dma_start3A, %dma_start3A_62] : memref<16x80x128xi32, #tpu.memory_space<hbm>> -> memref<1x80x128xi32, #tpu.memory_space<hbm>>
      %dma_start3A_64 = tpu.memref_squeeze %dma_start3A_63 : memref<1x80x128xi32, #tpu.memory_space<hbm>> -> memref<80x128xi32, #tpu.memory_space<hbm>>
      %dma_start3A_65 = arith.constant 0 : i32
      %dma_start3A_66 = arith.constant 0 : i32
      %dma_start3A_67 = tpu.memref_slice %arg4[%arg1, %dma_start3A_65, %dma_start3A_66] : memref<16x80x128xi32, #tpu.memory_space<hbm>> -> memref<1x80x128xi32, #tpu.memory_space<hbm>>
      %dma_start3A_68 = tpu.memref_squeeze %dma_start3A_67 : memref<1x80x128xi32, #tpu.memory_space<hbm>> -> memref<80x128xi32, #tpu.memory_space<hbm>>
      tpu.enqueue_dma source(%dma_start3A_68 : memref<80x128xi32, #tpu.memory_space<hbm>>) target(%arg8 : memref<80x128xi32, #tpu.memory_space<vmem>>) target_semaphore(%run_scoped3A : memref<!tpu.dma_semaphore, #tpu.memory_space<semaphore_mem>>)
      %dma_wait3A = arith.constant 0 : i32
      %dma_wait3A_69 = arith.constant 0 : i32
      %dma_wait3A_70 = tpu.memref_slice %arg4[%arg1, %dma_wait3A, %dma_wait3A_69] : memref<16x80x128xi32, #tpu.memory_space<hbm>> -> memref<1x80x128xi32, #tpu.memory_space<hbm>>
      %dma_wait3A_71 = tpu.memref_squeeze %dma_wait3A_70 : memref<1x80x128xi32, #tpu.memory_space<hbm>> -> memref<80x128xi32, #tpu.memory_space<hbm>>
      %dma_wait3A_72 = arith.constant 0 : i32
      %dma_wait3A_73 = arith.constant 0 : i32
      %dma_wait3A_74 = tpu.memref_slice %arg4[%arg1, %dma_wait3A_72, %dma_wait3A_73] : memref<16x80x128xi32, #tpu.memory_space<hbm>> -> memref<1x80x128xi32, #tpu.memory_space<hbm>>
      %dma_wait3A_75 = tpu.memref_squeeze %dma_wait3A_74 : memref<1x80x128xi32, #tpu.memory_space<hbm>> -> memref<80x128xi32, #tpu.memory_space<hbm>>
      tpu.wait_dma2 semaphore(%run_scoped3A : memref<!tpu.dma_semaphore, #tpu.memory_space<semaphore_mem>>) src(%dma_wait3A_75 : memref<80x128xi32, #tpu.memory_space<hbm>>) dst(%arg8 : memref<80x128xi32, #tpu.memory_space<vmem>>)
      tpu.yield
    }) : () -> ()
    "tpu.region"() ({
      %run_scoped3A = tpu.sem_alloc : memref<!tpu.dma_semaphore, #tpu.memory_space<semaphore_mem>>
      tpu.enqueue_dma source(%arg5 : memref<128x128xf32, #tpu.memory_space<hbm>>) target(%arg9 : memref<128x128xf32, #tpu.memory_space<vmem>>) target_semaphore(%run_scoped3A : memref<!tpu.dma_semaphore, #tpu.memory_space<semaphore_mem>>)
      tpu.wait_dma2 semaphore(%run_scoped3A : memref<!tpu.dma_semaphore, #tpu.memory_space<semaphore_mem>>) src(%arg5 : memref<128x128xf32, #tpu.memory_space<hbm>>) dst(%arg9 : memref<128x128xf32, #tpu.memory_space<vmem>>)
      tpu.yield
    }) : () -> ()
    %mul3A_1 = arith.constant 640 : i32
    %mul3A_2 = arith.muli %arg1, %mul3A_1 : i32
    %add3A_3 = arith.constant 0 : i32
    %add3A_4 = arith.addi %mul3A_2, %add3A_3 : i32
    "tpu.region"() ({
      %run_scoped3A = tpu.sem_alloc : memref<!tpu.dma_semaphore, #tpu.memory_space<semaphore_mem>>
      %dma_start3A = arith.constant 0 : i32
      %dma_start3A_62 = tpu.memref_slice %arg10[%add3A_4, %dma_start3A] : memref<10240x128xf32, #tpu.memory_space<vmem_shared>> -> memref<128x128xf32, #tpu.memory_space<vmem_shared>>
      %dma_start3A_63 = arith.constant 0 : i32
      %dma_start3A_64 = tpu.memref_slice %arg10[%add3A_4, %dma_start3A_63] : memref<10240x128xf32, #tpu.memory_space<vmem_shared>> -> memref<128x128xf32, #tpu.memory_space<vmem_shared>>
      tpu.enqueue_dma source(%arg9 : memref<128x128xf32, #tpu.memory_space<vmem>>) target(%dma_start3A_64 : memref<128x128xf32, #tpu.memory_space<vmem_shared>>) target_semaphore(%run_scoped3A : memref<!tpu.dma_semaphore, #tpu.memory_space<semaphore_mem>>)
      %dma_wait3A = arith.constant 0 : i32
      %dma_wait3A_65 = tpu.memref_slice %arg10[%add3A_4, %dma_wait3A] : memref<10240x128xf32, #tpu.memory_space<vmem_shared>> -> memref<128x128xf32, #tpu.memory_space<vmem_shared>>
      %dma_wait3A_66 = arith.constant 0 : i32
      %dma_wait3A_67 = tpu.memref_slice %arg10[%add3A_4, %dma_wait3A_66] : memref<10240x128xf32, #tpu.memory_space<vmem_shared>> -> memref<128x128xf32, #tpu.memory_space<vmem_shared>>
      tpu.wait_dma2 semaphore(%run_scoped3A : memref<!tpu.dma_semaphore, #tpu.memory_space<semaphore_mem>>) src(%arg9 : memref<128x128xf32, #tpu.memory_space<vmem>>) dst(%dma_wait3A_67 : memref<128x128xf32, #tpu.memory_space<vmem_shared>>)
      tpu.yield
    }) : () -> ()
    %mul3A_5 = arith.constant 640 : i32
    %mul3A_6 = arith.muli %arg1, %mul3A_5 : i32
    %add3A_7 = arith.constant 128 : i32
    %add3A_8 = arith.addi %mul3A_6, %add3A_7 : i32
    "tpu.region"() ({
      %run_scoped3A = tpu.sem_alloc : memref<!tpu.dma_semaphore, #tpu.memory_space<semaphore_mem>>
      %dma_start3A = arith.constant 0 : i32
      %dma_start3A_62 = tpu.memref_slice %arg10[%add3A_8, %dma_start3A] : memref<10240x128xf32, #tpu.memory_space<vmem_shared>> -> memref<128x128xf32, #tpu.memory_space<vmem_shared>>
      %dma_start3A_63 = arith.constant 0 : i32
      %dma_start3A_64 = tpu.memref_slice %arg10[%add3A_8, %dma_start3A_63] : memref<10240x128xf32, #tpu.memory_space<vmem_shared>> -> memref<128x128xf32, #tpu.memory_space<vmem_shared>>
      tpu.enqueue_dma source(%arg9 : memref<128x128xf32, #tpu.memory_space<vmem>>) target(%dma_start3A_64 : memref<128x128xf32, #tpu.memory_space<vmem_shared>>) target_semaphore(%run_scoped3A : memref<!tpu.dma_semaphore, #tpu.memory_space<semaphore_mem>>)
      %dma_wait3A = arith.constant 0 : i32
      %dma_wait3A_65 = tpu.memref_slice %arg10[%add3A_8, %dma_wait3A] : memref<10240x128xf32, #tpu.memory_space<vmem_shared>> -> memref<128x128xf32, #tpu.memory_space<vmem_shared>>
      %dma_wait3A_66 = arith.constant 0 : i32
      %dma_wait3A_67 = tpu.memref_slice %arg10[%add3A_8, %dma_wait3A_66] : memref<10240x128xf32, #tpu.memory_space<vmem_shared>> -> memref<128x128xf32, #tpu.memory_space<vmem_shared>>
      tpu.wait_dma2 semaphore(%run_scoped3A : memref<!tpu.dma_semaphore, #tpu.memory_space<semaphore_mem>>) src(%arg9 : memref<128x128xf32, #tpu.memory_space<vmem>>) dst(%dma_wait3A_67 : memref<128x128xf32, #tpu.memory_space<vmem_shared>>)
      tpu.yield
    }) : () -> ()
    %mul3A_9 = arith.constant 640 : i32
    %mul3A_10 = arith.muli %arg1, %mul3A_9 : i32
    %add3A_11 = arith.constant 256 : i32
    %add3A_12 = arith.addi %mul3A_10, %add3A_11 : i32
    "tpu.region"() ({
      %run_scoped3A = tpu.sem_alloc : memref<!tpu.dma_semaphore, #tpu.memory_space<semaphore_mem>>
      %dma_start3A = arith.constant 0 : i32
      %dma_start3A_62 = tpu.memref_slice %arg10[%add3A_12, %dma_start3A] : memref<10240x128xf32, #tpu.memory_space<vmem_shared>> -> memref<128x128xf32, #tpu.memory_space<vmem_shared>>
      %dma_start3A_63 = arith.constant 0 : i32
      %dma_start3A_64 = tpu.memref_slice %arg10[%add3A_12, %dma_start3A_63] : memref<10240x128xf32, #tpu.memory_space<vmem_shared>> -> memref<128x128xf32, #tpu.memory_space<vmem_shared>>
      tpu.enqueue_dma source(%arg9 : memref<128x128xf32, #tpu.memory_space<vmem>>) target(%dma_start3A_64 : memref<128x128xf32, #tpu.memory_space<vmem_shared>>) target_semaphore(%run_scoped3A : memref<!tpu.dma_semaphore, #tpu.memory_space<semaphore_mem>>)
      %dma_wait3A = arith.constant 0 : i32
      %dma_wait3A_65 = tpu.memref_slice %arg10[%add3A_12, %dma_wait3A] : memref<10240x128xf32, #tpu.memory_space<vmem_shared>> -> memref<128x128xf32, #tpu.memory_space<vmem_shared>>
      %dma_wait3A_66 = arith.constant 0 : i32
      %dma_wait3A_67 = tpu.memref_slice %arg10[%add3A_12, %dma_wait3A_66] : memref<10240x128xf32, #tpu.memory_space<vmem_shared>> -> memref<128x128xf32, #tpu.memory_space<vmem_shared>>
      tpu.wait_dma2 semaphore(%run_scoped3A : memref<!tpu.dma_semaphore, #tpu.memory_space<semaphore_mem>>) src(%arg9 : memref<128x128xf32, #tpu.memory_space<vmem>>) dst(%dma_wait3A_67 : memref<128x128xf32, #tpu.memory_space<vmem_shared>>)
      tpu.yield
    }) : () -> ()
    %mul3A_13 = arith.constant 640 : i32
    %mul3A_14 = arith.muli %arg1, %mul3A_13 : i32
    %add3A_15 = arith.constant 384 : i32
    %add3A_16 = arith.addi %mul3A_14, %add3A_15 : i32
    "tpu.region"() ({
      %run_scoped3A = tpu.sem_alloc : memref<!tpu.dma_semaphore, #tpu.memory_space<semaphore_mem>>
      %dma_start3A = arith.constant 0 : i32
      %dma_start3A_62 = tpu.memref_slice %arg10[%add3A_16, %dma_start3A] : memref<10240x128xf32, #tpu.memory_space<vmem_shared>> -> memref<128x128xf32, #tpu.memory_space<vmem_shared>>
      %dma_start3A_63 = arith.constant 0 : i32
      %dma_start3A_64 = tpu.memref_slice %arg10[%add3A_16, %dma_start3A_63] : memref<10240x128xf32, #tpu.memory_space<vmem_shared>> -> memref<128x128xf32, #tpu.memory_space<vmem_shared>>
      tpu.enqueue_dma source(%arg9 : memref<128x128xf32, #tpu.memory_space<vmem>>) target(%dma_start3A_64 : memref<128x128xf32, #tpu.memory_space<vmem_shared>>) target_semaphore(%run_scoped3A : memref<!tpu.dma_semaphore, #tpu.memory_space<semaphore_mem>>)
      %dma_wait3A = arith.constant 0 : i32
      %dma_wait3A_65 = tpu.memref_slice %arg10[%add3A_16, %dma_wait3A] : memref<10240x128xf32, #tpu.memory_space<vmem_shared>> -> memref<128x128xf32, #tpu.memory_space<vmem_shared>>
      %dma_wait3A_66 = arith.constant 0 : i32
      %dma_wait3A_67 = tpu.memref_slice %arg10[%add3A_16, %dma_wait3A_66] : memref<10240x128xf32, #tpu.memory_space<vmem_shared>> -> memref<128x128xf32, #tpu.memory_space<vmem_shared>>
      tpu.wait_dma2 semaphore(%run_scoped3A : memref<!tpu.dma_semaphore, #tpu.memory_space<semaphore_mem>>) src(%arg9 : memref<128x128xf32, #tpu.memory_space<vmem>>) dst(%dma_wait3A_67 : memref<128x128xf32, #tpu.memory_space<vmem_shared>>)
      tpu.yield
    }) : () -> ()
    %mul3A_17 = arith.constant 640 : i32
    %mul3A_18 = arith.muli %arg1, %mul3A_17 : i32
    %add3A_19 = arith.constant 512 : i32
    %add3A_20 = arith.addi %mul3A_18, %add3A_19 : i32
    "tpu.region"() ({
      %run_scoped3A = tpu.sem_alloc : memref<!tpu.dma_semaphore, #tpu.memory_space<semaphore_mem>>
      %dma_start3A = arith.constant 0 : i32
      %dma_start3A_62 = tpu.memref_slice %arg10[%add3A_20, %dma_start3A] : memref<10240x128xf32, #tpu.memory_space<vmem_shared>> -> memref<128x128xf32, #tpu.memory_space<vmem_shared>>
      %dma_start3A_63 = arith.constant 0 : i32
      %dma_start3A_64 = tpu.memref_slice %arg10[%add3A_20, %dma_start3A_63] : memref<10240x128xf32, #tpu.memory_space<vmem_shared>> -> memref<128x128xf32, #tpu.memory_space<vmem_shared>>
      tpu.enqueue_dma source(%arg9 : memref<128x128xf32, #tpu.memory_space<vmem>>) target(%dma_start3A_64 : memref<128x128xf32, #tpu.memory_space<vmem_shared>>) target_semaphore(%run_scoped3A : memref<!tpu.dma_semaphore, #tpu.memory_space<semaphore_mem>>)
      %dma_wait3A = arith.constant 0 : i32
      %dma_wait3A_65 = tpu.memref_slice %arg10[%add3A_20, %dma_wait3A] : memref<10240x128xf32, #tpu.memory_space<vmem_shared>> -> memref<128x128xf32, #tpu.memory_space<vmem_shared>>
      %dma_wait3A_66 = arith.constant 0 : i32
      %dma_wait3A_67 = tpu.memref_slice %arg10[%add3A_20, %dma_wait3A_66] : memref<10240x128xf32, #tpu.memory_space<vmem_shared>> -> memref<128x128xf32, #tpu.memory_space<vmem_shared>>
      tpu.wait_dma2 semaphore(%run_scoped3A : memref<!tpu.dma_semaphore, #tpu.memory_space<semaphore_mem>>) src(%arg9 : memref<128x128xf32, #tpu.memory_space<vmem>>) dst(%dma_wait3A_67 : memref<128x128xf32, #tpu.memory_space<vmem_shared>>)
      tpu.yield
    }) : () -> ()
    %barrier3A = arith.constant 0 : index
    tpu.barrier barrier_id(%barrier3A)
    %scan3A = arith.constant 0 : i32
    %scan3A_21 = arith.constant 0 : i32
    %scan3A_22 = arith.constant 80 : i32
    %scan3A_23 = arith.addi %scan3A_21, %scan3A_22 : i32
    %scan3A_24 = arith.constant 1 : i32
    scf.for %scan3A_62 = %scan3A_21 to %scan3A_23 step %scan3A_24  : i32 {
      %dma_start3A = arith.constant 0 : i32
      %dma_start3A_63 = tpu.memref_slice %arg7[%scan3A_62, %dma_start3A] : memref<80x128xi32, #tpu.memory_space<vmem>> -> memref<1x128xi32, #tpu.memory_space<vmem>>
      %dma_start3A_64 = tpu.memref_squeeze %dma_start3A_63 : memref<1x128xi32, #tpu.memory_space<vmem>> -> memref<128xi32, #tpu.memory_space<vmem>>
      %dma_start3A_65 = arith.constant 0 : i32
      %dma_start3A_66 = arith.constant 0 : i32
      %dma_start3A_67 = tpu.memref_slice %arg2[%dma_start3A_65, %dma_start3A_66] : memref<20480x128xf32, #tpu.memory_space<hbm>> -> memref<20480x128xf32, #tpu.memory_space<hbm>>
      tpu.enqueue_indirect_dma source(%dma_start3A_67 : memref<20480x128xf32, #tpu.memory_space<hbm>>) target(%arg9 : memref<128x128xf32, #tpu.memory_space<vmem>>) offsets(%dma_start3A_64 : memref<128xi32, #tpu.memory_space<vmem>>) semaphore(%arg11 : memref<!tpu.dma_semaphore, #tpu.memory_space<semaphore_mem>>)
      %dma_wait3A = arith.constant 0 : i32
      %dma_wait3A_68 = tpu.memref_slice %arg7[%scan3A_62, %dma_wait3A] : memref<80x128xi32, #tpu.memory_space<vmem>> -> memref<1x128xi32, #tpu.memory_space<vmem>>
      %dma_wait3A_69 = tpu.memref_squeeze %dma_wait3A_68 : memref<1x128xi32, #tpu.memory_space<vmem>> -> memref<128xi32, #tpu.memory_space<vmem>>
      %dma_wait3A_70 = arith.constant 0 : i32
      %dma_wait3A_71 = arith.constant 0 : i32
      %dma_wait3A_72 = tpu.memref_slice %arg2[%dma_wait3A_70, %dma_wait3A_71] : memref<20480x128xf32, #tpu.memory_space<hbm>> -> memref<20480x128xf32, #tpu.memory_space<hbm>>
      tpu.wait_indirect_dma semaphore(%arg11 : memref<!tpu.dma_semaphore, #tpu.memory_space<semaphore_mem>>) src(%dma_wait3A_72 : memref<20480x128xf32, #tpu.memory_space<hbm>>) dst(%arg9 : memref<128x128xf32, #tpu.memory_space<vmem>>)
      "tpu.region"() ({
        %run_scoped3A = tpu.sem_alloc : memref<!tpu.dma_semaphore, #tpu.memory_space<semaphore_mem>>
        %dma_start3A_73 = arith.constant 0 : i32
        %dma_start3A_74 = tpu.memref_slice %arg8[%scan3A_62, %dma_start3A_73] : memref<80x128xi32, #tpu.memory_space<vmem>> -> memref<1x128xi32, #tpu.memory_space<vmem>>
        %dma_start3A_75 = tpu.memref_squeeze %dma_start3A_74 : memref<1x128xi32, #tpu.memory_space<vmem>> -> memref<128xi32, #tpu.memory_space<vmem>>
        %dma_start3A_76 = arith.constant 0 : i32
        %dma_start3A_77 = arith.constant 0 : i32
        %dma_start3A_78 = tpu.memref_slice %arg10[%dma_start3A_76, %dma_start3A_77] : memref<10240x128xf32, #tpu.memory_space<vmem_shared>> -> memref<10240x128xf32, #tpu.memory_space<vmem_shared>>
        tpu.enqueue_indirect_dma source(%arg9 : memref<128x128xf32, #tpu.memory_space<vmem>>) target(%dma_start3A_78 : memref<10240x128xf32, #tpu.memory_space<vmem_shared>>) offsets(%dma_start3A_75 : memref<128xi32, #tpu.memory_space<vmem>>) semaphore(%run_scoped3A : memref<!tpu.dma_semaphore, #tpu.memory_space<semaphore_mem>>) {add = true}
        %dma_wait3A_79 = arith.constant 0 : i32
        %dma_wait3A_80 = tpu.memref_slice %arg8[%scan3A_62, %dma_wait3A_79] : memref<80x128xi32, #tpu.memory_space<vmem>> -> memref<1x128xi32, #tpu.memory_space<vmem>>
        %dma_wait3A_81 = tpu.memref_squeeze %dma_wait3A_80 : memref<1x128xi32, #tpu.memory_space<vmem>> -> memref<128xi32, #tpu.memory_space<vmem>>
        %dma_wait3A_82 = arith.constant 0 : i32
        %dma_wait3A_83 = arith.constant 0 : i32
        %dma_wait3A_84 = tpu.memref_slice %arg10[%dma_wait3A_82, %dma_wait3A_83] : memref<10240x128xf32, #tpu.memory_space<vmem_shared>> -> memref<10240x128xf32, #tpu.memory_space<vmem_shared>>
        tpu.wait_indirect_dma semaphore(%run_scoped3A : memref<!tpu.dma_semaphore, #tpu.memory_space<semaphore_mem>>) src(%arg9 : memref<128x128xf32, #tpu.memory_space<vmem>>) dst(%dma_wait3A_84 : memref<10240x128xf32, #tpu.memory_space<vmem_shared>>)
        tpu.yield
      }) : () -> ()
    }
    %scan3A_25 = arith.constant 80 : i32
    %barrier3A_26 = arith.constant 0 : index
    tpu.barrier barrier_id(%barrier3A_26)
    %mul3A_27 = arith.constant 10240 : i32
    %mul3A_28 = arith.muli %arg0, %mul3A_27 : i32
    %mul3A_29 = arith.constant 640 : i32
    %mul3A_30 = arith.muli %arg1, %mul3A_29 : i32
    %add3A_31 = arith.addi %mul3A_28, %mul3A_30 : i32
    %mul3A_32 = arith.constant 640 : i32
    %mul3A_33 = arith.muli %arg1, %mul3A_32 : i32
    %add3A_34 = arith.constant 0 : i32
    %add3A_35 = arith.addi %mul3A_33, %add3A_34 : i32
    "tpu.region"() ({
      %run_scoped3A = tpu.sem_alloc : memref<!tpu.dma_semaphore, #tpu.memory_space<semaphore_mem>>
      %dma_start3A = arith.constant 0 : i32
      %dma_start3A_62 = tpu.memref_slice %arg10[%add3A_35, %dma_start3A] : memref<10240x128xf32, #tpu.memory_space<vmem_shared>> -> memref<128x128xf32, #tpu.memory_space<vmem_shared>>
      %dma_start3A_63 = arith.constant 0 : i32
      %dma_start3A_64 = tpu.memref_slice %arg10[%add3A_35, %dma_start3A_63] : memref<10240x128xf32, #tpu.memory_space<vmem_shared>> -> memref<128x128xf32, #tpu.memory_space<vmem_shared>>
      tpu.enqueue_dma source(%dma_start3A_64 : memref<128x128xf32, #tpu.memory_space<vmem_shared>>) target(%arg9 : memref<128x128xf32, #tpu.memory_space<vmem>>) target_semaphore(%run_scoped3A : memref<!tpu.dma_semaphore, #tpu.memory_space<semaphore_mem>>)
      %dma_wait3A = arith.constant 0 : i32
      %dma_wait3A_65 = tpu.memref_slice %arg10[%add3A_35, %dma_wait3A] : memref<10240x128xf32, #tpu.memory_space<vmem_shared>> -> memref<128x128xf32, #tpu.memory_space<vmem_shared>>
      %dma_wait3A_66 = arith.constant 0 : i32
      %dma_wait3A_67 = tpu.memref_slice %arg10[%add3A_35, %dma_wait3A_66] : memref<10240x128xf32, #tpu.memory_space<vmem_shared>> -> memref<128x128xf32, #tpu.memory_space<vmem_shared>>
      tpu.wait_dma2 semaphore(%run_scoped3A : memref<!tpu.dma_semaphore, #tpu.memory_space<semaphore_mem>>) src(%dma_wait3A_67 : memref<128x128xf32, #tpu.memory_space<vmem_shared>>) dst(%arg9 : memref<128x128xf32, #tpu.memory_space<vmem>>)
      tpu.yield
    }) : () -> ()
    %add3A_36 = arith.constant 0 : i32
    %add3A_37 = arith.addi %add3A_31, %add3A_36 : i32
    "tpu.region"() ({
      %run_scoped3A = tpu.sem_alloc : memref<!tpu.dma_semaphore, #tpu.memory_space<semaphore_mem>>
      %dma_start3A = arith.constant 0 : i32
      %dma_start3A_62 = tpu.memref_slice %arg6[%add3A_37, %dma_start3A] : memref<20480x128xf32, #tpu.memory_space<hbm>> -> memref<128x128xf32, #tpu.memory_space<hbm>>
      %dma_start3A_63 = arith.constant 0 : i32
      %dma_start3A_64 = tpu.memref_slice %arg6[%add3A_37, %dma_start3A_63] : memref<20480x128xf32, #tpu.memory_space<hbm>> -> memref<128x128xf32, #tpu.memory_space<hbm>>
      tpu.enqueue_dma source(%arg9 : memref<128x128xf32, #tpu.memory_space<vmem>>) target(%dma_start3A_64 : memref<128x128xf32, #tpu.memory_space<hbm>>) target_semaphore(%run_scoped3A : memref<!tpu.dma_semaphore, #tpu.memory_space<semaphore_mem>>)
      %dma_wait3A = arith.constant 0 : i32
      %dma_wait3A_65 = tpu.memref_slice %arg6[%add3A_37, %dma_wait3A] : memref<20480x128xf32, #tpu.memory_space<hbm>> -> memref<128x128xf32, #tpu.memory_space<hbm>>
      %dma_wait3A_66 = arith.constant 0 : i32
      %dma_wait3A_67 = tpu.memref_slice %arg6[%add3A_37, %dma_wait3A_66] : memref<20480x128xf32, #tpu.memory_space<hbm>> -> memref<128x128xf32, #tpu.memory_space<hbm>>
      tpu.wait_dma2 semaphore(%run_scoped3A : memref<!tpu.dma_semaphore, #tpu.memory_space<semaphore_mem>>) src(%arg9 : memref<128x128xf32, #tpu.memory_space<vmem>>) dst(%dma_wait3A_67 : memref<128x128xf32, #tpu.memory_space<hbm>>)
      tpu.yield
    }) : () -> ()
    %mul3A_38 = arith.constant 640 : i32
    %mul3A_39 = arith.muli %arg1, %mul3A_38 : i32
    %add3A_40 = arith.constant 128 : i32
    %add3A_41 = arith.addi %mul3A_39, %add3A_40 : i32
    "tpu.region"() ({
      %run_scoped3A = tpu.sem_alloc : memref<!tpu.dma_semaphore, #tpu.memory_space<semaphore_mem>>
      %dma_start3A = arith.constant 0 : i32
      %dma_start3A_62 = tpu.memref_slice %arg10[%add3A_41, %dma_start3A] : memref<10240x128xf32, #tpu.memory_space<vmem_shared>> -> memref<128x128xf32, #tpu.memory_space<vmem_shared>>
      %dma_start3A_63 = arith.constant 0 : i32
      %dma_start3A_64 = tpu.memref_slice %arg10[%add3A_41, %dma_start3A_63] : memref<10240x128xf32, #tpu.memory_space<vmem_shared>> -> memref<128x128xf32, #tpu.memory_space<vmem_shared>>
      tpu.enqueue_dma source(%dma_start3A_64 : memref<128x128xf32, #tpu.memory_space<vmem_shared>>) target(%arg9 : memref<128x128xf32, #tpu.memory_space<vmem>>) target_semaphore(%run_scoped3A : memref<!tpu.dma_semaphore, #tpu.memory_space<semaphore_mem>>)
      %dma_wait3A = arith.constant 0 : i32
      %dma_wait3A_65 = tpu.memref_slice %arg10[%add3A_41, %dma_wait3A] : memref<10240x128xf32, #tpu.memory_space<vmem_shared>> -> memref<128x128xf32, #tpu.memory_space<vmem_shared>>
      %dma_wait3A_66 = arith.constant 0 : i32
      %dma_wait3A_67 = tpu.memref_slice %arg10[%add3A_41, %dma_wait3A_66] : memref<10240x128xf32, #tpu.memory_space<vmem_shared>> -> memref<128x128xf32, #tpu.memory_space<vmem_shared>>
      tpu.wait_dma2 semaphore(%run_scoped3A : memref<!tpu.dma_semaphore, #tpu.memory_space<semaphore_mem>>) src(%dma_wait3A_67 : memref<128x128xf32, #tpu.memory_space<vmem_shared>>) dst(%arg9 : memref<128x128xf32, #tpu.memory_space<vmem>>)
      tpu.yield
    }) : () -> ()
    %add3A_42 = arith.constant 128 : i32
    %add3A_43 = arith.addi %add3A_31, %add3A_42 : i32
    "tpu.region"() ({
      %run_scoped3A = tpu.sem_alloc : memref<!tpu.dma_semaphore, #tpu.memory_space<semaphore_mem>>
      %dma_start3A = arith.constant 0 : i32
      %dma_start3A_62 = tpu.memref_slice %arg6[%add3A_43, %dma_start3A] : memref<20480x128xf32, #tpu.memory_space<hbm>> -> memref<128x128xf32, #tpu.memory_space<hbm>>
      %dma_start3A_63 = arith.constant 0 : i32
      %dma_start3A_64 = tpu.memref_slice %arg6[%add3A_43, %dma_start3A_63] : memref<20480x128xf32, #tpu.memory_space<hbm>> -> memref<128x128xf32, #tpu.memory_space<hbm>>
      tpu.enqueue_dma source(%arg9 : memref<128x128xf32, #tpu.memory_space<vmem>>) target(%dma_start3A_64 : memref<128x128xf32, #tpu.memory_space<hbm>>) target_semaphore(%run_scoped3A : memref<!tpu.dma_semaphore, #tpu.memory_space<semaphore_mem>>)
      %dma_wait3A = arith.constant 0 : i32
      %dma_wait3A_65 = tpu.memref_slice %arg6[%add3A_43, %dma_wait3A] : memref<20480x128xf32, #tpu.memory_space<hbm>> -> memref<128x128xf32, #tpu.memory_space<hbm>>
      %dma_wait3A_66 = arith.constant 0 : i32
      %dma_wait3A_67 = tpu.memref_slice %arg6[%add3A_43, %dma_wait3A_66] : memref<20480x128xf32, #tpu.memory_space<hbm>> -> memref<128x128xf32, #tpu.memory_space<hbm>>
      tpu.wait_dma2 semaphore(%run_scoped3A : memref<!tpu.dma_semaphore, #tpu.memory_space<semaphore_mem>>) src(%arg9 : memref<128x128xf32, #tpu.memory_space<vmem>>) dst(%dma_wait3A_67 : memref<128x128xf32, #tpu.memory_space<hbm>>)
      tpu.yield
    }) : () -> ()
    %mul3A_44 = arith.constant 640 : i32
    %mul3A_45 = arith.muli %arg1, %mul3A_44 : i32
    %add3A_46 = arith.constant 256 : i32
    %add3A_47 = arith.addi %mul3A_45, %add3A_46 : i32
    "tpu.region"() ({
      %run_scoped3A = tpu.sem_alloc : memref<!tpu.dma_semaphore, #tpu.memory_space<semaphore_mem>>
      %dma_start3A = arith.constant 0 : i32
      %dma_start3A_62 = tpu.memref_slice %arg10[%add3A_47, %dma_start3A] : memref<10240x128xf32, #tpu.memory_space<vmem_shared>> -> memref<128x128xf32, #tpu.memory_space<vmem_shared>>
      %dma_start3A_63 = arith.constant 0 : i32
      %dma_start3A_64 = tpu.memref_slice %arg10[%add3A_47, %dma_start3A_63] : memref<10240x128xf32, #tpu.memory_space<vmem_shared>> -> memref<128x128xf32, #tpu.memory_space<vmem_shared>>
      tpu.enqueue_dma source(%dma_start3A_64 : memref<128x128xf32, #tpu.memory_space<vmem_shared>>) target(%arg9 : memref<128x128xf32, #tpu.memory_space<vmem>>) target_semaphore(%run_scoped3A : memref<!tpu.dma_semaphore, #tpu.memory_space<semaphore_mem>>)
      %dma_wait3A = arith.constant 0 : i32
      %dma_wait3A_65 = tpu.memref_slice %arg10[%add3A_47, %dma_wait3A] : memref<10240x128xf32, #tpu.memory_space<vmem_shared>> -> memref<128x128xf32, #tpu.memory_space<vmem_shared>>
      %dma_wait3A_66 = arith.constant 0 : i32
      %dma_wait3A_67 = tpu.memref_slice %arg10[%add3A_47, %dma_wait3A_66] : memref<10240x128xf32, #tpu.memory_space<vmem_shared>> -> memref<128x128xf32, #tpu.memory_space<vmem_shared>>
      tpu.wait_dma2 semaphore(%run_scoped3A : memref<!tpu.dma_semaphore, #tpu.memory_space<semaphore_mem>>) src(%dma_wait3A_67 : memref<128x128xf32, #tpu.memory_space<vmem_shared>>) dst(%arg9 : memref<128x128xf32, #tpu.memory_space<vmem>>)
      tpu.yield
    }) : () -> ()
    %add3A_48 = arith.constant 256 : i32
    %add3A_49 = arith.addi %add3A_31, %add3A_48 : i32
    "tpu.region"() ({
      %run_scoped3A = tpu.sem_alloc : memref<!tpu.dma_semaphore, #tpu.memory_space<semaphore_mem>>
      %dma_start3A = arith.constant 0 : i32
      %dma_start3A_62 = tpu.memref_slice %arg6[%add3A_49, %dma_start3A] : memref<20480x128xf32, #tpu.memory_space<hbm>> -> memref<128x128xf32, #tpu.memory_space<hbm>>
      %dma_start3A_63 = arith.constant 0 : i32
      %dma_start3A_64 = tpu.memref_slice %arg6[%add3A_49, %dma_start3A_63] : memref<20480x128xf32, #tpu.memory_space<hbm>> -> memref<128x128xf32, #tpu.memory_space<hbm>>
      tpu.enqueue_dma source(%arg9 : memref<128x128xf32, #tpu.memory_space<vmem>>) target(%dma_start3A_64 : memref<128x128xf32, #tpu.memory_space<hbm>>) target_semaphore(%run_scoped3A : memref<!tpu.dma_semaphore, #tpu.memory_space<semaphore_mem>>)
      %dma_wait3A = arith.constant 0 : i32
      %dma_wait3A_65 = tpu.memref_slice %arg6[%add3A_49, %dma_wait3A] : memref<20480x128xf32, #tpu.memory_space<hbm>> -> memref<128x128xf32, #tpu.memory_space<hbm>>
      %dma_wait3A_66 = arith.constant 0 : i32
      %dma_wait3A_67 = tpu.memref_slice %arg6[%add3A_49, %dma_wait3A_66] : memref<20480x128xf32, #tpu.memory_space<hbm>> -> memref<128x128xf32, #tpu.memory_space<hbm>>
      tpu.wait_dma2 semaphore(%run_scoped3A : memref<!tpu.dma_semaphore, #tpu.memory_space<semaphore_mem>>) src(%arg9 : memref<128x128xf32, #tpu.memory_space<vmem>>) dst(%dma_wait3A_67 : memref<128x128xf32, #tpu.memory_space<hbm>>)
      tpu.yield
    }) : () -> ()
    %mul3A_50 = arith.constant 640 : i32
    %mul3A_51 = arith.muli %arg1, %mul3A_50 : i32
    %add3A_52 = arith.constant 384 : i32
    %add3A_53 = arith.addi %mul3A_51, %add3A_52 : i32
    "tpu.region"() ({
      %run_scoped3A = tpu.sem_alloc : memref<!tpu.dma_semaphore, #tpu.memory_space<semaphore_mem>>
      %dma_start3A = arith.constant 0 : i32
      %dma_start3A_62 = tpu.memref_slice %arg10[%add3A_53, %dma_start3A] : memref<10240x128xf32, #tpu.memory_space<vmem_shared>> -> memref<128x128xf32, #tpu.memory_space<vmem_shared>>
      %dma_start3A_63 = arith.constant 0 : i32
      %dma_start3A_64 = tpu.memref_slice %arg10[%add3A_53, %dma_start3A_63] : memref<10240x128xf32, #tpu.memory_space<vmem_shared>> -> memref<128x128xf32, #tpu.memory_space<vmem_shared>>
      tpu.enqueue_dma source(%dma_start3A_64 : memref<128x128xf32, #tpu.memory_space<vmem_shared>>) target(%arg9 : memref<128x128xf32, #tpu.memory_space<vmem>>) target_semaphore(%run_scoped3A : memref<!tpu.dma_semaphore, #tpu.memory_space<semaphore_mem>>)
      %dma_wait3A = arith.constant 0 : i32
      %dma_wait3A_65 = tpu.memref_slice %arg10[%add3A_53, %dma_wait3A] : memref<10240x128xf32, #tpu.memory_space<vmem_shared>> -> memref<128x128xf32, #tpu.memory_space<vmem_shared>>
      %dma_wait3A_66 = arith.constant 0 : i32
      %dma_wait3A_67 = tpu.memref_slice %arg10[%add3A_53, %dma_wait3A_66] : memref<10240x128xf32, #tpu.memory_space<vmem_shared>> -> memref<128x128xf32, #tpu.memory_space<vmem_shared>>
      tpu.wait_dma2 semaphore(%run_scoped3A : memref<!tpu.dma_semaphore, #tpu.memory_space<semaphore_mem>>) src(%dma_wait3A_67 : memref<128x128xf32, #tpu.memory_space<vmem_shared>>) dst(%arg9 : memref<128x128xf32, #tpu.memory_space<vmem>>)
      tpu.yield
    }) : () -> ()
    %add3A_54 = arith.constant 384 : i32
    %add3A_55 = arith.addi %add3A_31, %add3A_54 : i32
    "tpu.region"() ({
      %run_scoped3A = tpu.sem_alloc : memref<!tpu.dma_semaphore, #tpu.memory_space<semaphore_mem>>
      %dma_start3A = arith.constant 0 : i32
      %dma_start3A_62 = tpu.memref_slice %arg6[%add3A_55, %dma_start3A] : memref<20480x128xf32, #tpu.memory_space<hbm>> -> memref<128x128xf32, #tpu.memory_space<hbm>>
      %dma_start3A_63 = arith.constant 0 : i32
      %dma_start3A_64 = tpu.memref_slice %arg6[%add3A_55, %dma_start3A_63] : memref<20480x128xf32, #tpu.memory_space<hbm>> -> memref<128x128xf32, #tpu.memory_space<hbm>>
      tpu.enqueue_dma source(%arg9 : memref<128x128xf32, #tpu.memory_space<vmem>>) target(%dma_start3A_64 : memref<128x128xf32, #tpu.memory_space<hbm>>) target_semaphore(%run_scoped3A : memref<!tpu.dma_semaphore, #tpu.memory_space<semaphore_mem>>)
      %dma_wait3A = arith.constant 0 : i32
      %dma_wait3A_65 = tpu.memref_slice %arg6[%add3A_55, %dma_wait3A] : memref<20480x128xf32, #tpu.memory_space<hbm>> -> memref<128x128xf32, #tpu.memory_space<hbm>>
      %dma_wait3A_66 = arith.constant 0 : i32
      %dma_wait3A_67 = tpu.memref_slice %arg6[%add3A_55, %dma_wait3A_66] : memref<20480x128xf32, #tpu.memory_space<hbm>> -> memref<128x128xf32, #tpu.memory_space<hbm>>
      tpu.wait_dma2 semaphore(%run_scoped3A : memref<!tpu.dma_semaphore, #tpu.memory_space<semaphore_mem>>) src(%arg9 : memref<128x128xf32, #tpu.memory_space<vmem>>) dst(%dma_wait3A_67 : memref<128x128xf32, #tpu.memory_space<hbm>>)
      tpu.yield
    }) : () -> ()
    %mul3A_56 = arith.constant 640 : i32
    %mul3A_57 = arith.muli %arg1, %mul3A_56 : i32
    %add3A_58 = arith.constant 512 : i32
    %add3A_59 = arith.addi %mul3A_57, %add3A_58 : i32
    "tpu.region"() ({
      %run_scoped3A = tpu.sem_alloc : memref<!tpu.dma_semaphore, #tpu.memory_space<semaphore_mem>>
      %dma_start3A = arith.constant 0 : i32
      %dma_start3A_62 = tpu.memref_slice %arg10[%add3A_59, %dma_start3A] : memref<10240x128xf32, #tpu.memory_space<vmem_shared>> -> memref<128x128xf32, #tpu.memory_space<vmem_shared>>
      %dma_start3A_63 = arith.constant 0 : i32
      %dma_start3A_64 = tpu.memref_slice %arg10[%add3A_59, %dma_start3A_63] : memref<10240x128xf32, #tpu.memory_space<vmem_shared>> -> memref<128x128xf32, #tpu.memory_space<vmem_shared>>
      tpu.enqueue_dma source(%dma_start3A_64 : memref<128x128xf32, #tpu.memory_space<vmem_shared>>) target(%arg9 : memref<128x128xf32, #tpu.memory_space<vmem>>) target_semaphore(%run_scoped3A : memref<!tpu.dma_semaphore, #tpu.memory_space<semaphore_mem>>)
      %dma_wait3A = arith.constant 0 : i32
      %dma_wait3A_65 = tpu.memref_slice %arg10[%add3A_59, %dma_wait3A] : memref<10240x128xf32, #tpu.memory_space<vmem_shared>> -> memref<128x128xf32, #tpu.memory_space<vmem_shared>>
      %dma_wait3A_66 = arith.constant 0 : i32
      %dma_wait3A_67 = tpu.memref_slice %arg10[%add3A_59, %dma_wait3A_66] : memref<10240x128xf32, #tpu.memory_space<vmem_shared>> -> memref<128x128xf32, #tpu.memory_space<vmem_shared>>
      tpu.wait_dma2 semaphore(%run_scoped3A : memref<!tpu.dma_semaphore, #tpu.memory_space<semaphore_mem>>) src(%dma_wait3A_67 : memref<128x128xf32, #tpu.memory_space<vmem_shared>>) dst(%arg9 : memref<128x128xf32, #tpu.memory_space<vmem>>)
      tpu.yield
    }) : () -> ()
    %add3A_60 = arith.constant 512 : i32
    %add3A_61 = arith.addi %add3A_31, %add3A_60 : i32
    "tpu.region"() ({
      %run_scoped3A = tpu.sem_alloc : memref<!tpu.dma_semaphore, #tpu.memory_space<semaphore_mem>>
      %dma_start3A = arith.constant 0 : i32
      %dma_start3A_62 = tpu.memref_slice %arg6[%add3A_61, %dma_start3A] : memref<20480x128xf32, #tpu.memory_space<hbm>> -> memref<128x128xf32, #tpu.memory_space<hbm>>
      %dma_start3A_63 = arith.constant 0 : i32
      %dma_start3A_64 = tpu.memref_slice %arg6[%add3A_61, %dma_start3A_63] : memref<20480x128xf32, #tpu.memory_space<hbm>> -> memref<128x128xf32, #tpu.memory_space<hbm>>
      tpu.enqueue_dma source(%arg9 : memref<128x128xf32, #tpu.memory_space<vmem>>) target(%dma_start3A_64 : memref<128x128xf32, #tpu.memory_space<hbm>>) target_semaphore(%run_scoped3A : memref<!tpu.dma_semaphore, #tpu.memory_space<semaphore_mem>>)
      %dma_wait3A = arith.constant 0 : i32
      %dma_wait3A_65 = tpu.memref_slice %arg6[%add3A_61, %dma_wait3A] : memref<20480x128xf32, #tpu.memory_space<hbm>> -> memref<128x128xf32, #tpu.memory_space<hbm>>
      %dma_wait3A_66 = arith.constant 0 : i32
      %dma_wait3A_67 = tpu.memref_slice %arg6[%add3A_61, %dma_wait3A_66] : memref<20480x128xf32, #tpu.memory_space<hbm>> -> memref<128x128xf32, #tpu.memory_space<hbm>>
      tpu.wait_dma2 semaphore(%run_scoped3A : memref<!tpu.dma_semaphore, #tpu.memory_space<semaphore_mem>>) src(%arg9 : memref<128x128xf32, #tpu.memory_space<vmem>>) dst(%dma_wait3A_67 : memref<128x128xf32, #tpu.memory_space<hbm>>)
      tpu.yield
    }) : () -> ()
    return
  }
}

#map = affine_map<(d0, d1) -> (0, 0)>
#map1 = affine_map<(d0, d1) -> (0, 0, 0)>
module attributes {stable_mosaic.version = 14 : i64} {
  func.func @_agg_sc(%arg0: i32, %arg1: i32, %arg2: memref<20480x128xf32, #tpu.memory_space<hbm>>, %arg3: memref<32x80x128xi32, #tpu.memory_space<hbm>>, %arg4: memref<16x80x128xi32, #tpu.memory_space<hbm>>, %arg5: memref<128x128xf32, #tpu.memory_space<hbm>>, %arg6: memref<20480x128xf32, #tpu.memory_space<hbm>>, %arg7: memref<80x128xi32, #tpu.memory_space<vmem>>, %arg8: memref<80x128xi32, #tpu.memory_space<vmem>>, %arg9: memref<128x128xf32, #tpu.memory_space<vmem>>, %arg10: memref<10240x128xf32, #tpu.memory_space<vmem_shared>>, %arg11: memref<!tpu.dma_semaphore, #tpu.memory_space<semaphore_mem>>) attributes {dimension_semantics = [#tpu.dimension_semantics<core_parallel>, #tpu.dimension_semantics<subcore_parallel>], iteration_bounds = array<i64: 2, 16>, scalar_prefetch = 0 : i64, scratch_operands = 5 : i64, tpu.core_type = #tpu.core_type<sc_vector_subcore>, window_params = [{transform_indices = #map}, {transform_indices = #map1}, {transform_indices = #map1}, {transform_indices = #map}, {transform_indices = #map}]} {
    %mul3A = arith.constant 16 : i32
    %mul3A_0 = arith.muli %arg0, %mul3A : i32
    %add3A = arith.addi %mul3A_0, %arg1 : i32
    "tpu.region"() ({
      %run_scoped3A = tpu.sem_alloc : memref<!tpu.dma_semaphore, #tpu.memory_space<semaphore_mem>>
      %dma_start3A = arith.constant 0 : i32
      %dma_start3A_62 = arith.constant 0 : i32
      %dma_start3A_63 = tpu.memref_slice %arg3[%add3A, %dma_start3A, %dma_start3A_62] : memref<32x80x128xi32, #tpu.memory_space<hbm>> -> memref<1x80x128xi32, #tpu.memory_space<hbm>>
      %dma_start3A_64 = tpu.memref_squeeze %dma_start3A_63 : memref<1x80x128xi32, #tpu.memory_space<hbm>> -> memref<80x128xi32, #tpu.memory_space<hbm>>
      %dma_start3A_65 = arith.constant 0 : i32
      %dma_start3A_66 = arith.constant 0 : i32
      %dma_start3A_67 = tpu.memref_slice %arg3[%add3A, %dma_start3A_65, %dma_start3A_66] : memref<32x80x128xi32, #tpu.memory_space<hbm>> -> memref<1x80x128xi32, #tpu.memory_space<hbm>>
      %dma_start3A_68 = tpu.memref_squeeze %dma_start3A_67 : memref<1x80x128xi32, #tpu.memory_space<hbm>> -> memref<80x128xi32, #tpu.memory_space<hbm>>
      tpu.enqueue_dma source(%dma_start3A_68 : memref<80x128xi32, #tpu.memory_space<hbm>>) target(%arg7 : memref<80x128xi32, #tpu.memory_space<vmem>>) target_semaphore(%run_scoped3A : memref<!tpu.dma_semaphore, #tpu.memory_space<semaphore_mem>>)
      %dma_wait3A = arith.constant 0 : i32
      %dma_wait3A_69 = arith.constant 0 : i32
      %dma_wait3A_70 = tpu.memref_slice %arg3[%add3A, %dma_wait3A, %dma_wait3A_69] : memref<32x80x128xi32, #tpu.memory_space<hbm>> -> memref<1x80x128xi32, #tpu.memory_space<hbm>>
      %dma_wait3A_71 = tpu.memref_squeeze %dma_wait3A_70 : memref<1x80x128xi32, #tpu.memory_space<hbm>> -> memref<80x128xi32, #tpu.memory_space<hbm>>
      %dma_wait3A_72 = arith.constant 0 : i32
      %dma_wait3A_73 = arith.constant 0 : i32
      %dma_wait3A_74 = tpu.memref_slice %arg3[%add3A, %dma_wait3A_72, %dma_wait3A_73] : memref<32x80x128xi32, #tpu.memory_space<hbm>> -> memref<1x80x128xi32, #tpu.memory_space<hbm>>
      %dma_wait3A_75 = tpu.memref_squeeze %dma_wait3A_74 : memref<1x80x128xi32, #tpu.memory_space<hbm>> -> memref<80x128xi32, #tpu.memory_space<hbm>>
      tpu.wait_dma2 semaphore(%run_scoped3A : memref<!tpu.dma_semaphore, #tpu.memory_space<semaphore_mem>>) src(%dma_wait3A_75 : memref<80x128xi32, #tpu.memory_space<hbm>>) dst(%arg7 : memref<80x128xi32, #tpu.memory_space<vmem>>)
      tpu.yield
    }) : () -> ()
    "tpu.region"() ({
      %run_scoped3A = tpu.sem_alloc : memref<!tpu.dma_semaphore, #tpu.memory_space<semaphore_mem>>
      %dma_start3A = arith.constant 0 : i32
      %dma_start3A_62 = arith.constant 0 : i32
      %dma_start3A_63 = tpu.memref_slice %arg4[%arg1, %dma_start3A, %dma_start3A_62] : memref<16x80x128xi32, #tpu.memory_space<hbm>> -> memref<1x80x128xi32, #tpu.memory_space<hbm>>
      %dma_start3A_64 = tpu.memref_squeeze %dma_start3A_63 : memref<1x80x128xi32, #tpu.memory_space<hbm>> -> memref<80x128xi32, #tpu.memory_space<hbm>>
      %dma_start3A_65 = arith.constant 0 : i32
      %dma_start3A_66 = arith.constant 0 : i32
      %dma_start3A_67 = tpu.memref_slice %arg4[%arg1, %dma_start3A_65, %dma_start3A_66] : memref<16x80x128xi32, #tpu.memory_space<hbm>> -> memref<1x80x128xi32, #tpu.memory_space<hbm>>
      %dma_start3A_68 = tpu.memref_squeeze %dma_start3A_67 : memref<1x80x128xi32, #tpu.memory_space<hbm>> -> memref<80x128xi32, #tpu.memory_space<hbm>>
      tpu.enqueue_dma source(%dma_start3A_68 : memref<80x128xi32, #tpu.memory_space<hbm>>) target(%arg8 : memref<80x128xi32, #tpu.memory_space<vmem>>) target_semaphore(%run_scoped3A : memref<!tpu.dma_semaphore, #tpu.memory_space<semaphore_mem>>)
      %dma_wait3A = arith.constant 0 : i32
      %dma_wait3A_69 = arith.constant 0 : i32
      %dma_wait3A_70 = tpu.memref_slice %arg4[%arg1, %dma_wait3A, %dma_wait3A_69] : memref<16x80x128xi32, #tpu.memory_space<hbm>> -> memref<1x80x128xi32, #tpu.memory_space<hbm>>
      %dma_wait3A_71 = tpu.memref_squeeze %dma_wait3A_70 : memref<1x80x128xi32, #tpu.memory_space<hbm>> -> memref<80x128xi32, #tpu.memory_space<hbm>>
      %dma_wait3A_72 = arith.constant 0 : i32
      %dma_wait3A_73 = arith.constant 0 : i32
      %dma_wait3A_74 = tpu.memref_slice %arg4[%arg1, %dma_wait3A_72, %dma_wait3A_73] : memref<16x80x128xi32, #tpu.memory_space<hbm>> -> memref<1x80x128xi32, #tpu.memory_space<hbm>>
      %dma_wait3A_75 = tpu.memref_squeeze %dma_wait3A_74 : memref<1x80x128xi32, #tpu.memory_space<hbm>> -> memref<80x128xi32, #tpu.memory_space<hbm>>
      tpu.wait_dma2 semaphore(%run_scoped3A : memref<!tpu.dma_semaphore, #tpu.memory_space<semaphore_mem>>) src(%dma_wait3A_75 : memref<80x128xi32, #tpu.memory_space<hbm>>) dst(%arg8 : memref<80x128xi32, #tpu.memory_space<vmem>>)
      tpu.yield
    }) : () -> ()
    "tpu.region"() ({
      %run_scoped3A = tpu.sem_alloc : memref<!tpu.dma_semaphore, #tpu.memory_space<semaphore_mem>>
      tpu.enqueue_dma source(%arg5 : memref<128x128xf32, #tpu.memory_space<hbm>>) target(%arg9 : memref<128x128xf32, #tpu.memory_space<vmem>>) target_semaphore(%run_scoped3A : memref<!tpu.dma_semaphore, #tpu.memory_space<semaphore_mem>>)
      tpu.wait_dma2 semaphore(%run_scoped3A : memref<!tpu.dma_semaphore, #tpu.memory_space<semaphore_mem>>) src(%arg5 : memref<128x128xf32, #tpu.memory_space<hbm>>) dst(%arg9 : memref<128x128xf32, #tpu.memory_space<vmem>>)
      tpu.yield
    }) : () -> ()
    %mul3A_1 = arith.constant 640 : i32
    %mul3A_2 = arith.muli %arg1, %mul3A_1 : i32
    %add3A_3 = arith.constant 0 : i32
    %add3A_4 = arith.addi %mul3A_2, %add3A_3 : i32
    "tpu.region"() ({
      %run_scoped3A = tpu.sem_alloc : memref<!tpu.dma_semaphore, #tpu.memory_space<semaphore_mem>>
      %dma_start3A = arith.constant 0 : i32
      %dma_start3A_62 = tpu.memref_slice %arg10[%add3A_4, %dma_start3A] : memref<10240x128xf32, #tpu.memory_space<vmem_shared>> -> memref<128x128xf32, #tpu.memory_space<vmem_shared>>
      %dma_start3A_63 = arith.constant 0 : i32
      %dma_start3A_64 = tpu.memref_slice %arg10[%add3A_4, %dma_start3A_63] : memref<10240x128xf32, #tpu.memory_space<vmem_shared>> -> memref<128x128xf32, #tpu.memory_space<vmem_shared>>
      tpu.enqueue_dma source(%arg9 : memref<128x128xf32, #tpu.memory_space<vmem>>) target(%dma_start3A_64 : memref<128x128xf32, #tpu.memory_space<vmem_shared>>) target_semaphore(%run_scoped3A : memref<!tpu.dma_semaphore, #tpu.memory_space<semaphore_mem>>)
      %dma_wait3A = arith.constant 0 : i32
      %dma_wait3A_65 = tpu.memref_slice %arg10[%add3A_4, %dma_wait3A] : memref<10240x128xf32, #tpu.memory_space<vmem_shared>> -> memref<128x128xf32, #tpu.memory_space<vmem_shared>>
      %dma_wait3A_66 = arith.constant 0 : i32
      %dma_wait3A_67 = tpu.memref_slice %arg10[%add3A_4, %dma_wait3A_66] : memref<10240x128xf32, #tpu.memory_space<vmem_shared>> -> memref<128x128xf32, #tpu.memory_space<vmem_shared>>
      tpu.wait_dma2 semaphore(%run_scoped3A : memref<!tpu.dma_semaphore, #tpu.memory_space<semaphore_mem>>) src(%arg9 : memref<128x128xf32, #tpu.memory_space<vmem>>) dst(%dma_wait3A_67 : memref<128x128xf32, #tpu.memory_space<vmem_shared>>)
      tpu.yield
    }) : () -> ()
    %mul3A_5 = arith.constant 640 : i32
    %mul3A_6 = arith.muli %arg1, %mul3A_5 : i32
    %add3A_7 = arith.constant 128 : i32
    %add3A_8 = arith.addi %mul3A_6, %add3A_7 : i32
    "tpu.region"() ({
      %run_scoped3A = tpu.sem_alloc : memref<!tpu.dma_semaphore, #tpu.memory_space<semaphore_mem>>
      %dma_start3A = arith.constant 0 : i32
      %dma_start3A_62 = tpu.memref_slice %arg10[%add3A_8, %dma_start3A] : memref<10240x128xf32, #tpu.memory_space<vmem_shared>> -> memref<128x128xf32, #tpu.memory_space<vmem_shared>>
      %dma_start3A_63 = arith.constant 0 : i32
      %dma_start3A_64 = tpu.memref_slice %arg10[%add3A_8, %dma_start3A_63] : memref<10240x128xf32, #tpu.memory_space<vmem_shared>> -> memref<128x128xf32, #tpu.memory_space<vmem_shared>>
      tpu.enqueue_dma source(%arg9 : memref<128x128xf32, #tpu.memory_space<vmem>>) target(%dma_start3A_64 : memref<128x128xf32, #tpu.memory_space<vmem_shared>>) target_semaphore(%run_scoped3A : memref<!tpu.dma_semaphore, #tpu.memory_space<semaphore_mem>>)
      %dma_wait3A = arith.constant 0 : i32
      %dma_wait3A_65 = tpu.memref_slice %arg10[%add3A_8, %dma_wait3A] : memref<10240x128xf32, #tpu.memory_space<vmem_shared>> -> memref<128x128xf32, #tpu.memory_space<vmem_shared>>
      %dma_wait3A_66 = arith.constant 0 : i32
      %dma_wait3A_67 = tpu.memref_slice %arg10[%add3A_8, %dma_wait3A_66] : memref<10240x128xf32, #tpu.memory_space<vmem_shared>> -> memref<128x128xf32, #tpu.memory_space<vmem_shared>>
      tpu.wait_dma2 semaphore(%run_scoped3A : memref<!tpu.dma_semaphore, #tpu.memory_space<semaphore_mem>>) src(%arg9 : memref<128x128xf32, #tpu.memory_space<vmem>>) dst(%dma_wait3A_67 : memref<128x128xf32, #tpu.memory_space<vmem_shared>>)
      tpu.yield
    }) : () -> ()
    %mul3A_9 = arith.constant 640 : i32
    %mul3A_10 = arith.muli %arg1, %mul3A_9 : i32
    %add3A_11 = arith.constant 256 : i32
    %add3A_12 = arith.addi %mul3A_10, %add3A_11 : i32
    "tpu.region"() ({
      %run_scoped3A = tpu.sem_alloc : memref<!tpu.dma_semaphore, #tpu.memory_space<semaphore_mem>>
      %dma_start3A = arith.constant 0 : i32
      %dma_start3A_62 = tpu.memref_slice %arg10[%add3A_12, %dma_start3A] : memref<10240x128xf32, #tpu.memory_space<vmem_shared>> -> memref<128x128xf32, #tpu.memory_space<vmem_shared>>
      %dma_start3A_63 = arith.constant 0 : i32
      %dma_start3A_64 = tpu.memref_slice %arg10[%add3A_12, %dma_start3A_63] : memref<10240x128xf32, #tpu.memory_space<vmem_shared>> -> memref<128x128xf32, #tpu.memory_space<vmem_shared>>
      tpu.enqueue_dma source(%arg9 : memref<128x128xf32, #tpu.memory_space<vmem>>) target(%dma_start3A_64 : memref<128x128xf32, #tpu.memory_space<vmem_shared>>) target_semaphore(%run_scoped3A : memref<!tpu.dma_semaphore, #tpu.memory_space<semaphore_mem>>)
      %dma_wait3A = arith.constant 0 : i32
      %dma_wait3A_65 = tpu.memref_slice %arg10[%add3A_12, %dma_wait3A] : memref<10240x128xf32, #tpu.memory_space<vmem_shared>> -> memref<128x128xf32, #tpu.memory_space<vmem_shared>>
      %dma_wait3A_66 = arith.constant 0 : i32
      %dma_wait3A_67 = tpu.memref_slice %arg10[%add3A_12, %dma_wait3A_66] : memref<10240x128xf32, #tpu.memory_space<vmem_shared>> -> memref<128x128xf32, #tpu.memory_space<vmem_shared>>
      tpu.wait_dma2 semaphore(%run_scoped3A : memref<!tpu.dma_semaphore, #tpu.memory_space<semaphore_mem>>) src(%arg9 : memref<128x128xf32, #tpu.memory_space<vmem>>) dst(%dma_wait3A_67 : memref<128x128xf32, #tpu.memory_space<vmem_shared>>)
      tpu.yield
    }) : () -> ()
    %mul3A_13 = arith.constant 640 : i32
    %mul3A_14 = arith.muli %arg1, %mul3A_13 : i32
    %add3A_15 = arith.constant 384 : i32
    %add3A_16 = arith.addi %mul3A_14, %add3A_15 : i32
    "tpu.region"() ({
      %run_scoped3A = tpu.sem_alloc : memref<!tpu.dma_semaphore, #tpu.memory_space<semaphore_mem>>
      %dma_start3A = arith.constant 0 : i32
      %dma_start3A_62 = tpu.memref_slice %arg10[%add3A_16, %dma_start3A] : memref<10240x128xf32, #tpu.memory_space<vmem_shared>> -> memref<128x128xf32, #tpu.memory_space<vmem_shared>>
      %dma_start3A_63 = arith.constant 0 : i32
      %dma_start3A_64 = tpu.memref_slice %arg10[%add3A_16, %dma_start3A_63] : memref<10240x128xf32, #tpu.memory_space<vmem_shared>> -> memref<128x128xf32, #tpu.memory_space<vmem_shared>>
      tpu.enqueue_dma source(%arg9 : memref<128x128xf32, #tpu.memory_space<vmem>>) target(%dma_start3A_64 : memref<128x128xf32, #tpu.memory_space<vmem_shared>>) target_semaphore(%run_scoped3A : memref<!tpu.dma_semaphore, #tpu.memory_space<semaphore_mem>>)
      %dma_wait3A = arith.constant 0 : i32
      %dma_wait3A_65 = tpu.memref_slice %arg10[%add3A_16, %dma_wait3A] : memref<10240x128xf32, #tpu.memory_space<vmem_shared>> -> memref<128x128xf32, #tpu.memory_space<vmem_shared>>
      %dma_wait3A_66 = arith.constant 0 : i32
      %dma_wait3A_67 = tpu.memref_slice %arg10[%add3A_16, %dma_wait3A_66] : memref<10240x128xf32, #tpu.memory_space<vmem_shared>> -> memref<128x128xf32, #tpu.memory_space<vmem_shared>>
      tpu.wait_dma2 semaphore(%run_scoped3A : memref<!tpu.dma_semaphore, #tpu.memory_space<semaphore_mem>>) src(%arg9 : memref<128x128xf32, #tpu.memory_space<vmem>>) dst(%dma_wait3A_67 : memref<128x128xf32, #tpu.memory_space<vmem_shared>>)
      tpu.yield
    }) : () -> ()
    %mul3A_17 = arith.constant 640 : i32
    %mul3A_18 = arith.muli %arg1, %mul3A_17 : i32
    %add3A_19 = arith.constant 512 : i32
    %add3A_20 = arith.addi %mul3A_18, %add3A_19 : i32
    "tpu.region"() ({
      %run_scoped3A = tpu.sem_alloc : memref<!tpu.dma_semaphore, #tpu.memory_space<semaphore_mem>>
      %dma_start3A = arith.constant 0 : i32
      %dma_start3A_62 = tpu.memref_slice %arg10[%add3A_20, %dma_start3A] : memref<10240x128xf32, #tpu.memory_space<vmem_shared>> -> memref<128x128xf32, #tpu.memory_space<vmem_shared>>
      %dma_start3A_63 = arith.constant 0 : i32
      %dma_start3A_64 = tpu.memref_slice %arg10[%add3A_20, %dma_start3A_63] : memref<10240x128xf32, #tpu.memory_space<vmem_shared>> -> memref<128x128xf32, #tpu.memory_space<vmem_shared>>
      tpu.enqueue_dma source(%arg9 : memref<128x128xf32, #tpu.memory_space<vmem>>) target(%dma_start3A_64 : memref<128x128xf32, #tpu.memory_space<vmem_shared>>) target_semaphore(%run_scoped3A : memref<!tpu.dma_semaphore, #tpu.memory_space<semaphore_mem>>)
      %dma_wait3A = arith.constant 0 : i32
      %dma_wait3A_65 = tpu.memref_slice %arg10[%add3A_20, %dma_wait3A] : memref<10240x128xf32, #tpu.memory_space<vmem_shared>> -> memref<128x128xf32, #tpu.memory_space<vmem_shared>>
      %dma_wait3A_66 = arith.constant 0 : i32
      %dma_wait3A_67 = tpu.memref_slice %arg10[%add3A_20, %dma_wait3A_66] : memref<10240x128xf32, #tpu.memory_space<vmem_shared>> -> memref<128x128xf32, #tpu.memory_space<vmem_shared>>
      tpu.wait_dma2 semaphore(%run_scoped3A : memref<!tpu.dma_semaphore, #tpu.memory_space<semaphore_mem>>) src(%arg9 : memref<128x128xf32, #tpu.memory_space<vmem>>) dst(%dma_wait3A_67 : memref<128x128xf32, #tpu.memory_space<vmem_shared>>)
      tpu.yield
    }) : () -> ()
    %barrier3A = arith.constant 0 : index
    tpu.barrier barrier_id(%barrier3A)
    %scan3A = arith.constant 0 : i32
    %scan3A_21 = arith.constant 0 : i32
    %scan3A_22 = arith.constant 80 : i32
    %scan3A_23 = arith.addi %scan3A_21, %scan3A_22 : i32
    %scan3A_24 = arith.constant 1 : i32
    scf.for %scan3A_62 = %scan3A_21 to %scan3A_23 step %scan3A_24  : i32 {
      %dma_start3A = arith.constant 0 : i32
      %dma_start3A_63 = tpu.memref_slice %arg7[%scan3A_62, %dma_start3A] : memref<80x128xi32, #tpu.memory_space<vmem>> -> memref<1x128xi32, #tpu.memory_space<vmem>>
      %dma_start3A_64 = tpu.memref_squeeze %dma_start3A_63 : memref<1x128xi32, #tpu.memory_space<vmem>> -> memref<128xi32, #tpu.memory_space<vmem>>
      %dma_start3A_65 = arith.constant 0 : i32
      %dma_start3A_66 = arith.constant 0 : i32
      %dma_start3A_67 = tpu.memref_slice %arg2[%dma_start3A_65, %dma_start3A_66] : memref<20480x128xf32, #tpu.memory_space<hbm>> -> memref<20480x128xf32, #tpu.memory_space<hbm>>
      tpu.enqueue_indirect_dma source(%dma_start3A_67 : memref<20480x128xf32, #tpu.memory_space<hbm>>) target(%arg9 : memref<128x128xf32, #tpu.memory_space<vmem>>) offsets(%dma_start3A_64 : memref<128xi32, #tpu.memory_space<vmem>>) semaphore(%arg11 : memref<!tpu.dma_semaphore, #tpu.memory_space<semaphore_mem>>)
      %dma_wait3A = arith.constant 0 : i32
      %dma_wait3A_68 = tpu.memref_slice %arg7[%scan3A_62, %dma_wait3A] : memref<80x128xi32, #tpu.memory_space<vmem>> -> memref<1x128xi32, #tpu.memory_space<vmem>>
      %dma_wait3A_69 = tpu.memref_squeeze %dma_wait3A_68 : memref<1x128xi32, #tpu.memory_space<vmem>> -> memref<128xi32, #tpu.memory_space<vmem>>
      %dma_wait3A_70 = arith.constant 0 : i32
      %dma_wait3A_71 = arith.constant 0 : i32
      %dma_wait3A_72 = tpu.memref_slice %arg2[%dma_wait3A_70, %dma_wait3A_71] : memref<20480x128xf32, #tpu.memory_space<hbm>> -> memref<20480x128xf32, #tpu.memory_space<hbm>>
      tpu.wait_indirect_dma semaphore(%arg11 : memref<!tpu.dma_semaphore, #tpu.memory_space<semaphore_mem>>) src(%dma_wait3A_72 : memref<20480x128xf32, #tpu.memory_space<hbm>>) dst(%arg9 : memref<128x128xf32, #tpu.memory_space<vmem>>)
      "tpu.region"() ({
        %run_scoped3A = tpu.sem_alloc : memref<!tpu.dma_semaphore, #tpu.memory_space<semaphore_mem>>
        %dma_start3A_73 = arith.constant 0 : i32
        %dma_start3A_74 = tpu.memref_slice %arg8[%scan3A_62, %dma_start3A_73] : memref<80x128xi32, #tpu.memory_space<vmem>> -> memref<1x128xi32, #tpu.memory_space<vmem>>
        %dma_start3A_75 = tpu.memref_squeeze %dma_start3A_74 : memref<1x128xi32, #tpu.memory_space<vmem>> -> memref<128xi32, #tpu.memory_space<vmem>>
        %dma_start3A_76 = arith.constant 0 : i32
        %dma_start3A_77 = arith.constant 0 : i32
        %dma_start3A_78 = tpu.memref_slice %arg10[%dma_start3A_76, %dma_start3A_77] : memref<10240x128xf32, #tpu.memory_space<vmem_shared>> -> memref<10240x128xf32, #tpu.memory_space<vmem_shared>>
        tpu.enqueue_indirect_dma source(%arg9 : memref<128x128xf32, #tpu.memory_space<vmem>>) target(%dma_start3A_78 : memref<10240x128xf32, #tpu.memory_space<vmem_shared>>) offsets(%dma_start3A_75 : memref<128xi32, #tpu.memory_space<vmem>>) semaphore(%run_scoped3A : memref<!tpu.dma_semaphore, #tpu.memory_space<semaphore_mem>>) {add = true}
        %dma_wait3A_79 = arith.constant 0 : i32
        %dma_wait3A_80 = tpu.memref_slice %arg8[%scan3A_62, %dma_wait3A_79] : memref<80x128xi32, #tpu.memory_space<vmem>> -> memref<1x128xi32, #tpu.memory_space<vmem>>
        %dma_wait3A_81 = tpu.memref_squeeze %dma_wait3A_80 : memref<1x128xi32, #tpu.memory_space<vmem>> -> memref<128xi32, #tpu.memory_space<vmem>>
        %dma_wait3A_82 = arith.constant 0 : i32
        %dma_wait3A_83 = arith.constant 0 : i32
        %dma_wait3A_84 = tpu.memref_slice %arg10[%dma_wait3A_82, %dma_wait3A_83] : memref<10240x128xf32, #tpu.memory_space<vmem_shared>> -> memref<10240x128xf32, #tpu.memory_space<vmem_shared>>
        tpu.wait_indirect_dma semaphore(%run_scoped3A : memref<!tpu.dma_semaphore, #tpu.memory_space<semaphore_mem>>) src(%arg9 : memref<128x128xf32, #tpu.memory_space<vmem>>) dst(%dma_wait3A_84 : memref<10240x128xf32, #tpu.memory_space<vmem_shared>>)
        tpu.yield
      }) : () -> ()
    }
    %scan3A_25 = arith.constant 80 : i32
    %barrier3A_26 = arith.constant 0 : index
    tpu.barrier barrier_id(%barrier3A_26)
    %mul3A_27 = arith.constant 10240 : i32
    %mul3A_28 = arith.muli %arg0, %mul3A_27 : i32
    %mul3A_29 = arith.constant 640 : i32
    %mul3A_30 = arith.muli %arg1, %mul3A_29 : i32
    %add3A_31 = arith.addi %mul3A_28, %mul3A_30 : i32
    %mul3A_32 = arith.constant 640 : i32
    %mul3A_33 = arith.muli %arg1, %mul3A_32 : i32
    %add3A_34 = arith.constant 0 : i32
    %add3A_35 = arith.addi %mul3A_33, %add3A_34 : i32
    "tpu.region"() ({
      %run_scoped3A = tpu.sem_alloc : memref<!tpu.dma_semaphore, #tpu.memory_space<semaphore_mem>>
      %dma_start3A = arith.constant 0 : i32
      %dma_start3A_62 = tpu.memref_slice %arg10[%add3A_35, %dma_start3A] : memref<10240x128xf32, #tpu.memory_space<vmem_shared>> -> memref<128x128xf32, #tpu.memory_space<vmem_shared>>
      %dma_start3A_63 = arith.constant 0 : i32
      %dma_start3A_64 = tpu.memref_slice %arg10[%add3A_35, %dma_start3A_63] : memref<10240x128xf32, #tpu.memory_space<vmem_shared>> -> memref<128x128xf32, #tpu.memory_space<vmem_shared>>
      tpu.enqueue_dma source(%dma_start3A_64 : memref<128x128xf32, #tpu.memory_space<vmem_shared>>) target(%arg9 : memref<128x128xf32, #tpu.memory_space<vmem>>) target_semaphore(%run_scoped3A : memref<!tpu.dma_semaphore, #tpu.memory_space<semaphore_mem>>)
      %dma_wait3A = arith.constant 0 : i32
      %dma_wait3A_65 = tpu.memref_slice %arg10[%add3A_35, %dma_wait3A] : memref<10240x128xf32, #tpu.memory_space<vmem_shared>> -> memref<128x128xf32, #tpu.memory_space<vmem_shared>>
      %dma_wait3A_66 = arith.constant 0 : i32
      %dma_wait3A_67 = tpu.memref_slice %arg10[%add3A_35, %dma_wait3A_66] : memref<10240x128xf32, #tpu.memory_space<vmem_shared>> -> memref<128x128xf32, #tpu.memory_space<vmem_shared>>
      tpu.wait_dma2 semaphore(%run_scoped3A : memref<!tpu.dma_semaphore, #tpu.memory_space<semaphore_mem>>) src(%dma_wait3A_67 : memref<128x128xf32, #tpu.memory_space<vmem_shared>>) dst(%arg9 : memref<128x128xf32, #tpu.memory_space<vmem>>)
      tpu.yield
    }) : () -> ()
    %add3A_36 = arith.constant 0 : i32
    %add3A_37 = arith.addi %add3A_31, %add3A_36 : i32
    "tpu.region"() ({
      %run_scoped3A = tpu.sem_alloc : memref<!tpu.dma_semaphore, #tpu.memory_space<semaphore_mem>>
      %dma_start3A = arith.constant 0 : i32
      %dma_start3A_62 = tpu.memref_slice %arg6[%add3A_37, %dma_start3A] : memref<20480x128xf32, #tpu.memory_space<hbm>> -> memref<128x128xf32, #tpu.memory_space<hbm>>
      %dma_start3A_63 = arith.constant 0 : i32
      %dma_start3A_64 = tpu.memref_slice %arg6[%add3A_37, %dma_start3A_63] : memref<20480x128xf32, #tpu.memory_space<hbm>> -> memref<128x128xf32, #tpu.memory_space<hbm>>
      tpu.enqueue_dma source(%arg9 : memref<128x128xf32, #tpu.memory_space<vmem>>) target(%dma_start3A_64 : memref<128x128xf32, #tpu.memory_space<hbm>>) target_semaphore(%run_scoped3A : memref<!tpu.dma_semaphore, #tpu.memory_space<semaphore_mem>>)
      %dma_wait3A = arith.constant 0 : i32
      %dma_wait3A_65 = tpu.memref_slice %arg6[%add3A_37, %dma_wait3A] : memref<20480x128xf32, #tpu.memory_space<hbm>> -> memref<128x128xf32, #tpu.memory_space<hbm>>
      %dma_wait3A_66 = arith.constant 0 : i32
      %dma_wait3A_67 = tpu.memref_slice %arg6[%add3A_37, %dma_wait3A_66] : memref<20480x128xf32, #tpu.memory_space<hbm>> -> memref<128x128xf32, #tpu.memory_space<hbm>>
      tpu.wait_dma2 semaphore(%run_scoped3A : memref<!tpu.dma_semaphore, #tpu.memory_space<semaphore_mem>>) src(%arg9 : memref<128x128xf32, #tpu.memory_space<vmem>>) dst(%dma_wait3A_67 : memref<128x128xf32, #tpu.memory_space<hbm>>)
      tpu.yield
    }) : () -> ()
    %mul3A_38 = arith.constant 640 : i32
    %mul3A_39 = arith.muli %arg1, %mul3A_38 : i32
    %add3A_40 = arith.constant 128 : i32
    %add3A_41 = arith.addi %mul3A_39, %add3A_40 : i32
    "tpu.region"() ({
      %run_scoped3A = tpu.sem_alloc : memref<!tpu.dma_semaphore, #tpu.memory_space<semaphore_mem>>
      %dma_start3A = arith.constant 0 : i32
      %dma_start3A_62 = tpu.memref_slice %arg10[%add3A_41, %dma_start3A] : memref<10240x128xf32, #tpu.memory_space<vmem_shared>> -> memref<128x128xf32, #tpu.memory_space<vmem_shared>>
      %dma_start3A_63 = arith.constant 0 : i32
      %dma_start3A_64 = tpu.memref_slice %arg10[%add3A_41, %dma_start3A_63] : memref<10240x128xf32, #tpu.memory_space<vmem_shared>> -> memref<128x128xf32, #tpu.memory_space<vmem_shared>>
      tpu.enqueue_dma source(%dma_start3A_64 : memref<128x128xf32, #tpu.memory_space<vmem_shared>>) target(%arg9 : memref<128x128xf32, #tpu.memory_space<vmem>>) target_semaphore(%run_scoped3A : memref<!tpu.dma_semaphore, #tpu.memory_space<semaphore_mem>>)
      %dma_wait3A = arith.constant 0 : i32
      %dma_wait3A_65 = tpu.memref_slice %arg10[%add3A_41, %dma_wait3A] : memref<10240x128xf32, #tpu.memory_space<vmem_shared>> -> memref<128x128xf32, #tpu.memory_space<vmem_shared>>
      %dma_wait3A_66 = arith.constant 0 : i32
      %dma_wait3A_67 = tpu.memref_slice %arg10[%add3A_41, %dma_wait3A_66] : memref<10240x128xf32, #tpu.memory_space<vmem_shared>> -> memref<128x128xf32, #tpu.memory_space<vmem_shared>>
      tpu.wait_dma2 semaphore(%run_scoped3A : memref<!tpu.dma_semaphore, #tpu.memory_space<semaphore_mem>>) src(%dma_wait3A_67 : memref<128x128xf32, #tpu.memory_space<vmem_shared>>) dst(%arg9 : memref<128x128xf32, #tpu.memory_space<vmem>>)
      tpu.yield
    }) : () -> ()
    %add3A_42 = arith.constant 128 : i32
    %add3A_43 = arith.addi %add3A_31, %add3A_42 : i32
    "tpu.region"() ({
      %run_scoped3A = tpu.sem_alloc : memref<!tpu.dma_semaphore, #tpu.memory_space<semaphore_mem>>
      %dma_start3A = arith.constant 0 : i32
      %dma_start3A_62 = tpu.memref_slice %arg6[%add3A_43, %dma_start3A] : memref<20480x128xf32, #tpu.memory_space<hbm>> -> memref<128x128xf32, #tpu.memory_space<hbm>>
      %dma_start3A_63 = arith.constant 0 : i32
      %dma_start3A_64 = tpu.memref_slice %arg6[%add3A_43, %dma_start3A_63] : memref<20480x128xf32, #tpu.memory_space<hbm>> -> memref<128x128xf32, #tpu.memory_space<hbm>>
      tpu.enqueue_dma source(%arg9 : memref<128x128xf32, #tpu.memory_space<vmem>>) target(%dma_start3A_64 : memref<128x128xf32, #tpu.memory_space<hbm>>) target_semaphore(%run_scoped3A : memref<!tpu.dma_semaphore, #tpu.memory_space<semaphore_mem>>)
      %dma_wait3A = arith.constant 0 : i32
      %dma_wait3A_65 = tpu.memref_slice %arg6[%add3A_43, %dma_wait3A] : memref<20480x128xf32, #tpu.memory_space<hbm>> -> memref<128x128xf32, #tpu.memory_space<hbm>>
      %dma_wait3A_66 = arith.constant 0 : i32
      %dma_wait3A_67 = tpu.memref_slice %arg6[%add3A_43, %dma_wait3A_66] : memref<20480x128xf32, #tpu.memory_space<hbm>> -> memref<128x128xf32, #tpu.memory_space<hbm>>
      tpu.wait_dma2 semaphore(%run_scoped3A : memref<!tpu.dma_semaphore, #tpu.memory_space<semaphore_mem>>) src(%arg9 : memref<128x128xf32, #tpu.memory_space<vmem>>) dst(%dma_wait3A_67 : memref<128x128xf32, #tpu.memory_space<hbm>>)
      tpu.yield
    }) : () -> ()
    %mul3A_44 = arith.constant 640 : i32
    %mul3A_45 = arith.muli %arg1, %mul3A_44 : i32
    %add3A_46 = arith.constant 256 : i32
    %add3A_47 = arith.addi %mul3A_45, %add3A_46 : i32
    "tpu.region"() ({
      %run_scoped3A = tpu.sem_alloc : memref<!tpu.dma_semaphore, #tpu.memory_space<semaphore_mem>>
      %dma_start3A = arith.constant 0 : i32
      %dma_start3A_62 = tpu.memref_slice %arg10[%add3A_47, %dma_start3A] : memref<10240x128xf32, #tpu.memory_space<vmem_shared>> -> memref<128x128xf32, #tpu.memory_space<vmem_shared>>
      %dma_start3A_63 = arith.constant 0 : i32
      %dma_start3A_64 = tpu.memref_slice %arg10[%add3A_47, %dma_start3A_63] : memref<10240x128xf32, #tpu.memory_space<vmem_shared>> -> memref<128x128xf32, #tpu.memory_space<vmem_shared>>
      tpu.enqueue_dma source(%dma_start3A_64 : memref<128x128xf32, #tpu.memory_space<vmem_shared>>) target(%arg9 : memref<128x128xf32, #tpu.memory_space<vmem>>) target_semaphore(%run_scoped3A : memref<!tpu.dma_semaphore, #tpu.memory_space<semaphore_mem>>)
      %dma_wait3A = arith.constant 0 : i32
      %dma_wait3A_65 = tpu.memref_slice %arg10[%add3A_47, %dma_wait3A] : memref<10240x128xf32, #tpu.memory_space<vmem_shared>> -> memref<128x128xf32, #tpu.memory_space<vmem_shared>>
      %dma_wait3A_66 = arith.constant 0 : i32
      %dma_wait3A_67 = tpu.memref_slice %arg10[%add3A_47, %dma_wait3A_66] : memref<10240x128xf32, #tpu.memory_space<vmem_shared>> -> memref<128x128xf32, #tpu.memory_space<vmem_shared>>
      tpu.wait_dma2 semaphore(%run_scoped3A : memref<!tpu.dma_semaphore, #tpu.memory_space<semaphore_mem>>) src(%dma_wait3A_67 : memref<128x128xf32, #tpu.memory_space<vmem_shared>>) dst(%arg9 : memref<128x128xf32, #tpu.memory_space<vmem>>)
      tpu.yield
    }) : () -> ()
    %add3A_48 = arith.constant 256 : i32
    %add3A_49 = arith.addi %add3A_31, %add3A_48 : i32
    "tpu.region"() ({
      %run_scoped3A = tpu.sem_alloc : memref<!tpu.dma_semaphore, #tpu.memory_space<semaphore_mem>>
      %dma_start3A = arith.constant 0 : i32
      %dma_start3A_62 = tpu.memref_slice %arg6[%add3A_49, %dma_start3A] : memref<20480x128xf32, #tpu.memory_space<hbm>> -> memref<128x128xf32, #tpu.memory_space<hbm>>
      %dma_start3A_63 = arith.constant 0 : i32
      %dma_start3A_64 = tpu.memref_slice %arg6[%add3A_49, %dma_start3A_63] : memref<20480x128xf32, #tpu.memory_space<hbm>> -> memref<128x128xf32, #tpu.memory_space<hbm>>
      tpu.enqueue_dma source(%arg9 : memref<128x128xf32, #tpu.memory_space<vmem>>) target(%dma_start3A_64 : memref<128x128xf32, #tpu.memory_space<hbm>>) target_semaphore(%run_scoped3A : memref<!tpu.dma_semaphore, #tpu.memory_space<semaphore_mem>>)
      %dma_wait3A = arith.constant 0 : i32
      %dma_wait3A_65 = tpu.memref_slice %arg6[%add3A_49, %dma_wait3A] : memref<20480x128xf32, #tpu.memory_space<hbm>> -> memref<128x128xf32, #tpu.memory_space<hbm>>
      %dma_wait3A_66 = arith.constant 0 : i32
      %dma_wait3A_67 = tpu.memref_slice %arg6[%add3A_49, %dma_wait3A_66] : memref<20480x128xf32, #tpu.memory_space<hbm>> -> memref<128x128xf32, #tpu.memory_space<hbm>>
      tpu.wait_dma2 semaphore(%run_scoped3A : memref<!tpu.dma_semaphore, #tpu.memory_space<semaphore_mem>>) src(%arg9 : memref<128x128xf32, #tpu.memory_space<vmem>>) dst(%dma_wait3A_67 : memref<128x128xf32, #tpu.memory_space<hbm>>)
      tpu.yield
    }) : () -> ()
    %mul3A_50 = arith.constant 640 : i32
    %mul3A_51 = arith.muli %arg1, %mul3A_50 : i32
    %add3A_52 = arith.constant 384 : i32
    %add3A_53 = arith.addi %mul3A_51, %add3A_52 : i32
    "tpu.region"() ({
      %run_scoped3A = tpu.sem_alloc : memref<!tpu.dma_semaphore, #tpu.memory_space<semaphore_mem>>
      %dma_start3A = arith.constant 0 : i32
      %dma_start3A_62 = tpu.memref_slice %arg10[%add3A_53, %dma_start3A] : memref<10240x128xf32, #tpu.memory_space<vmem_shared>> -> memref<128x128xf32, #tpu.memory_space<vmem_shared>>
      %dma_start3A_63 = arith.constant 0 : i32
      %dma_start3A_64 = tpu.memref_slice %arg10[%add3A_53, %dma_start3A_63] : memref<10240x128xf32, #tpu.memory_space<vmem_shared>> -> memref<128x128xf32, #tpu.memory_space<vmem_shared>>
      tpu.enqueue_dma source(%dma_start3A_64 : memref<128x128xf32, #tpu.memory_space<vmem_shared>>) target(%arg9 : memref<128x128xf32, #tpu.memory_space<vmem>>) target_semaphore(%run_scoped3A : memref<!tpu.dma_semaphore, #tpu.memory_space<semaphore_mem>>)
      %dma_wait3A = arith.constant 0 : i32
      %dma_wait3A_65 = tpu.memref_slice %arg10[%add3A_53, %dma_wait3A] : memref<10240x128xf32, #tpu.memory_space<vmem_shared>> -> memref<128x128xf32, #tpu.memory_space<vmem_shared>>
      %dma_wait3A_66 = arith.constant 0 : i32
      %dma_wait3A_67 = tpu.memref_slice %arg10[%add3A_53, %dma_wait3A_66] : memref<10240x128xf32, #tpu.memory_space<vmem_shared>> -> memref<128x128xf32, #tpu.memory_space<vmem_shared>>
      tpu.wait_dma2 semaphore(%run_scoped3A : memref<!tpu.dma_semaphore, #tpu.memory_space<semaphore_mem>>) src(%dma_wait3A_67 : memref<128x128xf32, #tpu.memory_space<vmem_shared>>) dst(%arg9 : memref<128x128xf32, #tpu.memory_space<vmem>>)
      tpu.yield
    }) : () -> ()
    %add3A_54 = arith.constant 384 : i32
    %add3A_55 = arith.addi %add3A_31, %add3A_54 : i32
    "tpu.region"() ({
      %run_scoped3A = tpu.sem_alloc : memref<!tpu.dma_semaphore, #tpu.memory_space<semaphore_mem>>
      %dma_start3A = arith.constant 0 : i32
      %dma_start3A_62 = tpu.memref_slice %arg6[%add3A_55, %dma_start3A] : memref<20480x128xf32, #tpu.memory_space<hbm>> -> memref<128x128xf32, #tpu.memory_space<hbm>>
      %dma_start3A_63 = arith.constant 0 : i32
      %dma_start3A_64 = tpu.memref_slice %arg6[%add3A_55, %dma_start3A_63] : memref<20480x128xf32, #tpu.memory_space<hbm>> -> memref<128x128xf32, #tpu.memory_space<hbm>>
      tpu.enqueue_dma source(%arg9 : memref<128x128xf32, #tpu.memory_space<vmem>>) target(%dma_start3A_64 : memref<128x128xf32, #tpu.memory_space<hbm>>) target_semaphore(%run_scoped3A : memref<!tpu.dma_semaphore, #tpu.memory_space<semaphore_mem>>)
      %dma_wait3A = arith.constant 0 : i32
      %dma_wait3A_65 = tpu.memref_slice %arg6[%add3A_55, %dma_wait3A] : memref<20480x128xf32, #tpu.memory_space<hbm>> -> memref<128x128xf32, #tpu.memory_space<hbm>>
      %dma_wait3A_66 = arith.constant 0 : i32
      %dma_wait3A_67 = tpu.memref_slice %arg6[%add3A_55, %dma_wait3A_66] : memref<20480x128xf32, #tpu.memory_space<hbm>> -> memref<128x128xf32, #tpu.memory_space<hbm>>
      tpu.wait_dma2 semaphore(%run_scoped3A : memref<!tpu.dma_semaphore, #tpu.memory_space<semaphore_mem>>) src(%arg9 : memref<128x128xf32, #tpu.memory_space<vmem>>) dst(%dma_wait3A_67 : memref<128x128xf32, #tpu.memory_space<hbm>>)
      tpu.yield
    }) : () -> ()
    %mul3A_56 = arith.constant 640 : i32
    %mul3A_57 = arith.muli %arg1, %mul3A_56 : i32
    %add3A_58 = arith.constant 512 : i32
    %add3A_59 = arith.addi %mul3A_57, %add3A_58 : i32
    "tpu.region"() ({
      %run_scoped3A = tpu.sem_alloc : memref<!tpu.dma_semaphore, #tpu.memory_space<semaphore_mem>>
      %dma_start3A = arith.constant 0 : i32
      %dma_start3A_62 = tpu.memref_slice %arg10[%add3A_59, %dma_start3A] : memref<10240x128xf32, #tpu.memory_space<vmem_shared>> -> memref<128x128xf32, #tpu.memory_space<vmem_shared>>
      %dma_start3A_63 = arith.constant 0 : i32
      %dma_start3A_64 = tpu.memref_slice %arg10[%add3A_59, %dma_start3A_63] : memref<10240x128xf32, #tpu.memory_space<vmem_shared>> -> memref<128x128xf32, #tpu.memory_space<vmem_shared>>
      tpu.enqueue_dma source(%dma_start3A_64 : memref<128x128xf32, #tpu.memory_space<vmem_shared>>) target(%arg9 : memref<128x128xf32, #tpu.memory_space<vmem>>) target_semaphore(%run_scoped3A : memref<!tpu.dma_semaphore, #tpu.memory_space<semaphore_mem>>)
      %dma_wait3A = arith.constant 0 : i32
      %dma_wait3A_65 = tpu.memref_slice %arg10[%add3A_59, %dma_wait3A] : memref<10240x128xf32, #tpu.memory_space<vmem_shared>> -> memref<128x128xf32, #tpu.memory_space<vmem_shared>>
      %dma_wait3A_66 = arith.constant 0 : i32
      %dma_wait3A_67 = tpu.memref_slice %arg10[%add3A_59, %dma_wait3A_66] : memref<10240x128xf32, #tpu.memory_space<vmem_shared>> -> memref<128x128xf32, #tpu.memory_space<vmem_shared>>
      tpu.wait_dma2 semaphore(%run_scoped3A : memref<!tpu.dma_semaphore, #tpu.memory_space<semaphore_mem>>) src(%dma_wait3A_67 : memref<128x128xf32, #tpu.memory_space<vmem_shared>>) dst(%arg9 : memref<128x128xf32, #tpu.memory_space<vmem>>)
      tpu.yield
    }) : () -> ()
    %add3A_60 = arith.constant 512 : i32
    %add3A_61 = arith.addi %add3A_31, %add3A_60 : i32
    "tpu.region"() ({
      %run_scoped3A = tpu.sem_alloc : memref<!tpu.dma_semaphore, #tpu.memory_space<semaphore_mem>>
      %dma_start3A = arith.constant 0 : i32
      %dma_start3A_62 = tpu.memref_slice %arg6[%add3A_61, %dma_start3A] : memref<20480x128xf32, #tpu.memory_space<hbm>> -> memref<128x128xf32, #tpu.memory_space<hbm>>
      %dma_start3A_63 = arith.constant 0 : i32
      %dma_start3A_64 = tpu.memref_slice %arg6[%add3A_61, %dma_start3A_63] : memref<20480x128xf32, #tpu.memory_space<hbm>> -> memref<128x128xf32, #tpu.memory_space<hbm>>
      tpu.enqueue_dma source(%arg9 : memref<128x128xf32, #tpu.memory_space<vmem>>) target(%dma_start3A_64 : memref<128x128xf32, #tpu.memory_space<hbm>>) target_semaphore(%run_scoped3A : memref<!tpu.dma_semaphore, #tpu.memory_space<semaphore_mem>>)
      %dma_wait3A = arith.constant 0 : i32
      %dma_wait3A_65 = tpu.memref_slice %arg6[%add3A_61, %dma_wait3A] : memref<20480x128xf32, #tpu.memory_space<hbm>> -> memref<128x128xf32, #tpu.memory_space<hbm>>
      %dma_wait3A_66 = arith.constant 0 : i32
      %dma_wait3A_67 = tpu.memref_slice %arg6[%add3A_61, %dma_wait3A_66] : memref<20480x128xf32, #tpu.memory_space<hbm>> -> memref<128x128xf32, #tpu.memory_space<hbm>>
      tpu.wait_dma2 semaphore(%run_scoped3A : memref<!tpu.dma_semaphore, #tpu.memory_space<semaphore_mem>>) src(%arg9 : memref<128x128xf32, #tpu.memory_space<vmem>>) dst(%dma_wait3A_67 : memref<128x128xf32, #tpu.memory_space<hbm>>)
      tpu.yield
    }) : () -> ()
    return
  }
}

#map = affine_map<(d0, d1) -> (0, 0)>
#map1 = affine_map<(d0, d1) -> (0, 0, 0)>
module attributes {stable_mosaic.version = 14 : i64} {
  func.func @_agg_sc(%arg0: i32, %arg1: i32, %arg2: memref<20480x128xf32, #tpu.memory_space<hbm>>, %arg3: memref<32x80x128xi32, #tpu.memory_space<hbm>>, %arg4: memref<16x80x128xi32, #tpu.memory_space<hbm>>, %arg5: memref<128x128xf32, #tpu.memory_space<hbm>>, %arg6: memref<20480x128xf32, #tpu.memory_space<hbm>>, %arg7: memref<80x128xi32, #tpu.memory_space<vmem>>, %arg8: memref<80x128xi32, #tpu.memory_space<vmem>>, %arg9: memref<128x128xf32, #tpu.memory_space<vmem>>, %arg10: memref<10240x128xf32, #tpu.memory_space<vmem_shared>>, %arg11: memref<!tpu.dma_semaphore, #tpu.memory_space<semaphore_mem>>) attributes {dimension_semantics = [#tpu.dimension_semantics<core_parallel>, #tpu.dimension_semantics<subcore_parallel>], iteration_bounds = array<i64: 2, 16>, scalar_prefetch = 0 : i64, scratch_operands = 5 : i64, tpu.core_type = #tpu.core_type<sc_vector_subcore>, window_params = [{transform_indices = #map}, {transform_indices = #map1}, {transform_indices = #map1}, {transform_indices = #map}, {transform_indices = #map}]} {
    %mul3A = arith.constant 16 : i32
    %mul3A_0 = arith.muli %arg0, %mul3A : i32
    %add3A = arith.addi %mul3A_0, %arg1 : i32
    "tpu.region"() ({
      %run_scoped3A = tpu.sem_alloc : memref<!tpu.dma_semaphore, #tpu.memory_space<semaphore_mem>>
      %dma_start3A = arith.constant 0 : i32
      %dma_start3A_62 = arith.constant 0 : i32
      %dma_start3A_63 = tpu.memref_slice %arg3[%add3A, %dma_start3A, %dma_start3A_62] : memref<32x80x128xi32, #tpu.memory_space<hbm>> -> memref<1x80x128xi32, #tpu.memory_space<hbm>>
      %dma_start3A_64 = tpu.memref_squeeze %dma_start3A_63 : memref<1x80x128xi32, #tpu.memory_space<hbm>> -> memref<80x128xi32, #tpu.memory_space<hbm>>
      %dma_start3A_65 = arith.constant 0 : i32
      %dma_start3A_66 = arith.constant 0 : i32
      %dma_start3A_67 = tpu.memref_slice %arg3[%add3A, %dma_start3A_65, %dma_start3A_66] : memref<32x80x128xi32, #tpu.memory_space<hbm>> -> memref<1x80x128xi32, #tpu.memory_space<hbm>>
      %dma_start3A_68 = tpu.memref_squeeze %dma_start3A_67 : memref<1x80x128xi32, #tpu.memory_space<hbm>> -> memref<80x128xi32, #tpu.memory_space<hbm>>
      tpu.enqueue_dma source(%dma_start3A_68 : memref<80x128xi32, #tpu.memory_space<hbm>>) target(%arg7 : memref<80x128xi32, #tpu.memory_space<vmem>>) target_semaphore(%run_scoped3A : memref<!tpu.dma_semaphore, #tpu.memory_space<semaphore_mem>>)
      %dma_wait3A = arith.constant 0 : i32
      %dma_wait3A_69 = arith.constant 0 : i32
      %dma_wait3A_70 = tpu.memref_slice %arg3[%add3A, %dma_wait3A, %dma_wait3A_69] : memref<32x80x128xi32, #tpu.memory_space<hbm>> -> memref<1x80x128xi32, #tpu.memory_space<hbm>>
      %dma_wait3A_71 = tpu.memref_squeeze %dma_wait3A_70 : memref<1x80x128xi32, #tpu.memory_space<hbm>> -> memref<80x128xi32, #tpu.memory_space<hbm>>
      %dma_wait3A_72 = arith.constant 0 : i32
      %dma_wait3A_73 = arith.constant 0 : i32
      %dma_wait3A_74 = tpu.memref_slice %arg3[%add3A, %dma_wait3A_72, %dma_wait3A_73] : memref<32x80x128xi32, #tpu.memory_space<hbm>> -> memref<1x80x128xi32, #tpu.memory_space<hbm>>
      %dma_wait3A_75 = tpu.memref_squeeze %dma_wait3A_74 : memref<1x80x128xi32, #tpu.memory_space<hbm>> -> memref<80x128xi32, #tpu.memory_space<hbm>>
      tpu.wait_dma2 semaphore(%run_scoped3A : memref<!tpu.dma_semaphore, #tpu.memory_space<semaphore_mem>>) src(%dma_wait3A_75 : memref<80x128xi32, #tpu.memory_space<hbm>>) dst(%arg7 : memref<80x128xi32, #tpu.memory_space<vmem>>)
      tpu.yield
    }) : () -> ()
    "tpu.region"() ({
      %run_scoped3A = tpu.sem_alloc : memref<!tpu.dma_semaphore, #tpu.memory_space<semaphore_mem>>
      %dma_start3A = arith.constant 0 : i32
      %dma_start3A_62 = arith.constant 0 : i32
      %dma_start3A_63 = tpu.memref_slice %arg4[%arg1, %dma_start3A, %dma_start3A_62] : memref<16x80x128xi32, #tpu.memory_space<hbm>> -> memref<1x80x128xi32, #tpu.memory_space<hbm>>
      %dma_start3A_64 = tpu.memref_squeeze %dma_start3A_63 : memref<1x80x128xi32, #tpu.memory_space<hbm>> -> memref<80x128xi32, #tpu.memory_space<hbm>>
      %dma_start3A_65 = arith.constant 0 : i32
      %dma_start3A_66 = arith.constant 0 : i32
      %dma_start3A_67 = tpu.memref_slice %arg4[%arg1, %dma_start3A_65, %dma_start3A_66] : memref<16x80x128xi32, #tpu.memory_space<hbm>> -> memref<1x80x128xi32, #tpu.memory_space<hbm>>
      %dma_start3A_68 = tpu.memref_squeeze %dma_start3A_67 : memref<1x80x128xi32, #tpu.memory_space<hbm>> -> memref<80x128xi32, #tpu.memory_space<hbm>>
      tpu.enqueue_dma source(%dma_start3A_68 : memref<80x128xi32, #tpu.memory_space<hbm>>) target(%arg8 : memref<80x128xi32, #tpu.memory_space<vmem>>) target_semaphore(%run_scoped3A : memref<!tpu.dma_semaphore, #tpu.memory_space<semaphore_mem>>)
      %dma_wait3A = arith.constant 0 : i32
      %dma_wait3A_69 = arith.constant 0 : i32
      %dma_wait3A_70 = tpu.memref_slice %arg4[%arg1, %dma_wait3A, %dma_wait3A_69] : memref<16x80x128xi32, #tpu.memory_space<hbm>> -> memref<1x80x128xi32, #tpu.memory_space<hbm>>
      %dma_wait3A_71 = tpu.memref_squeeze %dma_wait3A_70 : memref<1x80x128xi32, #tpu.memory_space<hbm>> -> memref<80x128xi32, #tpu.memory_space<hbm>>
      %dma_wait3A_72 = arith.constant 0 : i32
      %dma_wait3A_73 = arith.constant 0 : i32
      %dma_wait3A_74 = tpu.memref_slice %arg4[%arg1, %dma_wait3A_72, %dma_wait3A_73] : memref<16x80x128xi32, #tpu.memory_space<hbm>> -> memref<1x80x128xi32, #tpu.memory_space<hbm>>
      %dma_wait3A_75 = tpu.memref_squeeze %dma_wait3A_74 : memref<1x80x128xi32, #tpu.memory_space<hbm>> -> memref<80x128xi32, #tpu.memory_space<hbm>>
      tpu.wait_dma2 semaphore(%run_scoped3A : memref<!tpu.dma_semaphore, #tpu.memory_space<semaphore_mem>>) src(%dma_wait3A_75 : memref<80x128xi32, #tpu.memory_space<hbm>>) dst(%arg8 : memref<80x128xi32, #tpu.memory_space<vmem>>)
      tpu.yield
    }) : () -> ()
    "tpu.region"() ({
      %run_scoped3A = tpu.sem_alloc : memref<!tpu.dma_semaphore, #tpu.memory_space<semaphore_mem>>
      tpu.enqueue_dma source(%arg5 : memref<128x128xf32, #tpu.memory_space<hbm>>) target(%arg9 : memref<128x128xf32, #tpu.memory_space<vmem>>) target_semaphore(%run_scoped3A : memref<!tpu.dma_semaphore, #tpu.memory_space<semaphore_mem>>)
      tpu.wait_dma2 semaphore(%run_scoped3A : memref<!tpu.dma_semaphore, #tpu.memory_space<semaphore_mem>>) src(%arg5 : memref<128x128xf32, #tpu.memory_space<hbm>>) dst(%arg9 : memref<128x128xf32, #tpu.memory_space<vmem>>)
      tpu.yield
    }) : () -> ()
    %mul3A_1 = arith.constant 640 : i32
    %mul3A_2 = arith.muli %arg1, %mul3A_1 : i32
    %add3A_3 = arith.constant 0 : i32
    %add3A_4 = arith.addi %mul3A_2, %add3A_3 : i32
    "tpu.region"() ({
      %run_scoped3A = tpu.sem_alloc : memref<!tpu.dma_semaphore, #tpu.memory_space<semaphore_mem>>
      %dma_start3A = arith.constant 0 : i32
      %dma_start3A_62 = tpu.memref_slice %arg10[%add3A_4, %dma_start3A] : memref<10240x128xf32, #tpu.memory_space<vmem_shared>> -> memref<128x128xf32, #tpu.memory_space<vmem_shared>>
      %dma_start3A_63 = arith.constant 0 : i32
      %dma_start3A_64 = tpu.memref_slice %arg10[%add3A_4, %dma_start3A_63] : memref<10240x128xf32, #tpu.memory_space<vmem_shared>> -> memref<128x128xf32, #tpu.memory_space<vmem_shared>>
      tpu.enqueue_dma source(%arg9 : memref<128x128xf32, #tpu.memory_space<vmem>>) target(%dma_start3A_64 : memref<128x128xf32, #tpu.memory_space<vmem_shared>>) target_semaphore(%run_scoped3A : memref<!tpu.dma_semaphore, #tpu.memory_space<semaphore_mem>>)
      %dma_wait3A = arith.constant 0 : i32
      %dma_wait3A_65 = tpu.memref_slice %arg10[%add3A_4, %dma_wait3A] : memref<10240x128xf32, #tpu.memory_space<vmem_shared>> -> memref<128x128xf32, #tpu.memory_space<vmem_shared>>
      %dma_wait3A_66 = arith.constant 0 : i32
      %dma_wait3A_67 = tpu.memref_slice %arg10[%add3A_4, %dma_wait3A_66] : memref<10240x128xf32, #tpu.memory_space<vmem_shared>> -> memref<128x128xf32, #tpu.memory_space<vmem_shared>>
      tpu.wait_dma2 semaphore(%run_scoped3A : memref<!tpu.dma_semaphore, #tpu.memory_space<semaphore_mem>>) src(%arg9 : memref<128x128xf32, #tpu.memory_space<vmem>>) dst(%dma_wait3A_67 : memref<128x128xf32, #tpu.memory_space<vmem_shared>>)
      tpu.yield
    }) : () -> ()
    %mul3A_5 = arith.constant 640 : i32
    %mul3A_6 = arith.muli %arg1, %mul3A_5 : i32
    %add3A_7 = arith.constant 128 : i32
    %add3A_8 = arith.addi %mul3A_6, %add3A_7 : i32
    "tpu.region"() ({
      %run_scoped3A = tpu.sem_alloc : memref<!tpu.dma_semaphore, #tpu.memory_space<semaphore_mem>>
      %dma_start3A = arith.constant 0 : i32
      %dma_start3A_62 = tpu.memref_slice %arg10[%add3A_8, %dma_start3A] : memref<10240x128xf32, #tpu.memory_space<vmem_shared>> -> memref<128x128xf32, #tpu.memory_space<vmem_shared>>
      %dma_start3A_63 = arith.constant 0 : i32
      %dma_start3A_64 = tpu.memref_slice %arg10[%add3A_8, %dma_start3A_63] : memref<10240x128xf32, #tpu.memory_space<vmem_shared>> -> memref<128x128xf32, #tpu.memory_space<vmem_shared>>
      tpu.enqueue_dma source(%arg9 : memref<128x128xf32, #tpu.memory_space<vmem>>) target(%dma_start3A_64 : memref<128x128xf32, #tpu.memory_space<vmem_shared>>) target_semaphore(%run_scoped3A : memref<!tpu.dma_semaphore, #tpu.memory_space<semaphore_mem>>)
      %dma_wait3A = arith.constant 0 : i32
      %dma_wait3A_65 = tpu.memref_slice %arg10[%add3A_8, %dma_wait3A] : memref<10240x128xf32, #tpu.memory_space<vmem_shared>> -> memref<128x128xf32, #tpu.memory_space<vmem_shared>>
      %dma_wait3A_66 = arith.constant 0 : i32
      %dma_wait3A_67 = tpu.memref_slice %arg10[%add3A_8, %dma_wait3A_66] : memref<10240x128xf32, #tpu.memory_space<vmem_shared>> -> memref<128x128xf32, #tpu.memory_space<vmem_shared>>
      tpu.wait_dma2 semaphore(%run_scoped3A : memref<!tpu.dma_semaphore, #tpu.memory_space<semaphore_mem>>) src(%arg9 : memref<128x128xf32, #tpu.memory_space<vmem>>) dst(%dma_wait3A_67 : memref<128x128xf32, #tpu.memory_space<vmem_shared>>)
      tpu.yield
    }) : () -> ()
    %mul3A_9 = arith.constant 640 : i32
    %mul3A_10 = arith.muli %arg1, %mul3A_9 : i32
    %add3A_11 = arith.constant 256 : i32
    %add3A_12 = arith.addi %mul3A_10, %add3A_11 : i32
    "tpu.region"() ({
      %run_scoped3A = tpu.sem_alloc : memref<!tpu.dma_semaphore, #tpu.memory_space<semaphore_mem>>
      %dma_start3A = arith.constant 0 : i32
      %dma_start3A_62 = tpu.memref_slice %arg10[%add3A_12, %dma_start3A] : memref<10240x128xf32, #tpu.memory_space<vmem_shared>> -> memref<128x128xf32, #tpu.memory_space<vmem_shared>>
      %dma_start3A_63 = arith.constant 0 : i32
      %dma_start3A_64 = tpu.memref_slice %arg10[%add3A_12, %dma_start3A_63] : memref<10240x128xf32, #tpu.memory_space<vmem_shared>> -> memref<128x128xf32, #tpu.memory_space<vmem_shared>>
      tpu.enqueue_dma source(%arg9 : memref<128x128xf32, #tpu.memory_space<vmem>>) target(%dma_start3A_64 : memref<128x128xf32, #tpu.memory_space<vmem_shared>>) target_semaphore(%run_scoped3A : memref<!tpu.dma_semaphore, #tpu.memory_space<semaphore_mem>>)
      %dma_wait3A = arith.constant 0 : i32
      %dma_wait3A_65 = tpu.memref_slice %arg10[%add3A_12, %dma_wait3A] : memref<10240x128xf32, #tpu.memory_space<vmem_shared>> -> memref<128x128xf32, #tpu.memory_space<vmem_shared>>
      %dma_wait3A_66 = arith.constant 0 : i32
      %dma_wait3A_67 = tpu.memref_slice %arg10[%add3A_12, %dma_wait3A_66] : memref<10240x128xf32, #tpu.memory_space<vmem_shared>> -> memref<128x128xf32, #tpu.memory_space<vmem_shared>>
      tpu.wait_dma2 semaphore(%run_scoped3A : memref<!tpu.dma_semaphore, #tpu.memory_space<semaphore_mem>>) src(%arg9 : memref<128x128xf32, #tpu.memory_space<vmem>>) dst(%dma_wait3A_67 : memref<128x128xf32, #tpu.memory_space<vmem_shared>>)
      tpu.yield
    }) : () -> ()
    %mul3A_13 = arith.constant 640 : i32
    %mul3A_14 = arith.muli %arg1, %mul3A_13 : i32
    %add3A_15 = arith.constant 384 : i32
    %add3A_16 = arith.addi %mul3A_14, %add3A_15 : i32
    "tpu.region"() ({
      %run_scoped3A = tpu.sem_alloc : memref<!tpu.dma_semaphore, #tpu.memory_space<semaphore_mem>>
      %dma_start3A = arith.constant 0 : i32
      %dma_start3A_62 = tpu.memref_slice %arg10[%add3A_16, %dma_start3A] : memref<10240x128xf32, #tpu.memory_space<vmem_shared>> -> memref<128x128xf32, #tpu.memory_space<vmem_shared>>
      %dma_start3A_63 = arith.constant 0 : i32
      %dma_start3A_64 = tpu.memref_slice %arg10[%add3A_16, %dma_start3A_63] : memref<10240x128xf32, #tpu.memory_space<vmem_shared>> -> memref<128x128xf32, #tpu.memory_space<vmem_shared>>
      tpu.enqueue_dma source(%arg9 : memref<128x128xf32, #tpu.memory_space<vmem>>) target(%dma_start3A_64 : memref<128x128xf32, #tpu.memory_space<vmem_shared>>) target_semaphore(%run_scoped3A : memref<!tpu.dma_semaphore, #tpu.memory_space<semaphore_mem>>)
      %dma_wait3A = arith.constant 0 : i32
      %dma_wait3A_65 = tpu.memref_slice %arg10[%add3A_16, %dma_wait3A] : memref<10240x128xf32, #tpu.memory_space<vmem_shared>> -> memref<128x128xf32, #tpu.memory_space<vmem_shared>>
      %dma_wait3A_66 = arith.constant 0 : i32
      %dma_wait3A_67 = tpu.memref_slice %arg10[%add3A_16, %dma_wait3A_66] : memref<10240x128xf32, #tpu.memory_space<vmem_shared>> -> memref<128x128xf32, #tpu.memory_space<vmem_shared>>
      tpu.wait_dma2 semaphore(%run_scoped3A : memref<!tpu.dma_semaphore, #tpu.memory_space<semaphore_mem>>) src(%arg9 : memref<128x128xf32, #tpu.memory_space<vmem>>) dst(%dma_wait3A_67 : memref<128x128xf32, #tpu.memory_space<vmem_shared>>)
      tpu.yield
    }) : () -> ()
    %mul3A_17 = arith.constant 640 : i32
    %mul3A_18 = arith.muli %arg1, %mul3A_17 : i32
    %add3A_19 = arith.constant 512 : i32
    %add3A_20 = arith.addi %mul3A_18, %add3A_19 : i32
    "tpu.region"() ({
      %run_scoped3A = tpu.sem_alloc : memref<!tpu.dma_semaphore, #tpu.memory_space<semaphore_mem>>
      %dma_start3A = arith.constant 0 : i32
      %dma_start3A_62 = tpu.memref_slice %arg10[%add3A_20, %dma_start3A] : memref<10240x128xf32, #tpu.memory_space<vmem_shared>> -> memref<128x128xf32, #tpu.memory_space<vmem_shared>>
      %dma_start3A_63 = arith.constant 0 : i32
      %dma_start3A_64 = tpu.memref_slice %arg10[%add3A_20, %dma_start3A_63] : memref<10240x128xf32, #tpu.memory_space<vmem_shared>> -> memref<128x128xf32, #tpu.memory_space<vmem_shared>>
      tpu.enqueue_dma source(%arg9 : memref<128x128xf32, #tpu.memory_space<vmem>>) target(%dma_start3A_64 : memref<128x128xf32, #tpu.memory_space<vmem_shared>>) target_semaphore(%run_scoped3A : memref<!tpu.dma_semaphore, #tpu.memory_space<semaphore_mem>>)
      %dma_wait3A = arith.constant 0 : i32
      %dma_wait3A_65 = tpu.memref_slice %arg10[%add3A_20, %dma_wait3A] : memref<10240x128xf32, #tpu.memory_space<vmem_shared>> -> memref<128x128xf32, #tpu.memory_space<vmem_shared>>
      %dma_wait3A_66 = arith.constant 0 : i32
      %dma_wait3A_67 = tpu.memref_slice %arg10[%add3A_20, %dma_wait3A_66] : memref<10240x128xf32, #tpu.memory_space<vmem_shared>> -> memref<128x128xf32, #tpu.memory_space<vmem_shared>>
      tpu.wait_dma2 semaphore(%run_scoped3A : memref<!tpu.dma_semaphore, #tpu.memory_space<semaphore_mem>>) src(%arg9 : memref<128x128xf32, #tpu.memory_space<vmem>>) dst(%dma_wait3A_67 : memref<128x128xf32, #tpu.memory_space<vmem_shared>>)
      tpu.yield
    }) : () -> ()
    %barrier3A = arith.constant 0 : index
    tpu.barrier barrier_id(%barrier3A)
    %scan3A = arith.constant 0 : i32
    %scan3A_21 = arith.constant 0 : i32
    %scan3A_22 = arith.constant 80 : i32
    %scan3A_23 = arith.addi %scan3A_21, %scan3A_22 : i32
    %scan3A_24 = arith.constant 1 : i32
    scf.for %scan3A_62 = %scan3A_21 to %scan3A_23 step %scan3A_24  : i32 {
      %dma_start3A = arith.constant 0 : i32
      %dma_start3A_63 = tpu.memref_slice %arg7[%scan3A_62, %dma_start3A] : memref<80x128xi32, #tpu.memory_space<vmem>> -> memref<1x128xi32, #tpu.memory_space<vmem>>
      %dma_start3A_64 = tpu.memref_squeeze %dma_start3A_63 : memref<1x128xi32, #tpu.memory_space<vmem>> -> memref<128xi32, #tpu.memory_space<vmem>>
      %dma_start3A_65 = arith.constant 0 : i32
      %dma_start3A_66 = arith.constant 0 : i32
      %dma_start3A_67 = tpu.memref_slice %arg2[%dma_start3A_65, %dma_start3A_66] : memref<20480x128xf32, #tpu.memory_space<hbm>> -> memref<20480x128xf32, #tpu.memory_space<hbm>>
      tpu.enqueue_indirect_dma source(%dma_start3A_67 : memref<20480x128xf32, #tpu.memory_space<hbm>>) target(%arg9 : memref<128x128xf32, #tpu.memory_space<vmem>>) offsets(%dma_start3A_64 : memref<128xi32, #tpu.memory_space<vmem>>) semaphore(%arg11 : memref<!tpu.dma_semaphore, #tpu.memory_space<semaphore_mem>>)
      %dma_wait3A = arith.constant 0 : i32
      %dma_wait3A_68 = tpu.memref_slice %arg7[%scan3A_62, %dma_wait3A] : memref<80x128xi32, #tpu.memory_space<vmem>> -> memref<1x128xi32, #tpu.memory_space<vmem>>
      %dma_wait3A_69 = tpu.memref_squeeze %dma_wait3A_68 : memref<1x128xi32, #tpu.memory_space<vmem>> -> memref<128xi32, #tpu.memory_space<vmem>>
      %dma_wait3A_70 = arith.constant 0 : i32
      %dma_wait3A_71 = arith.constant 0 : i32
      %dma_wait3A_72 = tpu.memref_slice %arg2[%dma_wait3A_70, %dma_wait3A_71] : memref<20480x128xf32, #tpu.memory_space<hbm>> -> memref<20480x128xf32, #tpu.memory_space<hbm>>
      tpu.wait_indirect_dma semaphore(%arg11 : memref<!tpu.dma_semaphore, #tpu.memory_space<semaphore_mem>>) src(%dma_wait3A_72 : memref<20480x128xf32, #tpu.memory_space<hbm>>) dst(%arg9 : memref<128x128xf32, #tpu.memory_space<vmem>>)
      "tpu.region"() ({
        %run_scoped3A = tpu.sem_alloc : memref<!tpu.dma_semaphore, #tpu.memory_space<semaphore_mem>>
        %dma_start3A_73 = arith.constant 0 : i32
        %dma_start3A_74 = tpu.memref_slice %arg8[%scan3A_62, %dma_start3A_73] : memref<80x128xi32, #tpu.memory_space<vmem>> -> memref<1x128xi32, #tpu.memory_space<vmem>>
        %dma_start3A_75 = tpu.memref_squeeze %dma_start3A_74 : memref<1x128xi32, #tpu.memory_space<vmem>> -> memref<128xi32, #tpu.memory_space<vmem>>
        %dma_start3A_76 = arith.constant 0 : i32
        %dma_start3A_77 = arith.constant 0 : i32
        %dma_start3A_78 = tpu.memref_slice %arg10[%dma_start3A_76, %dma_start3A_77] : memref<10240x128xf32, #tpu.memory_space<vmem_shared>> -> memref<10240x128xf32, #tpu.memory_space<vmem_shared>>
        tpu.enqueue_indirect_dma source(%arg9 : memref<128x128xf32, #tpu.memory_space<vmem>>) target(%dma_start3A_78 : memref<10240x128xf32, #tpu.memory_space<vmem_shared>>) offsets(%dma_start3A_75 : memref<128xi32, #tpu.memory_space<vmem>>) semaphore(%run_scoped3A : memref<!tpu.dma_semaphore, #tpu.memory_space<semaphore_mem>>) {add = true}
        %dma_wait3A_79 = arith.constant 0 : i32
        %dma_wait3A_80 = tpu.memref_slice %arg8[%scan3A_62, %dma_wait3A_79] : memref<80x128xi32, #tpu.memory_space<vmem>> -> memref<1x128xi32, #tpu.memory_space<vmem>>
        %dma_wait3A_81 = tpu.memref_squeeze %dma_wait3A_80 : memref<1x128xi32, #tpu.memory_space<vmem>> -> memref<128xi32, #tpu.memory_space<vmem>>
        %dma_wait3A_82 = arith.constant 0 : i32
        %dma_wait3A_83 = arith.constant 0 : i32
        %dma_wait3A_84 = tpu.memref_slice %arg10[%dma_wait3A_82, %dma_wait3A_83] : memref<10240x128xf32, #tpu.memory_space<vmem_shared>> -> memref<10240x128xf32, #tpu.memory_space<vmem_shared>>
        tpu.wait_indirect_dma semaphore(%run_scoped3A : memref<!tpu.dma_semaphore, #tpu.memory_space<semaphore_mem>>) src(%arg9 : memref<128x128xf32, #tpu.memory_space<vmem>>) dst(%dma_wait3A_84 : memref<10240x128xf32, #tpu.memory_space<vmem_shared>>)
        tpu.yield
      }) : () -> ()
    }
    %scan3A_25 = arith.constant 80 : i32
    %barrier3A_26 = arith.constant 0 : index
    tpu.barrier barrier_id(%barrier3A_26)
    %mul3A_27 = arith.constant 10240 : i32
    %mul3A_28 = arith.muli %arg0, %mul3A_27 : i32
    %mul3A_29 = arith.constant 640 : i32
    %mul3A_30 = arith.muli %arg1, %mul3A_29 : i32
    %add3A_31 = arith.addi %mul3A_28, %mul3A_30 : i32
    %mul3A_32 = arith.constant 640 : i32
    %mul3A_33 = arith.muli %arg1, %mul3A_32 : i32
    %add3A_34 = arith.constant 0 : i32
    %add3A_35 = arith.addi %mul3A_33, %add3A_34 : i32
    "tpu.region"() ({
      %run_scoped3A = tpu.sem_alloc : memref<!tpu.dma_semaphore, #tpu.memory_space<semaphore_mem>>
      %dma_start3A = arith.constant 0 : i32
      %dma_start3A_62 = tpu.memref_slice %arg10[%add3A_35, %dma_start3A] : memref<10240x128xf32, #tpu.memory_space<vmem_shared>> -> memref<128x128xf32, #tpu.memory_space<vmem_shared>>
      %dma_start3A_63 = arith.constant 0 : i32
      %dma_start3A_64 = tpu.memref_slice %arg10[%add3A_35, %dma_start3A_63] : memref<10240x128xf32, #tpu.memory_space<vmem_shared>> -> memref<128x128xf32, #tpu.memory_space<vmem_shared>>
      tpu.enqueue_dma source(%dma_start3A_64 : memref<128x128xf32, #tpu.memory_space<vmem_shared>>) target(%arg9 : memref<128x128xf32, #tpu.memory_space<vmem>>) target_semaphore(%run_scoped3A : memref<!tpu.dma_semaphore, #tpu.memory_space<semaphore_mem>>)
      %dma_wait3A = arith.constant 0 : i32
      %dma_wait3A_65 = tpu.memref_slice %arg10[%add3A_35, %dma_wait3A] : memref<10240x128xf32, #tpu.memory_space<vmem_shared>> -> memref<128x128xf32, #tpu.memory_space<vmem_shared>>
      %dma_wait3A_66 = arith.constant 0 : i32
      %dma_wait3A_67 = tpu.memref_slice %arg10[%add3A_35, %dma_wait3A_66] : memref<10240x128xf32, #tpu.memory_space<vmem_shared>> -> memref<128x128xf32, #tpu.memory_space<vmem_shared>>
      tpu.wait_dma2 semaphore(%run_scoped3A : memref<!tpu.dma_semaphore, #tpu.memory_space<semaphore_mem>>) src(%dma_wait3A_67 : memref<128x128xf32, #tpu.memory_space<vmem_shared>>) dst(%arg9 : memref<128x128xf32, #tpu.memory_space<vmem>>)
      tpu.yield
    }) : () -> ()
    %add3A_36 = arith.constant 0 : i32
    %add3A_37 = arith.addi %add3A_31, %add3A_36 : i32
    "tpu.region"() ({
      %run_scoped3A = tpu.sem_alloc : memref<!tpu.dma_semaphore, #tpu.memory_space<semaphore_mem>>
      %dma_start3A = arith.constant 0 : i32
      %dma_start3A_62 = tpu.memref_slice %arg6[%add3A_37, %dma_start3A] : memref<20480x128xf32, #tpu.memory_space<hbm>> -> memref<128x128xf32, #tpu.memory_space<hbm>>
      %dma_start3A_63 = arith.constant 0 : i32
      %dma_start3A_64 = tpu.memref_slice %arg6[%add3A_37, %dma_start3A_63] : memref<20480x128xf32, #tpu.memory_space<hbm>> -> memref<128x128xf32, #tpu.memory_space<hbm>>
      tpu.enqueue_dma source(%arg9 : memref<128x128xf32, #tpu.memory_space<vmem>>) target(%dma_start3A_64 : memref<128x128xf32, #tpu.memory_space<hbm>>) target_semaphore(%run_scoped3A : memref<!tpu.dma_semaphore, #tpu.memory_space<semaphore_mem>>)
      %dma_wait3A = arith.constant 0 : i32
      %dma_wait3A_65 = tpu.memref_slice %arg6[%add3A_37, %dma_wait3A] : memref<20480x128xf32, #tpu.memory_space<hbm>> -> memref<128x128xf32, #tpu.memory_space<hbm>>
      %dma_wait3A_66 = arith.constant 0 : i32
      %dma_wait3A_67 = tpu.memref_slice %arg6[%add3A_37, %dma_wait3A_66] : memref<20480x128xf32, #tpu.memory_space<hbm>> -> memref<128x128xf32, #tpu.memory_space<hbm>>
      tpu.wait_dma2 semaphore(%run_scoped3A : memref<!tpu.dma_semaphore, #tpu.memory_space<semaphore_mem>>) src(%arg9 : memref<128x128xf32, #tpu.memory_space<vmem>>) dst(%dma_wait3A_67 : memref<128x128xf32, #tpu.memory_space<hbm>>)
      tpu.yield
    }) : () -> ()
    %mul3A_38 = arith.constant 640 : i32
    %mul3A_39 = arith.muli %arg1, %mul3A_38 : i32
    %add3A_40 = arith.constant 128 : i32
    %add3A_41 = arith.addi %mul3A_39, %add3A_40 : i32
    "tpu.region"() ({
      %run_scoped3A = tpu.sem_alloc : memref<!tpu.dma_semaphore, #tpu.memory_space<semaphore_mem>>
      %dma_start3A = arith.constant 0 : i32
      %dma_start3A_62 = tpu.memref_slice %arg10[%add3A_41, %dma_start3A] : memref<10240x128xf32, #tpu.memory_space<vmem_shared>> -> memref<128x128xf32, #tpu.memory_space<vmem_shared>>
      %dma_start3A_63 = arith.constant 0 : i32
      %dma_start3A_64 = tpu.memref_slice %arg10[%add3A_41, %dma_start3A_63] : memref<10240x128xf32, #tpu.memory_space<vmem_shared>> -> memref<128x128xf32, #tpu.memory_space<vmem_shared>>
      tpu.enqueue_dma source(%dma_start3A_64 : memref<128x128xf32, #tpu.memory_space<vmem_shared>>) target(%arg9 : memref<128x128xf32, #tpu.memory_space<vmem>>) target_semaphore(%run_scoped3A : memref<!tpu.dma_semaphore, #tpu.memory_space<semaphore_mem>>)
      %dma_wait3A = arith.constant 0 : i32
      %dma_wait3A_65 = tpu.memref_slice %arg10[%add3A_41, %dma_wait3A] : memref<10240x128xf32, #tpu.memory_space<vmem_shared>> -> memref<128x128xf32, #tpu.memory_space<vmem_shared>>
      %dma_wait3A_66 = arith.constant 0 : i32
      %dma_wait3A_67 = tpu.memref_slice %arg10[%add3A_41, %dma_wait3A_66] : memref<10240x128xf32, #tpu.memory_space<vmem_shared>> -> memref<128x128xf32, #tpu.memory_space<vmem_shared>>
      tpu.wait_dma2 semaphore(%run_scoped3A : memref<!tpu.dma_semaphore, #tpu.memory_space<semaphore_mem>>) src(%dma_wait3A_67 : memref<128x128xf32, #tpu.memory_space<vmem_shared>>) dst(%arg9 : memref<128x128xf32, #tpu.memory_space<vmem>>)
      tpu.yield
    }) : () -> ()
    %add3A_42 = arith.constant 128 : i32
    %add3A_43 = arith.addi %add3A_31, %add3A_42 : i32
    "tpu.region"() ({
      %run_scoped3A = tpu.sem_alloc : memref<!tpu.dma_semaphore, #tpu.memory_space<semaphore_mem>>
      %dma_start3A = arith.constant 0 : i32
      %dma_start3A_62 = tpu.memref_slice %arg6[%add3A_43, %dma_start3A] : memref<20480x128xf32, #tpu.memory_space<hbm>> -> memref<128x128xf32, #tpu.memory_space<hbm>>
      %dma_start3A_63 = arith.constant 0 : i32
      %dma_start3A_64 = tpu.memref_slice %arg6[%add3A_43, %dma_start3A_63] : memref<20480x128xf32, #tpu.memory_space<hbm>> -> memref<128x128xf32, #tpu.memory_space<hbm>>
      tpu.enqueue_dma source(%arg9 : memref<128x128xf32, #tpu.memory_space<vmem>>) target(%dma_start3A_64 : memref<128x128xf32, #tpu.memory_space<hbm>>) target_semaphore(%run_scoped3A : memref<!tpu.dma_semaphore, #tpu.memory_space<semaphore_mem>>)
      %dma_wait3A = arith.constant 0 : i32
      %dma_wait3A_65 = tpu.memref_slice %arg6[%add3A_43, %dma_wait3A] : memref<20480x128xf32, #tpu.memory_space<hbm>> -> memref<128x128xf32, #tpu.memory_space<hbm>>
      %dma_wait3A_66 = arith.constant 0 : i32
      %dma_wait3A_67 = tpu.memref_slice %arg6[%add3A_43, %dma_wait3A_66] : memref<20480x128xf32, #tpu.memory_space<hbm>> -> memref<128x128xf32, #tpu.memory_space<hbm>>
      tpu.wait_dma2 semaphore(%run_scoped3A : memref<!tpu.dma_semaphore, #tpu.memory_space<semaphore_mem>>) src(%arg9 : memref<128x128xf32, #tpu.memory_space<vmem>>) dst(%dma_wait3A_67 : memref<128x128xf32, #tpu.memory_space<hbm>>)
      tpu.yield
    }) : () -> ()
    %mul3A_44 = arith.constant 640 : i32
    %mul3A_45 = arith.muli %arg1, %mul3A_44 : i32
    %add3A_46 = arith.constant 256 : i32
    %add3A_47 = arith.addi %mul3A_45, %add3A_46 : i32
    "tpu.region"() ({
      %run_scoped3A = tpu.sem_alloc : memref<!tpu.dma_semaphore, #tpu.memory_space<semaphore_mem>>
      %dma_start3A = arith.constant 0 : i32
      %dma_start3A_62 = tpu.memref_slice %arg10[%add3A_47, %dma_start3A] : memref<10240x128xf32, #tpu.memory_space<vmem_shared>> -> memref<128x128xf32, #tpu.memory_space<vmem_shared>>
      %dma_start3A_63 = arith.constant 0 : i32
      %dma_start3A_64 = tpu.memref_slice %arg10[%add3A_47, %dma_start3A_63] : memref<10240x128xf32, #tpu.memory_space<vmem_shared>> -> memref<128x128xf32, #tpu.memory_space<vmem_shared>>
      tpu.enqueue_dma source(%dma_start3A_64 : memref<128x128xf32, #tpu.memory_space<vmem_shared>>) target(%arg9 : memref<128x128xf32, #tpu.memory_space<vmem>>) target_semaphore(%run_scoped3A : memref<!tpu.dma_semaphore, #tpu.memory_space<semaphore_mem>>)
      %dma_wait3A = arith.constant 0 : i32
      %dma_wait3A_65 = tpu.memref_slice %arg10[%add3A_47, %dma_wait3A] : memref<10240x128xf32, #tpu.memory_space<vmem_shared>> -> memref<128x128xf32, #tpu.memory_space<vmem_shared>>
      %dma_wait3A_66 = arith.constant 0 : i32
      %dma_wait3A_67 = tpu.memref_slice %arg10[%add3A_47, %dma_wait3A_66] : memref<10240x128xf32, #tpu.memory_space<vmem_shared>> -> memref<128x128xf32, #tpu.memory_space<vmem_shared>>
      tpu.wait_dma2 semaphore(%run_scoped3A : memref<!tpu.dma_semaphore, #tpu.memory_space<semaphore_mem>>) src(%dma_wait3A_67 : memref<128x128xf32, #tpu.memory_space<vmem_shared>>) dst(%arg9 : memref<128x128xf32, #tpu.memory_space<vmem>>)
      tpu.yield
    }) : () -> ()
    %add3A_48 = arith.constant 256 : i32
    %add3A_49 = arith.addi %add3A_31, %add3A_48 : i32
    "tpu.region"() ({
      %run_scoped3A = tpu.sem_alloc : memref<!tpu.dma_semaphore, #tpu.memory_space<semaphore_mem>>
      %dma_start3A = arith.constant 0 : i32
      %dma_start3A_62 = tpu.memref_slice %arg6[%add3A_49, %dma_start3A] : memref<20480x128xf32, #tpu.memory_space<hbm>> -> memref<128x128xf32, #tpu.memory_space<hbm>>
      %dma_start3A_63 = arith.constant 0 : i32
      %dma_start3A_64 = tpu.memref_slice %arg6[%add3A_49, %dma_start3A_63] : memref<20480x128xf32, #tpu.memory_space<hbm>> -> memref<128x128xf32, #tpu.memory_space<hbm>>
      tpu.enqueue_dma source(%arg9 : memref<128x128xf32, #tpu.memory_space<vmem>>) target(%dma_start3A_64 : memref<128x128xf32, #tpu.memory_space<hbm>>) target_semaphore(%run_scoped3A : memref<!tpu.dma_semaphore, #tpu.memory_space<semaphore_mem>>)
      %dma_wait3A = arith.constant 0 : i32
      %dma_wait3A_65 = tpu.memref_slice %arg6[%add3A_49, %dma_wait3A] : memref<20480x128xf32, #tpu.memory_space<hbm>> -> memref<128x128xf32, #tpu.memory_space<hbm>>
      %dma_wait3A_66 = arith.constant 0 : i32
      %dma_wait3A_67 = tpu.memref_slice %arg6[%add3A_49, %dma_wait3A_66] : memref<20480x128xf32, #tpu.memory_space<hbm>> -> memref<128x128xf32, #tpu.memory_space<hbm>>
      tpu.wait_dma2 semaphore(%run_scoped3A : memref<!tpu.dma_semaphore, #tpu.memory_space<semaphore_mem>>) src(%arg9 : memref<128x128xf32, #tpu.memory_space<vmem>>) dst(%dma_wait3A_67 : memref<128x128xf32, #tpu.memory_space<hbm>>)
      tpu.yield
    }) : () -> ()
    %mul3A_50 = arith.constant 640 : i32
    %mul3A_51 = arith.muli %arg1, %mul3A_50 : i32
    %add3A_52 = arith.constant 384 : i32
    %add3A_53 = arith.addi %mul3A_51, %add3A_52 : i32
    "tpu.region"() ({
      %run_scoped3A = tpu.sem_alloc : memref<!tpu.dma_semaphore, #tpu.memory_space<semaphore_mem>>
      %dma_start3A = arith.constant 0 : i32
      %dma_start3A_62 = tpu.memref_slice %arg10[%add3A_53, %dma_start3A] : memref<10240x128xf32, #tpu.memory_space<vmem_shared>> -> memref<128x128xf32, #tpu.memory_space<vmem_shared>>
      %dma_start3A_63 = arith.constant 0 : i32
      %dma_start3A_64 = tpu.memref_slice %arg10[%add3A_53, %dma_start3A_63] : memref<10240x128xf32, #tpu.memory_space<vmem_shared>> -> memref<128x128xf32, #tpu.memory_space<vmem_shared>>
      tpu.enqueue_dma source(%dma_start3A_64 : memref<128x128xf32, #tpu.memory_space<vmem_shared>>) target(%arg9 : memref<128x128xf32, #tpu.memory_space<vmem>>) target_semaphore(%run_scoped3A : memref<!tpu.dma_semaphore, #tpu.memory_space<semaphore_mem>>)
      %dma_wait3A = arith.constant 0 : i32
      %dma_wait3A_65 = tpu.memref_slice %arg10[%add3A_53, %dma_wait3A] : memref<10240x128xf32, #tpu.memory_space<vmem_shared>> -> memref<128x128xf32, #tpu.memory_space<vmem_shared>>
      %dma_wait3A_66 = arith.constant 0 : i32
      %dma_wait3A_67 = tpu.memref_slice %arg10[%add3A_53, %dma_wait3A_66] : memref<10240x128xf32, #tpu.memory_space<vmem_shared>> -> memref<128x128xf32, #tpu.memory_space<vmem_shared>>
      tpu.wait_dma2 semaphore(%run_scoped3A : memref<!tpu.dma_semaphore, #tpu.memory_space<semaphore_mem>>) src(%dma_wait3A_67 : memref<128x128xf32, #tpu.memory_space<vmem_shared>>) dst(%arg9 : memref<128x128xf32, #tpu.memory_space<vmem>>)
      tpu.yield
    }) : () -> ()
    %add3A_54 = arith.constant 384 : i32
    %add3A_55 = arith.addi %add3A_31, %add3A_54 : i32
    "tpu.region"() ({
      %run_scoped3A = tpu.sem_alloc : memref<!tpu.dma_semaphore, #tpu.memory_space<semaphore_mem>>
      %dma_start3A = arith.constant 0 : i32
      %dma_start3A_62 = tpu.memref_slice %arg6[%add3A_55, %dma_start3A] : memref<20480x128xf32, #tpu.memory_space<hbm>> -> memref<128x128xf32, #tpu.memory_space<hbm>>
      %dma_start3A_63 = arith.constant 0 : i32
      %dma_start3A_64 = tpu.memref_slice %arg6[%add3A_55, %dma_start3A_63] : memref<20480x128xf32, #tpu.memory_space<hbm>> -> memref<128x128xf32, #tpu.memory_space<hbm>>
      tpu.enqueue_dma source(%arg9 : memref<128x128xf32, #tpu.memory_space<vmem>>) target(%dma_start3A_64 : memref<128x128xf32, #tpu.memory_space<hbm>>) target_semaphore(%run_scoped3A : memref<!tpu.dma_semaphore, #tpu.memory_space<semaphore_mem>>)
      %dma_wait3A = arith.constant 0 : i32
      %dma_wait3A_65 = tpu.memref_slice %arg6[%add3A_55, %dma_wait3A] : memref<20480x128xf32, #tpu.memory_space<hbm>> -> memref<128x128xf32, #tpu.memory_space<hbm>>
      %dma_wait3A_66 = arith.constant 0 : i32
      %dma_wait3A_67 = tpu.memref_slice %arg6[%add3A_55, %dma_wait3A_66] : memref<20480x128xf32, #tpu.memory_space<hbm>> -> memref<128x128xf32, #tpu.memory_space<hbm>>
      tpu.wait_dma2 semaphore(%run_scoped3A : memref<!tpu.dma_semaphore, #tpu.memory_space<semaphore_mem>>) src(%arg9 : memref<128x128xf32, #tpu.memory_space<vmem>>) dst(%dma_wait3A_67 : memref<128x128xf32, #tpu.memory_space<hbm>>)
      tpu.yield
    }) : () -> ()
    %mul3A_56 = arith.constant 640 : i32
    %mul3A_57 = arith.muli %arg1, %mul3A_56 : i32
    %add3A_58 = arith.constant 512 : i32
    %add3A_59 = arith.addi %mul3A_57, %add3A_58 : i32
    "tpu.region"() ({
      %run_scoped3A = tpu.sem_alloc : memref<!tpu.dma_semaphore, #tpu.memory_space<semaphore_mem>>
      %dma_start3A = arith.constant 0 : i32
      %dma_start3A_62 = tpu.memref_slice %arg10[%add3A_59, %dma_start3A] : memref<10240x128xf32, #tpu.memory_space<vmem_shared>> -> memref<128x128xf32, #tpu.memory_space<vmem_shared>>
      %dma_start3A_63 = arith.constant 0 : i32
      %dma_start3A_64 = tpu.memref_slice %arg10[%add3A_59, %dma_start3A_63] : memref<10240x128xf32, #tpu.memory_space<vmem_shared>> -> memref<128x128xf32, #tpu.memory_space<vmem_shared>>
      tpu.enqueue_dma source(%dma_start3A_64 : memref<128x128xf32, #tpu.memory_space<vmem_shared>>) target(%arg9 : memref<128x128xf32, #tpu.memory_space<vmem>>) target_semaphore(%run_scoped3A : memref<!tpu.dma_semaphore, #tpu.memory_space<semaphore_mem>>)
      %dma_wait3A = arith.constant 0 : i32
      %dma_wait3A_65 = tpu.memref_slice %arg10[%add3A_59, %dma_wait3A] : memref<10240x128xf32, #tpu.memory_space<vmem_shared>> -> memref<128x128xf32, #tpu.memory_space<vmem_shared>>
      %dma_wait3A_66 = arith.constant 0 : i32
      %dma_wait3A_67 = tpu.memref_slice %arg10[%add3A_59, %dma_wait3A_66] : memref<10240x128xf32, #tpu.memory_space<vmem_shared>> -> memref<128x128xf32, #tpu.memory_space<vmem_shared>>
      tpu.wait_dma2 semaphore(%run_scoped3A : memref<!tpu.dma_semaphore, #tpu.memory_space<semaphore_mem>>) src(%dma_wait3A_67 : memref<128x128xf32, #tpu.memory_space<vmem_shared>>) dst(%arg9 : memref<128x128xf32, #tpu.memory_space<vmem>>)
      tpu.yield
    }) : () -> ()
    %add3A_60 = arith.constant 512 : i32
    %add3A_61 = arith.addi %add3A_31, %add3A_60 : i32
    "tpu.region"() ({
      %run_scoped3A = tpu.sem_alloc : memref<!tpu.dma_semaphore, #tpu.memory_space<semaphore_mem>>
      %dma_start3A = arith.constant 0 : i32
      %dma_start3A_62 = tpu.memref_slice %arg6[%add3A_61, %dma_start3A] : memref<20480x128xf32, #tpu.memory_space<hbm>> -> memref<128x128xf32, #tpu.memory_space<hbm>>
      %dma_start3A_63 = arith.constant 0 : i32
      %dma_start3A_64 = tpu.memref_slice %arg6[%add3A_61, %dma_start3A_63] : memref<20480x128xf32, #tpu.memory_space<hbm>> -> memref<128x128xf32, #tpu.memory_space<hbm>>
      tpu.enqueue_dma source(%arg9 : memref<128x128xf32, #tpu.memory_space<vmem>>) target(%dma_start3A_64 : memref<128x128xf32, #tpu.memory_space<hbm>>) target_semaphore(%run_scoped3A : memref<!tpu.dma_semaphore, #tpu.memory_space<semaphore_mem>>)
      %dma_wait3A = arith.constant 0 : i32
      %dma_wait3A_65 = tpu.memref_slice %arg6[%add3A_61, %dma_wait3A] : memref<20480x128xf32, #tpu.memory_space<hbm>> -> memref<128x128xf32, #tpu.memory_space<hbm>>
      %dma_wait3A_66 = arith.constant 0 : i32
      %dma_wait3A_67 = tpu.memref_slice %arg6[%add3A_61, %dma_wait3A_66] : memref<20480x128xf32, #tpu.memory_space<hbm>> -> memref<128x128xf32, #tpu.memory_space<hbm>>
      tpu.wait_dma2 semaphore(%run_scoped3A : memref<!tpu.dma_semaphore, #tpu.memory_space<semaphore_mem>>) src(%arg9 : memref<128x128xf32, #tpu.memory_space<vmem>>) dst(%dma_wait3A_67 : memref<128x128xf32, #tpu.memory_space<hbm>>)
      tpu.yield
    }) : () -> ()
    return
  }
}

#map = affine_map<(d0, d1) -> (0, 0)>
#map1 = affine_map<(d0, d1) -> (0, 0, 0)>
module attributes {stable_mosaic.version = 14 : i64} {
  func.func @_agg_sc(%arg0: i32, %arg1: i32, %arg2: memref<20480x128xf32, #tpu.memory_space<hbm>>, %arg3: memref<32x80x128xi32, #tpu.memory_space<hbm>>, %arg4: memref<16x80x128xi32, #tpu.memory_space<hbm>>, %arg5: memref<128x128xf32, #tpu.memory_space<hbm>>, %arg6: memref<20480x128xf32, #tpu.memory_space<hbm>>, %arg7: memref<80x128xi32, #tpu.memory_space<vmem>>, %arg8: memref<80x128xi32, #tpu.memory_space<vmem>>, %arg9: memref<128x128xf32, #tpu.memory_space<vmem>>, %arg10: memref<10240x128xf32, #tpu.memory_space<vmem_shared>>, %arg11: memref<!tpu.dma_semaphore, #tpu.memory_space<semaphore_mem>>) attributes {dimension_semantics = [#tpu.dimension_semantics<core_parallel>, #tpu.dimension_semantics<subcore_parallel>], iteration_bounds = array<i64: 2, 16>, scalar_prefetch = 0 : i64, scratch_operands = 5 : i64, tpu.core_type = #tpu.core_type<sc_vector_subcore>, window_params = [{transform_indices = #map}, {transform_indices = #map1}, {transform_indices = #map1}, {transform_indices = #map}, {transform_indices = #map}]} {
    %mul3A = arith.constant 16 : i32
    %mul3A_0 = arith.muli %arg0, %mul3A : i32
    %add3A = arith.addi %mul3A_0, %arg1 : i32
    "tpu.region"() ({
      %run_scoped3A = tpu.sem_alloc : memref<!tpu.dma_semaphore, #tpu.memory_space<semaphore_mem>>
      %dma_start3A = arith.constant 0 : i32
      %dma_start3A_62 = arith.constant 0 : i32
      %dma_start3A_63 = tpu.memref_slice %arg3[%add3A, %dma_start3A, %dma_start3A_62] : memref<32x80x128xi32, #tpu.memory_space<hbm>> -> memref<1x80x128xi32, #tpu.memory_space<hbm>>
      %dma_start3A_64 = tpu.memref_squeeze %dma_start3A_63 : memref<1x80x128xi32, #tpu.memory_space<hbm>> -> memref<80x128xi32, #tpu.memory_space<hbm>>
      %dma_start3A_65 = arith.constant 0 : i32
      %dma_start3A_66 = arith.constant 0 : i32
      %dma_start3A_67 = tpu.memref_slice %arg3[%add3A, %dma_start3A_65, %dma_start3A_66] : memref<32x80x128xi32, #tpu.memory_space<hbm>> -> memref<1x80x128xi32, #tpu.memory_space<hbm>>
      %dma_start3A_68 = tpu.memref_squeeze %dma_start3A_67 : memref<1x80x128xi32, #tpu.memory_space<hbm>> -> memref<80x128xi32, #tpu.memory_space<hbm>>
      tpu.enqueue_dma source(%dma_start3A_68 : memref<80x128xi32, #tpu.memory_space<hbm>>) target(%arg7 : memref<80x128xi32, #tpu.memory_space<vmem>>) target_semaphore(%run_scoped3A : memref<!tpu.dma_semaphore, #tpu.memory_space<semaphore_mem>>)
      %dma_wait3A = arith.constant 0 : i32
      %dma_wait3A_69 = arith.constant 0 : i32
      %dma_wait3A_70 = tpu.memref_slice %arg3[%add3A, %dma_wait3A, %dma_wait3A_69] : memref<32x80x128xi32, #tpu.memory_space<hbm>> -> memref<1x80x128xi32, #tpu.memory_space<hbm>>
      %dma_wait3A_71 = tpu.memref_squeeze %dma_wait3A_70 : memref<1x80x128xi32, #tpu.memory_space<hbm>> -> memref<80x128xi32, #tpu.memory_space<hbm>>
      %dma_wait3A_72 = arith.constant 0 : i32
      %dma_wait3A_73 = arith.constant 0 : i32
      %dma_wait3A_74 = tpu.memref_slice %arg3[%add3A, %dma_wait3A_72, %dma_wait3A_73] : memref<32x80x128xi32, #tpu.memory_space<hbm>> -> memref<1x80x128xi32, #tpu.memory_space<hbm>>
      %dma_wait3A_75 = tpu.memref_squeeze %dma_wait3A_74 : memref<1x80x128xi32, #tpu.memory_space<hbm>> -> memref<80x128xi32, #tpu.memory_space<hbm>>
      tpu.wait_dma2 semaphore(%run_scoped3A : memref<!tpu.dma_semaphore, #tpu.memory_space<semaphore_mem>>) src(%dma_wait3A_75 : memref<80x128xi32, #tpu.memory_space<hbm>>) dst(%arg7 : memref<80x128xi32, #tpu.memory_space<vmem>>)
      tpu.yield
    }) : () -> ()
    "tpu.region"() ({
      %run_scoped3A = tpu.sem_alloc : memref<!tpu.dma_semaphore, #tpu.memory_space<semaphore_mem>>
      %dma_start3A = arith.constant 0 : i32
      %dma_start3A_62 = arith.constant 0 : i32
      %dma_start3A_63 = tpu.memref_slice %arg4[%arg1, %dma_start3A, %dma_start3A_62] : memref<16x80x128xi32, #tpu.memory_space<hbm>> -> memref<1x80x128xi32, #tpu.memory_space<hbm>>
      %dma_start3A_64 = tpu.memref_squeeze %dma_start3A_63 : memref<1x80x128xi32, #tpu.memory_space<hbm>> -> memref<80x128xi32, #tpu.memory_space<hbm>>
      %dma_start3A_65 = arith.constant 0 : i32
      %dma_start3A_66 = arith.constant 0 : i32
      %dma_start3A_67 = tpu.memref_slice %arg4[%arg1, %dma_start3A_65, %dma_start3A_66] : memref<16x80x128xi32, #tpu.memory_space<hbm>> -> memref<1x80x128xi32, #tpu.memory_space<hbm>>
      %dma_start3A_68 = tpu.memref_squeeze %dma_start3A_67 : memref<1x80x128xi32, #tpu.memory_space<hbm>> -> memref<80x128xi32, #tpu.memory_space<hbm>>
      tpu.enqueue_dma source(%dma_start3A_68 : memref<80x128xi32, #tpu.memory_space<hbm>>) target(%arg8 : memref<80x128xi32, #tpu.memory_space<vmem>>) target_semaphore(%run_scoped3A : memref<!tpu.dma_semaphore, #tpu.memory_space<semaphore_mem>>)
      %dma_wait3A = arith.constant 0 : i32
      %dma_wait3A_69 = arith.constant 0 : i32
      %dma_wait3A_70 = tpu.memref_slice %arg4[%arg1, %dma_wait3A, %dma_wait3A_69] : memref<16x80x128xi32, #tpu.memory_space<hbm>> -> memref<1x80x128xi32, #tpu.memory_space<hbm>>
      %dma_wait3A_71 = tpu.memref_squeeze %dma_wait3A_70 : memref<1x80x128xi32, #tpu.memory_space<hbm>> -> memref<80x128xi32, #tpu.memory_space<hbm>>
      %dma_wait3A_72 = arith.constant 0 : i32
      %dma_wait3A_73 = arith.constant 0 : i32
      %dma_wait3A_74 = tpu.memref_slice %arg4[%arg1, %dma_wait3A_72, %dma_wait3A_73] : memref<16x80x128xi32, #tpu.memory_space<hbm>> -> memref<1x80x128xi32, #tpu.memory_space<hbm>>
      %dma_wait3A_75 = tpu.memref_squeeze %dma_wait3A_74 : memref<1x80x128xi32, #tpu.memory_space<hbm>> -> memref<80x128xi32, #tpu.memory_space<hbm>>
      tpu.wait_dma2 semaphore(%run_scoped3A : memref<!tpu.dma_semaphore, #tpu.memory_space<semaphore_mem>>) src(%dma_wait3A_75 : memref<80x128xi32, #tpu.memory_space<hbm>>) dst(%arg8 : memref<80x128xi32, #tpu.memory_space<vmem>>)
      tpu.yield
    }) : () -> ()
    "tpu.region"() ({
      %run_scoped3A = tpu.sem_alloc : memref<!tpu.dma_semaphore, #tpu.memory_space<semaphore_mem>>
      tpu.enqueue_dma source(%arg5 : memref<128x128xf32, #tpu.memory_space<hbm>>) target(%arg9 : memref<128x128xf32, #tpu.memory_space<vmem>>) target_semaphore(%run_scoped3A : memref<!tpu.dma_semaphore, #tpu.memory_space<semaphore_mem>>)
      tpu.wait_dma2 semaphore(%run_scoped3A : memref<!tpu.dma_semaphore, #tpu.memory_space<semaphore_mem>>) src(%arg5 : memref<128x128xf32, #tpu.memory_space<hbm>>) dst(%arg9 : memref<128x128xf32, #tpu.memory_space<vmem>>)
      tpu.yield
    }) : () -> ()
    %mul3A_1 = arith.constant 640 : i32
    %mul3A_2 = arith.muli %arg1, %mul3A_1 : i32
    %add3A_3 = arith.constant 0 : i32
    %add3A_4 = arith.addi %mul3A_2, %add3A_3 : i32
    "tpu.region"() ({
      %run_scoped3A = tpu.sem_alloc : memref<!tpu.dma_semaphore, #tpu.memory_space<semaphore_mem>>
      %dma_start3A = arith.constant 0 : i32
      %dma_start3A_62 = tpu.memref_slice %arg10[%add3A_4, %dma_start3A] : memref<10240x128xf32, #tpu.memory_space<vmem_shared>> -> memref<128x128xf32, #tpu.memory_space<vmem_shared>>
      %dma_start3A_63 = arith.constant 0 : i32
      %dma_start3A_64 = tpu.memref_slice %arg10[%add3A_4, %dma_start3A_63] : memref<10240x128xf32, #tpu.memory_space<vmem_shared>> -> memref<128x128xf32, #tpu.memory_space<vmem_shared>>
      tpu.enqueue_dma source(%arg9 : memref<128x128xf32, #tpu.memory_space<vmem>>) target(%dma_start3A_64 : memref<128x128xf32, #tpu.memory_space<vmem_shared>>) target_semaphore(%run_scoped3A : memref<!tpu.dma_semaphore, #tpu.memory_space<semaphore_mem>>)
      %dma_wait3A = arith.constant 0 : i32
      %dma_wait3A_65 = tpu.memref_slice %arg10[%add3A_4, %dma_wait3A] : memref<10240x128xf32, #tpu.memory_space<vmem_shared>> -> memref<128x128xf32, #tpu.memory_space<vmem_shared>>
      %dma_wait3A_66 = arith.constant 0 : i32
      %dma_wait3A_67 = tpu.memref_slice %arg10[%add3A_4, %dma_wait3A_66] : memref<10240x128xf32, #tpu.memory_space<vmem_shared>> -> memref<128x128xf32, #tpu.memory_space<vmem_shared>>
      tpu.wait_dma2 semaphore(%run_scoped3A : memref<!tpu.dma_semaphore, #tpu.memory_space<semaphore_mem>>) src(%arg9 : memref<128x128xf32, #tpu.memory_space<vmem>>) dst(%dma_wait3A_67 : memref<128x128xf32, #tpu.memory_space<vmem_shared>>)
      tpu.yield
    }) : () -> ()
    %mul3A_5 = arith.constant 640 : i32
    %mul3A_6 = arith.muli %arg1, %mul3A_5 : i32
    %add3A_7 = arith.constant 128 : i32
    %add3A_8 = arith.addi %mul3A_6, %add3A_7 : i32
    "tpu.region"() ({
      %run_scoped3A = tpu.sem_alloc : memref<!tpu.dma_semaphore, #tpu.memory_space<semaphore_mem>>
      %dma_start3A = arith.constant 0 : i32
      %dma_start3A_62 = tpu.memref_slice %arg10[%add3A_8, %dma_start3A] : memref<10240x128xf32, #tpu.memory_space<vmem_shared>> -> memref<128x128xf32, #tpu.memory_space<vmem_shared>>
      %dma_start3A_63 = arith.constant 0 : i32
      %dma_start3A_64 = tpu.memref_slice %arg10[%add3A_8, %dma_start3A_63] : memref<10240x128xf32, #tpu.memory_space<vmem_shared>> -> memref<128x128xf32, #tpu.memory_space<vmem_shared>>
      tpu.enqueue_dma source(%arg9 : memref<128x128xf32, #tpu.memory_space<vmem>>) target(%dma_start3A_64 : memref<128x128xf32, #tpu.memory_space<vmem_shared>>) target_semaphore(%run_scoped3A : memref<!tpu.dma_semaphore, #tpu.memory_space<semaphore_mem>>)
      %dma_wait3A = arith.constant 0 : i32
      %dma_wait3A_65 = tpu.memref_slice %arg10[%add3A_8, %dma_wait3A] : memref<10240x128xf32, #tpu.memory_space<vmem_shared>> -> memref<128x128xf32, #tpu.memory_space<vmem_shared>>
      %dma_wait3A_66 = arith.constant 0 : i32
      %dma_wait3A_67 = tpu.memref_slice %arg10[%add3A_8, %dma_wait3A_66] : memref<10240x128xf32, #tpu.memory_space<vmem_shared>> -> memref<128x128xf32, #tpu.memory_space<vmem_shared>>
      tpu.wait_dma2 semaphore(%run_scoped3A : memref<!tpu.dma_semaphore, #tpu.memory_space<semaphore_mem>>) src(%arg9 : memref<128x128xf32, #tpu.memory_space<vmem>>) dst(%dma_wait3A_67 : memref<128x128xf32, #tpu.memory_space<vmem_shared>>)
      tpu.yield
    }) : () -> ()
    %mul3A_9 = arith.constant 640 : i32
    %mul3A_10 = arith.muli %arg1, %mul3A_9 : i32
    %add3A_11 = arith.constant 256 : i32
    %add3A_12 = arith.addi %mul3A_10, %add3A_11 : i32
    "tpu.region"() ({
      %run_scoped3A = tpu.sem_alloc : memref<!tpu.dma_semaphore, #tpu.memory_space<semaphore_mem>>
      %dma_start3A = arith.constant 0 : i32
      %dma_start3A_62 = tpu.memref_slice %arg10[%add3A_12, %dma_start3A] : memref<10240x128xf32, #tpu.memory_space<vmem_shared>> -> memref<128x128xf32, #tpu.memory_space<vmem_shared>>
      %dma_start3A_63 = arith.constant 0 : i32
      %dma_start3A_64 = tpu.memref_slice %arg10[%add3A_12, %dma_start3A_63] : memref<10240x128xf32, #tpu.memory_space<vmem_shared>> -> memref<128x128xf32, #tpu.memory_space<vmem_shared>>
      tpu.enqueue_dma source(%arg9 : memref<128x128xf32, #tpu.memory_space<vmem>>) target(%dma_start3A_64 : memref<128x128xf32, #tpu.memory_space<vmem_shared>>) target_semaphore(%run_scoped3A : memref<!tpu.dma_semaphore, #tpu.memory_space<semaphore_mem>>)
      %dma_wait3A = arith.constant 0 : i32
      %dma_wait3A_65 = tpu.memref_slice %arg10[%add3A_12, %dma_wait3A] : memref<10240x128xf32, #tpu.memory_space<vmem_shared>> -> memref<128x128xf32, #tpu.memory_space<vmem_shared>>
      %dma_wait3A_66 = arith.constant 0 : i32
      %dma_wait3A_67 = tpu.memref_slice %arg10[%add3A_12, %dma_wait3A_66] : memref<10240x128xf32, #tpu.memory_space<vmem_shared>> -> memref<128x128xf32, #tpu.memory_space<vmem_shared>>
      tpu.wait_dma2 semaphore(%run_scoped3A : memref<!tpu.dma_semaphore, #tpu.memory_space<semaphore_mem>>) src(%arg9 : memref<128x128xf32, #tpu.memory_space<vmem>>) dst(%dma_wait3A_67 : memref<128x128xf32, #tpu.memory_space<vmem_shared>>)
      tpu.yield
    }) : () -> ()
    %mul3A_13 = arith.constant 640 : i32
    %mul3A_14 = arith.muli %arg1, %mul3A_13 : i32
    %add3A_15 = arith.constant 384 : i32
    %add3A_16 = arith.addi %mul3A_14, %add3A_15 : i32
    "tpu.region"() ({
      %run_scoped3A = tpu.sem_alloc : memref<!tpu.dma_semaphore, #tpu.memory_space<semaphore_mem>>
      %dma_start3A = arith.constant 0 : i32
      %dma_start3A_62 = tpu.memref_slice %arg10[%add3A_16, %dma_start3A] : memref<10240x128xf32, #tpu.memory_space<vmem_shared>> -> memref<128x128xf32, #tpu.memory_space<vmem_shared>>
      %dma_start3A_63 = arith.constant 0 : i32
      %dma_start3A_64 = tpu.memref_slice %arg10[%add3A_16, %dma_start3A_63] : memref<10240x128xf32, #tpu.memory_space<vmem_shared>> -> memref<128x128xf32, #tpu.memory_space<vmem_shared>>
      tpu.enqueue_dma source(%arg9 : memref<128x128xf32, #tpu.memory_space<vmem>>) target(%dma_start3A_64 : memref<128x128xf32, #tpu.memory_space<vmem_shared>>) target_semaphore(%run_scoped3A : memref<!tpu.dma_semaphore, #tpu.memory_space<semaphore_mem>>)
      %dma_wait3A = arith.constant 0 : i32
      %dma_wait3A_65 = tpu.memref_slice %arg10[%add3A_16, %dma_wait3A] : memref<10240x128xf32, #tpu.memory_space<vmem_shared>> -> memref<128x128xf32, #tpu.memory_space<vmem_shared>>
      %dma_wait3A_66 = arith.constant 0 : i32
      %dma_wait3A_67 = tpu.memref_slice %arg10[%add3A_16, %dma_wait3A_66] : memref<10240x128xf32, #tpu.memory_space<vmem_shared>> -> memref<128x128xf32, #tpu.memory_space<vmem_shared>>
      tpu.wait_dma2 semaphore(%run_scoped3A : memref<!tpu.dma_semaphore, #tpu.memory_space<semaphore_mem>>) src(%arg9 : memref<128x128xf32, #tpu.memory_space<vmem>>) dst(%dma_wait3A_67 : memref<128x128xf32, #tpu.memory_space<vmem_shared>>)
      tpu.yield
    }) : () -> ()
    %mul3A_17 = arith.constant 640 : i32
    %mul3A_18 = arith.muli %arg1, %mul3A_17 : i32
    %add3A_19 = arith.constant 512 : i32
    %add3A_20 = arith.addi %mul3A_18, %add3A_19 : i32
    "tpu.region"() ({
      %run_scoped3A = tpu.sem_alloc : memref<!tpu.dma_semaphore, #tpu.memory_space<semaphore_mem>>
      %dma_start3A = arith.constant 0 : i32
      %dma_start3A_62 = tpu.memref_slice %arg10[%add3A_20, %dma_start3A] : memref<10240x128xf32, #tpu.memory_space<vmem_shared>> -> memref<128x128xf32, #tpu.memory_space<vmem_shared>>
      %dma_start3A_63 = arith.constant 0 : i32
      %dma_start3A_64 = tpu.memref_slice %arg10[%add3A_20, %dma_start3A_63] : memref<10240x128xf32, #tpu.memory_space<vmem_shared>> -> memref<128x128xf32, #tpu.memory_space<vmem_shared>>
      tpu.enqueue_dma source(%arg9 : memref<128x128xf32, #tpu.memory_space<vmem>>) target(%dma_start3A_64 : memref<128x128xf32, #tpu.memory_space<vmem_shared>>) target_semaphore(%run_scoped3A : memref<!tpu.dma_semaphore, #tpu.memory_space<semaphore_mem>>)
      %dma_wait3A = arith.constant 0 : i32
      %dma_wait3A_65 = tpu.memref_slice %arg10[%add3A_20, %dma_wait3A] : memref<10240x128xf32, #tpu.memory_space<vmem_shared>> -> memref<128x128xf32, #tpu.memory_space<vmem_shared>>
      %dma_wait3A_66 = arith.constant 0 : i32
      %dma_wait3A_67 = tpu.memref_slice %arg10[%add3A_20, %dma_wait3A_66] : memref<10240x128xf32, #tpu.memory_space<vmem_shared>> -> memref<128x128xf32, #tpu.memory_space<vmem_shared>>
      tpu.wait_dma2 semaphore(%run_scoped3A : memref<!tpu.dma_semaphore, #tpu.memory_space<semaphore_mem>>) src(%arg9 : memref<128x128xf32, #tpu.memory_space<vmem>>) dst(%dma_wait3A_67 : memref<128x128xf32, #tpu.memory_space<vmem_shared>>)
      tpu.yield
    }) : () -> ()
    %barrier3A = arith.constant 0 : index
    tpu.barrier barrier_id(%barrier3A)
    %scan3A = arith.constant 0 : i32
    %scan3A_21 = arith.constant 0 : i32
    %scan3A_22 = arith.constant 80 : i32
    %scan3A_23 = arith.addi %scan3A_21, %scan3A_22 : i32
    %scan3A_24 = arith.constant 1 : i32
    scf.for %scan3A_62 = %scan3A_21 to %scan3A_23 step %scan3A_24  : i32 {
      %dma_start3A = arith.constant 0 : i32
      %dma_start3A_63 = tpu.memref_slice %arg7[%scan3A_62, %dma_start3A] : memref<80x128xi32, #tpu.memory_space<vmem>> -> memref<1x128xi32, #tpu.memory_space<vmem>>
      %dma_start3A_64 = tpu.memref_squeeze %dma_start3A_63 : memref<1x128xi32, #tpu.memory_space<vmem>> -> memref<128xi32, #tpu.memory_space<vmem>>
      %dma_start3A_65 = arith.constant 0 : i32
      %dma_start3A_66 = arith.constant 0 : i32
      %dma_start3A_67 = tpu.memref_slice %arg2[%dma_start3A_65, %dma_start3A_66] : memref<20480x128xf32, #tpu.memory_space<hbm>> -> memref<20480x128xf32, #tpu.memory_space<hbm>>
      tpu.enqueue_indirect_dma source(%dma_start3A_67 : memref<20480x128xf32, #tpu.memory_space<hbm>>) target(%arg9 : memref<128x128xf32, #tpu.memory_space<vmem>>) offsets(%dma_start3A_64 : memref<128xi32, #tpu.memory_space<vmem>>) semaphore(%arg11 : memref<!tpu.dma_semaphore, #tpu.memory_space<semaphore_mem>>)
      %dma_wait3A = arith.constant 0 : i32
      %dma_wait3A_68 = tpu.memref_slice %arg7[%scan3A_62, %dma_wait3A] : memref<80x128xi32, #tpu.memory_space<vmem>> -> memref<1x128xi32, #tpu.memory_space<vmem>>
      %dma_wait3A_69 = tpu.memref_squeeze %dma_wait3A_68 : memref<1x128xi32, #tpu.memory_space<vmem>> -> memref<128xi32, #tpu.memory_space<vmem>>
      %dma_wait3A_70 = arith.constant 0 : i32
      %dma_wait3A_71 = arith.constant 0 : i32
      %dma_wait3A_72 = tpu.memref_slice %arg2[%dma_wait3A_70, %dma_wait3A_71] : memref<20480x128xf32, #tpu.memory_space<hbm>> -> memref<20480x128xf32, #tpu.memory_space<hbm>>
      tpu.wait_indirect_dma semaphore(%arg11 : memref<!tpu.dma_semaphore, #tpu.memory_space<semaphore_mem>>) src(%dma_wait3A_72 : memref<20480x128xf32, #tpu.memory_space<hbm>>) dst(%arg9 : memref<128x128xf32, #tpu.memory_space<vmem>>)
      "tpu.region"() ({
        %run_scoped3A = tpu.sem_alloc : memref<!tpu.dma_semaphore, #tpu.memory_space<semaphore_mem>>
        %dma_start3A_73 = arith.constant 0 : i32
        %dma_start3A_74 = tpu.memref_slice %arg8[%scan3A_62, %dma_start3A_73] : memref<80x128xi32, #tpu.memory_space<vmem>> -> memref<1x128xi32, #tpu.memory_space<vmem>>
        %dma_start3A_75 = tpu.memref_squeeze %dma_start3A_74 : memref<1x128xi32, #tpu.memory_space<vmem>> -> memref<128xi32, #tpu.memory_space<vmem>>
        %dma_start3A_76 = arith.constant 0 : i32
        %dma_start3A_77 = arith.constant 0 : i32
        %dma_start3A_78 = tpu.memref_slice %arg10[%dma_start3A_76, %dma_start3A_77] : memref<10240x128xf32, #tpu.memory_space<vmem_shared>> -> memref<10240x128xf32, #tpu.memory_space<vmem_shared>>
        tpu.enqueue_indirect_dma source(%arg9 : memref<128x128xf32, #tpu.memory_space<vmem>>) target(%dma_start3A_78 : memref<10240x128xf32, #tpu.memory_space<vmem_shared>>) offsets(%dma_start3A_75 : memref<128xi32, #tpu.memory_space<vmem>>) semaphore(%run_scoped3A : memref<!tpu.dma_semaphore, #tpu.memory_space<semaphore_mem>>) {add = true}
        %dma_wait3A_79 = arith.constant 0 : i32
        %dma_wait3A_80 = tpu.memref_slice %arg8[%scan3A_62, %dma_wait3A_79] : memref<80x128xi32, #tpu.memory_space<vmem>> -> memref<1x128xi32, #tpu.memory_space<vmem>>
        %dma_wait3A_81 = tpu.memref_squeeze %dma_wait3A_80 : memref<1x128xi32, #tpu.memory_space<vmem>> -> memref<128xi32, #tpu.memory_space<vmem>>
        %dma_wait3A_82 = arith.constant 0 : i32
        %dma_wait3A_83 = arith.constant 0 : i32
        %dma_wait3A_84 = tpu.memref_slice %arg10[%dma_wait3A_82, %dma_wait3A_83] : memref<10240x128xf32, #tpu.memory_space<vmem_shared>> -> memref<10240x128xf32, #tpu.memory_space<vmem_shared>>
        tpu.wait_indirect_dma semaphore(%run_scoped3A : memref<!tpu.dma_semaphore, #tpu.memory_space<semaphore_mem>>) src(%arg9 : memref<128x128xf32, #tpu.memory_space<vmem>>) dst(%dma_wait3A_84 : memref<10240x128xf32, #tpu.memory_space<vmem_shared>>)
        tpu.yield
      }) : () -> ()
    }
    %scan3A_25 = arith.constant 80 : i32
    %barrier3A_26 = arith.constant 0 : index
    tpu.barrier barrier_id(%barrier3A_26)
    %mul3A_27 = arith.constant 10240 : i32
    %mul3A_28 = arith.muli %arg0, %mul3A_27 : i32
    %mul3A_29 = arith.constant 640 : i32
    %mul3A_30 = arith.muli %arg1, %mul3A_29 : i32
    %add3A_31 = arith.addi %mul3A_28, %mul3A_30 : i32
    %mul3A_32 = arith.constant 640 : i32
    %mul3A_33 = arith.muli %arg1, %mul3A_32 : i32
    %add3A_34 = arith.constant 0 : i32
    %add3A_35 = arith.addi %mul3A_33, %add3A_34 : i32
    "tpu.region"() ({
      %run_scoped3A = tpu.sem_alloc : memref<!tpu.dma_semaphore, #tpu.memory_space<semaphore_mem>>
      %dma_start3A = arith.constant 0 : i32
      %dma_start3A_62 = tpu.memref_slice %arg10[%add3A_35, %dma_start3A] : memref<10240x128xf32, #tpu.memory_space<vmem_shared>> -> memref<128x128xf32, #tpu.memory_space<vmem_shared>>
      %dma_start3A_63 = arith.constant 0 : i32
      %dma_start3A_64 = tpu.memref_slice %arg10[%add3A_35, %dma_start3A_63] : memref<10240x128xf32, #tpu.memory_space<vmem_shared>> -> memref<128x128xf32, #tpu.memory_space<vmem_shared>>
      tpu.enqueue_dma source(%dma_start3A_64 : memref<128x128xf32, #tpu.memory_space<vmem_shared>>) target(%arg9 : memref<128x128xf32, #tpu.memory_space<vmem>>) target_semaphore(%run_scoped3A : memref<!tpu.dma_semaphore, #tpu.memory_space<semaphore_mem>>)
      %dma_wait3A = arith.constant 0 : i32
      %dma_wait3A_65 = tpu.memref_slice %arg10[%add3A_35, %dma_wait3A] : memref<10240x128xf32, #tpu.memory_space<vmem_shared>> -> memref<128x128xf32, #tpu.memory_space<vmem_shared>>
      %dma_wait3A_66 = arith.constant 0 : i32
      %dma_wait3A_67 = tpu.memref_slice %arg10[%add3A_35, %dma_wait3A_66] : memref<10240x128xf32, #tpu.memory_space<vmem_shared>> -> memref<128x128xf32, #tpu.memory_space<vmem_shared>>
      tpu.wait_dma2 semaphore(%run_scoped3A : memref<!tpu.dma_semaphore, #tpu.memory_space<semaphore_mem>>) src(%dma_wait3A_67 : memref<128x128xf32, #tpu.memory_space<vmem_shared>>) dst(%arg9 : memref<128x128xf32, #tpu.memory_space<vmem>>)
      tpu.yield
    }) : () -> ()
    %add3A_36 = arith.constant 0 : i32
    %add3A_37 = arith.addi %add3A_31, %add3A_36 : i32
    "tpu.region"() ({
      %run_scoped3A = tpu.sem_alloc : memref<!tpu.dma_semaphore, #tpu.memory_space<semaphore_mem>>
      %dma_start3A = arith.constant 0 : i32
      %dma_start3A_62 = tpu.memref_slice %arg6[%add3A_37, %dma_start3A] : memref<20480x128xf32, #tpu.memory_space<hbm>> -> memref<128x128xf32, #tpu.memory_space<hbm>>
      %dma_start3A_63 = arith.constant 0 : i32
      %dma_start3A_64 = tpu.memref_slice %arg6[%add3A_37, %dma_start3A_63] : memref<20480x128xf32, #tpu.memory_space<hbm>> -> memref<128x128xf32, #tpu.memory_space<hbm>>
      tpu.enqueue_dma source(%arg9 : memref<128x128xf32, #tpu.memory_space<vmem>>) target(%dma_start3A_64 : memref<128x128xf32, #tpu.memory_space<hbm>>) target_semaphore(%run_scoped3A : memref<!tpu.dma_semaphore, #tpu.memory_space<semaphore_mem>>)
      %dma_wait3A = arith.constant 0 : i32
      %dma_wait3A_65 = tpu.memref_slice %arg6[%add3A_37, %dma_wait3A] : memref<20480x128xf32, #tpu.memory_space<hbm>> -> memref<128x128xf32, #tpu.memory_space<hbm>>
      %dma_wait3A_66 = arith.constant 0 : i32
      %dma_wait3A_67 = tpu.memref_slice %arg6[%add3A_37, %dma_wait3A_66] : memref<20480x128xf32, #tpu.memory_space<hbm>> -> memref<128x128xf32, #tpu.memory_space<hbm>>
      tpu.wait_dma2 semaphore(%run_scoped3A : memref<!tpu.dma_semaphore, #tpu.memory_space<semaphore_mem>>) src(%arg9 : memref<128x128xf32, #tpu.memory_space<vmem>>) dst(%dma_wait3A_67 : memref<128x128xf32, #tpu.memory_space<hbm>>)
      tpu.yield
    }) : () -> ()
    %mul3A_38 = arith.constant 640 : i32
    %mul3A_39 = arith.muli %arg1, %mul3A_38 : i32
    %add3A_40 = arith.constant 128 : i32
    %add3A_41 = arith.addi %mul3A_39, %add3A_40 : i32
    "tpu.region"() ({
      %run_scoped3A = tpu.sem_alloc : memref<!tpu.dma_semaphore, #tpu.memory_space<semaphore_mem>>
      %dma_start3A = arith.constant 0 : i32
      %dma_start3A_62 = tpu.memref_slice %arg10[%add3A_41, %dma_start3A] : memref<10240x128xf32, #tpu.memory_space<vmem_shared>> -> memref<128x128xf32, #tpu.memory_space<vmem_shared>>
      %dma_start3A_63 = arith.constant 0 : i32
      %dma_start3A_64 = tpu.memref_slice %arg10[%add3A_41, %dma_start3A_63] : memref<10240x128xf32, #tpu.memory_space<vmem_shared>> -> memref<128x128xf32, #tpu.memory_space<vmem_shared>>
      tpu.enqueue_dma source(%dma_start3A_64 : memref<128x128xf32, #tpu.memory_space<vmem_shared>>) target(%arg9 : memref<128x128xf32, #tpu.memory_space<vmem>>) target_semaphore(%run_scoped3A : memref<!tpu.dma_semaphore, #tpu.memory_space<semaphore_mem>>)
      %dma_wait3A = arith.constant 0 : i32
      %dma_wait3A_65 = tpu.memref_slice %arg10[%add3A_41, %dma_wait3A] : memref<10240x128xf32, #tpu.memory_space<vmem_shared>> -> memref<128x128xf32, #tpu.memory_space<vmem_shared>>
      %dma_wait3A_66 = arith.constant 0 : i32
      %dma_wait3A_67 = tpu.memref_slice %arg10[%add3A_41, %dma_wait3A_66] : memref<10240x128xf32, #tpu.memory_space<vmem_shared>> -> memref<128x128xf32, #tpu.memory_space<vmem_shared>>
      tpu.wait_dma2 semaphore(%run_scoped3A : memref<!tpu.dma_semaphore, #tpu.memory_space<semaphore_mem>>) src(%dma_wait3A_67 : memref<128x128xf32, #tpu.memory_space<vmem_shared>>) dst(%arg9 : memref<128x128xf32, #tpu.memory_space<vmem>>)
      tpu.yield
    }) : () -> ()
    %add3A_42 = arith.constant 128 : i32
    %add3A_43 = arith.addi %add3A_31, %add3A_42 : i32
    "tpu.region"() ({
      %run_scoped3A = tpu.sem_alloc : memref<!tpu.dma_semaphore, #tpu.memory_space<semaphore_mem>>
      %dma_start3A = arith.constant 0 : i32
      %dma_start3A_62 = tpu.memref_slice %arg6[%add3A_43, %dma_start3A] : memref<20480x128xf32, #tpu.memory_space<hbm>> -> memref<128x128xf32, #tpu.memory_space<hbm>>
      %dma_start3A_63 = arith.constant 0 : i32
      %dma_start3A_64 = tpu.memref_slice %arg6[%add3A_43, %dma_start3A_63] : memref<20480x128xf32, #tpu.memory_space<hbm>> -> memref<128x128xf32, #tpu.memory_space<hbm>>
      tpu.enqueue_dma source(%arg9 : memref<128x128xf32, #tpu.memory_space<vmem>>) target(%dma_start3A_64 : memref<128x128xf32, #tpu.memory_space<hbm>>) target_semaphore(%run_scoped3A : memref<!tpu.dma_semaphore, #tpu.memory_space<semaphore_mem>>)
      %dma_wait3A = arith.constant 0 : i32
      %dma_wait3A_65 = tpu.memref_slice %arg6[%add3A_43, %dma_wait3A] : memref<20480x128xf32, #tpu.memory_space<hbm>> -> memref<128x128xf32, #tpu.memory_space<hbm>>
      %dma_wait3A_66 = arith.constant 0 : i32
      %dma_wait3A_67 = tpu.memref_slice %arg6[%add3A_43, %dma_wait3A_66] : memref<20480x128xf32, #tpu.memory_space<hbm>> -> memref<128x128xf32, #tpu.memory_space<hbm>>
      tpu.wait_dma2 semaphore(%run_scoped3A : memref<!tpu.dma_semaphore, #tpu.memory_space<semaphore_mem>>) src(%arg9 : memref<128x128xf32, #tpu.memory_space<vmem>>) dst(%dma_wait3A_67 : memref<128x128xf32, #tpu.memory_space<hbm>>)
      tpu.yield
    }) : () -> ()
    %mul3A_44 = arith.constant 640 : i32
    %mul3A_45 = arith.muli %arg1, %mul3A_44 : i32
    %add3A_46 = arith.constant 256 : i32
    %add3A_47 = arith.addi %mul3A_45, %add3A_46 : i32
    "tpu.region"() ({
      %run_scoped3A = tpu.sem_alloc : memref<!tpu.dma_semaphore, #tpu.memory_space<semaphore_mem>>
      %dma_start3A = arith.constant 0 : i32
      %dma_start3A_62 = tpu.memref_slice %arg10[%add3A_47, %dma_start3A] : memref<10240x128xf32, #tpu.memory_space<vmem_shared>> -> memref<128x128xf32, #tpu.memory_space<vmem_shared>>
      %dma_start3A_63 = arith.constant 0 : i32
      %dma_start3A_64 = tpu.memref_slice %arg10[%add3A_47, %dma_start3A_63] : memref<10240x128xf32, #tpu.memory_space<vmem_shared>> -> memref<128x128xf32, #tpu.memory_space<vmem_shared>>
      tpu.enqueue_dma source(%dma_start3A_64 : memref<128x128xf32, #tpu.memory_space<vmem_shared>>) target(%arg9 : memref<128x128xf32, #tpu.memory_space<vmem>>) target_semaphore(%run_scoped3A : memref<!tpu.dma_semaphore, #tpu.memory_space<semaphore_mem>>)
      %dma_wait3A = arith.constant 0 : i32
      %dma_wait3A_65 = tpu.memref_slice %arg10[%add3A_47, %dma_wait3A] : memref<10240x128xf32, #tpu.memory_space<vmem_shared>> -> memref<128x128xf32, #tpu.memory_space<vmem_shared>>
      %dma_wait3A_66 = arith.constant 0 : i32
      %dma_wait3A_67 = tpu.memref_slice %arg10[%add3A_47, %dma_wait3A_66] : memref<10240x128xf32, #tpu.memory_space<vmem_shared>> -> memref<128x128xf32, #tpu.memory_space<vmem_shared>>
      tpu.wait_dma2 semaphore(%run_scoped3A : memref<!tpu.dma_semaphore, #tpu.memory_space<semaphore_mem>>) src(%dma_wait3A_67 : memref<128x128xf32, #tpu.memory_space<vmem_shared>>) dst(%arg9 : memref<128x128xf32, #tpu.memory_space<vmem>>)
      tpu.yield
    }) : () -> ()
    %add3A_48 = arith.constant 256 : i32
    %add3A_49 = arith.addi %add3A_31, %add3A_48 : i32
    "tpu.region"() ({
      %run_scoped3A = tpu.sem_alloc : memref<!tpu.dma_semaphore, #tpu.memory_space<semaphore_mem>>
      %dma_start3A = arith.constant 0 : i32
      %dma_start3A_62 = tpu.memref_slice %arg6[%add3A_49, %dma_start3A] : memref<20480x128xf32, #tpu.memory_space<hbm>> -> memref<128x128xf32, #tpu.memory_space<hbm>>
      %dma_start3A_63 = arith.constant 0 : i32
      %dma_start3A_64 = tpu.memref_slice %arg6[%add3A_49, %dma_start3A_63] : memref<20480x128xf32, #tpu.memory_space<hbm>> -> memref<128x128xf32, #tpu.memory_space<hbm>>
      tpu.enqueue_dma source(%arg9 : memref<128x128xf32, #tpu.memory_space<vmem>>) target(%dma_start3A_64 : memref<128x128xf32, #tpu.memory_space<hbm>>) target_semaphore(%run_scoped3A : memref<!tpu.dma_semaphore, #tpu.memory_space<semaphore_mem>>)
      %dma_wait3A = arith.constant 0 : i32
      %dma_wait3A_65 = tpu.memref_slice %arg6[%add3A_49, %dma_wait3A] : memref<20480x128xf32, #tpu.memory_space<hbm>> -> memref<128x128xf32, #tpu.memory_space<hbm>>
      %dma_wait3A_66 = arith.constant 0 : i32
      %dma_wait3A_67 = tpu.memref_slice %arg6[%add3A_49, %dma_wait3A_66] : memref<20480x128xf32, #tpu.memory_space<hbm>> -> memref<128x128xf32, #tpu.memory_space<hbm>>
      tpu.wait_dma2 semaphore(%run_scoped3A : memref<!tpu.dma_semaphore, #tpu.memory_space<semaphore_mem>>) src(%arg9 : memref<128x128xf32, #tpu.memory_space<vmem>>) dst(%dma_wait3A_67 : memref<128x128xf32, #tpu.memory_space<hbm>>)
      tpu.yield
    }) : () -> ()
    %mul3A_50 = arith.constant 640 : i32
    %mul3A_51 = arith.muli %arg1, %mul3A_50 : i32
    %add3A_52 = arith.constant 384 : i32
    %add3A_53 = arith.addi %mul3A_51, %add3A_52 : i32
    "tpu.region"() ({
      %run_scoped3A = tpu.sem_alloc : memref<!tpu.dma_semaphore, #tpu.memory_space<semaphore_mem>>
      %dma_start3A = arith.constant 0 : i32
      %dma_start3A_62 = tpu.memref_slice %arg10[%add3A_53, %dma_start3A] : memref<10240x128xf32, #tpu.memory_space<vmem_shared>> -> memref<128x128xf32, #tpu.memory_space<vmem_shared>>
      %dma_start3A_63 = arith.constant 0 : i32
      %dma_start3A_64 = tpu.memref_slice %arg10[%add3A_53, %dma_start3A_63] : memref<10240x128xf32, #tpu.memory_space<vmem_shared>> -> memref<128x128xf32, #tpu.memory_space<vmem_shared>>
      tpu.enqueue_dma source(%dma_start3A_64 : memref<128x128xf32, #tpu.memory_space<vmem_shared>>) target(%arg9 : memref<128x128xf32, #tpu.memory_space<vmem>>) target_semaphore(%run_scoped3A : memref<!tpu.dma_semaphore, #tpu.memory_space<semaphore_mem>>)
      %dma_wait3A = arith.constant 0 : i32
      %dma_wait3A_65 = tpu.memref_slice %arg10[%add3A_53, %dma_wait3A] : memref<10240x128xf32, #tpu.memory_space<vmem_shared>> -> memref<128x128xf32, #tpu.memory_space<vmem_shared>>
      %dma_wait3A_66 = arith.constant 0 : i32
      %dma_wait3A_67 = tpu.memref_slice %arg10[%add3A_53, %dma_wait3A_66] : memref<10240x128xf32, #tpu.memory_space<vmem_shared>> -> memref<128x128xf32, #tpu.memory_space<vmem_shared>>
      tpu.wait_dma2 semaphore(%run_scoped3A : memref<!tpu.dma_semaphore, #tpu.memory_space<semaphore_mem>>) src(%dma_wait3A_67 : memref<128x128xf32, #tpu.memory_space<vmem_shared>>) dst(%arg9 : memref<128x128xf32, #tpu.memory_space<vmem>>)
      tpu.yield
    }) : () -> ()
    %add3A_54 = arith.constant 384 : i32
    %add3A_55 = arith.addi %add3A_31, %add3A_54 : i32
    "tpu.region"() ({
      %run_scoped3A = tpu.sem_alloc : memref<!tpu.dma_semaphore, #tpu.memory_space<semaphore_mem>>
      %dma_start3A = arith.constant 0 : i32
      %dma_start3A_62 = tpu.memref_slice %arg6[%add3A_55, %dma_start3A] : memref<20480x128xf32, #tpu.memory_space<hbm>> -> memref<128x128xf32, #tpu.memory_space<hbm>>
      %dma_start3A_63 = arith.constant 0 : i32
      %dma_start3A_64 = tpu.memref_slice %arg6[%add3A_55, %dma_start3A_63] : memref<20480x128xf32, #tpu.memory_space<hbm>> -> memref<128x128xf32, #tpu.memory_space<hbm>>
      tpu.enqueue_dma source(%arg9 : memref<128x128xf32, #tpu.memory_space<vmem>>) target(%dma_start3A_64 : memref<128x128xf32, #tpu.memory_space<hbm>>) target_semaphore(%run_scoped3A : memref<!tpu.dma_semaphore, #tpu.memory_space<semaphore_mem>>)
      %dma_wait3A = arith.constant 0 : i32
      %dma_wait3A_65 = tpu.memref_slice %arg6[%add3A_55, %dma_wait3A] : memref<20480x128xf32, #tpu.memory_space<hbm>> -> memref<128x128xf32, #tpu.memory_space<hbm>>
      %dma_wait3A_66 = arith.constant 0 : i32
      %dma_wait3A_67 = tpu.memref_slice %arg6[%add3A_55, %dma_wait3A_66] : memref<20480x128xf32, #tpu.memory_space<hbm>> -> memref<128x128xf32, #tpu.memory_space<hbm>>
      tpu.wait_dma2 semaphore(%run_scoped3A : memref<!tpu.dma_semaphore, #tpu.memory_space<semaphore_mem>>) src(%arg9 : memref<128x128xf32, #tpu.memory_space<vmem>>) dst(%dma_wait3A_67 : memref<128x128xf32, #tpu.memory_space<hbm>>)
      tpu.yield
    }) : () -> ()
    %mul3A_56 = arith.constant 640 : i32
    %mul3A_57 = arith.muli %arg1, %mul3A_56 : i32
    %add3A_58 = arith.constant 512 : i32
    %add3A_59 = arith.addi %mul3A_57, %add3A_58 : i32
    "tpu.region"() ({
      %run_scoped3A = tpu.sem_alloc : memref<!tpu.dma_semaphore, #tpu.memory_space<semaphore_mem>>
      %dma_start3A = arith.constant 0 : i32
      %dma_start3A_62 = tpu.memref_slice %arg10[%add3A_59, %dma_start3A] : memref<10240x128xf32, #tpu.memory_space<vmem_shared>> -> memref<128x128xf32, #tpu.memory_space<vmem_shared>>
      %dma_start3A_63 = arith.constant 0 : i32
      %dma_start3A_64 = tpu.memref_slice %arg10[%add3A_59, %dma_start3A_63] : memref<10240x128xf32, #tpu.memory_space<vmem_shared>> -> memref<128x128xf32, #tpu.memory_space<vmem_shared>>
      tpu.enqueue_dma source(%dma_start3A_64 : memref<128x128xf32, #tpu.memory_space<vmem_shared>>) target(%arg9 : memref<128x128xf32, #tpu.memory_space<vmem>>) target_semaphore(%run_scoped3A : memref<!tpu.dma_semaphore, #tpu.memory_space<semaphore_mem>>)
      %dma_wait3A = arith.constant 0 : i32
      %dma_wait3A_65 = tpu.memref_slice %arg10[%add3A_59, %dma_wait3A] : memref<10240x128xf32, #tpu.memory_space<vmem_shared>> -> memref<128x128xf32, #tpu.memory_space<vmem_shared>>
      %dma_wait3A_66 = arith.constant 0 : i32
      %dma_wait3A_67 = tpu.memref_slice %arg10[%add3A_59, %dma_wait3A_66] : memref<10240x128xf32, #tpu.memory_space<vmem_shared>> -> memref<128x128xf32, #tpu.memory_space<vmem_shared>>
      tpu.wait_dma2 semaphore(%run_scoped3A : memref<!tpu.dma_semaphore, #tpu.memory_space<semaphore_mem>>) src(%dma_wait3A_67 : memref<128x128xf32, #tpu.memory_space<vmem_shared>>) dst(%arg9 : memref<128x128xf32, #tpu.memory_space<vmem>>)
      tpu.yield
    }) : () -> ()
    %add3A_60 = arith.constant 512 : i32
    %add3A_61 = arith.addi %add3A_31, %add3A_60 : i32
    "tpu.region"() ({
      %run_scoped3A = tpu.sem_alloc : memref<!tpu.dma_semaphore, #tpu.memory_space<semaphore_mem>>
      %dma_start3A = arith.constant 0 : i32
      %dma_start3A_62 = tpu.memref_slice %arg6[%add3A_61, %dma_start3A] : memref<20480x128xf32, #tpu.memory_space<hbm>> -> memref<128x128xf32, #tpu.memory_space<hbm>>
      %dma_start3A_63 = arith.constant 0 : i32
      %dma_start3A_64 = tpu.memref_slice %arg6[%add3A_61, %dma_start3A_63] : memref<20480x128xf32, #tpu.memory_space<hbm>> -> memref<128x128xf32, #tpu.memory_space<hbm>>
      tpu.enqueue_dma source(%arg9 : memref<128x128xf32, #tpu.memory_space<vmem>>) target(%dma_start3A_64 : memref<128x128xf32, #tpu.memory_space<hbm>>) target_semaphore(%run_scoped3A : memref<!tpu.dma_semaphore, #tpu.memory_space<semaphore_mem>>)
      %dma_wait3A = arith.constant 0 : i32
      %dma_wait3A_65 = tpu.memref_slice %arg6[%add3A_61, %dma_wait3A] : memref<20480x128xf32, #tpu.memory_space<hbm>> -> memref<128x128xf32, #tpu.memory_space<hbm>>
      %dma_wait3A_66 = arith.constant 0 : i32
      %dma_wait3A_67 = tpu.memref_slice %arg6[%add3A_61, %dma_wait3A_66] : memref<20480x128xf32, #tpu.memory_space<hbm>> -> memref<128x128xf32, #tpu.memory_space<hbm>>
      tpu.wait_dma2 semaphore(%run_scoped3A : memref<!tpu.dma_semaphore, #tpu.memory_space<semaphore_mem>>) src(%arg9 : memref<128x128xf32, #tpu.memory_space<vmem>>) dst(%dma_wait3A_67 : memref<128x128xf32, #tpu.memory_space<hbm>>)
      tpu.yield
    }) : () -> ()
    return
  }
}

#map = affine_map<(d0, d1) -> (0, 0)>
#map1 = affine_map<(d0, d1) -> (0, 0, 0)>
module attributes {stable_mosaic.version = 14 : i64} {
  func.func @_agg_sc(%arg0: i32, %arg1: i32, %arg2: memref<20480x128xf32, #tpu.memory_space<hbm>>, %arg3: memref<32x80x128xi32, #tpu.memory_space<hbm>>, %arg4: memref<16x80x128xi32, #tpu.memory_space<hbm>>, %arg5: memref<128x128xf32, #tpu.memory_space<hbm>>, %arg6: memref<20480x128xf32, #tpu.memory_space<hbm>>, %arg7: memref<80x128xi32, #tpu.memory_space<vmem>>, %arg8: memref<80x128xi32, #tpu.memory_space<vmem>>, %arg9: memref<128x128xf32, #tpu.memory_space<vmem>>, %arg10: memref<10240x128xf32, #tpu.memory_space<vmem_shared>>, %arg11: memref<!tpu.dma_semaphore, #tpu.memory_space<semaphore_mem>>) attributes {dimension_semantics = [#tpu.dimension_semantics<core_parallel>, #tpu.dimension_semantics<subcore_parallel>], iteration_bounds = array<i64: 2, 16>, scalar_prefetch = 0 : i64, scratch_operands = 5 : i64, tpu.core_type = #tpu.core_type<sc_vector_subcore>, window_params = [{transform_indices = #map}, {transform_indices = #map1}, {transform_indices = #map1}, {transform_indices = #map}, {transform_indices = #map}]} {
    %mul3A = arith.constant 16 : i32
    %mul3A_0 = arith.muli %arg0, %mul3A : i32
    %add3A = arith.addi %mul3A_0, %arg1 : i32
    "tpu.region"() ({
      %run_scoped3A = tpu.sem_alloc : memref<!tpu.dma_semaphore, #tpu.memory_space<semaphore_mem>>
      %dma_start3A = arith.constant 0 : i32
      %dma_start3A_62 = arith.constant 0 : i32
      %dma_start3A_63 = tpu.memref_slice %arg3[%add3A, %dma_start3A, %dma_start3A_62] : memref<32x80x128xi32, #tpu.memory_space<hbm>> -> memref<1x80x128xi32, #tpu.memory_space<hbm>>
      %dma_start3A_64 = tpu.memref_squeeze %dma_start3A_63 : memref<1x80x128xi32, #tpu.memory_space<hbm>> -> memref<80x128xi32, #tpu.memory_space<hbm>>
      %dma_start3A_65 = arith.constant 0 : i32
      %dma_start3A_66 = arith.constant 0 : i32
      %dma_start3A_67 = tpu.memref_slice %arg3[%add3A, %dma_start3A_65, %dma_start3A_66] : memref<32x80x128xi32, #tpu.memory_space<hbm>> -> memref<1x80x128xi32, #tpu.memory_space<hbm>>
      %dma_start3A_68 = tpu.memref_squeeze %dma_start3A_67 : memref<1x80x128xi32, #tpu.memory_space<hbm>> -> memref<80x128xi32, #tpu.memory_space<hbm>>
      tpu.enqueue_dma source(%dma_start3A_68 : memref<80x128xi32, #tpu.memory_space<hbm>>) target(%arg7 : memref<80x128xi32, #tpu.memory_space<vmem>>) target_semaphore(%run_scoped3A : memref<!tpu.dma_semaphore, #tpu.memory_space<semaphore_mem>>)
      %dma_wait3A = arith.constant 0 : i32
      %dma_wait3A_69 = arith.constant 0 : i32
      %dma_wait3A_70 = tpu.memref_slice %arg3[%add3A, %dma_wait3A, %dma_wait3A_69] : memref<32x80x128xi32, #tpu.memory_space<hbm>> -> memref<1x80x128xi32, #tpu.memory_space<hbm>>
      %dma_wait3A_71 = tpu.memref_squeeze %dma_wait3A_70 : memref<1x80x128xi32, #tpu.memory_space<hbm>> -> memref<80x128xi32, #tpu.memory_space<hbm>>
      %dma_wait3A_72 = arith.constant 0 : i32
      %dma_wait3A_73 = arith.constant 0 : i32
      %dma_wait3A_74 = tpu.memref_slice %arg3[%add3A, %dma_wait3A_72, %dma_wait3A_73] : memref<32x80x128xi32, #tpu.memory_space<hbm>> -> memref<1x80x128xi32, #tpu.memory_space<hbm>>
      %dma_wait3A_75 = tpu.memref_squeeze %dma_wait3A_74 : memref<1x80x128xi32, #tpu.memory_space<hbm>> -> memref<80x128xi32, #tpu.memory_space<hbm>>
      tpu.wait_dma2 semaphore(%run_scoped3A : memref<!tpu.dma_semaphore, #tpu.memory_space<semaphore_mem>>) src(%dma_wait3A_75 : memref<80x128xi32, #tpu.memory_space<hbm>>) dst(%arg7 : memref<80x128xi32, #tpu.memory_space<vmem>>)
      tpu.yield
    }) : () -> ()
    "tpu.region"() ({
      %run_scoped3A = tpu.sem_alloc : memref<!tpu.dma_semaphore, #tpu.memory_space<semaphore_mem>>
      %dma_start3A = arith.constant 0 : i32
      %dma_start3A_62 = arith.constant 0 : i32
      %dma_start3A_63 = tpu.memref_slice %arg4[%arg1, %dma_start3A, %dma_start3A_62] : memref<16x80x128xi32, #tpu.memory_space<hbm>> -> memref<1x80x128xi32, #tpu.memory_space<hbm>>
      %dma_start3A_64 = tpu.memref_squeeze %dma_start3A_63 : memref<1x80x128xi32, #tpu.memory_space<hbm>> -> memref<80x128xi32, #tpu.memory_space<hbm>>
      %dma_start3A_65 = arith.constant 0 : i32
      %dma_start3A_66 = arith.constant 0 : i32
      %dma_start3A_67 = tpu.memref_slice %arg4[%arg1, %dma_start3A_65, %dma_start3A_66] : memref<16x80x128xi32, #tpu.memory_space<hbm>> -> memref<1x80x128xi32, #tpu.memory_space<hbm>>
      %dma_start3A_68 = tpu.memref_squeeze %dma_start3A_67 : memref<1x80x128xi32, #tpu.memory_space<hbm>> -> memref<80x128xi32, #tpu.memory_space<hbm>>
      tpu.enqueue_dma source(%dma_start3A_68 : memref<80x128xi32, #tpu.memory_space<hbm>>) target(%arg8 : memref<80x128xi32, #tpu.memory_space<vmem>>) target_semaphore(%run_scoped3A : memref<!tpu.dma_semaphore, #tpu.memory_space<semaphore_mem>>)
      %dma_wait3A = arith.constant 0 : i32
      %dma_wait3A_69 = arith.constant 0 : i32
      %dma_wait3A_70 = tpu.memref_slice %arg4[%arg1, %dma_wait3A, %dma_wait3A_69] : memref<16x80x128xi32, #tpu.memory_space<hbm>> -> memref<1x80x128xi32, #tpu.memory_space<hbm>>
      %dma_wait3A_71 = tpu.memref_squeeze %dma_wait3A_70 : memref<1x80x128xi32, #tpu.memory_space<hbm>> -> memref<80x128xi32, #tpu.memory_space<hbm>>
      %dma_wait3A_72 = arith.constant 0 : i32
      %dma_wait3A_73 = arith.constant 0 : i32
      %dma_wait3A_74 = tpu.memref_slice %arg4[%arg1, %dma_wait3A_72, %dma_wait3A_73] : memref<16x80x128xi32, #tpu.memory_space<hbm>> -> memref<1x80x128xi32, #tpu.memory_space<hbm>>
      %dma_wait3A_75 = tpu.memref_squeeze %dma_wait3A_74 : memref<1x80x128xi32, #tpu.memory_space<hbm>> -> memref<80x128xi32, #tpu.memory_space<hbm>>
      tpu.wait_dma2 semaphore(%run_scoped3A : memref<!tpu.dma_semaphore, #tpu.memory_space<semaphore_mem>>) src(%dma_wait3A_75 : memref<80x128xi32, #tpu.memory_space<hbm>>) dst(%arg8 : memref<80x128xi32, #tpu.memory_space<vmem>>)
      tpu.yield
    }) : () -> ()
    "tpu.region"() ({
      %run_scoped3A = tpu.sem_alloc : memref<!tpu.dma_semaphore, #tpu.memory_space<semaphore_mem>>
      tpu.enqueue_dma source(%arg5 : memref<128x128xf32, #tpu.memory_space<hbm>>) target(%arg9 : memref<128x128xf32, #tpu.memory_space<vmem>>) target_semaphore(%run_scoped3A : memref<!tpu.dma_semaphore, #tpu.memory_space<semaphore_mem>>)
      tpu.wait_dma2 semaphore(%run_scoped3A : memref<!tpu.dma_semaphore, #tpu.memory_space<semaphore_mem>>) src(%arg5 : memref<128x128xf32, #tpu.memory_space<hbm>>) dst(%arg9 : memref<128x128xf32, #tpu.memory_space<vmem>>)
      tpu.yield
    }) : () -> ()
    %mul3A_1 = arith.constant 640 : i32
    %mul3A_2 = arith.muli %arg1, %mul3A_1 : i32
    %add3A_3 = arith.constant 0 : i32
    %add3A_4 = arith.addi %mul3A_2, %add3A_3 : i32
    "tpu.region"() ({
      %run_scoped3A = tpu.sem_alloc : memref<!tpu.dma_semaphore, #tpu.memory_space<semaphore_mem>>
      %dma_start3A = arith.constant 0 : i32
      %dma_start3A_62 = tpu.memref_slice %arg10[%add3A_4, %dma_start3A] : memref<10240x128xf32, #tpu.memory_space<vmem_shared>> -> memref<128x128xf32, #tpu.memory_space<vmem_shared>>
      %dma_start3A_63 = arith.constant 0 : i32
      %dma_start3A_64 = tpu.memref_slice %arg10[%add3A_4, %dma_start3A_63] : memref<10240x128xf32, #tpu.memory_space<vmem_shared>> -> memref<128x128xf32, #tpu.memory_space<vmem_shared>>
      tpu.enqueue_dma source(%arg9 : memref<128x128xf32, #tpu.memory_space<vmem>>) target(%dma_start3A_64 : memref<128x128xf32, #tpu.memory_space<vmem_shared>>) target_semaphore(%run_scoped3A : memref<!tpu.dma_semaphore, #tpu.memory_space<semaphore_mem>>)
      %dma_wait3A = arith.constant 0 : i32
      %dma_wait3A_65 = tpu.memref_slice %arg10[%add3A_4, %dma_wait3A] : memref<10240x128xf32, #tpu.memory_space<vmem_shared>> -> memref<128x128xf32, #tpu.memory_space<vmem_shared>>
      %dma_wait3A_66 = arith.constant 0 : i32
      %dma_wait3A_67 = tpu.memref_slice %arg10[%add3A_4, %dma_wait3A_66] : memref<10240x128xf32, #tpu.memory_space<vmem_shared>> -> memref<128x128xf32, #tpu.memory_space<vmem_shared>>
      tpu.wait_dma2 semaphore(%run_scoped3A : memref<!tpu.dma_semaphore, #tpu.memory_space<semaphore_mem>>) src(%arg9 : memref<128x128xf32, #tpu.memory_space<vmem>>) dst(%dma_wait3A_67 : memref<128x128xf32, #tpu.memory_space<vmem_shared>>)
      tpu.yield
    }) : () -> ()
    %mul3A_5 = arith.constant 640 : i32
    %mul3A_6 = arith.muli %arg1, %mul3A_5 : i32
    %add3A_7 = arith.constant 128 : i32
    %add3A_8 = arith.addi %mul3A_6, %add3A_7 : i32
    "tpu.region"() ({
      %run_scoped3A = tpu.sem_alloc : memref<!tpu.dma_semaphore, #tpu.memory_space<semaphore_mem>>
      %dma_start3A = arith.constant 0 : i32
      %dma_start3A_62 = tpu.memref_slice %arg10[%add3A_8, %dma_start3A] : memref<10240x128xf32, #tpu.memory_space<vmem_shared>> -> memref<128x128xf32, #tpu.memory_space<vmem_shared>>
      %dma_start3A_63 = arith.constant 0 : i32
      %dma_start3A_64 = tpu.memref_slice %arg10[%add3A_8, %dma_start3A_63] : memref<10240x128xf32, #tpu.memory_space<vmem_shared>> -> memref<128x128xf32, #tpu.memory_space<vmem_shared>>
      tpu.enqueue_dma source(%arg9 : memref<128x128xf32, #tpu.memory_space<vmem>>) target(%dma_start3A_64 : memref<128x128xf32, #tpu.memory_space<vmem_shared>>) target_semaphore(%run_scoped3A : memref<!tpu.dma_semaphore, #tpu.memory_space<semaphore_mem>>)
      %dma_wait3A = arith.constant 0 : i32
      %dma_wait3A_65 = tpu.memref_slice %arg10[%add3A_8, %dma_wait3A] : memref<10240x128xf32, #tpu.memory_space<vmem_shared>> -> memref<128x128xf32, #tpu.memory_space<vmem_shared>>
      %dma_wait3A_66 = arith.constant 0 : i32
      %dma_wait3A_67 = tpu.memref_slice %arg10[%add3A_8, %dma_wait3A_66] : memref<10240x128xf32, #tpu.memory_space<vmem_shared>> -> memref<128x128xf32, #tpu.memory_space<vmem_shared>>
      tpu.wait_dma2 semaphore(%run_scoped3A : memref<!tpu.dma_semaphore, #tpu.memory_space<semaphore_mem>>) src(%arg9 : memref<128x128xf32, #tpu.memory_space<vmem>>) dst(%dma_wait3A_67 : memref<128x128xf32, #tpu.memory_space<vmem_shared>>)
      tpu.yield
    }) : () -> ()
    %mul3A_9 = arith.constant 640 : i32
    %mul3A_10 = arith.muli %arg1, %mul3A_9 : i32
    %add3A_11 = arith.constant 256 : i32
    %add3A_12 = arith.addi %mul3A_10, %add3A_11 : i32
    "tpu.region"() ({
      %run_scoped3A = tpu.sem_alloc : memref<!tpu.dma_semaphore, #tpu.memory_space<semaphore_mem>>
      %dma_start3A = arith.constant 0 : i32
      %dma_start3A_62 = tpu.memref_slice %arg10[%add3A_12, %dma_start3A] : memref<10240x128xf32, #tpu.memory_space<vmem_shared>> -> memref<128x128xf32, #tpu.memory_space<vmem_shared>>
      %dma_start3A_63 = arith.constant 0 : i32
      %dma_start3A_64 = tpu.memref_slice %arg10[%add3A_12, %dma_start3A_63] : memref<10240x128xf32, #tpu.memory_space<vmem_shared>> -> memref<128x128xf32, #tpu.memory_space<vmem_shared>>
      tpu.enqueue_dma source(%arg9 : memref<128x128xf32, #tpu.memory_space<vmem>>) target(%dma_start3A_64 : memref<128x128xf32, #tpu.memory_space<vmem_shared>>) target_semaphore(%run_scoped3A : memref<!tpu.dma_semaphore, #tpu.memory_space<semaphore_mem>>)
      %dma_wait3A = arith.constant 0 : i32
      %dma_wait3A_65 = tpu.memref_slice %arg10[%add3A_12, %dma_wait3A] : memref<10240x128xf32, #tpu.memory_space<vmem_shared>> -> memref<128x128xf32, #tpu.memory_space<vmem_shared>>
      %dma_wait3A_66 = arith.constant 0 : i32
      %dma_wait3A_67 = tpu.memref_slice %arg10[%add3A_12, %dma_wait3A_66] : memref<10240x128xf32, #tpu.memory_space<vmem_shared>> -> memref<128x128xf32, #tpu.memory_space<vmem_shared>>
      tpu.wait_dma2 semaphore(%run_scoped3A : memref<!tpu.dma_semaphore, #tpu.memory_space<semaphore_mem>>) src(%arg9 : memref<128x128xf32, #tpu.memory_space<vmem>>) dst(%dma_wait3A_67 : memref<128x128xf32, #tpu.memory_space<vmem_shared>>)
      tpu.yield
    }) : () -> ()
    %mul3A_13 = arith.constant 640 : i32
    %mul3A_14 = arith.muli %arg1, %mul3A_13 : i32
    %add3A_15 = arith.constant 384 : i32
    %add3A_16 = arith.addi %mul3A_14, %add3A_15 : i32
    "tpu.region"() ({
      %run_scoped3A = tpu.sem_alloc : memref<!tpu.dma_semaphore, #tpu.memory_space<semaphore_mem>>
      %dma_start3A = arith.constant 0 : i32
      %dma_start3A_62 = tpu.memref_slice %arg10[%add3A_16, %dma_start3A] : memref<10240x128xf32, #tpu.memory_space<vmem_shared>> -> memref<128x128xf32, #tpu.memory_space<vmem_shared>>
      %dma_start3A_63 = arith.constant 0 : i32
      %dma_start3A_64 = tpu.memref_slice %arg10[%add3A_16, %dma_start3A_63] : memref<10240x128xf32, #tpu.memory_space<vmem_shared>> -> memref<128x128xf32, #tpu.memory_space<vmem_shared>>
      tpu.enqueue_dma source(%arg9 : memref<128x128xf32, #tpu.memory_space<vmem>>) target(%dma_start3A_64 : memref<128x128xf32, #tpu.memory_space<vmem_shared>>) target_semaphore(%run_scoped3A : memref<!tpu.dma_semaphore, #tpu.memory_space<semaphore_mem>>)
      %dma_wait3A = arith.constant 0 : i32
      %dma_wait3A_65 = tpu.memref_slice %arg10[%add3A_16, %dma_wait3A] : memref<10240x128xf32, #tpu.memory_space<vmem_shared>> -> memref<128x128xf32, #tpu.memory_space<vmem_shared>>
      %dma_wait3A_66 = arith.constant 0 : i32
      %dma_wait3A_67 = tpu.memref_slice %arg10[%add3A_16, %dma_wait3A_66] : memref<10240x128xf32, #tpu.memory_space<vmem_shared>> -> memref<128x128xf32, #tpu.memory_space<vmem_shared>>
      tpu.wait_dma2 semaphore(%run_scoped3A : memref<!tpu.dma_semaphore, #tpu.memory_space<semaphore_mem>>) src(%arg9 : memref<128x128xf32, #tpu.memory_space<vmem>>) dst(%dma_wait3A_67 : memref<128x128xf32, #tpu.memory_space<vmem_shared>>)
      tpu.yield
    }) : () -> ()
    %mul3A_17 = arith.constant 640 : i32
    %mul3A_18 = arith.muli %arg1, %mul3A_17 : i32
    %add3A_19 = arith.constant 512 : i32
    %add3A_20 = arith.addi %mul3A_18, %add3A_19 : i32
    "tpu.region"() ({
      %run_scoped3A = tpu.sem_alloc : memref<!tpu.dma_semaphore, #tpu.memory_space<semaphore_mem>>
      %dma_start3A = arith.constant 0 : i32
      %dma_start3A_62 = tpu.memref_slice %arg10[%add3A_20, %dma_start3A] : memref<10240x128xf32, #tpu.memory_space<vmem_shared>> -> memref<128x128xf32, #tpu.memory_space<vmem_shared>>
      %dma_start3A_63 = arith.constant 0 : i32
      %dma_start3A_64 = tpu.memref_slice %arg10[%add3A_20, %dma_start3A_63] : memref<10240x128xf32, #tpu.memory_space<vmem_shared>> -> memref<128x128xf32, #tpu.memory_space<vmem_shared>>
      tpu.enqueue_dma source(%arg9 : memref<128x128xf32, #tpu.memory_space<vmem>>) target(%dma_start3A_64 : memref<128x128xf32, #tpu.memory_space<vmem_shared>>) target_semaphore(%run_scoped3A : memref<!tpu.dma_semaphore, #tpu.memory_space<semaphore_mem>>)
      %dma_wait3A = arith.constant 0 : i32
      %dma_wait3A_65 = tpu.memref_slice %arg10[%add3A_20, %dma_wait3A] : memref<10240x128xf32, #tpu.memory_space<vmem_shared>> -> memref<128x128xf32, #tpu.memory_space<vmem_shared>>
      %dma_wait3A_66 = arith.constant 0 : i32
      %dma_wait3A_67 = tpu.memref_slice %arg10[%add3A_20, %dma_wait3A_66] : memref<10240x128xf32, #tpu.memory_space<vmem_shared>> -> memref<128x128xf32, #tpu.memory_space<vmem_shared>>
      tpu.wait_dma2 semaphore(%run_scoped3A : memref<!tpu.dma_semaphore, #tpu.memory_space<semaphore_mem>>) src(%arg9 : memref<128x128xf32, #tpu.memory_space<vmem>>) dst(%dma_wait3A_67 : memref<128x128xf32, #tpu.memory_space<vmem_shared>>)
      tpu.yield
    }) : () -> ()
    %barrier3A = arith.constant 0 : index
    tpu.barrier barrier_id(%barrier3A)
    %scan3A = arith.constant 0 : i32
    %scan3A_21 = arith.constant 0 : i32
    %scan3A_22 = arith.constant 80 : i32
    %scan3A_23 = arith.addi %scan3A_21, %scan3A_22 : i32
    %scan3A_24 = arith.constant 1 : i32
    scf.for %scan3A_62 = %scan3A_21 to %scan3A_23 step %scan3A_24  : i32 {
      %dma_start3A = arith.constant 0 : i32
      %dma_start3A_63 = tpu.memref_slice %arg7[%scan3A_62, %dma_start3A] : memref<80x128xi32, #tpu.memory_space<vmem>> -> memref<1x128xi32, #tpu.memory_space<vmem>>
      %dma_start3A_64 = tpu.memref_squeeze %dma_start3A_63 : memref<1x128xi32, #tpu.memory_space<vmem>> -> memref<128xi32, #tpu.memory_space<vmem>>
      %dma_start3A_65 = arith.constant 0 : i32
      %dma_start3A_66 = arith.constant 0 : i32
      %dma_start3A_67 = tpu.memref_slice %arg2[%dma_start3A_65, %dma_start3A_66] : memref<20480x128xf32, #tpu.memory_space<hbm>> -> memref<20480x128xf32, #tpu.memory_space<hbm>>
      tpu.enqueue_indirect_dma source(%dma_start3A_67 : memref<20480x128xf32, #tpu.memory_space<hbm>>) target(%arg9 : memref<128x128xf32, #tpu.memory_space<vmem>>) offsets(%dma_start3A_64 : memref<128xi32, #tpu.memory_space<vmem>>) semaphore(%arg11 : memref<!tpu.dma_semaphore, #tpu.memory_space<semaphore_mem>>)
      %dma_wait3A = arith.constant 0 : i32
      %dma_wait3A_68 = tpu.memref_slice %arg7[%scan3A_62, %dma_wait3A] : memref<80x128xi32, #tpu.memory_space<vmem>> -> memref<1x128xi32, #tpu.memory_space<vmem>>
      %dma_wait3A_69 = tpu.memref_squeeze %dma_wait3A_68 : memref<1x128xi32, #tpu.memory_space<vmem>> -> memref<128xi32, #tpu.memory_space<vmem>>
      %dma_wait3A_70 = arith.constant 0 : i32
      %dma_wait3A_71 = arith.constant 0 : i32
      %dma_wait3A_72 = tpu.memref_slice %arg2[%dma_wait3A_70, %dma_wait3A_71] : memref<20480x128xf32, #tpu.memory_space<hbm>> -> memref<20480x128xf32, #tpu.memory_space<hbm>>
      tpu.wait_indirect_dma semaphore(%arg11 : memref<!tpu.dma_semaphore, #tpu.memory_space<semaphore_mem>>) src(%dma_wait3A_72 : memref<20480x128xf32, #tpu.memory_space<hbm>>) dst(%arg9 : memref<128x128xf32, #tpu.memory_space<vmem>>)
      "tpu.region"() ({
        %run_scoped3A = tpu.sem_alloc : memref<!tpu.dma_semaphore, #tpu.memory_space<semaphore_mem>>
        %dma_start3A_73 = arith.constant 0 : i32
        %dma_start3A_74 = tpu.memref_slice %arg8[%scan3A_62, %dma_start3A_73] : memref<80x128xi32, #tpu.memory_space<vmem>> -> memref<1x128xi32, #tpu.memory_space<vmem>>
        %dma_start3A_75 = tpu.memref_squeeze %dma_start3A_74 : memref<1x128xi32, #tpu.memory_space<vmem>> -> memref<128xi32, #tpu.memory_space<vmem>>
        %dma_start3A_76 = arith.constant 0 : i32
        %dma_start3A_77 = arith.constant 0 : i32
        %dma_start3A_78 = tpu.memref_slice %arg10[%dma_start3A_76, %dma_start3A_77] : memref<10240x128xf32, #tpu.memory_space<vmem_shared>> -> memref<10240x128xf32, #tpu.memory_space<vmem_shared>>
        tpu.enqueue_indirect_dma source(%arg9 : memref<128x128xf32, #tpu.memory_space<vmem>>) target(%dma_start3A_78 : memref<10240x128xf32, #tpu.memory_space<vmem_shared>>) offsets(%dma_start3A_75 : memref<128xi32, #tpu.memory_space<vmem>>) semaphore(%run_scoped3A : memref<!tpu.dma_semaphore, #tpu.memory_space<semaphore_mem>>) {add = true}
        %dma_wait3A_79 = arith.constant 0 : i32
        %dma_wait3A_80 = tpu.memref_slice %arg8[%scan3A_62, %dma_wait3A_79] : memref<80x128xi32, #tpu.memory_space<vmem>> -> memref<1x128xi32, #tpu.memory_space<vmem>>
        %dma_wait3A_81 = tpu.memref_squeeze %dma_wait3A_80 : memref<1x128xi32, #tpu.memory_space<vmem>> -> memref<128xi32, #tpu.memory_space<vmem>>
        %dma_wait3A_82 = arith.constant 0 : i32
        %dma_wait3A_83 = arith.constant 0 : i32
        %dma_wait3A_84 = tpu.memref_slice %arg10[%dma_wait3A_82, %dma_wait3A_83] : memref<10240x128xf32, #tpu.memory_space<vmem_shared>> -> memref<10240x128xf32, #tpu.memory_space<vmem_shared>>
        tpu.wait_indirect_dma semaphore(%run_scoped3A : memref<!tpu.dma_semaphore, #tpu.memory_space<semaphore_mem>>) src(%arg9 : memref<128x128xf32, #tpu.memory_space<vmem>>) dst(%dma_wait3A_84 : memref<10240x128xf32, #tpu.memory_space<vmem_shared>>)
        tpu.yield
      }) : () -> ()
    }
    %scan3A_25 = arith.constant 80 : i32
    %barrier3A_26 = arith.constant 0 : index
    tpu.barrier barrier_id(%barrier3A_26)
    %mul3A_27 = arith.constant 10240 : i32
    %mul3A_28 = arith.muli %arg0, %mul3A_27 : i32
    %mul3A_29 = arith.constant 640 : i32
    %mul3A_30 = arith.muli %arg1, %mul3A_29 : i32
    %add3A_31 = arith.addi %mul3A_28, %mul3A_30 : i32
    %mul3A_32 = arith.constant 640 : i32
    %mul3A_33 = arith.muli %arg1, %mul3A_32 : i32
    %add3A_34 = arith.constant 0 : i32
    %add3A_35 = arith.addi %mul3A_33, %add3A_34 : i32
    "tpu.region"() ({
      %run_scoped3A = tpu.sem_alloc : memref<!tpu.dma_semaphore, #tpu.memory_space<semaphore_mem>>
      %dma_start3A = arith.constant 0 : i32
      %dma_start3A_62 = tpu.memref_slice %arg10[%add3A_35, %dma_start3A] : memref<10240x128xf32, #tpu.memory_space<vmem_shared>> -> memref<128x128xf32, #tpu.memory_space<vmem_shared>>
      %dma_start3A_63 = arith.constant 0 : i32
      %dma_start3A_64 = tpu.memref_slice %arg10[%add3A_35, %dma_start3A_63] : memref<10240x128xf32, #tpu.memory_space<vmem_shared>> -> memref<128x128xf32, #tpu.memory_space<vmem_shared>>
      tpu.enqueue_dma source(%dma_start3A_64 : memref<128x128xf32, #tpu.memory_space<vmem_shared>>) target(%arg9 : memref<128x128xf32, #tpu.memory_space<vmem>>) target_semaphore(%run_scoped3A : memref<!tpu.dma_semaphore, #tpu.memory_space<semaphore_mem>>)
      %dma_wait3A = arith.constant 0 : i32
      %dma_wait3A_65 = tpu.memref_slice %arg10[%add3A_35, %dma_wait3A] : memref<10240x128xf32, #tpu.memory_space<vmem_shared>> -> memref<128x128xf32, #tpu.memory_space<vmem_shared>>
      %dma_wait3A_66 = arith.constant 0 : i32
      %dma_wait3A_67 = tpu.memref_slice %arg10[%add3A_35, %dma_wait3A_66] : memref<10240x128xf32, #tpu.memory_space<vmem_shared>> -> memref<128x128xf32, #tpu.memory_space<vmem_shared>>
      tpu.wait_dma2 semaphore(%run_scoped3A : memref<!tpu.dma_semaphore, #tpu.memory_space<semaphore_mem>>) src(%dma_wait3A_67 : memref<128x128xf32, #tpu.memory_space<vmem_shared>>) dst(%arg9 : memref<128x128xf32, #tpu.memory_space<vmem>>)
      tpu.yield
    }) : () -> ()
    %add3A_36 = arith.constant 0 : i32
    %add3A_37 = arith.addi %add3A_31, %add3A_36 : i32
    "tpu.region"() ({
      %run_scoped3A = tpu.sem_alloc : memref<!tpu.dma_semaphore, #tpu.memory_space<semaphore_mem>>
      %dma_start3A = arith.constant 0 : i32
      %dma_start3A_62 = tpu.memref_slice %arg6[%add3A_37, %dma_start3A] : memref<20480x128xf32, #tpu.memory_space<hbm>> -> memref<128x128xf32, #tpu.memory_space<hbm>>
      %dma_start3A_63 = arith.constant 0 : i32
      %dma_start3A_64 = tpu.memref_slice %arg6[%add3A_37, %dma_start3A_63] : memref<20480x128xf32, #tpu.memory_space<hbm>> -> memref<128x128xf32, #tpu.memory_space<hbm>>
      tpu.enqueue_dma source(%arg9 : memref<128x128xf32, #tpu.memory_space<vmem>>) target(%dma_start3A_64 : memref<128x128xf32, #tpu.memory_space<hbm>>) target_semaphore(%run_scoped3A : memref<!tpu.dma_semaphore, #tpu.memory_space<semaphore_mem>>)
      %dma_wait3A = arith.constant 0 : i32
      %dma_wait3A_65 = tpu.memref_slice %arg6[%add3A_37, %dma_wait3A] : memref<20480x128xf32, #tpu.memory_space<hbm>> -> memref<128x128xf32, #tpu.memory_space<hbm>>
      %dma_wait3A_66 = arith.constant 0 : i32
      %dma_wait3A_67 = tpu.memref_slice %arg6[%add3A_37, %dma_wait3A_66] : memref<20480x128xf32, #tpu.memory_space<hbm>> -> memref<128x128xf32, #tpu.memory_space<hbm>>
      tpu.wait_dma2 semaphore(%run_scoped3A : memref<!tpu.dma_semaphore, #tpu.memory_space<semaphore_mem>>) src(%arg9 : memref<128x128xf32, #tpu.memory_space<vmem>>) dst(%dma_wait3A_67 : memref<128x128xf32, #tpu.memory_space<hbm>>)
      tpu.yield
    }) : () -> ()
    %mul3A_38 = arith.constant 640 : i32
    %mul3A_39 = arith.muli %arg1, %mul3A_38 : i32
    %add3A_40 = arith.constant 128 : i32
    %add3A_41 = arith.addi %mul3A_39, %add3A_40 : i32
    "tpu.region"() ({
      %run_scoped3A = tpu.sem_alloc : memref<!tpu.dma_semaphore, #tpu.memory_space<semaphore_mem>>
      %dma_start3A = arith.constant 0 : i32
      %dma_start3A_62 = tpu.memref_slice %arg10[%add3A_41, %dma_start3A] : memref<10240x128xf32, #tpu.memory_space<vmem_shared>> -> memref<128x128xf32, #tpu.memory_space<vmem_shared>>
      %dma_start3A_63 = arith.constant 0 : i32
      %dma_start3A_64 = tpu.memref_slice %arg10[%add3A_41, %dma_start3A_63] : memref<10240x128xf32, #tpu.memory_space<vmem_shared>> -> memref<128x128xf32, #tpu.memory_space<vmem_shared>>
      tpu.enqueue_dma source(%dma_start3A_64 : memref<128x128xf32, #tpu.memory_space<vmem_shared>>) target(%arg9 : memref<128x128xf32, #tpu.memory_space<vmem>>) target_semaphore(%run_scoped3A : memref<!tpu.dma_semaphore, #tpu.memory_space<semaphore_mem>>)
      %dma_wait3A = arith.constant 0 : i32
      %dma_wait3A_65 = tpu.memref_slice %arg10[%add3A_41, %dma_wait3A] : memref<10240x128xf32, #tpu.memory_space<vmem_shared>> -> memref<128x128xf32, #tpu.memory_space<vmem_shared>>
      %dma_wait3A_66 = arith.constant 0 : i32
      %dma_wait3A_67 = tpu.memref_slice %arg10[%add3A_41, %dma_wait3A_66] : memref<10240x128xf32, #tpu.memory_space<vmem_shared>> -> memref<128x128xf32, #tpu.memory_space<vmem_shared>>
      tpu.wait_dma2 semaphore(%run_scoped3A : memref<!tpu.dma_semaphore, #tpu.memory_space<semaphore_mem>>) src(%dma_wait3A_67 : memref<128x128xf32, #tpu.memory_space<vmem_shared>>) dst(%arg9 : memref<128x128xf32, #tpu.memory_space<vmem>>)
      tpu.yield
    }) : () -> ()
    %add3A_42 = arith.constant 128 : i32
    %add3A_43 = arith.addi %add3A_31, %add3A_42 : i32
    "tpu.region"() ({
      %run_scoped3A = tpu.sem_alloc : memref<!tpu.dma_semaphore, #tpu.memory_space<semaphore_mem>>
      %dma_start3A = arith.constant 0 : i32
      %dma_start3A_62 = tpu.memref_slice %arg6[%add3A_43, %dma_start3A] : memref<20480x128xf32, #tpu.memory_space<hbm>> -> memref<128x128xf32, #tpu.memory_space<hbm>>
      %dma_start3A_63 = arith.constant 0 : i32
      %dma_start3A_64 = tpu.memref_slice %arg6[%add3A_43, %dma_start3A_63] : memref<20480x128xf32, #tpu.memory_space<hbm>> -> memref<128x128xf32, #tpu.memory_space<hbm>>
      tpu.enqueue_dma source(%arg9 : memref<128x128xf32, #tpu.memory_space<vmem>>) target(%dma_start3A_64 : memref<128x128xf32, #tpu.memory_space<hbm>>) target_semaphore(%run_scoped3A : memref<!tpu.dma_semaphore, #tpu.memory_space<semaphore_mem>>)
      %dma_wait3A = arith.constant 0 : i32
      %dma_wait3A_65 = tpu.memref_slice %arg6[%add3A_43, %dma_wait3A] : memref<20480x128xf32, #tpu.memory_space<hbm>> -> memref<128x128xf32, #tpu.memory_space<hbm>>
      %dma_wait3A_66 = arith.constant 0 : i32
      %dma_wait3A_67 = tpu.memref_slice %arg6[%add3A_43, %dma_wait3A_66] : memref<20480x128xf32, #tpu.memory_space<hbm>> -> memref<128x128xf32, #tpu.memory_space<hbm>>
      tpu.wait_dma2 semaphore(%run_scoped3A : memref<!tpu.dma_semaphore, #tpu.memory_space<semaphore_mem>>) src(%arg9 : memref<128x128xf32, #tpu.memory_space<vmem>>) dst(%dma_wait3A_67 : memref<128x128xf32, #tpu.memory_space<hbm>>)
      tpu.yield
    }) : () -> ()
    %mul3A_44 = arith.constant 640 : i32
    %mul3A_45 = arith.muli %arg1, %mul3A_44 : i32
    %add3A_46 = arith.constant 256 : i32
    %add3A_47 = arith.addi %mul3A_45, %add3A_46 : i32
    "tpu.region"() ({
      %run_scoped3A = tpu.sem_alloc : memref<!tpu.dma_semaphore, #tpu.memory_space<semaphore_mem>>
      %dma_start3A = arith.constant 0 : i32
      %dma_start3A_62 = tpu.memref_slice %arg10[%add3A_47, %dma_start3A] : memref<10240x128xf32, #tpu.memory_space<vmem_shared>> -> memref<128x128xf32, #tpu.memory_space<vmem_shared>>
      %dma_start3A_63 = arith.constant 0 : i32
      %dma_start3A_64 = tpu.memref_slice %arg10[%add3A_47, %dma_start3A_63] : memref<10240x128xf32, #tpu.memory_space<vmem_shared>> -> memref<128x128xf32, #tpu.memory_space<vmem_shared>>
      tpu.enqueue_dma source(%dma_start3A_64 : memref<128x128xf32, #tpu.memory_space<vmem_shared>>) target(%arg9 : memref<128x128xf32, #tpu.memory_space<vmem>>) target_semaphore(%run_scoped3A : memref<!tpu.dma_semaphore, #tpu.memory_space<semaphore_mem>>)
      %dma_wait3A = arith.constant 0 : i32
      %dma_wait3A_65 = tpu.memref_slice %arg10[%add3A_47, %dma_wait3A] : memref<10240x128xf32, #tpu.memory_space<vmem_shared>> -> memref<128x128xf32, #tpu.memory_space<vmem_shared>>
      %dma_wait3A_66 = arith.constant 0 : i32
      %dma_wait3A_67 = tpu.memref_slice %arg10[%add3A_47, %dma_wait3A_66] : memref<10240x128xf32, #tpu.memory_space<vmem_shared>> -> memref<128x128xf32, #tpu.memory_space<vmem_shared>>
      tpu.wait_dma2 semaphore(%run_scoped3A : memref<!tpu.dma_semaphore, #tpu.memory_space<semaphore_mem>>) src(%dma_wait3A_67 : memref<128x128xf32, #tpu.memory_space<vmem_shared>>) dst(%arg9 : memref<128x128xf32, #tpu.memory_space<vmem>>)
      tpu.yield
    }) : () -> ()
    %add3A_48 = arith.constant 256 : i32
    %add3A_49 = arith.addi %add3A_31, %add3A_48 : i32
    "tpu.region"() ({
      %run_scoped3A = tpu.sem_alloc : memref<!tpu.dma_semaphore, #tpu.memory_space<semaphore_mem>>
      %dma_start3A = arith.constant 0 : i32
      %dma_start3A_62 = tpu.memref_slice %arg6[%add3A_49, %dma_start3A] : memref<20480x128xf32, #tpu.memory_space<hbm>> -> memref<128x128xf32, #tpu.memory_space<hbm>>
      %dma_start3A_63 = arith.constant 0 : i32
      %dma_start3A_64 = tpu.memref_slice %arg6[%add3A_49, %dma_start3A_63] : memref<20480x128xf32, #tpu.memory_space<hbm>> -> memref<128x128xf32, #tpu.memory_space<hbm>>
      tpu.enqueue_dma source(%arg9 : memref<128x128xf32, #tpu.memory_space<vmem>>) target(%dma_start3A_64 : memref<128x128xf32, #tpu.memory_space<hbm>>) target_semaphore(%run_scoped3A : memref<!tpu.dma_semaphore, #tpu.memory_space<semaphore_mem>>)
      %dma_wait3A = arith.constant 0 : i32
      %dma_wait3A_65 = tpu.memref_slice %arg6[%add3A_49, %dma_wait3A] : memref<20480x128xf32, #tpu.memory_space<hbm>> -> memref<128x128xf32, #tpu.memory_space<hbm>>
      %dma_wait3A_66 = arith.constant 0 : i32
      %dma_wait3A_67 = tpu.memref_slice %arg6[%add3A_49, %dma_wait3A_66] : memref<20480x128xf32, #tpu.memory_space<hbm>> -> memref<128x128xf32, #tpu.memory_space<hbm>>
      tpu.wait_dma2 semaphore(%run_scoped3A : memref<!tpu.dma_semaphore, #tpu.memory_space<semaphore_mem>>) src(%arg9 : memref<128x128xf32, #tpu.memory_space<vmem>>) dst(%dma_wait3A_67 : memref<128x128xf32, #tpu.memory_space<hbm>>)
      tpu.yield
    }) : () -> ()
    %mul3A_50 = arith.constant 640 : i32
    %mul3A_51 = arith.muli %arg1, %mul3A_50 : i32
    %add3A_52 = arith.constant 384 : i32
    %add3A_53 = arith.addi %mul3A_51, %add3A_52 : i32
    "tpu.region"() ({
      %run_scoped3A = tpu.sem_alloc : memref<!tpu.dma_semaphore, #tpu.memory_space<semaphore_mem>>
      %dma_start3A = arith.constant 0 : i32
      %dma_start3A_62 = tpu.memref_slice %arg10[%add3A_53, %dma_start3A] : memref<10240x128xf32, #tpu.memory_space<vmem_shared>> -> memref<128x128xf32, #tpu.memory_space<vmem_shared>>
      %dma_start3A_63 = arith.constant 0 : i32
      %dma_start3A_64 = tpu.memref_slice %arg10[%add3A_53, %dma_start3A_63] : memref<10240x128xf32, #tpu.memory_space<vmem_shared>> -> memref<128x128xf32, #tpu.memory_space<vmem_shared>>
      tpu.enqueue_dma source(%dma_start3A_64 : memref<128x128xf32, #tpu.memory_space<vmem_shared>>) target(%arg9 : memref<128x128xf32, #tpu.memory_space<vmem>>) target_semaphore(%run_scoped3A : memref<!tpu.dma_semaphore, #tpu.memory_space<semaphore_mem>>)
      %dma_wait3A = arith.constant 0 : i32
      %dma_wait3A_65 = tpu.memref_slice %arg10[%add3A_53, %dma_wait3A] : memref<10240x128xf32, #tpu.memory_space<vmem_shared>> -> memref<128x128xf32, #tpu.memory_space<vmem_shared>>
      %dma_wait3A_66 = arith.constant 0 : i32
      %dma_wait3A_67 = tpu.memref_slice %arg10[%add3A_53, %dma_wait3A_66] : memref<10240x128xf32, #tpu.memory_space<vmem_shared>> -> memref<128x128xf32, #tpu.memory_space<vmem_shared>>
      tpu.wait_dma2 semaphore(%run_scoped3A : memref<!tpu.dma_semaphore, #tpu.memory_space<semaphore_mem>>) src(%dma_wait3A_67 : memref<128x128xf32, #tpu.memory_space<vmem_shared>>) dst(%arg9 : memref<128x128xf32, #tpu.memory_space<vmem>>)
      tpu.yield
    }) : () -> ()
    %add3A_54 = arith.constant 384 : i32
    %add3A_55 = arith.addi %add3A_31, %add3A_54 : i32
    "tpu.region"() ({
      %run_scoped3A = tpu.sem_alloc : memref<!tpu.dma_semaphore, #tpu.memory_space<semaphore_mem>>
      %dma_start3A = arith.constant 0 : i32
      %dma_start3A_62 = tpu.memref_slice %arg6[%add3A_55, %dma_start3A] : memref<20480x128xf32, #tpu.memory_space<hbm>> -> memref<128x128xf32, #tpu.memory_space<hbm>>
      %dma_start3A_63 = arith.constant 0 : i32
      %dma_start3A_64 = tpu.memref_slice %arg6[%add3A_55, %dma_start3A_63] : memref<20480x128xf32, #tpu.memory_space<hbm>> -> memref<128x128xf32, #tpu.memory_space<hbm>>
      tpu.enqueue_dma source(%arg9 : memref<128x128xf32, #tpu.memory_space<vmem>>) target(%dma_start3A_64 : memref<128x128xf32, #tpu.memory_space<hbm>>) target_semaphore(%run_scoped3A : memref<!tpu.dma_semaphore, #tpu.memory_space<semaphore_mem>>)
      %dma_wait3A = arith.constant 0 : i32
      %dma_wait3A_65 = tpu.memref_slice %arg6[%add3A_55, %dma_wait3A] : memref<20480x128xf32, #tpu.memory_space<hbm>> -> memref<128x128xf32, #tpu.memory_space<hbm>>
      %dma_wait3A_66 = arith.constant 0 : i32
      %dma_wait3A_67 = tpu.memref_slice %arg6[%add3A_55, %dma_wait3A_66] : memref<20480x128xf32, #tpu.memory_space<hbm>> -> memref<128x128xf32, #tpu.memory_space<hbm>>
      tpu.wait_dma2 semaphore(%run_scoped3A : memref<!tpu.dma_semaphore, #tpu.memory_space<semaphore_mem>>) src(%arg9 : memref<128x128xf32, #tpu.memory_space<vmem>>) dst(%dma_wait3A_67 : memref<128x128xf32, #tpu.memory_space<hbm>>)
      tpu.yield
    }) : () -> ()
    %mul3A_56 = arith.constant 640 : i32
    %mul3A_57 = arith.muli %arg1, %mul3A_56 : i32
    %add3A_58 = arith.constant 512 : i32
    %add3A_59 = arith.addi %mul3A_57, %add3A_58 : i32
    "tpu.region"() ({
      %run_scoped3A = tpu.sem_alloc : memref<!tpu.dma_semaphore, #tpu.memory_space<semaphore_mem>>
      %dma_start3A = arith.constant 0 : i32
      %dma_start3A_62 = tpu.memref_slice %arg10[%add3A_59, %dma_start3A] : memref<10240x128xf32, #tpu.memory_space<vmem_shared>> -> memref<128x128xf32, #tpu.memory_space<vmem_shared>>
      %dma_start3A_63 = arith.constant 0 : i32
      %dma_start3A_64 = tpu.memref_slice %arg10[%add3A_59, %dma_start3A_63] : memref<10240x128xf32, #tpu.memory_space<vmem_shared>> -> memref<128x128xf32, #tpu.memory_space<vmem_shared>>
      tpu.enqueue_dma source(%dma_start3A_64 : memref<128x128xf32, #tpu.memory_space<vmem_shared>>) target(%arg9 : memref<128x128xf32, #tpu.memory_space<vmem>>) target_semaphore(%run_scoped3A : memref<!tpu.dma_semaphore, #tpu.memory_space<semaphore_mem>>)
      %dma_wait3A = arith.constant 0 : i32
      %dma_wait3A_65 = tpu.memref_slice %arg10[%add3A_59, %dma_wait3A] : memref<10240x128xf32, #tpu.memory_space<vmem_shared>> -> memref<128x128xf32, #tpu.memory_space<vmem_shared>>
      %dma_wait3A_66 = arith.constant 0 : i32
      %dma_wait3A_67 = tpu.memref_slice %arg10[%add3A_59, %dma_wait3A_66] : memref<10240x128xf32, #tpu.memory_space<vmem_shared>> -> memref<128x128xf32, #tpu.memory_space<vmem_shared>>
      tpu.wait_dma2 semaphore(%run_scoped3A : memref<!tpu.dma_semaphore, #tpu.memory_space<semaphore_mem>>) src(%dma_wait3A_67 : memref<128x128xf32, #tpu.memory_space<vmem_shared>>) dst(%arg9 : memref<128x128xf32, #tpu.memory_space<vmem>>)
      tpu.yield
    }) : () -> ()
    %add3A_60 = arith.constant 512 : i32
    %add3A_61 = arith.addi %add3A_31, %add3A_60 : i32
    "tpu.region"() ({
      %run_scoped3A = tpu.sem_alloc : memref<!tpu.dma_semaphore, #tpu.memory_space<semaphore_mem>>
      %dma_start3A = arith.constant 0 : i32
      %dma_start3A_62 = tpu.memref_slice %arg6[%add3A_61, %dma_start3A] : memref<20480x128xf32, #tpu.memory_space<hbm>> -> memref<128x128xf32, #tpu.memory_space<hbm>>
      %dma_start3A_63 = arith.constant 0 : i32
      %dma_start3A_64 = tpu.memref_slice %arg6[%add3A_61, %dma_start3A_63] : memref<20480x128xf32, #tpu.memory_space<hbm>> -> memref<128x128xf32, #tpu.memory_space<hbm>>
      tpu.enqueue_dma source(%arg9 : memref<128x128xf32, #tpu.memory_space<vmem>>) target(%dma_start3A_64 : memref<128x128xf32, #tpu.memory_space<hbm>>) target_semaphore(%run_scoped3A : memref<!tpu.dma_semaphore, #tpu.memory_space<semaphore_mem>>)
      %dma_wait3A = arith.constant 0 : i32
      %dma_wait3A_65 = tpu.memref_slice %arg6[%add3A_61, %dma_wait3A] : memref<20480x128xf32, #tpu.memory_space<hbm>> -> memref<128x128xf32, #tpu.memory_space<hbm>>
      %dma_wait3A_66 = arith.constant 0 : i32
      %dma_wait3A_67 = tpu.memref_slice %arg6[%add3A_61, %dma_wait3A_66] : memref<20480x128xf32, #tpu.memory_space<hbm>> -> memref<128x128xf32, #tpu.memory_space<hbm>>
      tpu.wait_dma2 semaphore(%run_scoped3A : memref<!tpu.dma_semaphore, #tpu.memory_space<semaphore_mem>>) src(%arg9 : memref<128x128xf32, #tpu.memory_space<vmem>>) dst(%dma_wait3A_67 : memref<128x128xf32, #tpu.memory_space<hbm>>)
      tpu.yield
    }) : () -> ()
    return
  }
}

#map = affine_map<(d0, d1) -> (0, 0)>
#map1 = affine_map<(d0, d1) -> (0, 0, 0)>
module attributes {stable_mosaic.version = 14 : i64} {
  func.func @_agg_sc(%arg0: i32, %arg1: i32, %arg2: memref<20480x128xf32, #tpu.memory_space<hbm>>, %arg3: memref<32x80x128xi32, #tpu.memory_space<hbm>>, %arg4: memref<16x80x128xi32, #tpu.memory_space<hbm>>, %arg5: memref<128x128xf32, #tpu.memory_space<hbm>>, %arg6: memref<20480x128xf32, #tpu.memory_space<hbm>>, %arg7: memref<80x128xi32, #tpu.memory_space<vmem>>, %arg8: memref<80x128xi32, #tpu.memory_space<vmem>>, %arg9: memref<128x128xf32, #tpu.memory_space<vmem>>, %arg10: memref<10240x128xf32, #tpu.memory_space<vmem_shared>>, %arg11: memref<!tpu.dma_semaphore, #tpu.memory_space<semaphore_mem>>) attributes {dimension_semantics = [#tpu.dimension_semantics<core_parallel>, #tpu.dimension_semantics<subcore_parallel>], iteration_bounds = array<i64: 2, 16>, scalar_prefetch = 0 : i64, scratch_operands = 5 : i64, tpu.core_type = #tpu.core_type<sc_vector_subcore>, window_params = [{transform_indices = #map}, {transform_indices = #map1}, {transform_indices = #map1}, {transform_indices = #map}, {transform_indices = #map}]} {
    %mul3A = arith.constant 16 : i32
    %mul3A_0 = arith.muli %arg0, %mul3A : i32
    %add3A = arith.addi %mul3A_0, %arg1 : i32
    "tpu.region"() ({
      %run_scoped3A = tpu.sem_alloc : memref<!tpu.dma_semaphore, #tpu.memory_space<semaphore_mem>>
      %dma_start3A = arith.constant 0 : i32
      %dma_start3A_62 = arith.constant 0 : i32
      %dma_start3A_63 = tpu.memref_slice %arg3[%add3A, %dma_start3A, %dma_start3A_62] : memref<32x80x128xi32, #tpu.memory_space<hbm>> -> memref<1x80x128xi32, #tpu.memory_space<hbm>>
      %dma_start3A_64 = tpu.memref_squeeze %dma_start3A_63 : memref<1x80x128xi32, #tpu.memory_space<hbm>> -> memref<80x128xi32, #tpu.memory_space<hbm>>
      %dma_start3A_65 = arith.constant 0 : i32
      %dma_start3A_66 = arith.constant 0 : i32
      %dma_start3A_67 = tpu.memref_slice %arg3[%add3A, %dma_start3A_65, %dma_start3A_66] : memref<32x80x128xi32, #tpu.memory_space<hbm>> -> memref<1x80x128xi32, #tpu.memory_space<hbm>>
      %dma_start3A_68 = tpu.memref_squeeze %dma_start3A_67 : memref<1x80x128xi32, #tpu.memory_space<hbm>> -> memref<80x128xi32, #tpu.memory_space<hbm>>
      tpu.enqueue_dma source(%dma_start3A_68 : memref<80x128xi32, #tpu.memory_space<hbm>>) target(%arg7 : memref<80x128xi32, #tpu.memory_space<vmem>>) target_semaphore(%run_scoped3A : memref<!tpu.dma_semaphore, #tpu.memory_space<semaphore_mem>>)
      %dma_wait3A = arith.constant 0 : i32
      %dma_wait3A_69 = arith.constant 0 : i32
      %dma_wait3A_70 = tpu.memref_slice %arg3[%add3A, %dma_wait3A, %dma_wait3A_69] : memref<32x80x128xi32, #tpu.memory_space<hbm>> -> memref<1x80x128xi32, #tpu.memory_space<hbm>>
      %dma_wait3A_71 = tpu.memref_squeeze %dma_wait3A_70 : memref<1x80x128xi32, #tpu.memory_space<hbm>> -> memref<80x128xi32, #tpu.memory_space<hbm>>
      %dma_wait3A_72 = arith.constant 0 : i32
      %dma_wait3A_73 = arith.constant 0 : i32
      %dma_wait3A_74 = tpu.memref_slice %arg3[%add3A, %dma_wait3A_72, %dma_wait3A_73] : memref<32x80x128xi32, #tpu.memory_space<hbm>> -> memref<1x80x128xi32, #tpu.memory_space<hbm>>
      %dma_wait3A_75 = tpu.memref_squeeze %dma_wait3A_74 : memref<1x80x128xi32, #tpu.memory_space<hbm>> -> memref<80x128xi32, #tpu.memory_space<hbm>>
      tpu.wait_dma2 semaphore(%run_scoped3A : memref<!tpu.dma_semaphore, #tpu.memory_space<semaphore_mem>>) src(%dma_wait3A_75 : memref<80x128xi32, #tpu.memory_space<hbm>>) dst(%arg7 : memref<80x128xi32, #tpu.memory_space<vmem>>)
      tpu.yield
    }) : () -> ()
    "tpu.region"() ({
      %run_scoped3A = tpu.sem_alloc : memref<!tpu.dma_semaphore, #tpu.memory_space<semaphore_mem>>
      %dma_start3A = arith.constant 0 : i32
      %dma_start3A_62 = arith.constant 0 : i32
      %dma_start3A_63 = tpu.memref_slice %arg4[%arg1, %dma_start3A, %dma_start3A_62] : memref<16x80x128xi32, #tpu.memory_space<hbm>> -> memref<1x80x128xi32, #tpu.memory_space<hbm>>
      %dma_start3A_64 = tpu.memref_squeeze %dma_start3A_63 : memref<1x80x128xi32, #tpu.memory_space<hbm>> -> memref<80x128xi32, #tpu.memory_space<hbm>>
      %dma_start3A_65 = arith.constant 0 : i32
      %dma_start3A_66 = arith.constant 0 : i32
      %dma_start3A_67 = tpu.memref_slice %arg4[%arg1, %dma_start3A_65, %dma_start3A_66] : memref<16x80x128xi32, #tpu.memory_space<hbm>> -> memref<1x80x128xi32, #tpu.memory_space<hbm>>
      %dma_start3A_68 = tpu.memref_squeeze %dma_start3A_67 : memref<1x80x128xi32, #tpu.memory_space<hbm>> -> memref<80x128xi32, #tpu.memory_space<hbm>>
      tpu.enqueue_dma source(%dma_start3A_68 : memref<80x128xi32, #tpu.memory_space<hbm>>) target(%arg8 : memref<80x128xi32, #tpu.memory_space<vmem>>) target_semaphore(%run_scoped3A : memref<!tpu.dma_semaphore, #tpu.memory_space<semaphore_mem>>)
      %dma_wait3A = arith.constant 0 : i32
      %dma_wait3A_69 = arith.constant 0 : i32
      %dma_wait3A_70 = tpu.memref_slice %arg4[%arg1, %dma_wait3A, %dma_wait3A_69] : memref<16x80x128xi32, #tpu.memory_space<hbm>> -> memref<1x80x128xi32, #tpu.memory_space<hbm>>
      %dma_wait3A_71 = tpu.memref_squeeze %dma_wait3A_70 : memref<1x80x128xi32, #tpu.memory_space<hbm>> -> memref<80x128xi32, #tpu.memory_space<hbm>>
      %dma_wait3A_72 = arith.constant 0 : i32
      %dma_wait3A_73 = arith.constant 0 : i32
      %dma_wait3A_74 = tpu.memref_slice %arg4[%arg1, %dma_wait3A_72, %dma_wait3A_73] : memref<16x80x128xi32, #tpu.memory_space<hbm>> -> memref<1x80x128xi32, #tpu.memory_space<hbm>>
      %dma_wait3A_75 = tpu.memref_squeeze %dma_wait3A_74 : memref<1x80x128xi32, #tpu.memory_space<hbm>> -> memref<80x128xi32, #tpu.memory_space<hbm>>
      tpu.wait_dma2 semaphore(%run_scoped3A : memref<!tpu.dma_semaphore, #tpu.memory_space<semaphore_mem>>) src(%dma_wait3A_75 : memref<80x128xi32, #tpu.memory_space<hbm>>) dst(%arg8 : memref<80x128xi32, #tpu.memory_space<vmem>>)
      tpu.yield
    }) : () -> ()
    "tpu.region"() ({
      %run_scoped3A = tpu.sem_alloc : memref<!tpu.dma_semaphore, #tpu.memory_space<semaphore_mem>>
      tpu.enqueue_dma source(%arg5 : memref<128x128xf32, #tpu.memory_space<hbm>>) target(%arg9 : memref<128x128xf32, #tpu.memory_space<vmem>>) target_semaphore(%run_scoped3A : memref<!tpu.dma_semaphore, #tpu.memory_space<semaphore_mem>>)
      tpu.wait_dma2 semaphore(%run_scoped3A : memref<!tpu.dma_semaphore, #tpu.memory_space<semaphore_mem>>) src(%arg5 : memref<128x128xf32, #tpu.memory_space<hbm>>) dst(%arg9 : memref<128x128xf32, #tpu.memory_space<vmem>>)
      tpu.yield
    }) : () -> ()
    %mul3A_1 = arith.constant 640 : i32
    %mul3A_2 = arith.muli %arg1, %mul3A_1 : i32
    %add3A_3 = arith.constant 0 : i32
    %add3A_4 = arith.addi %mul3A_2, %add3A_3 : i32
    "tpu.region"() ({
      %run_scoped3A = tpu.sem_alloc : memref<!tpu.dma_semaphore, #tpu.memory_space<semaphore_mem>>
      %dma_start3A = arith.constant 0 : i32
      %dma_start3A_62 = tpu.memref_slice %arg10[%add3A_4, %dma_start3A] : memref<10240x128xf32, #tpu.memory_space<vmem_shared>> -> memref<128x128xf32, #tpu.memory_space<vmem_shared>>
      %dma_start3A_63 = arith.constant 0 : i32
      %dma_start3A_64 = tpu.memref_slice %arg10[%add3A_4, %dma_start3A_63] : memref<10240x128xf32, #tpu.memory_space<vmem_shared>> -> memref<128x128xf32, #tpu.memory_space<vmem_shared>>
      tpu.enqueue_dma source(%arg9 : memref<128x128xf32, #tpu.memory_space<vmem>>) target(%dma_start3A_64 : memref<128x128xf32, #tpu.memory_space<vmem_shared>>) target_semaphore(%run_scoped3A : memref<!tpu.dma_semaphore, #tpu.memory_space<semaphore_mem>>)
      %dma_wait3A = arith.constant 0 : i32
      %dma_wait3A_65 = tpu.memref_slice %arg10[%add3A_4, %dma_wait3A] : memref<10240x128xf32, #tpu.memory_space<vmem_shared>> -> memref<128x128xf32, #tpu.memory_space<vmem_shared>>
      %dma_wait3A_66 = arith.constant 0 : i32
      %dma_wait3A_67 = tpu.memref_slice %arg10[%add3A_4, %dma_wait3A_66] : memref<10240x128xf32, #tpu.memory_space<vmem_shared>> -> memref<128x128xf32, #tpu.memory_space<vmem_shared>>
      tpu.wait_dma2 semaphore(%run_scoped3A : memref<!tpu.dma_semaphore, #tpu.memory_space<semaphore_mem>>) src(%arg9 : memref<128x128xf32, #tpu.memory_space<vmem>>) dst(%dma_wait3A_67 : memref<128x128xf32, #tpu.memory_space<vmem_shared>>)
      tpu.yield
    }) : () -> ()
    %mul3A_5 = arith.constant 640 : i32
    %mul3A_6 = arith.muli %arg1, %mul3A_5 : i32
    %add3A_7 = arith.constant 128 : i32
    %add3A_8 = arith.addi %mul3A_6, %add3A_7 : i32
    "tpu.region"() ({
      %run_scoped3A = tpu.sem_alloc : memref<!tpu.dma_semaphore, #tpu.memory_space<semaphore_mem>>
      %dma_start3A = arith.constant 0 : i32
      %dma_start3A_62 = tpu.memref_slice %arg10[%add3A_8, %dma_start3A] : memref<10240x128xf32, #tpu.memory_space<vmem_shared>> -> memref<128x128xf32, #tpu.memory_space<vmem_shared>>
      %dma_start3A_63 = arith.constant 0 : i32
      %dma_start3A_64 = tpu.memref_slice %arg10[%add3A_8, %dma_start3A_63] : memref<10240x128xf32, #tpu.memory_space<vmem_shared>> -> memref<128x128xf32, #tpu.memory_space<vmem_shared>>
      tpu.enqueue_dma source(%arg9 : memref<128x128xf32, #tpu.memory_space<vmem>>) target(%dma_start3A_64 : memref<128x128xf32, #tpu.memory_space<vmem_shared>>) target_semaphore(%run_scoped3A : memref<!tpu.dma_semaphore, #tpu.memory_space<semaphore_mem>>)
      %dma_wait3A = arith.constant 0 : i32
      %dma_wait3A_65 = tpu.memref_slice %arg10[%add3A_8, %dma_wait3A] : memref<10240x128xf32, #tpu.memory_space<vmem_shared>> -> memref<128x128xf32, #tpu.memory_space<vmem_shared>>
      %dma_wait3A_66 = arith.constant 0 : i32
      %dma_wait3A_67 = tpu.memref_slice %arg10[%add3A_8, %dma_wait3A_66] : memref<10240x128xf32, #tpu.memory_space<vmem_shared>> -> memref<128x128xf32, #tpu.memory_space<vmem_shared>>
      tpu.wait_dma2 semaphore(%run_scoped3A : memref<!tpu.dma_semaphore, #tpu.memory_space<semaphore_mem>>) src(%arg9 : memref<128x128xf32, #tpu.memory_space<vmem>>) dst(%dma_wait3A_67 : memref<128x128xf32, #tpu.memory_space<vmem_shared>>)
      tpu.yield
    }) : () -> ()
    %mul3A_9 = arith.constant 640 : i32
    %mul3A_10 = arith.muli %arg1, %mul3A_9 : i32
    %add3A_11 = arith.constant 256 : i32
    %add3A_12 = arith.addi %mul3A_10, %add3A_11 : i32
    "tpu.region"() ({
      %run_scoped3A = tpu.sem_alloc : memref<!tpu.dma_semaphore, #tpu.memory_space<semaphore_mem>>
      %dma_start3A = arith.constant 0 : i32
      %dma_start3A_62 = tpu.memref_slice %arg10[%add3A_12, %dma_start3A] : memref<10240x128xf32, #tpu.memory_space<vmem_shared>> -> memref<128x128xf32, #tpu.memory_space<vmem_shared>>
      %dma_start3A_63 = arith.constant 0 : i32
      %dma_start3A_64 = tpu.memref_slice %arg10[%add3A_12, %dma_start3A_63] : memref<10240x128xf32, #tpu.memory_space<vmem_shared>> -> memref<128x128xf32, #tpu.memory_space<vmem_shared>>
      tpu.enqueue_dma source(%arg9 : memref<128x128xf32, #tpu.memory_space<vmem>>) target(%dma_start3A_64 : memref<128x128xf32, #tpu.memory_space<vmem_shared>>) target_semaphore(%run_scoped3A : memref<!tpu.dma_semaphore, #tpu.memory_space<semaphore_mem>>)
      %dma_wait3A = arith.constant 0 : i32
      %dma_wait3A_65 = tpu.memref_slice %arg10[%add3A_12, %dma_wait3A] : memref<10240x128xf32, #tpu.memory_space<vmem_shared>> -> memref<128x128xf32, #tpu.memory_space<vmem_shared>>
      %dma_wait3A_66 = arith.constant 0 : i32
      %dma_wait3A_67 = tpu.memref_slice %arg10[%add3A_12, %dma_wait3A_66] : memref<10240x128xf32, #tpu.memory_space<vmem_shared>> -> memref<128x128xf32, #tpu.memory_space<vmem_shared>>
      tpu.wait_dma2 semaphore(%run_scoped3A : memref<!tpu.dma_semaphore, #tpu.memory_space<semaphore_mem>>) src(%arg9 : memref<128x128xf32, #tpu.memory_space<vmem>>) dst(%dma_wait3A_67 : memref<128x128xf32, #tpu.memory_space<vmem_shared>>)
      tpu.yield
    }) : () -> ()
    %mul3A_13 = arith.constant 640 : i32
    %mul3A_14 = arith.muli %arg1, %mul3A_13 : i32
    %add3A_15 = arith.constant 384 : i32
    %add3A_16 = arith.addi %mul3A_14, %add3A_15 : i32
    "tpu.region"() ({
      %run_scoped3A = tpu.sem_alloc : memref<!tpu.dma_semaphore, #tpu.memory_space<semaphore_mem>>
      %dma_start3A = arith.constant 0 : i32
      %dma_start3A_62 = tpu.memref_slice %arg10[%add3A_16, %dma_start3A] : memref<10240x128xf32, #tpu.memory_space<vmem_shared>> -> memref<128x128xf32, #tpu.memory_space<vmem_shared>>
      %dma_start3A_63 = arith.constant 0 : i32
      %dma_start3A_64 = tpu.memref_slice %arg10[%add3A_16, %dma_start3A_63] : memref<10240x128xf32, #tpu.memory_space<vmem_shared>> -> memref<128x128xf32, #tpu.memory_space<vmem_shared>>
      tpu.enqueue_dma source(%arg9 : memref<128x128xf32, #tpu.memory_space<vmem>>) target(%dma_start3A_64 : memref<128x128xf32, #tpu.memory_space<vmem_shared>>) target_semaphore(%run_scoped3A : memref<!tpu.dma_semaphore, #tpu.memory_space<semaphore_mem>>)
      %dma_wait3A = arith.constant 0 : i32
      %dma_wait3A_65 = tpu.memref_slice %arg10[%add3A_16, %dma_wait3A] : memref<10240x128xf32, #tpu.memory_space<vmem_shared>> -> memref<128x128xf32, #tpu.memory_space<vmem_shared>>
      %dma_wait3A_66 = arith.constant 0 : i32
      %dma_wait3A_67 = tpu.memref_slice %arg10[%add3A_16, %dma_wait3A_66] : memref<10240x128xf32, #tpu.memory_space<vmem_shared>> -> memref<128x128xf32, #tpu.memory_space<vmem_shared>>
      tpu.wait_dma2 semaphore(%run_scoped3A : memref<!tpu.dma_semaphore, #tpu.memory_space<semaphore_mem>>) src(%arg9 : memref<128x128xf32, #tpu.memory_space<vmem>>) dst(%dma_wait3A_67 : memref<128x128xf32, #tpu.memory_space<vmem_shared>>)
      tpu.yield
    }) : () -> ()
    %mul3A_17 = arith.constant 640 : i32
    %mul3A_18 = arith.muli %arg1, %mul3A_17 : i32
    %add3A_19 = arith.constant 512 : i32
    %add3A_20 = arith.addi %mul3A_18, %add3A_19 : i32
    "tpu.region"() ({
      %run_scoped3A = tpu.sem_alloc : memref<!tpu.dma_semaphore, #tpu.memory_space<semaphore_mem>>
      %dma_start3A = arith.constant 0 : i32
      %dma_start3A_62 = tpu.memref_slice %arg10[%add3A_20, %dma_start3A] : memref<10240x128xf32, #tpu.memory_space<vmem_shared>> -> memref<128x128xf32, #tpu.memory_space<vmem_shared>>
      %dma_start3A_63 = arith.constant 0 : i32
      %dma_start3A_64 = tpu.memref_slice %arg10[%add3A_20, %dma_start3A_63] : memref<10240x128xf32, #tpu.memory_space<vmem_shared>> -> memref<128x128xf32, #tpu.memory_space<vmem_shared>>
      tpu.enqueue_dma source(%arg9 : memref<128x128xf32, #tpu.memory_space<vmem>>) target(%dma_start3A_64 : memref<128x128xf32, #tpu.memory_space<vmem_shared>>) target_semaphore(%run_scoped3A : memref<!tpu.dma_semaphore, #tpu.memory_space<semaphore_mem>>)
      %dma_wait3A = arith.constant 0 : i32
      %dma_wait3A_65 = tpu.memref_slice %arg10[%add3A_20, %dma_wait3A] : memref<10240x128xf32, #tpu.memory_space<vmem_shared>> -> memref<128x128xf32, #tpu.memory_space<vmem_shared>>
      %dma_wait3A_66 = arith.constant 0 : i32
      %dma_wait3A_67 = tpu.memref_slice %arg10[%add3A_20, %dma_wait3A_66] : memref<10240x128xf32, #tpu.memory_space<vmem_shared>> -> memref<128x128xf32, #tpu.memory_space<vmem_shared>>
      tpu.wait_dma2 semaphore(%run_scoped3A : memref<!tpu.dma_semaphore, #tpu.memory_space<semaphore_mem>>) src(%arg9 : memref<128x128xf32, #tpu.memory_space<vmem>>) dst(%dma_wait3A_67 : memref<128x128xf32, #tpu.memory_space<vmem_shared>>)
      tpu.yield
    }) : () -> ()
    %barrier3A = arith.constant 0 : index
    tpu.barrier barrier_id(%barrier3A)
    %scan3A = arith.constant 0 : i32
    %scan3A_21 = arith.constant 0 : i32
    %scan3A_22 = arith.constant 80 : i32
    %scan3A_23 = arith.addi %scan3A_21, %scan3A_22 : i32
    %scan3A_24 = arith.constant 1 : i32
    scf.for %scan3A_62 = %scan3A_21 to %scan3A_23 step %scan3A_24  : i32 {
      %dma_start3A = arith.constant 0 : i32
      %dma_start3A_63 = tpu.memref_slice %arg7[%scan3A_62, %dma_start3A] : memref<80x128xi32, #tpu.memory_space<vmem>> -> memref<1x128xi32, #tpu.memory_space<vmem>>
      %dma_start3A_64 = tpu.memref_squeeze %dma_start3A_63 : memref<1x128xi32, #tpu.memory_space<vmem>> -> memref<128xi32, #tpu.memory_space<vmem>>
      %dma_start3A_65 = arith.constant 0 : i32
      %dma_start3A_66 = arith.constant 0 : i32
      %dma_start3A_67 = tpu.memref_slice %arg2[%dma_start3A_65, %dma_start3A_66] : memref<20480x128xf32, #tpu.memory_space<hbm>> -> memref<20480x128xf32, #tpu.memory_space<hbm>>
      tpu.enqueue_indirect_dma source(%dma_start3A_67 : memref<20480x128xf32, #tpu.memory_space<hbm>>) target(%arg9 : memref<128x128xf32, #tpu.memory_space<vmem>>) offsets(%dma_start3A_64 : memref<128xi32, #tpu.memory_space<vmem>>) semaphore(%arg11 : memref<!tpu.dma_semaphore, #tpu.memory_space<semaphore_mem>>)
      %dma_wait3A = arith.constant 0 : i32
      %dma_wait3A_68 = tpu.memref_slice %arg7[%scan3A_62, %dma_wait3A] : memref<80x128xi32, #tpu.memory_space<vmem>> -> memref<1x128xi32, #tpu.memory_space<vmem>>
      %dma_wait3A_69 = tpu.memref_squeeze %dma_wait3A_68 : memref<1x128xi32, #tpu.memory_space<vmem>> -> memref<128xi32, #tpu.memory_space<vmem>>
      %dma_wait3A_70 = arith.constant 0 : i32
      %dma_wait3A_71 = arith.constant 0 : i32
      %dma_wait3A_72 = tpu.memref_slice %arg2[%dma_wait3A_70, %dma_wait3A_71] : memref<20480x128xf32, #tpu.memory_space<hbm>> -> memref<20480x128xf32, #tpu.memory_space<hbm>>
      tpu.wait_indirect_dma semaphore(%arg11 : memref<!tpu.dma_semaphore, #tpu.memory_space<semaphore_mem>>) src(%dma_wait3A_72 : memref<20480x128xf32, #tpu.memory_space<hbm>>) dst(%arg9 : memref<128x128xf32, #tpu.memory_space<vmem>>)
      "tpu.region"() ({
        %run_scoped3A = tpu.sem_alloc : memref<!tpu.dma_semaphore, #tpu.memory_space<semaphore_mem>>
        %dma_start3A_73 = arith.constant 0 : i32
        %dma_start3A_74 = tpu.memref_slice %arg8[%scan3A_62, %dma_start3A_73] : memref<80x128xi32, #tpu.memory_space<vmem>> -> memref<1x128xi32, #tpu.memory_space<vmem>>
        %dma_start3A_75 = tpu.memref_squeeze %dma_start3A_74 : memref<1x128xi32, #tpu.memory_space<vmem>> -> memref<128xi32, #tpu.memory_space<vmem>>
        %dma_start3A_76 = arith.constant 0 : i32
        %dma_start3A_77 = arith.constant 0 : i32
        %dma_start3A_78 = tpu.memref_slice %arg10[%dma_start3A_76, %dma_start3A_77] : memref<10240x128xf32, #tpu.memory_space<vmem_shared>> -> memref<10240x128xf32, #tpu.memory_space<vmem_shared>>
        tpu.enqueue_indirect_dma source(%arg9 : memref<128x128xf32, #tpu.memory_space<vmem>>) target(%dma_start3A_78 : memref<10240x128xf32, #tpu.memory_space<vmem_shared>>) offsets(%dma_start3A_75 : memref<128xi32, #tpu.memory_space<vmem>>) semaphore(%run_scoped3A : memref<!tpu.dma_semaphore, #tpu.memory_space<semaphore_mem>>) {add = true}
        %dma_wait3A_79 = arith.constant 0 : i32
        %dma_wait3A_80 = tpu.memref_slice %arg8[%scan3A_62, %dma_wait3A_79] : memref<80x128xi32, #tpu.memory_space<vmem>> -> memref<1x128xi32, #tpu.memory_space<vmem>>
        %dma_wait3A_81 = tpu.memref_squeeze %dma_wait3A_80 : memref<1x128xi32, #tpu.memory_space<vmem>> -> memref<128xi32, #tpu.memory_space<vmem>>
        %dma_wait3A_82 = arith.constant 0 : i32
        %dma_wait3A_83 = arith.constant 0 : i32
        %dma_wait3A_84 = tpu.memref_slice %arg10[%dma_wait3A_82, %dma_wait3A_83] : memref<10240x128xf32, #tpu.memory_space<vmem_shared>> -> memref<10240x128xf32, #tpu.memory_space<vmem_shared>>
        tpu.wait_indirect_dma semaphore(%run_scoped3A : memref<!tpu.dma_semaphore, #tpu.memory_space<semaphore_mem>>) src(%arg9 : memref<128x128xf32, #tpu.memory_space<vmem>>) dst(%dma_wait3A_84 : memref<10240x128xf32, #tpu.memory_space<vmem_shared>>)
        tpu.yield
      }) : () -> ()
    }
    %scan3A_25 = arith.constant 80 : i32
    %barrier3A_26 = arith.constant 0 : index
    tpu.barrier barrier_id(%barrier3A_26)
    %mul3A_27 = arith.constant 10240 : i32
    %mul3A_28 = arith.muli %arg0, %mul3A_27 : i32
    %mul3A_29 = arith.constant 640 : i32
    %mul3A_30 = arith.muli %arg1, %mul3A_29 : i32
    %add3A_31 = arith.addi %mul3A_28, %mul3A_30 : i32
    %mul3A_32 = arith.constant 640 : i32
    %mul3A_33 = arith.muli %arg1, %mul3A_32 : i32
    %add3A_34 = arith.constant 0 : i32
    %add3A_35 = arith.addi %mul3A_33, %add3A_34 : i32
    "tpu.region"() ({
      %run_scoped3A = tpu.sem_alloc : memref<!tpu.dma_semaphore, #tpu.memory_space<semaphore_mem>>
      %dma_start3A = arith.constant 0 : i32
      %dma_start3A_62 = tpu.memref_slice %arg10[%add3A_35, %dma_start3A] : memref<10240x128xf32, #tpu.memory_space<vmem_shared>> -> memref<128x128xf32, #tpu.memory_space<vmem_shared>>
      %dma_start3A_63 = arith.constant 0 : i32
      %dma_start3A_64 = tpu.memref_slice %arg10[%add3A_35, %dma_start3A_63] : memref<10240x128xf32, #tpu.memory_space<vmem_shared>> -> memref<128x128xf32, #tpu.memory_space<vmem_shared>>
      tpu.enqueue_dma source(%dma_start3A_64 : memref<128x128xf32, #tpu.memory_space<vmem_shared>>) target(%arg9 : memref<128x128xf32, #tpu.memory_space<vmem>>) target_semaphore(%run_scoped3A : memref<!tpu.dma_semaphore, #tpu.memory_space<semaphore_mem>>)
      %dma_wait3A = arith.constant 0 : i32
      %dma_wait3A_65 = tpu.memref_slice %arg10[%add3A_35, %dma_wait3A] : memref<10240x128xf32, #tpu.memory_space<vmem_shared>> -> memref<128x128xf32, #tpu.memory_space<vmem_shared>>
      %dma_wait3A_66 = arith.constant 0 : i32
      %dma_wait3A_67 = tpu.memref_slice %arg10[%add3A_35, %dma_wait3A_66] : memref<10240x128xf32, #tpu.memory_space<vmem_shared>> -> memref<128x128xf32, #tpu.memory_space<vmem_shared>>
      tpu.wait_dma2 semaphore(%run_scoped3A : memref<!tpu.dma_semaphore, #tpu.memory_space<semaphore_mem>>) src(%dma_wait3A_67 : memref<128x128xf32, #tpu.memory_space<vmem_shared>>) dst(%arg9 : memref<128x128xf32, #tpu.memory_space<vmem>>)
      tpu.yield
    }) : () -> ()
    %add3A_36 = arith.constant 0 : i32
    %add3A_37 = arith.addi %add3A_31, %add3A_36 : i32
    "tpu.region"() ({
      %run_scoped3A = tpu.sem_alloc : memref<!tpu.dma_semaphore, #tpu.memory_space<semaphore_mem>>
      %dma_start3A = arith.constant 0 : i32
      %dma_start3A_62 = tpu.memref_slice %arg6[%add3A_37, %dma_start3A] : memref<20480x128xf32, #tpu.memory_space<hbm>> -> memref<128x128xf32, #tpu.memory_space<hbm>>
      %dma_start3A_63 = arith.constant 0 : i32
      %dma_start3A_64 = tpu.memref_slice %arg6[%add3A_37, %dma_start3A_63] : memref<20480x128xf32, #tpu.memory_space<hbm>> -> memref<128x128xf32, #tpu.memory_space<hbm>>
      tpu.enqueue_dma source(%arg9 : memref<128x128xf32, #tpu.memory_space<vmem>>) target(%dma_start3A_64 : memref<128x128xf32, #tpu.memory_space<hbm>>) target_semaphore(%run_scoped3A : memref<!tpu.dma_semaphore, #tpu.memory_space<semaphore_mem>>)
      %dma_wait3A = arith.constant 0 : i32
      %dma_wait3A_65 = tpu.memref_slice %arg6[%add3A_37, %dma_wait3A] : memref<20480x128xf32, #tpu.memory_space<hbm>> -> memref<128x128xf32, #tpu.memory_space<hbm>>
      %dma_wait3A_66 = arith.constant 0 : i32
      %dma_wait3A_67 = tpu.memref_slice %arg6[%add3A_37, %dma_wait3A_66] : memref<20480x128xf32, #tpu.memory_space<hbm>> -> memref<128x128xf32, #tpu.memory_space<hbm>>
      tpu.wait_dma2 semaphore(%run_scoped3A : memref<!tpu.dma_semaphore, #tpu.memory_space<semaphore_mem>>) src(%arg9 : memref<128x128xf32, #tpu.memory_space<vmem>>) dst(%dma_wait3A_67 : memref<128x128xf32, #tpu.memory_space<hbm>>)
      tpu.yield
    }) : () -> ()
    %mul3A_38 = arith.constant 640 : i32
    %mul3A_39 = arith.muli %arg1, %mul3A_38 : i32
    %add3A_40 = arith.constant 128 : i32
    %add3A_41 = arith.addi %mul3A_39, %add3A_40 : i32
    "tpu.region"() ({
      %run_scoped3A = tpu.sem_alloc : memref<!tpu.dma_semaphore, #tpu.memory_space<semaphore_mem>>
      %dma_start3A = arith.constant 0 : i32
      %dma_start3A_62 = tpu.memref_slice %arg10[%add3A_41, %dma_start3A] : memref<10240x128xf32, #tpu.memory_space<vmem_shared>> -> memref<128x128xf32, #tpu.memory_space<vmem_shared>>
      %dma_start3A_63 = arith.constant 0 : i32
      %dma_start3A_64 = tpu.memref_slice %arg10[%add3A_41, %dma_start3A_63] : memref<10240x128xf32, #tpu.memory_space<vmem_shared>> -> memref<128x128xf32, #tpu.memory_space<vmem_shared>>
      tpu.enqueue_dma source(%dma_start3A_64 : memref<128x128xf32, #tpu.memory_space<vmem_shared>>) target(%arg9 : memref<128x128xf32, #tpu.memory_space<vmem>>) target_semaphore(%run_scoped3A : memref<!tpu.dma_semaphore, #tpu.memory_space<semaphore_mem>>)
      %dma_wait3A = arith.constant 0 : i32
      %dma_wait3A_65 = tpu.memref_slice %arg10[%add3A_41, %dma_wait3A] : memref<10240x128xf32, #tpu.memory_space<vmem_shared>> -> memref<128x128xf32, #tpu.memory_space<vmem_shared>>
      %dma_wait3A_66 = arith.constant 0 : i32
      %dma_wait3A_67 = tpu.memref_slice %arg10[%add3A_41, %dma_wait3A_66] : memref<10240x128xf32, #tpu.memory_space<vmem_shared>> -> memref<128x128xf32, #tpu.memory_space<vmem_shared>>
      tpu.wait_dma2 semaphore(%run_scoped3A : memref<!tpu.dma_semaphore, #tpu.memory_space<semaphore_mem>>) src(%dma_wait3A_67 : memref<128x128xf32, #tpu.memory_space<vmem_shared>>) dst(%arg9 : memref<128x128xf32, #tpu.memory_space<vmem>>)
      tpu.yield
    }) : () -> ()
    %add3A_42 = arith.constant 128 : i32
    %add3A_43 = arith.addi %add3A_31, %add3A_42 : i32
    "tpu.region"() ({
      %run_scoped3A = tpu.sem_alloc : memref<!tpu.dma_semaphore, #tpu.memory_space<semaphore_mem>>
      %dma_start3A = arith.constant 0 : i32
      %dma_start3A_62 = tpu.memref_slice %arg6[%add3A_43, %dma_start3A] : memref<20480x128xf32, #tpu.memory_space<hbm>> -> memref<128x128xf32, #tpu.memory_space<hbm>>
      %dma_start3A_63 = arith.constant 0 : i32
      %dma_start3A_64 = tpu.memref_slice %arg6[%add3A_43, %dma_start3A_63] : memref<20480x128xf32, #tpu.memory_space<hbm>> -> memref<128x128xf32, #tpu.memory_space<hbm>>
      tpu.enqueue_dma source(%arg9 : memref<128x128xf32, #tpu.memory_space<vmem>>) target(%dma_start3A_64 : memref<128x128xf32, #tpu.memory_space<hbm>>) target_semaphore(%run_scoped3A : memref<!tpu.dma_semaphore, #tpu.memory_space<semaphore_mem>>)
      %dma_wait3A = arith.constant 0 : i32
      %dma_wait3A_65 = tpu.memref_slice %arg6[%add3A_43, %dma_wait3A] : memref<20480x128xf32, #tpu.memory_space<hbm>> -> memref<128x128xf32, #tpu.memory_space<hbm>>
      %dma_wait3A_66 = arith.constant 0 : i32
      %dma_wait3A_67 = tpu.memref_slice %arg6[%add3A_43, %dma_wait3A_66] : memref<20480x128xf32, #tpu.memory_space<hbm>> -> memref<128x128xf32, #tpu.memory_space<hbm>>
      tpu.wait_dma2 semaphore(%run_scoped3A : memref<!tpu.dma_semaphore, #tpu.memory_space<semaphore_mem>>) src(%arg9 : memref<128x128xf32, #tpu.memory_space<vmem>>) dst(%dma_wait3A_67 : memref<128x128xf32, #tpu.memory_space<hbm>>)
      tpu.yield
    }) : () -> ()
    %mul3A_44 = arith.constant 640 : i32
    %mul3A_45 = arith.muli %arg1, %mul3A_44 : i32
    %add3A_46 = arith.constant 256 : i32
    %add3A_47 = arith.addi %mul3A_45, %add3A_46 : i32
    "tpu.region"() ({
      %run_scoped3A = tpu.sem_alloc : memref<!tpu.dma_semaphore, #tpu.memory_space<semaphore_mem>>
      %dma_start3A = arith.constant 0 : i32
      %dma_start3A_62 = tpu.memref_slice %arg10[%add3A_47, %dma_start3A] : memref<10240x128xf32, #tpu.memory_space<vmem_shared>> -> memref<128x128xf32, #tpu.memory_space<vmem_shared>>
      %dma_start3A_63 = arith.constant 0 : i32
      %dma_start3A_64 = tpu.memref_slice %arg10[%add3A_47, %dma_start3A_63] : memref<10240x128xf32, #tpu.memory_space<vmem_shared>> -> memref<128x128xf32, #tpu.memory_space<vmem_shared>>
      tpu.enqueue_dma source(%dma_start3A_64 : memref<128x128xf32, #tpu.memory_space<vmem_shared>>) target(%arg9 : memref<128x128xf32, #tpu.memory_space<vmem>>) target_semaphore(%run_scoped3A : memref<!tpu.dma_semaphore, #tpu.memory_space<semaphore_mem>>)
      %dma_wait3A = arith.constant 0 : i32
      %dma_wait3A_65 = tpu.memref_slice %arg10[%add3A_47, %dma_wait3A] : memref<10240x128xf32, #tpu.memory_space<vmem_shared>> -> memref<128x128xf32, #tpu.memory_space<vmem_shared>>
      %dma_wait3A_66 = arith.constant 0 : i32
      %dma_wait3A_67 = tpu.memref_slice %arg10[%add3A_47, %dma_wait3A_66] : memref<10240x128xf32, #tpu.memory_space<vmem_shared>> -> memref<128x128xf32, #tpu.memory_space<vmem_shared>>
      tpu.wait_dma2 semaphore(%run_scoped3A : memref<!tpu.dma_semaphore, #tpu.memory_space<semaphore_mem>>) src(%dma_wait3A_67 : memref<128x128xf32, #tpu.memory_space<vmem_shared>>) dst(%arg9 : memref<128x128xf32, #tpu.memory_space<vmem>>)
      tpu.yield
    }) : () -> ()
    %add3A_48 = arith.constant 256 : i32
    %add3A_49 = arith.addi %add3A_31, %add3A_48 : i32
    "tpu.region"() ({
      %run_scoped3A = tpu.sem_alloc : memref<!tpu.dma_semaphore, #tpu.memory_space<semaphore_mem>>
      %dma_start3A = arith.constant 0 : i32
      %dma_start3A_62 = tpu.memref_slice %arg6[%add3A_49, %dma_start3A] : memref<20480x128xf32, #tpu.memory_space<hbm>> -> memref<128x128xf32, #tpu.memory_space<hbm>>
      %dma_start3A_63 = arith.constant 0 : i32
      %dma_start3A_64 = tpu.memref_slice %arg6[%add3A_49, %dma_start3A_63] : memref<20480x128xf32, #tpu.memory_space<hbm>> -> memref<128x128xf32, #tpu.memory_space<hbm>>
      tpu.enqueue_dma source(%arg9 : memref<128x128xf32, #tpu.memory_space<vmem>>) target(%dma_start3A_64 : memref<128x128xf32, #tpu.memory_space<hbm>>) target_semaphore(%run_scoped3A : memref<!tpu.dma_semaphore, #tpu.memory_space<semaphore_mem>>)
      %dma_wait3A = arith.constant 0 : i32
      %dma_wait3A_65 = tpu.memref_slice %arg6[%add3A_49, %dma_wait3A] : memref<20480x128xf32, #tpu.memory_space<hbm>> -> memref<128x128xf32, #tpu.memory_space<hbm>>
      %dma_wait3A_66 = arith.constant 0 : i32
      %dma_wait3A_67 = tpu.memref_slice %arg6[%add3A_49, %dma_wait3A_66] : memref<20480x128xf32, #tpu.memory_space<hbm>> -> memref<128x128xf32, #tpu.memory_space<hbm>>
      tpu.wait_dma2 semaphore(%run_scoped3A : memref<!tpu.dma_semaphore, #tpu.memory_space<semaphore_mem>>) src(%arg9 : memref<128x128xf32, #tpu.memory_space<vmem>>) dst(%dma_wait3A_67 : memref<128x128xf32, #tpu.memory_space<hbm>>)
      tpu.yield
    }) : () -> ()
    %mul3A_50 = arith.constant 640 : i32
    %mul3A_51 = arith.muli %arg1, %mul3A_50 : i32
    %add3A_52 = arith.constant 384 : i32
    %add3A_53 = arith.addi %mul3A_51, %add3A_52 : i32
    "tpu.region"() ({
      %run_scoped3A = tpu.sem_alloc : memref<!tpu.dma_semaphore, #tpu.memory_space<semaphore_mem>>
      %dma_start3A = arith.constant 0 : i32
      %dma_start3A_62 = tpu.memref_slice %arg10[%add3A_53, %dma_start3A] : memref<10240x128xf32, #tpu.memory_space<vmem_shared>> -> memref<128x128xf32, #tpu.memory_space<vmem_shared>>
      %dma_start3A_63 = arith.constant 0 : i32
      %dma_start3A_64 = tpu.memref_slice %arg10[%add3A_53, %dma_start3A_63] : memref<10240x128xf32, #tpu.memory_space<vmem_shared>> -> memref<128x128xf32, #tpu.memory_space<vmem_shared>>
      tpu.enqueue_dma source(%dma_start3A_64 : memref<128x128xf32, #tpu.memory_space<vmem_shared>>) target(%arg9 : memref<128x128xf32, #tpu.memory_space<vmem>>) target_semaphore(%run_scoped3A : memref<!tpu.dma_semaphore, #tpu.memory_space<semaphore_mem>>)
      %dma_wait3A = arith.constant 0 : i32
      %dma_wait3A_65 = tpu.memref_slice %arg10[%add3A_53, %dma_wait3A] : memref<10240x128xf32, #tpu.memory_space<vmem_shared>> -> memref<128x128xf32, #tpu.memory_space<vmem_shared>>
      %dma_wait3A_66 = arith.constant 0 : i32
      %dma_wait3A_67 = tpu.memref_slice %arg10[%add3A_53, %dma_wait3A_66] : memref<10240x128xf32, #tpu.memory_space<vmem_shared>> -> memref<128x128xf32, #tpu.memory_space<vmem_shared>>
      tpu.wait_dma2 semaphore(%run_scoped3A : memref<!tpu.dma_semaphore, #tpu.memory_space<semaphore_mem>>) src(%dma_wait3A_67 : memref<128x128xf32, #tpu.memory_space<vmem_shared>>) dst(%arg9 : memref<128x128xf32, #tpu.memory_space<vmem>>)
      tpu.yield
    }) : () -> ()
    %add3A_54 = arith.constant 384 : i32
    %add3A_55 = arith.addi %add3A_31, %add3A_54 : i32
    "tpu.region"() ({
      %run_scoped3A = tpu.sem_alloc : memref<!tpu.dma_semaphore, #tpu.memory_space<semaphore_mem>>
      %dma_start3A = arith.constant 0 : i32
      %dma_start3A_62 = tpu.memref_slice %arg6[%add3A_55, %dma_start3A] : memref<20480x128xf32, #tpu.memory_space<hbm>> -> memref<128x128xf32, #tpu.memory_space<hbm>>
      %dma_start3A_63 = arith.constant 0 : i32
      %dma_start3A_64 = tpu.memref_slice %arg6[%add3A_55, %dma_start3A_63] : memref<20480x128xf32, #tpu.memory_space<hbm>> -> memref<128x128xf32, #tpu.memory_space<hbm>>
      tpu.enqueue_dma source(%arg9 : memref<128x128xf32, #tpu.memory_space<vmem>>) target(%dma_start3A_64 : memref<128x128xf32, #tpu.memory_space<hbm>>) target_semaphore(%run_scoped3A : memref<!tpu.dma_semaphore, #tpu.memory_space<semaphore_mem>>)
      %dma_wait3A = arith.constant 0 : i32
      %dma_wait3A_65 = tpu.memref_slice %arg6[%add3A_55, %dma_wait3A] : memref<20480x128xf32, #tpu.memory_space<hbm>> -> memref<128x128xf32, #tpu.memory_space<hbm>>
      %dma_wait3A_66 = arith.constant 0 : i32
      %dma_wait3A_67 = tpu.memref_slice %arg6[%add3A_55, %dma_wait3A_66] : memref<20480x128xf32, #tpu.memory_space<hbm>> -> memref<128x128xf32, #tpu.memory_space<hbm>>
      tpu.wait_dma2 semaphore(%run_scoped3A : memref<!tpu.dma_semaphore, #tpu.memory_space<semaphore_mem>>) src(%arg9 : memref<128x128xf32, #tpu.memory_space<vmem>>) dst(%dma_wait3A_67 : memref<128x128xf32, #tpu.memory_space<hbm>>)
      tpu.yield
    }) : () -> ()
    %mul3A_56 = arith.constant 640 : i32
    %mul3A_57 = arith.muli %arg1, %mul3A_56 : i32
    %add3A_58 = arith.constant 512 : i32
    %add3A_59 = arith.addi %mul3A_57, %add3A_58 : i32
    "tpu.region"() ({
      %run_scoped3A = tpu.sem_alloc : memref<!tpu.dma_semaphore, #tpu.memory_space<semaphore_mem>>
      %dma_start3A = arith.constant 0 : i32
      %dma_start3A_62 = tpu.memref_slice %arg10[%add3A_59, %dma_start3A] : memref<10240x128xf32, #tpu.memory_space<vmem_shared>> -> memref<128x128xf32, #tpu.memory_space<vmem_shared>>
      %dma_start3A_63 = arith.constant 0 : i32
      %dma_start3A_64 = tpu.memref_slice %arg10[%add3A_59, %dma_start3A_63] : memref<10240x128xf32, #tpu.memory_space<vmem_shared>> -> memref<128x128xf32, #tpu.memory_space<vmem_shared>>
      tpu.enqueue_dma source(%dma_start3A_64 : memref<128x128xf32, #tpu.memory_space<vmem_shared>>) target(%arg9 : memref<128x128xf32, #tpu.memory_space<vmem>>) target_semaphore(%run_scoped3A : memref<!tpu.dma_semaphore, #tpu.memory_space<semaphore_mem>>)
      %dma_wait3A = arith.constant 0 : i32
      %dma_wait3A_65 = tpu.memref_slice %arg10[%add3A_59, %dma_wait3A] : memref<10240x128xf32, #tpu.memory_space<vmem_shared>> -> memref<128x128xf32, #tpu.memory_space<vmem_shared>>
      %dma_wait3A_66 = arith.constant 0 : i32
      %dma_wait3A_67 = tpu.memref_slice %arg10[%add3A_59, %dma_wait3A_66] : memref<10240x128xf32, #tpu.memory_space<vmem_shared>> -> memref<128x128xf32, #tpu.memory_space<vmem_shared>>
      tpu.wait_dma2 semaphore(%run_scoped3A : memref<!tpu.dma_semaphore, #tpu.memory_space<semaphore_mem>>) src(%dma_wait3A_67 : memref<128x128xf32, #tpu.memory_space<vmem_shared>>) dst(%arg9 : memref<128x128xf32, #tpu.memory_space<vmem>>)
      tpu.yield
    }) : () -> ()
    %add3A_60 = arith.constant 512 : i32
    %add3A_61 = arith.addi %add3A_31, %add3A_60 : i32
    "tpu.region"() ({
      %run_scoped3A = tpu.sem_alloc : memref<!tpu.dma_semaphore, #tpu.memory_space<semaphore_mem>>
      %dma_start3A = arith.constant 0 : i32
      %dma_start3A_62 = tpu.memref_slice %arg6[%add3A_61, %dma_start3A] : memref<20480x128xf32, #tpu.memory_space<hbm>> -> memref<128x128xf32, #tpu.memory_space<hbm>>
      %dma_start3A_63 = arith.constant 0 : i32
      %dma_start3A_64 = tpu.memref_slice %arg6[%add3A_61, %dma_start3A_63] : memref<20480x128xf32, #tpu.memory_space<hbm>> -> memref<128x128xf32, #tpu.memory_space<hbm>>
      tpu.enqueue_dma source(%arg9 : memref<128x128xf32, #tpu.memory_space<vmem>>) target(%dma_start3A_64 : memref<128x128xf32, #tpu.memory_space<hbm>>) target_semaphore(%run_scoped3A : memref<!tpu.dma_semaphore, #tpu.memory_space<semaphore_mem>>)
      %dma_wait3A = arith.constant 0 : i32
      %dma_wait3A_65 = tpu.memref_slice %arg6[%add3A_61, %dma_wait3A] : memref<20480x128xf32, #tpu.memory_space<hbm>> -> memref<128x128xf32, #tpu.memory_space<hbm>>
      %dma_wait3A_66 = arith.constant 0 : i32
      %dma_wait3A_67 = tpu.memref_slice %arg6[%add3A_61, %dma_wait3A_66] : memref<20480x128xf32, #tpu.memory_space<hbm>> -> memref<128x128xf32, #tpu.memory_space<hbm>>
      tpu.wait_dma2 semaphore(%run_scoped3A : memref<!tpu.dma_semaphore, #tpu.memory_space<semaphore_mem>>) src(%arg9 : memref<128x128xf32, #tpu.memory_space<vmem>>) dst(%dma_wait3A_67 : memref<128x128xf32, #tpu.memory_space<hbm>>)
      tpu.yield
    }) : () -> ()
    return
  }
}

#map = affine_map<(d0, d1) -> (0, 0)>
#map1 = affine_map<(d0, d1) -> (0, 0, 0)>
module attributes {stable_mosaic.version = 14 : i64} {
  func.func @_gather_sc(%arg0: i32, %arg1: i32, %arg2: memref<20480x128xf32, #tpu.memory_space<hbm>>, %arg3: memref<32x4x128xi32, #tpu.memory_space<hbm>>, %arg4: memref<16384x128xf32, #tpu.memory_space<hbm>>, %arg5: memref<4x128xi32, #tpu.memory_space<vmem>>, %arg6: memref<512x128xf32, #tpu.memory_space<vmem>>, %arg7: memref<!tpu.dma_semaphore, #tpu.memory_space<semaphore_mem>>, %arg8: memref<!tpu.dma_semaphore, #tpu.memory_space<semaphore_mem>>, %arg9: memref<!tpu.dma_semaphore, #tpu.memory_space<semaphore_mem>>, %arg10: memref<!tpu.dma_semaphore, #tpu.memory_space<semaphore_mem>>) attributes {dimension_semantics = [#tpu.dimension_semantics<core_parallel>, #tpu.dimension_semantics<subcore_parallel>], iteration_bounds = array<i64: 2, 16>, scalar_prefetch = 0 : i64, scratch_operands = 6 : i64, tpu.core_type = #tpu.core_type<sc_vector_subcore>, window_params = [{transform_indices = #map}, {transform_indices = #map1}, {transform_indices = #map}]} {
    %mul3A = arith.constant 16 : i32
    %mul3A_0 = arith.muli %arg0, %mul3A : i32
    %add3A = arith.addi %mul3A_0, %arg1 : i32
    "tpu.region"() ({
      %run_scoped3A = tpu.sem_alloc : memref<!tpu.dma_semaphore, #tpu.memory_space<semaphore_mem>>
      %dma_start3A_84 = arith.constant 0 : i32
      %dma_start3A_85 = arith.constant 0 : i32
      %dma_start3A_86 = tpu.memref_slice %arg3[%add3A, %dma_start3A_84, %dma_start3A_85] : memref<32x4x128xi32, #tpu.memory_space<hbm>> -> memref<1x4x128xi32, #tpu.memory_space<hbm>>
      %dma_start3A_87 = tpu.memref_squeeze %dma_start3A_86 : memref<1x4x128xi32, #tpu.memory_space<hbm>> -> memref<4x128xi32, #tpu.memory_space<hbm>>
      %dma_start3A_88 = arith.constant 0 : i32
      %dma_start3A_89 = arith.constant 0 : i32
      %dma_start3A_90 = tpu.memref_slice %arg3[%add3A, %dma_start3A_88, %dma_start3A_89] : memref<32x4x128xi32, #tpu.memory_space<hbm>> -> memref<1x4x128xi32, #tpu.memory_space<hbm>>
      %dma_start3A_91 = tpu.memref_squeeze %dma_start3A_90 : memref<1x4x128xi32, #tpu.memory_space<hbm>> -> memref<4x128xi32, #tpu.memory_space<hbm>>
      tpu.enqueue_dma source(%dma_start3A_91 : memref<4x128xi32, #tpu.memory_space<hbm>>) target(%arg5 : memref<4x128xi32, #tpu.memory_space<vmem>>) target_semaphore(%run_scoped3A : memref<!tpu.dma_semaphore, #tpu.memory_space<semaphore_mem>>)
      %dma_wait3A_92 = arith.constant 0 : i32
      %dma_wait3A_93 = arith.constant 0 : i32
      %dma_wait3A_94 = tpu.memref_slice %arg3[%add3A, %dma_wait3A_92, %dma_wait3A_93] : memref<32x4x128xi32, #tpu.memory_space<hbm>> -> memref<1x4x128xi32, #tpu.memory_space<hbm>>
      %dma_wait3A_95 = tpu.memref_squeeze %dma_wait3A_94 : memref<1x4x128xi32, #tpu.memory_space<hbm>> -> memref<4x128xi32, #tpu.memory_space<hbm>>
      %dma_wait3A_96 = arith.constant 0 : i32
      %dma_wait3A_97 = arith.constant 0 : i32
      %dma_wait3A_98 = tpu.memref_slice %arg3[%add3A, %dma_wait3A_96, %dma_wait3A_97] : memref<32x4x128xi32, #tpu.memory_space<hbm>> -> memref<1x4x128xi32, #tpu.memory_space<hbm>>
      %dma_wait3A_99 = tpu.memref_squeeze %dma_wait3A_98 : memref<1x4x128xi32, #tpu.memory_space<hbm>> -> memref<4x128xi32, #tpu.memory_space<hbm>>
      tpu.wait_dma2 semaphore(%run_scoped3A : memref<!tpu.dma_semaphore, #tpu.memory_space<semaphore_mem>>) src(%dma_wait3A_99 : memref<4x128xi32, #tpu.memory_space<hbm>>) dst(%arg5 : memref<4x128xi32, #tpu.memory_space<vmem>>)
      tpu.yield
    }) : () -> ()
    %mul3A_1 = arith.constant 8192 : i32
    %mul3A_2 = arith.muli %arg0, %mul3A_1 : i32
    %mul3A_3 = arith.constant 512 : i32
    %mul3A_4 = arith.muli %arg1, %mul3A_3 : i32
    %add3A_5 = arith.addi %mul3A_2, %mul3A_4 : i32
    %dma_start3A = arith.constant 0 : i32
    %dma_start3A_6 = arith.constant 0 : i32
    %dma_start3A_7 = arith.constant 0 : i32
    %dma_start3A_8 = tpu.memref_slice %arg6[%dma_start3A_6, %dma_start3A_7] : memref<512x128xf32, #tpu.memory_space<vmem>> -> memref<128x128xf32, #tpu.memory_space<vmem>>
    %dma_start3A_9 = arith.constant 0 : i32
    %dma_start3A_10 = tpu.memref_slice %arg5[%dma_start3A, %dma_start3A_9] : memref<4x128xi32, #tpu.memory_space<vmem>> -> memref<1x128xi32, #tpu.memory_space<vmem>>
    %dma_start3A_11 = tpu.memref_squeeze %dma_start3A_10 : memref<1x128xi32, #tpu.memory_space<vmem>> -> memref<128xi32, #tpu.memory_space<vmem>>
    %dma_start3A_12 = arith.constant 0 : i32
    %dma_start3A_13 = arith.constant 0 : i32
    %dma_start3A_14 = tpu.memref_slice %arg2[%dma_start3A_12, %dma_start3A_13] : memref<20480x128xf32, #tpu.memory_space<hbm>> -> memref<20480x128xf32, #tpu.memory_space<hbm>>
    tpu.enqueue_indirect_dma source(%dma_start3A_14 : memref<20480x128xf32, #tpu.memory_space<hbm>>) target(%dma_start3A_8 : memref<128x128xf32, #tpu.memory_space<vmem>>) offsets(%dma_start3A_11 : memref<128xi32, #tpu.memory_space<vmem>>) semaphore(%arg7 : memref<!tpu.dma_semaphore, #tpu.memory_space<semaphore_mem>>)
    %dma_start3A_15 = arith.constant 1 : i32
    %dma_start3A_16 = arith.constant 128 : i32
    %dma_start3A_17 = arith.constant 0 : i32
    %dma_start3A_18 = tpu.memref_slice %arg6[%dma_start3A_16, %dma_start3A_17] : memref<512x128xf32, #tpu.memory_space<vmem>> -> memref<128x128xf32, #tpu.memory_space<vmem>>
    %dma_start3A_19 = arith.constant 0 : i32
    %dma_start3A_20 = tpu.memref_slice %arg5[%dma_start3A_15, %dma_start3A_19] : memref<4x128xi32, #tpu.memory_space<vmem>> -> memref<1x128xi32, #tpu.memory_space<vmem>>
    %dma_start3A_21 = tpu.memref_squeeze %dma_start3A_20 : memref<1x128xi32, #tpu.memory_space<vmem>> -> memref<128xi32, #tpu.memory_space<vmem>>
    %dma_start3A_22 = arith.constant 0 : i32
    %dma_start3A_23 = arith.constant 0 : i32
    %dma_start3A_24 = tpu.memref_slice %arg2[%dma_start3A_22, %dma_start3A_23] : memref<20480x128xf32, #tpu.memory_space<hbm>> -> memref<20480x128xf32, #tpu.memory_space<hbm>>
    tpu.enqueue_indirect_dma source(%dma_start3A_24 : memref<20480x128xf32, #tpu.memory_space<hbm>>) target(%dma_start3A_18 : memref<128x128xf32, #tpu.memory_space<vmem>>) offsets(%dma_start3A_21 : memref<128xi32, #tpu.memory_space<vmem>>) semaphore(%arg8 : memref<!tpu.dma_semaphore, #tpu.memory_space<semaphore_mem>>)
    %dma_start3A_25 = arith.constant 2 : i32
    %dma_start3A_26 = arith.constant 256 : i32
    %dma_start3A_27 = arith.constant 0 : i32
    %dma_start3A_28 = tpu.memref_slice %arg6[%dma_start3A_26, %dma_start3A_27] : memref<512x128xf32, #tpu.memory_space<vmem>> -> memref<128x128xf32, #tpu.memory_space<vmem>>
    %dma_start3A_29 = arith.constant 0 : i32
    %dma_start3A_30 = tpu.memref_slice %arg5[%dma_start3A_25, %dma_start3A_29] : memref<4x128xi32, #tpu.memory_space<vmem>> -> memref<1x128xi32, #tpu.memory_space<vmem>>
    %dma_start3A_31 = tpu.memref_squeeze %dma_start3A_30 : memref<1x128xi32, #tpu.memory_space<vmem>> -> memref<128xi32, #tpu.memory_space<vmem>>
    %dma_start3A_32 = arith.constant 0 : i32
    %dma_start3A_33 = arith.constant 0 : i32
    %dma_start3A_34 = tpu.memref_slice %arg2[%dma_start3A_32, %dma_start3A_33] : memref<20480x128xf32, #tpu.memory_space<hbm>> -> memref<20480x128xf32, #tpu.memory_space<hbm>>
    tpu.enqueue_indirect_dma source(%dma_start3A_34 : memref<20480x128xf32, #tpu.memory_space<hbm>>) target(%dma_start3A_28 : memref<128x128xf32, #tpu.memory_space<vmem>>) offsets(%dma_start3A_31 : memref<128xi32, #tpu.memory_space<vmem>>) semaphore(%arg9 : memref<!tpu.dma_semaphore, #tpu.memory_space<semaphore_mem>>)
    %dma_start3A_35 = arith.constant 3 : i32
    %dma_start3A_36 = arith.constant 384 : i32
    %dma_start3A_37 = arith.constant 0 : i32
    %dma_start3A_38 = tpu.memref_slice %arg6[%dma_start3A_36, %dma_start3A_37] : memref<512x128xf32, #tpu.memory_space<vmem>> -> memref<128x128xf32, #tpu.memory_space<vmem>>
    %dma_start3A_39 = arith.constant 0 : i32
    %dma_start3A_40 = tpu.memref_slice %arg5[%dma_start3A_35, %dma_start3A_39] : memref<4x128xi32, #tpu.memory_space<vmem>> -> memref<1x128xi32, #tpu.memory_space<vmem>>
    %dma_start3A_41 = tpu.memref_squeeze %dma_start3A_40 : memref<1x128xi32, #tpu.memory_space<vmem>> -> memref<128xi32, #tpu.memory_space<vmem>>
    %dma_start3A_42 = arith.constant 0 : i32
    %dma_start3A_43 = arith.constant 0 : i32
    %dma_start3A_44 = tpu.memref_slice %arg2[%dma_start3A_42, %dma_start3A_43] : memref<20480x128xf32, #tpu.memory_space<hbm>> -> memref<20480x128xf32, #tpu.memory_space<hbm>>
    tpu.enqueue_indirect_dma source(%dma_start3A_44 : memref<20480x128xf32, #tpu.memory_space<hbm>>) target(%dma_start3A_38 : memref<128x128xf32, #tpu.memory_space<vmem>>) offsets(%dma_start3A_41 : memref<128xi32, #tpu.memory_space<vmem>>) semaphore(%arg10 : memref<!tpu.dma_semaphore, #tpu.memory_space<semaphore_mem>>)
    %dma_wait3A = arith.constant 0 : i32
    %dma_wait3A_45 = arith.constant 0 : i32
    %dma_wait3A_46 = arith.constant 0 : i32
    %dma_wait3A_47 = tpu.memref_slice %arg6[%dma_wait3A_45, %dma_wait3A_46] : memref<512x128xf32, #tpu.memory_space<vmem>> -> memref<128x128xf32, #tpu.memory_space<vmem>>
    %dma_wait3A_48 = arith.constant 0 : i32
    %dma_wait3A_49 = tpu.memref_slice %arg5[%dma_wait3A, %dma_wait3A_48] : memref<4x128xi32, #tpu.memory_space<vmem>> -> memref<1x128xi32, #tpu.memory_space<vmem>>
    %dma_wait3A_50 = tpu.memref_squeeze %dma_wait3A_49 : memref<1x128xi32, #tpu.memory_space<vmem>> -> memref<128xi32, #tpu.memory_space<vmem>>
    %dma_wait3A_51 = arith.constant 0 : i32
    %dma_wait3A_52 = arith.constant 0 : i32
    %dma_wait3A_53 = tpu.memref_slice %arg2[%dma_wait3A_51, %dma_wait3A_52] : memref<20480x128xf32, #tpu.memory_space<hbm>> -> memref<20480x128xf32, #tpu.memory_space<hbm>>
    tpu.wait_indirect_dma semaphore(%arg7 : memref<!tpu.dma_semaphore, #tpu.memory_space<semaphore_mem>>) src(%dma_wait3A_53 : memref<20480x128xf32, #tpu.memory_space<hbm>>) dst(%dma_wait3A_47 : memref<128x128xf32, #tpu.memory_space<vmem>>)
    %dma_wait3A_54 = arith.constant 1 : i32
    %dma_wait3A_55 = arith.constant 128 : i32
    %dma_wait3A_56 = arith.constant 0 : i32
    %dma_wait3A_57 = tpu.memref_slice %arg6[%dma_wait3A_55, %dma_wait3A_56] : memref<512x128xf32, #tpu.memory_space<vmem>> -> memref<128x128xf32, #tpu.memory_space<vmem>>
    %dma_wait3A_58 = arith.constant 0 : i32
    %dma_wait3A_59 = tpu.memref_slice %arg5[%dma_wait3A_54, %dma_wait3A_58] : memref<4x128xi32, #tpu.memory_space<vmem>> -> memref<1x128xi32, #tpu.memory_space<vmem>>
    %dma_wait3A_60 = tpu.memref_squeeze %dma_wait3A_59 : memref<1x128xi32, #tpu.memory_space<vmem>> -> memref<128xi32, #tpu.memory_space<vmem>>
    %dma_wait3A_61 = arith.constant 0 : i32
    %dma_wait3A_62 = arith.constant 0 : i32
    %dma_wait3A_63 = tpu.memref_slice %arg2[%dma_wait3A_61, %dma_wait3A_62] : memref<20480x128xf32, #tpu.memory_space<hbm>> -> memref<20480x128xf32, #tpu.memory_space<hbm>>
    tpu.wait_indirect_dma semaphore(%arg8 : memref<!tpu.dma_semaphore, #tpu.memory_space<semaphore_mem>>) src(%dma_wait3A_63 : memref<20480x128xf32, #tpu.memory_space<hbm>>) dst(%dma_wait3A_57 : memref<128x128xf32, #tpu.memory_space<vmem>>)
    %dma_wait3A_64 = arith.constant 2 : i32
    %dma_wait3A_65 = arith.constant 256 : i32
    %dma_wait3A_66 = arith.constant 0 : i32
    %dma_wait3A_67 = tpu.memref_slice %arg6[%dma_wait3A_65, %dma_wait3A_66] : memref<512x128xf32, #tpu.memory_space<vmem>> -> memref<128x128xf32, #tpu.memory_space<vmem>>
    %dma_wait3A_68 = arith.constant 0 : i32
    %dma_wait3A_69 = tpu.memref_slice %arg5[%dma_wait3A_64, %dma_wait3A_68] : memref<4x128xi32, #tpu.memory_space<vmem>> -> memref<1x128xi32, #tpu.memory_space<vmem>>
    %dma_wait3A_70 = tpu.memref_squeeze %dma_wait3A_69 : memref<1x128xi32, #tpu.memory_space<vmem>> -> memref<128xi32, #tpu.memory_space<vmem>>
    %dma_wait3A_71 = arith.constant 0 : i32
    %dma_wait3A_72 = arith.constant 0 : i32
    %dma_wait3A_73 = tpu.memref_slice %arg2[%dma_wait3A_71, %dma_wait3A_72] : memref<20480x128xf32, #tpu.memory_space<hbm>> -> memref<20480x128xf32, #tpu.memory_space<hbm>>
    tpu.wait_indirect_dma semaphore(%arg9 : memref<!tpu.dma_semaphore, #tpu.memory_space<semaphore_mem>>) src(%dma_wait3A_73 : memref<20480x128xf32, #tpu.memory_space<hbm>>) dst(%dma_wait3A_67 : memref<128x128xf32, #tpu.memory_space<vmem>>)
    %dma_wait3A_74 = arith.constant 3 : i32
    %dma_wait3A_75 = arith.constant 384 : i32
    %dma_wait3A_76 = arith.constant 0 : i32
    %dma_wait3A_77 = tpu.memref_slice %arg6[%dma_wait3A_75, %dma_wait3A_76] : memref<512x128xf32, #tpu.memory_space<vmem>> -> memref<128x128xf32, #tpu.memory_space<vmem>>
    %dma_wait3A_78 = arith.constant 0 : i32
    %dma_wait3A_79 = tpu.memref_slice %arg5[%dma_wait3A_74, %dma_wait3A_78] : memref<4x128xi32, #tpu.memory_space<vmem>> -> memref<1x128xi32, #tpu.memory_space<vmem>>
    %dma_wait3A_80 = tpu.memref_squeeze %dma_wait3A_79 : memref<1x128xi32, #tpu.memory_space<vmem>> -> memref<128xi32, #tpu.memory_space<vmem>>
    %dma_wait3A_81 = arith.constant 0 : i32
    %dma_wait3A_82 = arith.constant 0 : i32
    %dma_wait3A_83 = tpu.memref_slice %arg2[%dma_wait3A_81, %dma_wait3A_82] : memref<20480x128xf32, #tpu.memory_space<hbm>> -> memref<20480x128xf32, #tpu.memory_space<hbm>>
    tpu.wait_indirect_dma semaphore(%arg10 : memref<!tpu.dma_semaphore, #tpu.memory_space<semaphore_mem>>) src(%dma_wait3A_83 : memref<20480x128xf32, #tpu.memory_space<hbm>>) dst(%dma_wait3A_77 : memref<128x128xf32, #tpu.memory_space<vmem>>)
    "tpu.region"() ({
      %run_scoped3A = tpu.sem_alloc : memref<!tpu.dma_semaphore, #tpu.memory_space<semaphore_mem>>
      %dma_start3A_84 = arith.constant 0 : i32
      %dma_start3A_85 = tpu.memref_slice %arg4[%add3A_5, %dma_start3A_84] : memref<16384x128xf32, #tpu.memory_space<hbm>> -> memref<512x128xf32, #tpu.memory_space<hbm>>
      %dma_start3A_86 = arith.constant 0 : i32
      %dma_start3A_87 = tpu.memref_slice %arg4[%add3A_5, %dma_start3A_86] : memref<16384x128xf32, #tpu.memory_space<hbm>> -> memref<512x128xf32, #tpu.memory_space<hbm>>
      tpu.enqueue_dma source(%arg6 : memref<512x128xf32, #tpu.memory_space<vmem>>) target(%dma_start3A_87 : memref<512x128xf32, #tpu.memory_space<hbm>>) target_semaphore(%run_scoped3A : memref<!tpu.dma_semaphore, #tpu.memory_space<semaphore_mem>>)
      %dma_wait3A_88 = arith.constant 0 : i32
      %dma_wait3A_89 = tpu.memref_slice %arg4[%add3A_5, %dma_wait3A_88] : memref<16384x128xf32, #tpu.memory_space<hbm>> -> memref<512x128xf32, #tpu.memory_space<hbm>>
      %dma_wait3A_90 = arith.constant 0 : i32
      %dma_wait3A_91 = tpu.memref_slice %arg4[%add3A_5, %dma_wait3A_90] : memref<16384x128xf32, #tpu.memory_space<hbm>> -> memref<512x128xf32, #tpu.memory_space<hbm>>
      tpu.wait_dma2 semaphore(%run_scoped3A : memref<!tpu.dma_semaphore, #tpu.memory_space<semaphore_mem>>) src(%arg6 : memref<512x128xf32, #tpu.memory_space<vmem>>) dst(%dma_wait3A_91 : memref<512x128xf32, #tpu.memory_space<hbm>>)
      tpu.yield
    }) : () -> ()
    return
  }
}

module attributes {stable_mosaic.version = 14 : i64} {
  func.func @_embed_body(%arg0: i32, %arg1: i32, %arg2: memref<1x1x16xf32, #tpu.memory_space<vmem>>, %arg3: memref<1x1024x128xf32, #tpu.memory_space<vmem>>, %arg4: memref<16x128xf32, #tpu.memory_space<vmem>>, %arg5: memref<1x128xf32, #tpu.memory_space<vmem>>, %arg6: memref<128x128xf32, #tpu.memory_space<vmem>>, %arg7: memref<1x128xf32, #tpu.memory_space<vmem>>, %arg8: memref<128x128xf32, #tpu.memory_space<vmem>>, %arg9: memref<1x128xf32, #tpu.memory_space<vmem>>, %arg10: memref<128x128xf32, #tpu.memory_space<vmem>>, %arg11: memref<1x128xf32, #tpu.memory_space<vmem>>, %arg12: memref<1x1024x128xf32, #tpu.memory_space<vmem>>) attributes {dimension_semantics = [#tpu.dimension_semantics<arbitrary>, #tpu.dimension_semantics<arbitrary>], iteration_bounds = array<i64: 2, 10>, scalar_prefetch = 0 : i64, scratch_operands = 0 : i64, tpu.core_type = #tpu.core_type<tc>, window_params = [{transform_indices = @transform_0, window_bounds = array<i64: 1, 1, 16>}, {transform_indices = @transform_1, window_bounds = array<i64: 1, 1024, 128>}, {pipeline_mode = #tpu.pipeline_mode<synchronous>, transform_indices = @transform_2, window_bounds = array<i64: 16, 128>}, {pipeline_mode = #tpu.pipeline_mode<synchronous>, transform_indices = @transform_3, window_bounds = array<i64: 1, 128>}, {pipeline_mode = #tpu.pipeline_mode<synchronous>, transform_indices = @transform_4, window_bounds = array<i64: 128, 128>}, {pipeline_mode = #tpu.pipeline_mode<synchronous>, transform_indices = @transform_5, window_bounds = array<i64: 1, 128>}, {pipeline_mode = #tpu.pipeline_mode<synchronous>, transform_indices = @transform_6, window_bounds = array<i64: 128, 128>}, {pipeline_mode = #tpu.pipeline_mode<synchronous>, transform_indices = @transform_7, window_bounds = array<i64: 1, 128>}, {pipeline_mode = #tpu.pipeline_mode<synchronous>, transform_indices = @transform_8, window_bounds = array<i64: 128, 128>}, {pipeline_mode = #tpu.pipeline_mode<synchronous>, transform_indices = @transform_9, window_bounds = array<i64: 1, 128>}, {transform_indices = @transform_10, window_bounds = array<i64: 1, 1024, 128>}]} {
    %get3A = arith.constant 0 : index
    %get3A_0 = arith.constant 0 : index
    %get3A_1 = arith.constant 0 : index
    %get3A_2 = vector.load %arg2[%get3A, %get3A_0, %get3A_1] : memref<1x1x16xf32, #tpu.memory_space<vmem>>, vector<1x1x16xf32>
    %get3A_3 = vector.shape_cast %get3A_2 : vector<1x1x16xf32> to vector<1x16xf32>
    %get3A_4 = arith.constant 0 : index
    %get3A_5 = arith.constant 0 : index
    %get3A_6 = vector.load %arg4[%get3A_4, %get3A_5] : memref<16x128xf32, #tpu.memory_space<vmem>>, vector<16x128xf32>
    %convert_element_type3A = arith.truncf %get3A_3 : vector<1x16xf32> to vector<1x16xbf16>
    %convert_element_type3A_7 = arith.truncf %get3A_6 : vector<16x128xf32> to vector<16x128xbf16>
    %dot_general3A = arith.constant dense<0.000000e+00> : vector<1x128xf32>
    %dot_general3A_8 = tpu.matmul %convert_element_type3A, %convert_element_type3A_7, %dot_general3A {dimension_numbers = #tpu.dot_dimension_numbers<[1], [0], [0], [1], [0, 0, 1, 1], [], []>, transpose_lhs_hint = false} : vector<1x16xbf16>, vector<16x128xbf16>, vector<1x128xf32> -> vector<1x128xf32>
    %get3A_9 = arith.constant 0 : index
    %get3A_10 = arith.constant 0 : index
    %get3A_11 = vector.load %arg5[%get3A_9, %get3A_10] : memref<1x128xf32, #tpu.memory_space<vmem>>, vector<1x128xf32>
    %add3A = arith.addf %dot_general3A_8, %get3A_11 : vector<1x128xf32>
    %logistic3A = arith.negf %add3A : vector<1x128xf32>
    %logistic3A_12 = math.exp %logistic3A : vector<1x128xf32>
    %logistic3A_13 = arith.constant 1.000000e+00 : f32
    %logistic3A_14 = vector.broadcast %logistic3A_13 : f32 to vector<1x128xf32>
    %logistic3A_15 = arith.addf %logistic3A_14, %logistic3A_12 : vector<1x128xf32>
    %logistic3A_16 = arith.divf %logistic3A_14, %logistic3A_15 : vector<1x128xf32>
    %mul3A = arith.mulf %add3A, %logistic3A_16 : vector<1x128xf32>
    %get3A_17 = arith.constant 0 : index
    %get3A_18 = arith.constant 0 : index
    %get3A_19 = vector.load %arg6[%get3A_17, %get3A_18] : memref<128x128xf32, #tpu.memory_space<vmem>>, vector<128x128xf32>
    %convert_element_type3A_20 = arith.truncf %mul3A : vector<1x128xf32> to vector<1x128xbf16>
    %convert_element_type3A_21 = arith.truncf %get3A_19 : vector<128x128xf32> to vector<128x128xbf16>
    %dot_general3A_22 = arith.constant dense<0.000000e+00> : vector<1x128xf32>
    %dot_general3A_23 = tpu.matmul %convert_element_type3A_20, %convert_element_type3A_21, %dot_general3A_22 {dimension_numbers = #tpu.dot_dimension_numbers<[1], [0], [0], [1], [0, 0, 1, 1], [], []>, transpose_lhs_hint = false} : vector<1x128xbf16>, vector<128x128xbf16>, vector<1x128xf32> -> vector<1x128xf32>
    %get3A_24 = arith.constant 0 : index
    %get3A_25 = arith.constant 0 : index
    %get3A_26 = vector.load %arg7[%get3A_24, %get3A_25] : memref<1x128xf32, #tpu.memory_space<vmem>>, vector<1x128xf32>
    %add3A_27 = arith.addf %dot_general3A_23, %get3A_26 : vector<1x128xf32>
    %get3A_28 = arith.constant 0 : index
    %get3A_29 = arith.constant 0 : index
    %get3A_30 = arith.constant 0 : index
    %get3A_31 = vector.load %arg3[%get3A_28, %get3A_29, %get3A_30] : memref<1x1024x128xf32, #tpu.memory_space<vmem>>, vector<1x1024x128xf32>
    %get3A_32 = vector.shape_cast %get3A_31 : vector<1x1024x128xf32> to vector<1024x128xf32>
    %get3A_33 = arith.constant 0 : index
    %get3A_34 = arith.constant 0 : index
    %get3A_35 = vector.load %arg8[%get3A_33, %get3A_34] : memref<128x128xf32, #tpu.memory_space<vmem>>, vector<128x128xf32>
    %convert_element_type3A_36 = arith.truncf %get3A_32 : vector<1024x128xf32> to vector<1024x128xbf16>
    %convert_element_type3A_37 = arith.truncf %get3A_35 : vector<128x128xf32> to vector<128x128xbf16>
    %dot_general3A_38 = arith.constant dense<0.000000e+00> : vector<1024x128xf32>
    %dot_general3A_39 = tpu.matmul %convert_element_type3A_36, %convert_element_type3A_37, %dot_general3A_38 {dimension_numbers = #tpu.dot_dimension_numbers<[1], [0], [0], [1], [0, 0, 1, 1], [], []>, transpose_lhs_hint = false} : vector<1024x128xbf16>, vector<128x128xbf16>, vector<1024x128xf32> -> vector<1024x128xf32>
    %get3A_40 = arith.constant 0 : index
    %get3A_41 = arith.constant 0 : index
    %get3A_42 = vector.load %arg9[%get3A_40, %get3A_41] : memref<1x128xf32, #tpu.memory_space<vmem>>, vector<1x128xf32>
    %add3A_43 = vector.broadcast %get3A_42 : vector<1x128xf32> to vector<1024x128xf32>
    %add3A_44 = arith.addf %dot_general3A_39, %add3A_43 : vector<1024x128xf32>
    %logistic3A_45 = arith.negf %add3A_44 : vector<1024x128xf32>
    %logistic3A_46 = math.exp %logistic3A_45 : vector<1024x128xf32>
    %logistic3A_47 = arith.constant 1.000000e+00 : f32
    %logistic3A_48 = vector.broadcast %logistic3A_47 : f32 to vector<1024x128xf32>
    %logistic3A_49 = arith.addf %logistic3A_48, %logistic3A_46 : vector<1024x128xf32>
    %logistic3A_50 = arith.divf %logistic3A_48, %logistic3A_49 : vector<1024x128xf32>
    %mul3A_51 = arith.mulf %add3A_44, %logistic3A_50 : vector<1024x128xf32>
    %get3A_52 = arith.constant 0 : index
    %get3A_53 = arith.constant 0 : index
    %get3A_54 = vector.load %arg10[%get3A_52, %get3A_53] : memref<128x128xf32, #tpu.memory_space<vmem>>, vector<128x128xf32>
    %convert_element_type3A_55 = arith.truncf %mul3A_51 : vector<1024x128xf32> to vector<1024x128xbf16>
    %convert_element_type3A_56 = arith.truncf %get3A_54 : vector<128x128xf32> to vector<128x128xbf16>
    %dot_general3A_57 = arith.constant dense<0.000000e+00> : vector<1024x128xf32>
    %dot_general3A_58 = tpu.matmul %convert_element_type3A_55, %convert_element_type3A_56, %dot_general3A_57 {dimension_numbers = #tpu.dot_dimension_numbers<[1], [0], [0], [1], [0, 0, 1, 1], [], []>, transpose_lhs_hint = false} : vector<1024x128xbf16>, vector<128x128xbf16>, vector<1024x128xf32> -> vector<1024x128xf32>
    %get3A_59 = arith.constant 0 : index
    %get3A_60 = arith.constant 0 : index
    %get3A_61 = vector.load %arg11[%get3A_59, %get3A_60] : memref<1x128xf32, #tpu.memory_space<vmem>>, vector<1x128xf32>
    %add3A_62 = vector.broadcast %get3A_61 : vector<1x128xf32> to vector<1024x128xf32>
    %add3A_63 = arith.addf %dot_general3A_58, %add3A_62 : vector<1024x128xf32>
    %add3A_64 = vector.broadcast %add3A_27 : vector<1x128xf32> to vector<1024x128xf32>
    %add3A_65 = arith.addf %add3A_63, %add3A_64 : vector<1024x128xf32>
    %swap3A = arith.constant 0 : index
    %swap3A_66 = arith.constant 0 : index
    %swap3A_67 = arith.constant 0 : index
    %swap3A_68 = vector.load %arg12[%swap3A, %swap3A_66, %swap3A_67] : memref<1x1024x128xf32, #tpu.memory_space<vmem>>, vector<1x1024x128xf32>
    %swap3A_69 = vector.shape_cast %swap3A_68 : vector<1x1024x128xf32> to vector<1024x128xf32>
    %swap3A_70 = vector.shape_cast %add3A_65 : vector<1024x128xf32> to vector<1x1024x128xf32>
    tpu.vector_store %arg12[%swap3A, %swap3A_66, %swap3A_67], %swap3A_70 {strides = array<i32>} : memref<1x1024x128xf32, #tpu.memory_space<vmem>>, vector<1x1024x128xf32>,
    return
  }
  func.func @transform_0(%arg0: i32, %arg1: i32) -> (i32, i32, i32) {
    %c0_i32 = arith.constant 0 : i32
    %c0_i32_0 = arith.constant 0 : i32
    %c0_i32_1 = arith.constant 0 : i32
    return %arg0, %c0_i32, %c0_i32_0 : i32, i32, i32
  }
  func.func @transform_1(%arg0: i32, %arg1: i32) -> (i32, i32, i32) {
    %c0_i32 = arith.constant 0 : i32
    %c0_i32_0 = arith.constant 0 : i32
    return %arg0, %arg1, %c0_i32 : i32, i32, i32
  }
  func.func @transform_2(%arg0: i32, %arg1: i32) -> (i32, i32) {
    %c0_i32 = arith.constant 0 : i32
    %c0_i32_0 = arith.constant 0 : i32
    %c0_i32_1 = arith.constant 0 : i32
    return %c0_i32, %c0_i32_0 : i32, i32
  }
  func.func @transform_3(%arg0: i32, %arg1: i32) -> (i32, i32) {
    %c0_i32 = arith.constant 0 : i32
    %c0_i32_0 = arith.constant 0 : i32
    %c0_i32_1 = arith.constant 0 : i32
    return %c0_i32, %c0_i32_0 : i32, i32
  }
  func.func @transform_4(%arg0: i32, %arg1: i32) -> (i32, i32) {
    %c0_i32 = arith.constant 0 : i32
    %c0_i32_0 = arith.constant 0 : i32
    %c0_i32_1 = arith.constant 0 : i32
    return %c0_i32, %c0_i32_0 : i32, i32
  }
  func.func @transform_5(%arg0: i32, %arg1: i32) -> (i32, i32) {
    %c0_i32 = arith.constant 0 : i32
    %c0_i32_0 = arith.constant 0 : i32
    %c0_i32_1 = arith.constant 0 : i32
    return %c0_i32, %c0_i32_0 : i32, i32
  }
  func.func @transform_6(%arg0: i32, %arg1: i32) -> (i32, i32) {
    %c0_i32 = arith.constant 0 : i32
    %c0_i32_0 = arith.constant 0 : i32
    %c0_i32_1 = arith.constant 0 : i32
    return %c0_i32, %c0_i32_0 : i32, i32
  }
  func.func @transform_7(%arg0: i32, %arg1: i32) -> (i32, i32) {
    %c0_i32 = arith.constant 0 : i32
    %c0_i32_0 = arith.constant 0 : i32
    %c0_i32_1 = arith.constant 0 : i32
    return %c0_i32, %c0_i32_0 : i32, i32
  }
  func.func @transform_8(%arg0: i32, %arg1: i32) -> (i32, i32) {
    %c0_i32 = arith.constant 0 : i32
    %c0_i32_0 = arith.constant 0 : i32
    %c0_i32_1 = arith.constant 0 : i32
    return %c0_i32, %c0_i32_0 : i32, i32
  }
  func.func @transform_9(%arg0: i32, %arg1: i32) -> (i32, i32) {
    %c0_i32 = arith.constant 0 : i32
    %c0_i32_0 = arith.constant 0 : i32
    %c0_i32_1 = arith.constant 0 : i32
    return %c0_i32, %c0_i32_0 : i32, i32
  }
  func.func @transform_10(%arg0: i32, %arg1: i32) -> (i32, i32, i32) {
    %c0_i32 = arith.constant 0 : i32
    %c0_i32_0 = arith.constant 0 : i32
    return %arg0, %arg1, %c0_i32 : i32, i32, i32
  }
}

module attributes {stable_mosaic.version = 14 : i64} {
  func.func @_layer_body(%arg0: i32, %arg1: i32, %arg2: memref<1x1024x128xf32, #tpu.memory_space<vmem>>, %arg3: memref<1x1024x128xf32, #tpu.memory_space<vmem>>, %arg4: memref<128x128xf32, #tpu.memory_space<vmem>>, %arg5: memref<128x128xf32, #tpu.memory_space<vmem>>, %arg6: memref<1x128xf32, #tpu.memory_space<vmem>>, %arg7: memref<1x1024x128xf32, #tpu.memory_space<vmem>>) attributes {dimension_semantics = [#tpu.dimension_semantics<arbitrary>, #tpu.dimension_semantics<arbitrary>], iteration_bounds = array<i64: 2, 10>, scalar_prefetch = 0 : i64, scratch_operands = 0 : i64, tpu.core_type = #tpu.core_type<tc>, window_params = [{transform_indices = @transform_0, window_bounds = array<i64: 1, 1024, 128>}, {transform_indices = @transform_1, window_bounds = array<i64: 1, 1024, 128>}, {pipeline_mode = #tpu.pipeline_mode<synchronous>, transform_indices = @transform_2, window_bounds = array<i64: 128, 128>}, {pipeline_mode = #tpu.pipeline_mode<synchronous>, transform_indices = @transform_3, window_bounds = array<i64: 128, 128>}, {pipeline_mode = #tpu.pipeline_mode<synchronous>, transform_indices = @transform_4, window_bounds = array<i64: 1, 128>}, {transform_indices = @transform_5, window_bounds = array<i64: 1, 1024, 128>}]} {
    %get3A = arith.constant 0 : index
    %get3A_0 = arith.constant 0 : index
    %get3A_1 = arith.constant 0 : index
    %get3A_2 = vector.load %arg2[%get3A, %get3A_0, %get3A_1] : memref<1x1024x128xf32, #tpu.memory_space<vmem>>, vector<1x1024x128xf32>
    %get3A_3 = vector.shape_cast %get3A_2 : vector<1x1024x128xf32> to vector<1024x128xf32>
    %get3A_4 = arith.constant 0 : index
    %get3A_5 = arith.constant 0 : index
    %get3A_6 = arith.constant 0 : index
    %get3A_7 = vector.load %arg3[%get3A_4, %get3A_5, %get3A_6] : memref<1x1024x128xf32, #tpu.memory_space<vmem>>, vector<1x1024x128xf32>
    %get3A_8 = vector.shape_cast %get3A_7 : vector<1x1024x128xf32> to vector<1024x128xf32>
    %get3A_9 = arith.constant 0 : index
    %get3A_10 = arith.constant 0 : index
    %get3A_11 = vector.load %arg4[%get3A_9, %get3A_10] : memref<128x128xf32, #tpu.memory_space<vmem>>, vector<128x128xf32>
    %convert_element_type3A = arith.truncf %get3A_3 : vector<1024x128xf32> to vector<1024x128xbf16>
    %convert_element_type3A_12 = arith.truncf %get3A_11 : vector<128x128xf32> to vector<128x128xbf16>
    %dot_general3A = arith.constant dense<0.000000e+00> : vector<1024x128xf32>
    %dot_general3A_13 = tpu.matmul %convert_element_type3A, %convert_element_type3A_12, %dot_general3A {dimension_numbers = #tpu.dot_dimension_numbers<[1], [0], [0], [1], [0, 0, 1, 1], [], []>, transpose_lhs_hint = false} : vector<1024x128xbf16>, vector<128x128xbf16>, vector<1024x128xf32> -> vector<1024x128xf32>
    %get3A_14 = arith.constant 0 : index
    %get3A_15 = arith.constant 0 : index
    %get3A_16 = vector.load %arg5[%get3A_14, %get3A_15] : memref<128x128xf32, #tpu.memory_space<vmem>>, vector<128x128xf32>
    %convert_element_type3A_17 = arith.truncf %get3A_8 : vector<1024x128xf32> to vector<1024x128xbf16>
    %convert_element_type3A_18 = arith.truncf %get3A_16 : vector<128x128xf32> to vector<128x128xbf16>
    %dot_general3A_19 = arith.constant dense<0.000000e+00> : vector<1024x128xf32>
    %dot_general3A_20 = tpu.matmul %convert_element_type3A_17, %convert_element_type3A_18, %dot_general3A_19 {dimension_numbers = #tpu.dot_dimension_numbers<[1], [0], [0], [1], [0, 0, 1, 1], [], []>, transpose_lhs_hint = false} : vector<1024x128xbf16>, vector<128x128xbf16>, vector<1024x128xf32> -> vector<1024x128xf32>
    %add3A = arith.addf %dot_general3A_13, %dot_general3A_20 : vector<1024x128xf32>
    %get3A_21 = arith.constant 0 : index
    %get3A_22 = arith.constant 0 : index
    %get3A_23 = vector.load %arg6[%get3A_21, %get3A_22] : memref<1x128xf32, #tpu.memory_space<vmem>>, vector<1x128xf32>
    %add3A_24 = vector.broadcast %get3A_23 : vector<1x128xf32> to vector<1024x128xf32>
    %add3A_25 = arith.addf %add3A, %add3A_24 : vector<1024x128xf32>
    %logistic3A = arith.negf %add3A_25 : vector<1024x128xf32>
    %logistic3A_26 = math.exp %logistic3A : vector<1024x128xf32>
    %logistic3A_27 = arith.constant 1.000000e+00 : f32
    %logistic3A_28 = vector.broadcast %logistic3A_27 : f32 to vector<1024x128xf32>
    %logistic3A_29 = arith.addf %logistic3A_28, %logistic3A_26 : vector<1024x128xf32>
    %logistic3A_30 = arith.divf %logistic3A_28, %logistic3A_29 : vector<1024x128xf32>
    %mul3A = arith.mulf %add3A_25, %logistic3A_30 : vector<1024x128xf32>
    %add3A_31 = arith.addf %get3A_3, %mul3A : vector<1024x128xf32>
    %swap3A = arith.constant 0 : index
    %swap3A_32 = arith.constant 0 : index
    %swap3A_33 = arith.constant 0 : index
    %swap3A_34 = vector.load %arg7[%swap3A, %swap3A_32, %swap3A_33] : memref<1x1024x128xf32, #tpu.memory_space<vmem>>, vector<1x1024x128xf32>
    %swap3A_35 = vector.shape_cast %swap3A_34 : vector<1x1024x128xf32> to vector<1024x128xf32>
    %swap3A_36 = vector.shape_cast %add3A_31 : vector<1024x128xf32> to vector<1x1024x128xf32>
    tpu.vector_store %arg7[%swap3A, %swap3A_32, %swap3A_33], %swap3A_36 {strides = array<i32>} : memref<1x1024x128xf32, #tpu.memory_space<vmem>>, vector<1x1024x128xf32>,
    return
  }
  func.func @transform_0(%arg0: i32, %arg1: i32) -> (i32, i32, i32) {
    %c0_i32 = arith.constant 0 : i32
    %c0_i32_0 = arith.constant 0 : i32
    return %arg0, %arg1, %c0_i32 : i32, i32, i32
  }
  func.func @transform_1(%arg0: i32, %arg1: i32) -> (i32, i32, i32) {
    %c0_i32 = arith.constant 0 : i32
    %c0_i32_0 = arith.constant 0 : i32
    return %arg0, %arg1, %c0_i32 : i32, i32, i32
  }
  func.func @transform_2(%arg0: i32, %arg1: i32) -> (i32, i32) {
    %c0_i32 = arith.constant 0 : i32
    %c0_i32_0 = arith.constant 0 : i32
    %c0_i32_1 = arith.constant 0 : i32
    return %c0_i32, %c0_i32_0 : i32, i32
  }
  func.func @transform_3(%arg0: i32, %arg1: i32) -> (i32, i32) {
    %c0_i32 = arith.constant 0 : i32
    %c0_i32_0 = arith.constant 0 : i32
    %c0_i32_1 = arith.constant 0 : i32
    return %c0_i32, %c0_i32_0 : i32, i32
  }
  func.func @transform_4(%arg0: i32, %arg1: i32) -> (i32, i32) {
    %c0_i32 = arith.constant 0 : i32
    %c0_i32_0 = arith.constant 0 : i32
    %c0_i32_1 = arith.constant 0 : i32
    return %c0_i32, %c0_i32_0 : i32, i32
  }
  func.func @transform_5(%arg0: i32, %arg1: i32) -> (i32, i32, i32) {
    %c0_i32 = arith.constant 0 : i32
    %c0_i32_0 = arith.constant 0 : i32
    return %arg0, %arg1, %c0_i32 : i32, i32, i32
  }
}

module attributes {stable_mosaic.version = 14 : i64} {
  func.func @_score_body(%arg0: i32, %arg1: memref<1x2048x512xf32, #tpu.memory_space<vmem>>, %arg2: memref<1x2048x1xi32, #tpu.memory_space<vmem>>, %arg3: memref<512x128xf32, #tpu.memory_space<vmem>>, %arg4: memref<1x128xf32, #tpu.memory_space<vmem>>, %arg5: memref<128x128xf32, #tpu.memory_space<vmem>>, %arg6: memref<1x128xf32, #tpu.memory_space<vmem>>, %arg7: memref<128x1xf32, #tpu.memory_space<vmem>>, %arg8: memref<1x1xf32, #tpu.memory_space<vmem>>, %arg9: memref<1x2048x1xf32, #tpu.memory_space<vmem>>) attributes {dimension_semantics = [#tpu.dimension_semantics<arbitrary>], iteration_bounds = array<i64: 2>, scalar_prefetch = 0 : i64, scratch_operands = 0 : i64, tpu.core_type = #tpu.core_type<tc>, window_params = [{transform_indices = @transform_0, window_bounds = array<i64: 1, 2048, 512>}, {transform_indices = @transform_1, window_bounds = array<i64: 1, 2048, 1>}, {pipeline_mode = #tpu.pipeline_mode<synchronous>, transform_indices = @transform_2, window_bounds = array<i64: 512, 128>}, {pipeline_mode = #tpu.pipeline_mode<synchronous>, transform_indices = @transform_3, window_bounds = array<i64: 1, 128>}, {pipeline_mode = #tpu.pipeline_mode<synchronous>, transform_indices = @transform_4, window_bounds = array<i64: 128, 128>}, {pipeline_mode = #tpu.pipeline_mode<synchronous>, transform_indices = @transform_5, window_bounds = array<i64: 1, 128>}, {pipeline_mode = #tpu.pipeline_mode<synchronous>, transform_indices = @transform_6, window_bounds = array<i64: 128, 1>}, {pipeline_mode = #tpu.pipeline_mode<synchronous>, transform_indices = @transform_7, window_bounds = array<i64: 1, 1>}, {transform_indices = @transform_8, window_bounds = array<i64: 1, 2048, 1>}]} {
    %get3A = arith.constant 0 : index
    %get3A_0 = arith.constant 0 : index
    %get3A_1 = arith.constant 0 : index
    %get3A_2 = vector.load %arg1[%get3A, %get3A_0, %get3A_1] : memref<1x2048x512xf32, #tpu.memory_space<vmem>>, vector<1x2048x512xf32>
    %get3A_3 = vector.shape_cast %get3A_2 : vector<1x2048x512xf32> to vector<2048x512xf32>
    %get3A_4 = arith.constant 0 : index
    %get3A_5 = arith.constant 0 : index
    %get3A_6 = vector.load %arg3[%get3A_4, %get3A_5] : memref<512x128xf32, #tpu.memory_space<vmem>>, vector<512x128xf32>
    %convert_element_type3A = arith.truncf %get3A_3 : vector<2048x512xf32> to vector<2048x512xbf16>
    %convert_element_type3A_7 = arith.truncf %get3A_6 : vector<512x128xf32> to vector<512x128xbf16>
    %dot_general3A = arith.constant dense<0.000000e+00> : vector<2048x128xf32>
    %dot_general3A_8 = tpu.matmul %convert_element_type3A, %convert_element_type3A_7, %dot_general3A {dimension_numbers = #tpu.dot_dimension_numbers<[1], [0], [0], [1], [0, 0, 1, 1], [], []>, transpose_lhs_hint = false} : vector<2048x512xbf16>, vector<512x128xbf16>, vector<2048x128xf32> -> vector<2048x128xf32>
    %get3A_9 = arith.constant 0 : index
    %get3A_10 = arith.constant 0 : index
    %get3A_11 = vector.load %arg4[%get3A_9, %get3A_10] : memref<1x128xf32, #tpu.memory_space<vmem>>, vector<1x128xf32>
    %add3A = vector.broadcast %get3A_11 : vector<1x128xf32> to vector<2048x128xf32>
    %add3A_12 = arith.addf %dot_general3A_8, %add3A : vector<2048x128xf32>
    %logistic3A = arith.negf %add3A_12 : vector<2048x128xf32>
    %logistic3A_13 = math.exp %logistic3A : vector<2048x128xf32>
    %logistic3A_14 = arith.constant 1.000000e+00 : f32
    %logistic3A_15 = vector.broadcast %logistic3A_14 : f32 to vector<2048x128xf32>
    %logistic3A_16 = arith.addf %logistic3A_15, %logistic3A_13 : vector<2048x128xf32>
    %logistic3A_17 = arith.divf %logistic3A_15, %logistic3A_16 : vector<2048x128xf32>
    %mul3A = arith.mulf %add3A_12, %logistic3A_17 : vector<2048x128xf32>
    %get3A_18 = arith.constant 0 : index
    %get3A_19 = arith.constant 0 : index
    %get3A_20 = vector.load %arg5[%get3A_18, %get3A_19] : memref<128x128xf32, #tpu.memory_space<vmem>>, vector<128x128xf32>
    %convert_element_type3A_21 = arith.truncf %mul3A : vector<2048x128xf32> to vector<2048x128xbf16>
    %convert_element_type3A_22 = arith.truncf %get3A_20 : vector<128x128xf32> to vector<128x128xbf16>
    %dot_general3A_23 = arith.constant dense<0.000000e+00> : vector<2048x128xf32>
    %dot_general3A_24 = tpu.matmul %convert_element_type3A_21, %convert_element_type3A_22, %dot_general3A_23 {dimension_numbers = #tpu.dot_dimension_numbers<[1], [0], [0], [1], [0, 0, 1, 1], [], []>, transpose_lhs_hint = false} : vector<2048x128xbf16>, vector<128x128xbf16>, vector<2048x128xf32> -> vector<2048x128xf32>
    %get3A_25 = arith.constant 0 : index
    %get3A_26 = arith.constant 0 : index
    %get3A_27 = vector.load %arg6[%get3A_25, %get3A_26] : memref<1x128xf32, #tpu.memory_space<vmem>>, vector<1x128xf32>
    %add3A_28 = vector.broadcast %get3A_27 : vector<1x128xf32> to vector<2048x128xf32>
    %add3A_29 = arith.addf %dot_general3A_24, %add3A_28 : vector<2048x128xf32>
    %logistic3A_30 = arith.negf %add3A_29 : vector<2048x128xf32>
    %logistic3A_31 = math.exp %logistic3A_30 : vector<2048x128xf32>
    %logistic3A_32 = arith.constant 1.000000e+00 : f32
    %logistic3A_33 = vector.broadcast %logistic3A_32 : f32 to vector<2048x128xf32>
    %logistic3A_34 = arith.addf %logistic3A_33, %logistic3A_31 : vector<2048x128xf32>
    %logistic3A_35 = arith.divf %logistic3A_33, %logistic3A_34 : vector<2048x128xf32>
    %mul3A_36 = arith.mulf %add3A_29, %logistic3A_35 : vector<2048x128xf32>
    %get3A_37 = arith.constant 0 : index
    %get3A_38 = arith.constant 0 : index
    %get3A_39 = vector.load %arg7[%get3A_37, %get3A_38] : memref<128x1xf32, #tpu.memory_space<vmem>>, vector<128x1xf32>
    %convert_element_type3A_40 = arith.truncf %mul3A_36 : vector<2048x128xf32> to vector<2048x128xbf16>
    %convert_element_type3A_41 = arith.truncf %get3A_39 : vector<128x1xf32> to vector<128x1xbf16>
    %dot_general3A_42 = arith.constant dense<0.000000e+00> : vector<2048x1xf32>
    %dot_general3A_43 = tpu.matmul %convert_element_type3A_40, %convert_element_type3A_41, %dot_general3A_42 {dimension_numbers = #tpu.dot_dimension_numbers<[1], [0], [0], [1], [0, 0, 1, 1], [], []>, transpose_lhs_hint = false} : vector<2048x128xbf16>, vector<128x1xbf16>, vector<2048x1xf32> -> vector<2048x1xf32>
    %get3A_44 = arith.constant 0 : index
    %get3A_45 = arith.constant 0 : index
    %get3A_46 = vector.load %arg8[%get3A_44, %get3A_45] : memref<1x1xf32, #tpu.memory_space<vmem>>, vector<1x1xf32>
    %add3A_47 = vector.broadcast %get3A_46 : vector<1x1xf32> to vector<2048x1xf32>
    %add3A_48 = arith.addf %dot_general3A_43, %add3A_47 : vector<2048x1xf32>
    %get3A_49 = arith.constant 0 : index
    %get3A_50 = arith.constant 0 : index
    %get3A_51 = arith.constant 0 : index
    %get3A_52 = vector.load %arg2[%get3A_49, %get3A_50, %get3A_51] : memref<1x2048x1xi32, #tpu.memory_space<vmem>>, vector<1x2048x1xi32>
    %get3A_53 = vector.shape_cast %get3A_52 : vector<1x2048x1xi32> to vector<2048x1xi32>
    %ne3A = arith.constant 0 : i32
    %ne3A_54 = vector.broadcast %ne3A : i32 to vector<2048x1xi32>
    %ne3A_55 = arith.cmpi ne, %get3A_53, %ne3A_54 : vector<2048x1xi32>
    %jit3A = arith.constant 0xFF800000 : f32
    %broadcast_in_dim3A = vector.broadcast %jit3A : f32 to vector<2048x1xf32>
    %select_n3A = arith.select %ne3A_55, %add3A_48, %broadcast_in_dim3A : vector<2048x1xi1>, vector<2048x1xf32>
    %swap3A = arith.constant 0 : index
    %swap3A_56 = arith.constant 0 : index
    %swap3A_57 = arith.constant 0 : index
    %swap3A_58 = vector.load %arg9[%swap3A, %swap3A_56, %swap3A_57] : memref<1x2048x1xf32, #tpu.memory_space<vmem>>, vector<1x2048x1xf32>
    %swap3A_59 = vector.shape_cast %swap3A_58 : vector<1x2048x1xf32> to vector<2048x1xf32>
    %swap3A_60 = vector.shape_cast %select_n3A : vector<2048x1xf32> to vector<1x2048x1xf32>
    tpu.vector_store %arg9[%swap3A, %swap3A_56, %swap3A_57], %swap3A_60 {strides = array<i32>} : memref<1x2048x1xf32, #tpu.memory_space<vmem>>, vector<1x2048x1xf32>,
    return
  }
  func.func @transform_0(%arg0: i32) -> (i32, i32, i32) {
    %c0_i32 = arith.constant 0 : i32
    %c0_i32_0 = arith.constant 0 : i32
    %c0_i32_1 = arith.constant 0 : i32
    return %arg0, %c0_i32, %c0_i32_0 : i32, i32, i32
  }
  func.func @transform_1(%arg0: i32) -> (i32, i32, i32) {
    %c0_i32 = arith.constant 0 : i32
    %c0_i32_0 = arith.constant 0 : i32
    %c0_i32_1 = arith.constant 0 : i32
    return %arg0, %c0_i32, %c0_i32_0 : i32, i32, i32
  }
  func.func @transform_2(%arg0: i32) -> (i32, i32) {
    %c0_i32 = arith.constant 0 : i32
    %c0_i32_0 = arith.constant 0 : i32
    %c0_i32_1 = arith.constant 0 : i32
    return %c0_i32, %c0_i32_0 : i32, i32
  }
  func.func @transform_3(%arg0: i32) -> (i32, i32) {
    %c0_i32 = arith.constant 0 : i32
    %c0_i32_0 = arith.constant 0 : i32
    %c0_i32_1 = arith.constant 0 : i32
    return %c0_i32, %c0_i32_0 : i32, i32
  }
  func.func @transform_4(%arg0: i32) -> (i32, i32) {
    %c0_i32 = arith.constant 0 : i32
    %c0_i32_0 = arith.constant 0 : i32
    %c0_i32_1 = arith.constant 0 : i32
    return %c0_i32, %c0_i32_0 : i32, i32
  }
  func.func @transform_5(%arg0: i32) -> (i32, i32) {
    %c0_i32 = arith.constant 0 : i32
    %c0_i32_0 = arith.constant 0 : i32
    %c0_i32_1 = arith.constant 0 : i32
    return %c0_i32, %c0_i32_0 : i32, i32
  }
  func.func @transform_6(%arg0: i32) -> (i32, i32) {
    %c0_i32 = arith.constant 0 : i32
    %c0_i32_0 = arith.constant 0 : i32
    %c0_i32_1 = arith.constant 0 : i32
    return %c0_i32, %c0_i32_0 : i32, i32
  }
  func.func @transform_7(%arg0: i32) -> (i32, i32) {
    %c0_i32 = arith.constant 0 : i32
    %c0_i32_0 = arith.constant 0 : i32
    %c0_i32_1 = arith.constant 0 : i32
    return %c0_i32, %c0_i32_0 : i32, i32
  }
  func.func @transform_8(%arg0: i32) -> (i32, i32, i32) {
    %c0_i32 = arith.constant 0 : i32
    %c0_i32_0 = arith.constant 0 : i32
    %c0_i32_1 = arith.constant 0 : i32
    return %arg0, %c0_i32, %c0_i32_0 : i32, i32, i32
  }
}

</mosaic_0001>

<sc_bundles>
// kernel: kernel.17.cloned.1.call-start
scs
__scs_entry_jumppad:
0x0: {  	(pc) =	sbr.rel $0x88, $3  }
0x1: {  	(tag) =	ssettag $0x0;
	lr =	simm.s32 $0x1  }
0x2: {  	[smem:$0x3F8C] =	sst lr;
	_ =	strace $0xD0000000  }
0x3: {  	_ = 	snop  }
0x4: {  	_ = 	snop  }
0x5: {  	_ = 	snop  }
0x6: {  	_ = 	snop  }
0x7: {  	_ = 	snop  }
__scs_overlays_trampoline_lowered:
0x8: {  	[smem:$0x3F9B] =	sst s0  }
0x9: {  	[smem:$0x3F9C] =	sst s1  }
0xa: {  	[smem:$0x3F9D] =	sst s2  }
0xb: {  	[smem:$0x3F9E] =	sst s3  }
0xc: {  	[smem:$0x3F9F] =	sst s4  }
0xd: {  	[smem:$0x3FA0] =	sst s5  }
0xe: {  	[smem:$0x3FA1] =	sst s6  }
0xf: {  	[smem:$0x3FA2] =	sst s7  }
0x10: {  	[smem:$0x3FA3] =	sst s8  }
0x11: {  	[smem:$0x3FA4] =	sst s9;
	s0 =	simm.s32 @!p0 $0x0  }
0x12: {  	s1 =	sld [smem:$0x3F8A];
	s0 =	simm.s32 @p0 $0x1  }
0x13: {  	[smem:$0x3FA5] =	sst s0;
	s0 =	simm.s32 @!p1 $0x0  }
0x14: {  	s2 =	sld [smem:$0x3F89];
	s0 =	simm.s32 @p1 $0x1  }
0x15: {  	[smem:$0x3FA6] =	sst s0;
	s0 =	simm.s32 @!p2 $0x0  }
0x16: {  	s3 =	sld [smem:$0x3FDB];
	s0 =	simm.s32 @p2 $0x1  }
0x17: {  	s4 =	simm.s32 $0x1BF5;
	[smem:$0x3FA8] =	sst s0  }
0x18: {  	s0 =	sld [smem:$0x3F8B];
	_ =	swait.ge [sflag:s4], $0x0  }
0x19: {  	s7 =	sld [smem:$0x3F8C]  }
0x1a: {  	s8 =	sadd.s32 $0xFFFFE003, lr  }
0x1b: {  	s9 =	sadd.s32 $0xFFFFFEF7, lr;
	s5 =	simm.s32 $0xFFFFFFFF;
	p2 =	slt.u32 s8, $0xFFFFF086  }
0x1c: {  	p1 =	slt.u32 s9, $0xF7A;
	s5 =	simm.s32 @!p2 $0x0  }
0x1d: {  	s5 =	simm.s32 @p1 $0x1;
	p0 =	seq.s32 s7, s2  }
0x1e: {  	s7 =	smul.u32 @!p0 $0xF7A, s2;
	p2 =	seq.s32 @!p0 s5, $0x0  }
0x1f: {  	s9 =	smul.u32 $0xF7A, s1;
	s8 =	simm.s32 @!p0 $0x1BF5;
	p2 =	por !p2, p0  }
0x20: {  	[sflag:s8] =	ssyncset.s32 @!p0 $0xFFFFF086;
	s6 =	sadd.s32 @!p0 s3, s7;
	s7 =	simm.s32 @!p0 $0x108  }
0x21: {  	s3 =	sadd.s32 s3, s9;
	s6 =	sadd.s32 @!p0 $0x88, s6;
	s7 =	simm.s32 @p2 $0x1082  }
0x22: {  	[simem:s7], [sflag:s8] =	dma.local @!p0 [hbm:s6], $0xF7A  }
0x23: {  	s9 =	sor.u32 $0xD0000000, s2;
	s6 =	simm.s32 $0x108;
	_ =	swait.ge @!p0 [sflag:s8], $0x0  }
0x24: {  	s3 =	sadd.s32 $0x88, s3;
	s6 =	simm.s32 @!p1 $0x1082;
	[sflag:s4] =	ssyncset.s32 $0xFFFFF086  }
0x25: {  	[simem:s6], [sflag:s4] =	dma.local [hbm:s3], $0xF7A  }
0x26: {  	[smem:$0x3F8C] =	sst s1;
	(tag) =	ssettag s2;
	_ =	strace s9  }
0x27: {  	s1 =	sld [smem:$0x3F9C]  }
0x28: {  	s2 =	sld [smem:$0x3F9D]  }
0x29: {  	s4 =	sld [smem:$0x3F9F]  }
0x2a: {  	p0 =	seq.s32 s5, $0x0;
	s5 =	sld [smem:$0x3FA0]  }
0x2b: {  	s6 =	sld [smem:$0x3FA1]  }
0x2c: {  	s7 =	sld [smem:$0x3FA2]  }
0x2d: {  	s3 =	simm.s32 $0x108;
	s8 =	sld [smem:$0x3FA3]  }
0x2e: {  	s3 =	simm.s32 @!p0 $0x1082;
	s9 =	sld [smem:$0x3FA4]  }
0x2f: {  	lr =	sadd.s32 s0, s3;
	s0 =	sld [smem:$0x3F9B]  }
0x30: {  	s3 =	sld [smem:$0x3F9E]  }
0x31: {  	[smem:$0x3FA7] =	sst s10  }
0x32: {  	s10 =	sld [smem:$0x3FA5];
	_ =	sdelay $0x3  }
0x33: {  	p0 =	seq.s32 s10, $0x1;
	s10 =	sld [smem:$0x3FA7];
	_ =	sdelay $0x3  }
0x34: {  	[smem:$0x3FA7] =	sst s10  }
0x35: {  	s10 =	sld [smem:$0x3FA6];
	_ =	sdelay $0x3  }
0x36: {  	p1 =	seq.s32 s10, $0x1;
	s10 =	sld [smem:$0x3FA7];
	_ =	sdelay $0x3  }
0x37: {  	[smem:$0x3FA7] =	sst s10  }
0x38: {  	s10 =	sld [smem:$0x3FA8]  }
0x39: {  	_ = 	snop;
	(pc) =	sbr.ind lr, $3  }
0x3a: {  	_ = 	snop  }
0x3b: {  	_ = 	snop  }
0x3c: {  	p2 =	seq.s32 s10, $0x1;
	s10 =	sld [smem:$0x3FA7]  }
0x3d: {  	_ =	shalt  }
0x3e: {  	_ =	shalt  }
0x3f: {  	_ =	shalt  }
0x40: {  	_ =	shalt  }
0x41: {  	_ =	shalt  }
0x42: {  	_ =	shalt  }
0x43: {  	_ =	shalt  }
0x44: {  	_ =	shalt  }
0x45: {  	_ =	shalt  }
0x46: {  	_ =	shalt  }
0x47: {  	_ =	shalt  }
0x48: {  	_ =	shalt  }
0x49: {  	_ =	shalt  }
0x4a: {  	_ =	shalt  }
0x4b: {  	_ =	shalt  }
0x4c: {  	_ =	shalt  }
0x4d: {  	_ =	shalt  }
0x4e: {  	_ =	shalt  }
0x4f: {  	_ =	shalt  }
0x50: {  	_ =	shalt  }
0x51: {  	_ =	shalt  }
0x52: {  	_ =	shalt  }
0x53: {  	_ =	shalt  }
0x54: {  	_ =	shalt  }
0x55: {  	_ =	shalt  }
0x56: {  	_ =	shalt  }
0x57: {  	_ =	shalt  }
0x58: {  	_ =	shalt  }
0x59: {  	_ =	shalt  }
0x5a: {  	_ =	shalt  }
0x5b: {  	_ =	shalt  }
0x5c: {  	_ =	shalt  }
0x5d: {  	_ =	shalt  }
0x5e: {  	_ =	shalt  }
0x5f: {  	_ =	shalt  }
0x60: {  	_ =	shalt  }
0x61: {  	_ =	shalt  }
0x62: {  	_ =	shalt  }
0x63: {  	_ =	shalt  }
0x64: {  	_ =	shalt  }
0x65: {  	_ =	shalt  }
0x66: {  	_ =	shalt  }
0x67: {  	_ =	shalt  }
0x68: {  	_ =	shalt  }
0x69: {  	_ =	shalt  }
0x6a: {  	_ =	shalt  }
0x6b: {  	_ =	shalt  }
0x6c: {  	_ =	shalt  }
0x6d: {  	_ =	shalt  }
0x6e: {  	_ =	shalt  }
0x6f: {  	_ =	shalt  }
0x70: {  	_ =	shalt  }
0x71: {  	_ =	shalt  }
0x72: {  	_ =	shalt  }
0x73: {  	_ =	shalt  }
0x74: {  	_ =	shalt  }
0x75: {  	_ =	shalt  }
0x76: {  	_ =	shalt  }
0x77: {  	_ =	shalt  }
0x78: {  	_ =	shalt  }
0x79: {  	_ =	shalt  }
0x7a: {  	_ =	shalt  }
0x7b: {  	_ =	shalt  }
0x7c: {  	_ =	shalt  }
0x7d: {  	_ =	shalt  }
0x7e: {  	_ =	shalt  }
0x7f: {  	_ =	shalt  }
0x80: {  	_ =	shalt  }
0x81: {  	_ =	shalt  }
0x82: {  	_ =	shalt  }
0x83: {  	_ =	shalt  }
0x84: {  	_ =	shalt  }
0x85: {  	_ =	shalt  }
0x86: {  	_ =	shalt  }
0x87: {  	_ =	shalt  }
.Lfunc_end0:
.L_simem_size_0:
called_computation_lowered:
.L_overlay_start_0:
0x88: {  	s2 =	sld [smem:$0x3FD9]  }
0x89: {  	s3 =	sld [smem:$0x3FFE];
	_ =	sdelay $0x1  }
0x8a: {  	s1 =	srdreg.scid  }
0x8b: {  	s0 =	sand.u32 $0x1, s1  }
0x8c: {  	s16 =	sshll.u32 s0, $0xA;
	s2 =	sadd.s32 s3, s2  }
0x8d: {  	s2 =	sadd.s32 s2, s16  }
0x8e: {  	[smem:$0x3FB3] =	sst s2  }
0x8f: {  	_ = 	snop  }
0x90: {  	(tm) =	ssettm $0x1  }
0x91: {  	s17 =	sld [smem:$0x3FFB];
	_ =	sdelay $0x3  }
0x92: {  	_ =	strace s17  }
0x93: {  	s2 =	sld [smem:$0x3FFC];
	_ =	sdelay $0x3  }
0x94: {  	_ =	strace s2  }
0x95: {  	s2 =	sld [smem:$0x3FFD];
	_ =	sdelay $0x3  }
0x96: {  	_ =	strace s2  }
0x97: {  	_ =	strace $0x8FFFFFFF  }
0x98: {  	s18 =	sld [smem:$0x3FDB];
	_ =	sdelay $0x1  }
0x99: {  	s19 =	simm.s32 $_scs_section_size  }
0x9a: {  	s4 =	simm.s32 $_size__tile_overlayer_lowered;
	s5 =	simm.s32 $_tile_overlayer_lowered  }
0x9b: {  	s22 =	simm.s32 $0x1BFF;
	s21 =	sshll.u32 s5, $0x1;
	s2 =	sadd.s32 s19, s18  }
0x9c: {  	s6 =	simm.s32 $0x0;
	s20 =	sshll.u32 s4, $0x1;
	s4 =	sadd.s32 s21, s2  }
0x9d: {  	[timem:s6], [sflag:s22] =	dma.local [hbm:s4], s20  }
0x9e: {  	_ =	swait.ge [sflag:s22], s20  }
0x9f: {  	s3 =	ssub.s32 $0x0, s20;
	[sflag:s22] =	ssyncset.done $0x0  }
0xa0: {  	[sflag:s22] =	ssyncadd.s32 s3;
	_ =	sdelay $0x1  }
0xa1: {  	s23 =	simm.s32 $0x1B8B  }
0xa2: {  	_ =	swait.ge [sflag:s23], $0x1  }
0xa3: {  	[sflag:s23] =	ssyncset.done $0x0  }
0xa4: {  	s25 =	simm.s32 $0x1B8E;
	s24 =	sld [smem:$0x3FFE];
	[sflag:s23] =	ssyncadd.s32 $0xFFFFFFFF  }
0xa5: {  	s26 =	simm.s32 $execute0_lowered;
	[smem:$0x3FD2] =	sst s25  }
0xa6: {  	s4 =	sshll.u32 s26, $0x1;
	_ =	strace $0x80000046;
	[dreg:$0x1] =	wrdreg $0xFFFFFFFF  }
0xa7: {  	s28 =	simm.s32 $_size_execute0_lowered;
	s2 =	sadd.s32 s2, s4;
	[dreg:$0x0] =	wrdreg $0x0  }
0xa8: {  	s4 =	sshll.u32 s28, $0x1;
	[dreg:$0x2] =	wrdreg s2  }
0xa9: {  	[dreg:$0x3] =	wrdreg s4  }
0xaa: {  	[dreg:$0x4] =	wrdreg $0xC0  }
0xab: {  	_ =	task [dreg:s6], $0x5FFFF  }
0xac: {  	[dreg:$0x1] =	wrdreg $0xFFFFFFFF  }
0xad: {  	[dreg:$0x0] =	wrdreg $0x60  }
0xae: {  	[dreg:$0x2] =	wrdreg s24  }
0xaf: {  	[dreg:$0x3] =	wrdreg $0x90000  }
0xb0: {  	[dreg:$0x4] =	wrdreg $0x9  }
0xb1: {  	_ =	task.clear_ibuf [dreg:s6], $0x5FFFF;
	_ =	strace $0x90000046  }
0xb2: {  	s29 =	simm.s32 $0x9;
	_ =	strace $0x80000048  }
0xb3: {  	_ =	swait.ge [sflag:s29], $0x1  }
0xb4: {  	[sflag:s29] =	ssyncadd.s32 $0xFFFFFFFF  }
0xb5: {  	_ =	strace $0x90000048  }
0xb6: {  	_ =	sfence  }
0xb7: {  	s30 =	sld [smem:$0x0];
	_ =	sdelay $0x2  }
0xb8: {  	s31 =	sshll.u32 s1, $0xD;
	s1 =	sshrl.u32 s1, $0x2  }
0xb9: {  	s3 =	sand.u32 $0x4000, s31;
	s1 =	sadd.s32 s1, s30  }
0xba: {  	s0 =	sor.u32 s3, s0;
	s1 =	sshll.u32 s1, $0x11  }
0xbb: {  	s0 =	sor.u32 s1, s0  }
0xbc: {  	s0 =	sadd.s32 $0x8F2B, s0  }
0xbd: {  	[sflag:s0] =	ssyncadd.remote.s32 $0x1  }
0xbe: {  	_ =	sfence.sel $0xFFFF  }
0xbf: {  	[dreg:$0x0] =	wrdreg $0xFFFFFFFF;
	(pc) =	sbr.abs _section_cstart, $3  }
0xc0: {  	[dreg:$0x1] =	wrdreg $0xFFFFFFFF  }
0xc1: {  	_ =	task.clear_ibuf [dreg:s6], $0x2FFFF;
	_ =	strace $0x9FFFFFFF  }
0xc2: {  	(tm) =	ssettm $0x7FFFFFFF  }
0xc3: {  	_ =	shalt  }
tec
execute0_lowered:
.L_overlay_start_1:
0x0: {  	(tag) =	ssettag $0x1  }
0x1: {  	s7 =	rddreg [dreg:$0x0]  }
0x2: {  	s0 =	srdreg.scid;
	s2 =	rddreg [dreg:$0x1];
	s3 =	simm.s32 $0x0  }
0x3: {  	s19 =	simm.s32 $0x2;
	s20 =	simm.s32 $0x2800;
	s21 =	simm.s32 $0x5000  }
0x4: {  	s22 =	simm.s32 $0x80;
	s6 =	sand.u32 $0x1, s0;
	s0 =	stileid.u32  }
0x5: {  	s23 =	simm.s32 $0x1;
	s24 =	simm.s32 $0x0;
	s8 =	smul.u32 $0x500, s0  }
0x6: {  	[smem:$0x7FF] =	sst s3;
	s4 =	sadd.s32 $0x15600, s7;
	s9 =	smul.u32 $0x280, s0  }
0x7: {  	s1 =	sshll.u32 s6, $0x4;
	s10 =	smul.u32 $0x2800, s6;
	s6 =	ssub.s32 $0x2, s6  }
0x8: {  	s12 =	smul.u32 $0x50000, s0;
	s1 =	sor.u32 s0, s1;
	s31 =	sshrl.u32 s6, $0x1  }
0x9: {  	s5 =	smul.u32 $0x500, s1;
	s1 =	rddreg [dreg:$0x2];
	_ =	strace $0x80000047  }
0xa: {  	s8 =	sadd.s32 s8, s7;
	s9 =	sadd.s32 s9, s10;
	s12 =	sshrl.u32 s12, $0x2  }
0xb: {  	s18 =	ssub.s32 s6, s31;
	s9 =	sshll.u32 s9, $0x4;
	s6 =	sadd.s32 s12, s2  }
0xc: {  	s8 =	sadd.s32 $0x10600, s8;
	s18 =	smax.u32 s18, $0x1;
	s11 =	sadd.s32 s5, s7  }
0xd: {  	s5 =	sadd.s32 $0x65600, s7;
	s17 =	sadd.s32 s9, s7;
	s9 =	sadd.s32 $0x4000, s6  }
0xe: {  	s10 =	sadd.s32 $0x8000, s6;
	s12 =	sadd.s32 $0x10000, s6;
	s7 =	sadd.s32 $0x6600, s11  }
0xf: {  	s11 =	sadd.s32 $0xC000, s6;
	s13 =	sadd.s32 $0x65E00, s17;
	s14 =	sadd.s32 $0x66600, s17  }
0x10: {  	s15 =	sadd.s32 $0x66E00, s17;
	s16 =	sadd.s32 $0x67600, s17;
	s17 =	sadd.s32 $0x67E00, s17  }
.LBB2_1:
0x11: {  	[tilespmem:s3], [sflag:$0x2] =	stream.linear.gather [hbm4b:s7+s3], $0x2800, $0x38;
	[tilespmem:$0x1D000] =	vst v63  }
0x12: {  	_ =	swait.ge [sflag:s19], $0x2800  }
0x13: {  	[sflag:s19] =	ssyncset.done $0x0  }
0x14: {  	[sflag:s19] =	ssyncadd.s32 $0xFFFFD800  }
0x15: {  	[tilespmem:s20], [sflag:$0x2] =	stream.linear.gather [hbm4b:s8+s3], $0x2800, $0x38;
	[tilespmem:$0x1D000] =	vst v63  }
0x16: {  	_ =	swait.ge [sflag:s19], $0x2800  }
0x17: {  	[sflag:s19] =	ssyncset.done $0x0  }
0x18: {  	[sflag:s19] =	ssyncadd.s32 $0xFFFFD800  }
0x19: {  	[tilespmem:s21], [sflag:$0x2] =	stream.linear.gather [hbm4b:s5+s3], $0x4000, $0x38;
	[tilespmem:$0x1D000] =	vst v63  }
0x1a: {  	_ =	swait.ge [sflag:s19], $0x4000  }
0x1b: {  	[sflag:s19] =	ssyncset.done $0x0  }
0x1c: {  	[sflag:s19] =	ssyncadd.s32 $0xFFFFC000  }
0x1d: {  	[spmem:s6] =	stream.linear.scatter [tilespmem:s21], [sflag:$0x2], $0x4000, $0x38;
	[tilespmem:$0x1D000] =	vst v63  }
0x1e: {  	_ =	swait.ge [sflag:s19], $0x4000  }
0x1f: {  	[sflag:s19] =	ssyncset.done $0x0  }
0x20: {  	[sflag:s19] =	ssyncadd.s32 $0xFFFFC000  }
0x21: {  	[spmem:s9] =	stream.linear.scatter [tilespmem:s21], [sflag:$0x2], $0x4000, $0x38;
	[tilespmem:$0x1D000] =	vst v63  }
0x22: {  	_ =	swait.ge [sflag:s19], $0x4000  }
0x23: {  	[sflag:s19] =	ssyncset.done $0x0  }
0x24: {  	[sflag:s19] =	ssyncadd.s32 $0xFFFFC000  }
0x25: {  	[spmem:s10] =	stream.linear.scatter [tilespmem:s21], [sflag:$0x2], $0x4000, $0x38;
	[tilespmem:$0x1D000] =	vst v63  }
0x26: {  	_ =	swait.ge [sflag:s19], $0x4000  }
0x27: {  	[sflag:s19] =	ssyncset.done $0x0  }
0x28: {  	[sflag:s19] =	ssyncadd.s32 $0xFFFFC000  }
0x29: {  	[spmem:s11] =	stream.linear.scatter [tilespmem:s21], [sflag:$0x2], $0x4000, $0x38;
	[tilespmem:$0x1D000] =	vst v63  }
0x2a: {  	_ =	swait.ge [sflag:s19], $0x4000  }
0x2b: {  	[sflag:s19] =	ssyncset.done $0x0  }
0x2c: {  	[sflag:s19] =	ssyncadd.s32 $0xFFFFC000  }
0x2d: {  	[spmem:s12] =	stream.linear.scatter [tilespmem:s21], [sflag:$0x2], $0x4000, $0x38;
	[tilespmem:$0x1D000] =	vst v63  }
0x2e: {  	_ =	swait.ge [sflag:s19], $0x4000  }
0x2f: {  	[sflag:s19] =	ssyncset.done $0x0  }
0x30: {  	[sflag:s19] =	ssyncadd.s32 $0xFFFFC000  }
0x31: {  	s25 =	simm.s32 $0x0;
	[bflag:$0x0] =	sbarrier.arrive $0xFFFF  }
0x32: {  	[tilespmem:s21], [sflag:$0x1] =	stream.indirect.gather [hbm4b:s4+s22], $0x80, s25, s22, $0xb8;
	[tilespmem:$0x1D000] =	vst v63  }
0x33: {  	_ =	swait.ge [sflag:s23], $0x4000  }
0x34: {  	[sflag:s23] =	ssyncset.done $0x0  }
0x35: {  	s31 =	simm.s32 $0x2800;
	[sflag:s23] =	ssyncadd.s32 $0xFFFFC000  }
0x36: {  	[spmem:s2] =	stream.indirect.scatter.add.f32 [tilespmem:s21], [sflag:$0x2], $0x80, s31, s22, $0xb8;
	[tilespmem:$0x1D000] =	vst v63  }
0x37: {  	_ =	swait.ge [sflag:s19], $0x4000  }
0x38: {  	s26 =	simm.s32 $0x400;
	s25 =	simm.s32 $0x200;
	[sflag:s19] =	ssyncset.done $0x0  }
.LBB2_2:
0x39: {  	s28 =	sshra.s32 s25, $0x2  }
0x3a: {  	[sflag:s19] =	ssyncadd.s32 $0xFFFFC000;
	s25 =	smov.u32 s26;
	s29 =	sadd.s32 $0x200, s26  }
0x3b: {  	[tilespmem:s21], [sflag:$0x1] =	stream.indirect.gather [hbm4b:s4+s22], $0x80, s28, s22, $0xb8;
	[tilespmem:$0x1D000] =	vst v63  }
0x3c: {  	p0 =	sne.s32 s26, $0x9E00;
	_ =	swait.ge [sflag:s23], $0x4000  }
.Ltmp0:
0x3d: {  	[sflag:s23] =	ssyncset.done $0x0;
	(pc) =	sbr.rel @p0 .LBB2_2-.Ltmp0, $4  }
0x3e: {  	s26 =	sadd.s32 $0x2800, s28;
	[sflag:s23] =	ssyncadd.s32 $0xFFFFC000  }
0x3f: {  	[spmem:s2] =	stream.indirect.scatter.add.f32 [tilespmem:s21], [sflag:$0x2], $0x80, s26, s22, $0xb8;
	[tilespmem:$0x1D000] =	vst v63  }
0x40: {  	_ =	swait.ge [sflag:s19], $0x4000  }
0x41: {  	s26 =	smov.u32 s29;
	[sflag:s19] =	ssyncset.done $0x0  }
0x42: {  	s25 =	sshra.s32 s25, $0x2;
	[sflag:s19] =	ssyncadd.s32 $0xFFFFC000  }
0x43: {  	[tilespmem:s21], [sflag:$0x1] =	stream.indirect.gather [hbm4b:s4+s22], $0x80, s25, s22, $0xb8;
	[tilespmem:$0x1D000] =	vst v63  }
0x44: {  	_ =	swait.ge [sflag:s23], $0x4000  }
0x45: {  	[sflag:s23] =	ssyncset.done $0x0  }
0x46: {  	s25 =	sadd.s32 $0x2800, s25;
	[sflag:s23] =	ssyncadd.s32 $0xFFFFC000  }
0x47: {  	[spmem:s2] =	stream.indirect.scatter.add.f32 [tilespmem:s21], [sflag:$0x2], $0x80, s25, s22, $0xb8;
	[tilespmem:$0x1D000] =	vst v63  }
0x48: {  	_ =	swait.ge [sflag:s19], $0x4000  }
0x49: {  	[sflag:s19] =	ssyncset.done $0x0  }
0x4a: {  	[sflag:s19] =	ssyncadd.s32 $0xFFFFC000  }
0x4b: {  	[bflag:$0x0] =	sbarrier.arrive $0xFFFF  }
0x4c: {  	[tilespmem:s21], [sflag:$0x2] =	stream.linear.gather [spmem:s6], $0x4000, $0x38;
	[tilespmem:$0x1D000] =	vst v63  }
0x4d: {  	_ =	swait.ge [sflag:s19], $0x4000  }
0x4e: {  	[sflag:s19] =	ssyncset.done $0x0  }
0x4f: {  	[sflag:s19] =	ssyncadd.s32 $0xFFFFC000  }
0x50: {  	[hbm4b:s13+s3] =	stream.linear.scatter [tilespmem:s21], [sflag:$0x2], $0x4000, $0x38;
	[tilespmem:$0x1D000] =	vst v63  }
0x51: {  	_ =	swait.ge [sflag:s19], $0x4000  }
0x52: {  	[sflag:s19] =	ssyncset.done $0x0  }
0x53: {  	[sflag:s19] =	ssyncadd.s32 $0xFFFFC000  }
0x54: {  	[tilespmem:s21], [sflag:$0x2] =	stream.linear.gather [spmem:s9], $0x4000, $0x38;
	[tilespmem:$0x1D000] =	vst v63  }
0x55: {  	_ =	swait.ge [sflag:s19], $0x4000  }
0x56: {  	[sflag:s19] =	ssyncset.done $0x0  }
0x57: {  	[sflag:s19] =	ssyncadd.s32 $0xFFFFC000  }
0x58: {  	[hbm4b:s14+s3] =	stream.linear.scatter [tilespmem:s21], [sflag:$0x2], $0x4000, $0x38;
	[tilespmem:$0x1D000] =	vst v63  }
0x59: {  	_ =	swait.ge [sflag:s19], $0x4000  }
0x5a: {  	[sflag:s19] =	ssyncset.done $0x0  }
0x5b: {  	[sflag:s19] =	ssyncadd.s32 $0xFFFFC000  }
0x5c: {  	[tilespmem:s21], [sflag:$0x2] =	stream.linear.gather [spmem:s10], $0x4000, $0x38;
	[tilespmem:$0x1D000] =	vst v63  }
0x5d: {  	_ =	swait.ge [sflag:s19], $0x4000  }
0x5e: {  	[sflag:s19] =	ssyncset.done $0x0  }
0x5f: {  	[sflag:s19] =	ssyncadd.s32 $0xFFFFC000  }
0x60: {  	[hbm4b:s15+s3] =	stream.linear.scatter [tilespmem:s21], [sflag:$0x2], $0x4000, $0x38;
	[tilespmem:$0x1D000] =	vst v63  }
0x61: {  	_ =	swait.ge [sflag:s19], $0x4000  }
0x62: {  	[sflag:s19] =	ssyncset.done $0x0  }
0x63: {  	[sflag:s19] =	ssyncadd.s32 $0xFFFFC000  }
0x64: {  	[tilespmem:s21], [sflag:$0x2] =	stream.linear.gather [spmem:s11], $0x4000, $0x38;
	[tilespmem:$0x1D000] =	vst v63  }
0x65: {  	_ =	swait.ge [sflag:s19], $0x4000  }
0x66: {  	[sflag:s19] =	ssyncset.done $0x0  }
0x67: {  	[sflag:s19] =	ssyncadd.s32 $0xFFFFC000  }
0x68: {  	[hbm4b:s16+s3] =	stream.linear.scatter [tilespmem:s21], [sflag:$0x2], $0x4000, $0x38;
	[tilespmem:$0x1D000] =	vst v63  }
0x69: {  	_ =	swait.ge [sflag:s19], $0x4000  }
0x6a: {  	[sflag:s19] =	ssyncset.done $0x0  }
0x6b: {  	[sflag:s19] =	ssyncadd.s32 $0xFFFFC000  }
0x6c: {  	[tilespmem:s21], [sflag:$0x2] =	stream.linear.gather [spmem:s12], $0x4000, $0x38;
	[tilespmem:$0x1D000] =	vst v63  }
0x6d: {  	s24 =	sadd.s32 $0x1, s24;
	_ =	swait.ge [sflag:s19], $0x4000  }
0x6e: {  	p0 =	sne.s32 s24, s18;
	[sflag:s19] =	ssyncset.done $0x0  }
.Ltmp1:
0x6f: {  	[sflag:s19] =	ssyncadd.s32 $0xFFFFC000;
	(pc) =	sbr.rel @p0 .LBB2_1-.Ltmp1, $4  }
0x70: {  	[hbm4b:s17+s3] =	stream.linear.scatter [tilespmem:s21], [sflag:$0x2], $0x4000, $0x38;
	[tilespmem:$0x1D000] =	vst v63  }
0x71: {  	_ =	swait.ge [sflag:s19], $0x4000  }
0x72: {  	[sflag:s19] =	ssyncset.done $0x0  }
0x73: {  	[sflag:s19] =	ssyncadd.s32 $0xFFFFC000  }
0x74: {  	_ =	sfence.sel $0x180000  }
0x75: {  	[bflag:$0x0] =	sbarrier.arrive $0xFFFF  }
0x76: {  	p0 =	sne.s32 s0, $0x0;
	_ =	strace $0x90000047  }
0x77: {  	s0 =	sadd.s32 @!p0 $0x100000, s1;
	[bflag:$0x2] =	sbarrier.arrive $0xFFFF  }
0x78: {  	[sflag:s0] =	ssyncadd.tile.s32 @!p0 $0x1;
	_ =	shalt  }
.Lfunc_end2:
_tile_overlayer_lowered:
.L_overlay_start_2:
0x79: {  	(tag) =	ssettag $0x2  }
0x7a: {  	s0 =	rddreg [dreg:$0x0];
	s2 =	stileid.u32  }
0x7b: {  	s1 =	rddreg [dreg:$0x1];
	p0 =	sne.s32 s2, $0x0  }
0x7c: {  	s3 =	rddreg [dreg:$0x2];
	[bflag:$0x3] =	sbarrier.arrive $0xFFFF;
	s2 =	simm.s32 @!p0 $0x1C02  }
0x7d: {  	[timem:s3], [sflag:s2] =	dma.local @!p0 [hbm:s0], s1  }
0x7e: {  	s0 =	simm.s32 @!p0 $0x2  }
0x7f: {  	_ =	swait.ge @!p0 [sflag:s0], s1  }
0x80: {  	s1 =	ssub.s32 @!p0 $0x0, s1;
	[sflag:s0] =	ssyncset.done @!p0 $0x0  }
0x81: {  	[sflag:s0] =	ssyncadd.s32 @!p0 s1  }
0x82: {  	[bflag:$0x3] =	sbarrier.arrive $0xFFFF  }
0x83: {  	_ =	shalt  }

// kernel: kernel.20.cloned.1.call-start
scs
__scs_entry_jumppad:
0x0: {  	(pc) =	sbr.rel $0x88, $3  }
0x1: {  	(tag) =	ssettag $0x0;
	lr =	simm.s32 $0x1  }
0x2: {  	[smem:$0x3F8C] =	sst lr;
	_ =	strace $0xD0000000  }
0x3: {  	_ = 	snop  }
0x4: {  	_ = 	snop  }
0x5: {  	_ = 	snop  }
0x6: {  	_ = 	snop  }
0x7: {  	_ = 	snop  }
__scs_overlays_trampoline_lowered:
0x8: {  	[smem:$0x3F9B] =	sst s0  }
0x9: {  	[smem:$0x3F9C] =	sst s1  }
0xa: {  	[smem:$0x3F9D] =	sst s2  }
0xb: {  	[smem:$0x3F9E] =	sst s3  }
0xc: {  	[smem:$0x3F9F] =	sst s4  }
0xd: {  	[smem:$0x3FA0] =	sst s5  }
0xe: {  	[smem:$0x3FA1] =	sst s6  }
0xf: {  	[smem:$0x3FA2] =	sst s7  }
0x10: {  	[smem:$0x3FA3] =	sst s8  }
0x11: {  	[smem:$0x3FA4] =	sst s9;
	s0 =	simm.s32 @!p0 $0x0  }
0x12: {  	s1 =	sld [smem:$0x3F8A];
	s0 =	simm.s32 @p0 $0x1  }
0x13: {  	[smem:$0x3FA5] =	sst s0;
	s0 =	simm.s32 @!p1 $0x0  }
0x14: {  	s2 =	sld [smem:$0x3F89];
	s0 =	simm.s32 @p1 $0x1  }
0x15: {  	[smem:$0x3FA6] =	sst s0;
	s0 =	simm.s32 @!p2 $0x0  }
0x16: {  	s3 =	sld [smem:$0x3FDB];
	s0 =	simm.s32 @p2 $0x1  }
0x17: {  	s4 =	simm.s32 $0x1BF5;
	[smem:$0x3FA8] =	sst s0  }
0x18: {  	s0 =	sld [smem:$0x3F8B];
	_ =	swait.ge [sflag:s4], $0x0  }
0x19: {  	s7 =	sld [smem:$0x3F8C]  }
0x1a: {  	s8 =	sadd.s32 $0xFFFFE003, lr  }
0x1b: {  	s9 =	sadd.s32 $0xFFFFFEF7, lr;
	s5 =	simm.s32 $0xFFFFFFFF;
	p2 =	slt.u32 s8, $0xFFFFF086  }
0x1c: {  	p1 =	slt.u32 s9, $0xF7A;
	s5 =	simm.s32 @!p2 $0x0  }
0x1d: {  	s5 =	simm.s32 @p1 $0x1;
	p0 =	seq.s32 s7, s2  }
0x1e: {  	s7 =	smul.u32 @!p0 $0xF7A, s2;
	p2 =	seq.s32 @!p0 s5, $0x0  }
0x1f: {  	s9 =	smul.u32 $0xF7A, s1;
	s8 =	simm.s32 @!p0 $0x1BF5;
	p2 =	por !p2, p0  }
0x20: {  	[sflag:s8] =	ssyncset.s32 @!p0 $0xFFFFF086;
	s6 =	sadd.s32 @!p0 s3, s7;
	s7 =	simm.s32 @!p0 $0x108  }
0x21: {  	s3 =	sadd.s32 s3, s9;
	s6 =	sadd.s32 @!p0 $0x88, s6;
	s7 =	simm.s32 @p2 $0x1082  }
0x22: {  	[simem:s7], [sflag:s8] =	dma.local @!p0 [hbm:s6], $0xF7A  }
0x23: {  	s9 =	sor.u32 $0xD0000000, s2;
	s6 =	simm.s32 $0x108;
	_ =	swait.ge @!p0 [sflag:s8], $0x0  }
0x24: {  	s3 =	sadd.s32 $0x88, s3;
	s6 =	simm.s32 @!p1 $0x1082;
	[sflag:s4] =	ssyncset.s32 $0xFFFFF086  }
0x25: {  	[simem:s6], [sflag:s4] =	dma.local [hbm:s3], $0xF7A  }
0x26: {  	[smem:$0x3F8C] =	sst s1;
	(tag) =	ssettag s2;
	_ =	strace s9  }
0x27: {  	s1 =	sld [smem:$0x3F9C]  }
0x28: {  	s2 =	sld [smem:$0x3F9D]  }
0x29: {  	s4 =	sld [smem:$0x3F9F]  }
0x2a: {  	p0 =	seq.s32 s5, $0x0;
	s5 =	sld [smem:$0x3FA0]  }
0x2b: {  	s6 =	sld [smem:$0x3FA1]  }
0x2c: {  	s7 =	sld [smem:$0x3FA2]  }
0x2d: {  	s3 =	simm.s32 $0x108;
	s8 =	sld [smem:$0x3FA3]  }
0x2e: {  	s3 =	simm.s32 @!p0 $0x1082;
	s9 =	sld [smem:$0x3FA4]  }
0x2f: {  	lr =	sadd.s32 s0, s3;
	s0 =	sld [smem:$0x3F9B]  }
0x30: {  	s3 =	sld [smem:$0x3F9E]  }
0x31: {  	[smem:$0x3FA7] =	sst s10  }
0x32: {  	s10 =	sld [smem:$0x3FA5];
	_ =	sdelay $0x3  }
0x33: {  	p0 =	seq.s32 s10, $0x1;
	s10 =	sld [smem:$0x3FA7];
	_ =	sdelay $0x3  }
0x34: {  	[smem:$0x3FA7] =	sst s10  }
0x35: {  	s10 =	sld [smem:$0x3FA6];
	_ =	sdelay $0x3  }
0x36: {  	p1 =	seq.s32 s10, $0x1;
	s10 =	sld [smem:$0x3FA7];
	_ =	sdelay $0x3  }
0x37: {  	[smem:$0x3FA7] =	sst s10  }
0x38: {  	s10 =	sld [smem:$0x3FA8]  }
0x39: {  	_ = 	snop;
	(pc) =	sbr.ind lr, $3  }
0x3a: {  	_ = 	snop  }
0x3b: {  	_ = 	snop  }
0x3c: {  	p2 =	seq.s32 s10, $0x1;
	s10 =	sld [smem:$0x3FA7]  }
0x3d: {  	_ =	shalt  }
0x3e: {  	_ =	shalt  }
0x3f: {  	_ =	shalt  }
0x40: {  	_ =	shalt  }
0x41: {  	_ =	shalt  }
0x42: {  	_ =	shalt  }
0x43: {  	_ =	shalt  }
0x44: {  	_ =	shalt  }
0x45: {  	_ =	shalt  }
0x46: {  	_ =	shalt  }
0x47: {  	_ =	shalt  }
0x48: {  	_ =	shalt  }
0x49: {  	_ =	shalt  }
0x4a: {  	_ =	shalt  }
0x4b: {  	_ =	shalt  }
0x4c: {  	_ =	shalt  }
0x4d: {  	_ =	shalt  }
0x4e: {  	_ =	shalt  }
0x4f: {  	_ =	shalt  }
0x50: {  	_ =	shalt  }
0x51: {  	_ =	shalt  }
0x52: {  	_ =	shalt  }
0x53: {  	_ =	shalt  }
0x54: {  	_ =	shalt  }
0x55: {  	_ =	shalt  }
0x56: {  	_ =	shalt  }
0x57: {  	_ =	shalt  }
0x58: {  	_ =	shalt  }
0x59: {  	_ =	shalt  }
0x5a: {  	_ =	shalt  }
0x5b: {  	_ =	shalt  }
0x5c: {  	_ =	shalt  }
0x5d: {  	_ =	shalt  }
0x5e: {  	_ =	shalt  }
0x5f: {  	_ =	shalt  }
0x60: {  	_ =	shalt  }
0x61: {  	_ =	shalt  }
0x62: {  	_ =	shalt  }
0x63: {  	_ =	shalt  }
0x64: {  	_ =	shalt  }
0x65: {  	_ =	shalt  }
0x66: {  	_ =	shalt  }
0x67: {  	_ =	shalt  }
0x68: {  	_ =	shalt  }
0x69: {  	_ =	shalt  }
0x6a: {  	_ =	shalt  }
0x6b: {  	_ =	shalt  }
0x6c: {  	_ =	shalt  }
0x6d: {  	_ =	shalt  }
0x6e: {  	_ =	shalt  }
0x6f: {  	_ =	shalt  }
0x70: {  	_ =	shalt  }
0x71: {  	_ =	shalt  }
0x72: {  	_ =	shalt  }
0x73: {  	_ =	shalt  }
0x74: {  	_ =	shalt  }
0x75: {  	_ =	shalt  }
0x76: {  	_ =	shalt  }
0x77: {  	_ =	shalt  }
0x78: {  	_ =	shalt  }
0x79: {  	_ =	shalt  }
0x7a: {  	_ =	shalt  }
0x7b: {  	_ =	shalt  }
0x7c: {  	_ =	shalt  }
0x7d: {  	_ =	shalt  }
0x7e: {  	_ =	shalt  }
0x7f: {  	_ =	shalt  }
0x80: {  	_ =	shalt  }
0x81: {  	_ =	shalt  }
0x82: {  	_ =	shalt  }
0x83: {  	_ =	shalt  }
0x84: {  	_ =	shalt  }
0x85: {  	_ =	shalt  }
0x86: {  	_ =	shalt  }
0x87: {  	_ =	shalt  }
.Lfunc_end0:
.L_simem_size_0:
called_computation.1_lowered:
.L_overlay_start_0:
0x88: {  	s2 =	sld [smem:$0x3FD9]  }
0x89: {  	s3 =	sld [smem:$0x3FFE];
	_ =	sdelay $0x1  }
0x8a: {  	s1 =	srdreg.scid  }
0x8b: {  	s0 =	sand.u32 $0x1, s1  }
0x8c: {  	s16 =	sshll.u32 s0, $0xA;
	s2 =	sadd.s32 s3, s2  }
0x8d: {  	s2 =	sadd.s32 s2, s16  }
0x8e: {  	[smem:$0x3FB3] =	sst s2  }
0x8f: {  	_ = 	snop  }
0x90: {  	(tm) =	ssettm $0x1  }
0x91: {  	s17 =	sld [smem:$0x3FFB];
	_ =	sdelay $0x3  }
0x92: {  	_ =	strace s17  }
0x93: {  	s2 =	sld [smem:$0x3FFC];
	_ =	sdelay $0x3  }
0x94: {  	_ =	strace s2  }
0x95: {  	s2 =	sld [smem:$0x3FFD];
	_ =	sdelay $0x3  }
0x96: {  	_ =	strace s2  }
0x97: {  	_ =	strace $0x8FFFFFFF  }
0x98: {  	s18 =	sld [smem:$0x3FDB];
	_ =	sdelay $0x1  }
0x99: {  	s19 =	simm.s32 $_scs_section_size  }
0x9a: {  	s4 =	simm.s32 $_size__tile_overlayer_lowered;
	s5 =	simm.s32 $_tile_overlayer_lowered  }
0x9b: {  	s22 =	simm.s32 $0x1BFF;
	s21 =	sshll.u32 s5, $0x1;
	s2 =	sadd.s32 s19, s18  }
0x9c: {  	s6 =	simm.s32 $0x0;
	s20 =	sshll.u32 s4, $0x1;
	s4 =	sadd.s32 s21, s2  }
0x9d: {  	[timem:s6], [sflag:s22] =	dma.local [hbm:s4], s20  }
0x9e: {  	_ =	swait.ge [sflag:s22], s20  }
0x9f: {  	s3 =	ssub.s32 $0x0, s20;
	[sflag:s22] =	ssyncset.done $0x0  }
0xa0: {  	[sflag:s22] =	ssyncadd.s32 s3;
	_ =	sdelay $0x1  }
0xa1: {  	s23 =	simm.s32 $0x1B8B  }
0xa2: {  	_ =	swait.ge [sflag:s23], $0x1  }
0xa3: {  	[sflag:s23] =	ssyncset.done $0x0  }
0xa4: {  	s25 =	simm.s32 $0x1B8E;
	s24 =	sld [smem:$0x3FFE];
	[sflag:s23] =	ssyncadd.s32 $0xFFFFFFFF  }
0xa5: {  	s26 =	simm.s32 $execute0_lowered;
	[smem:$0x3FD2] =	sst s25  }
0xa6: {  	s4 =	sshll.u32 s26, $0x1;
	_ =	strace $0x80000049;
	[dreg:$0x1] =	wrdreg $0xFFFFFFFF  }
0xa7: {  	s28 =	simm.s32 $_size_execute0_lowered;
	s2 =	sadd.s32 s2, s4;
	[dreg:$0x0] =	wrdreg $0x0  }
0xa8: {  	s4 =	sshll.u32 s28, $0x1;
	[dreg:$0x2] =	wrdreg s2  }
0xa9: {  	[dreg:$0x3] =	wrdreg s4  }
0xaa: {  	[dreg:$0x4] =	wrdreg $0xC0  }
0xab: {  	_ =	task [dreg:s6], $0x5FFFF  }
0xac: {  	[dreg:$0x1] =	wrdreg $0xFFFFFFFF  }
0xad: {  	[dreg:$0x0] =	wrdreg $0x60  }
0xae: {  	[dreg:$0x2] =	wrdreg s24  }
0xaf: {  	[dreg:$0x3] =	wrdreg $0x90000  }
0xb0: {  	[dreg:$0x4] =	wrdreg $0x9  }
0xb1: {  	_ =	task.clear_ibuf [dreg:s6], $0x5FFFF;
	_ =	strace $0x90000049  }
0xb2: {  	s29 =	simm.s32 $0x9;
	_ =	strace $0x8000004B  }
0xb3: {  	_ =	swait.ge [sflag:s29], $0x1  }
0xb4: {  	[sflag:s29] =	ssyncadd.s32 $0xFFFFFFFF  }
0xb5: {  	_ =	strace $0x9000004B  }
0xb6: {  	_ =	sfence  }
0xb7: {  	s30 =	sld [smem:$0x0];
	_ =	sdelay $0x2  }
0xb8: {  	s31 =	sshll.u32 s1, $0xD;
	s1 =	sshrl.u32 s1, $0x2  }
0xb9: {  	s3 =	sand.u32 $0x4000, s31;
	s1 =	sadd.s32 s1, s30  }
0xba: {  	s0 =	sor.u32 s3, s0;
	s1 =	sshll.u32 s1, $0x11  }
0xbb: {  	s0 =	sor.u32 s1, s0  }
0xbc: {  	s0 =	sadd.s32 $0x8F2B, s0  }
0xbd: {  	[sflag:s0] =	ssyncadd.remote.s32 $0x1  }
0xbe: {  	_ =	sfence.sel $0xFFFF  }
0xbf: {  	[dreg:$0x0] =	wrdreg $0xFFFFFFFF;
	(pc) =	sbr.abs _section_cstart, $3  }
0xc0: {  	[dreg:$0x1] =	wrdreg $0xFFFFFFFF  }
0xc1: {  	_ =	task.clear_ibuf [dreg:s6], $0x2FFFF;
	_ =	strace $0x9FFFFFFF  }
0xc2: {  	(tm) =	ssettm $0x7FFFFFFF  }
0xc3: {  	_ =	shalt  }
tec
execute0_lowered:
.L_overlay_start_1:
0x0: {  	(tag) =	ssettag $0x1  }
0x1: {  	s7 =	rddreg [dreg:$0x0]  }
0x2: {  	s0 =	srdreg.scid;
	s2 =	rddreg [dreg:$0x1];
	s3 =	simm.s32 $0x0  }
0x3: {  	s19 =	simm.s32 $0x2;
	s20 =	simm.s32 $0x2800;
	s21 =	simm.s32 $0x5000  }
0x4: {  	s22 =	simm.s32 $0x80;
	s6 =	sand.u32 $0x1, s0;
	s0 =	stileid.u32  }
0x5: {  	s23 =	simm.s32 $0x1;
	s24 =	simm.s32 $0x0;
	s8 =	smul.u32 $0x500, s0  }
0x6: {  	[smem:$0x7FF] =	sst s3;
	s4 =	sadd.s32 $0x15600, s7;
	s9 =	smul.u32 $0x280, s0  }
0x7: {  	s1 =	sshll.u32 s6, $0x4;
	s10 =	smul.u32 $0x2800, s6;
	s6 =	ssub.s32 $0x2, s6  }
0x8: {  	s12 =	smul.u32 $0x50000, s0;
	s1 =	sor.u32 s0, s1;
	s31 =	sshrl.u32 s6, $0x1  }
0x9: {  	s5 =	smul.u32 $0x500, s1;
	s1 =	rddreg [dreg:$0x2];
	_ =	strace $0x8000004A  }
0xa: {  	s8 =	sadd.s32 s8, s7;
	s9 =	sadd.s32 s9, s10;
	s12 =	sshrl.u32 s12, $0x2  }
0xb: {  	s18 =	ssub.s32 s6, s31;
	s9 =	sshll.u32 s9, $0x4;
	s6 =	sadd.s32 s12, s2  }
0xc: {  	s8 =	sadd.s32 $0x10600, s8;
	s18 =	smax.u32 s18, $0x1;
	s11 =	sadd.s32 s5, s7  }
0xd: {  	s5 =	sadd.s32 $0x65600, s7;
	s17 =	sadd.s32 s9, s7;
	s9 =	sadd.s32 $0x4000, s6  }
0xe: {  	s10 =	sadd.s32 $0x8000, s6;
	s12 =	sadd.s32 $0x10000, s6;
	s7 =	sadd.s32 $0x6600, s11  }
0xf: {  	s11 =	sadd.s32 $0xC000, s6;
	s13 =	sadd.s32 $0x65E00, s17;
	s14 =	sadd.s32 $0x66600, s17  }
0x10: {  	s15 =	sadd.s32 $0x66E00, s17;
	s16 =	sadd.s32 $0x67600, s17;
	s17 =	sadd.s32 $0x67E00, s17  }
.LBB2_1:
0x11: {  	[tilespmem:s3], [sflag:$0x2] =	stream.linear.gather [hbm4b:s7+s3], $0x2800, $0x38;
	[tilespmem:$0x1D000] =	vst v63  }
0x12: {  	_ =	swait.ge [sflag:s19], $0x2800  }
0x13: {  	[sflag:s19] =	ssyncset.done $0x0  }
0x14: {  	[sflag:s19] =	ssyncadd.s32 $0xFFFFD800  }
0x15: {  	[tilespmem:s20], [sflag:$0x2] =	stream.linear.gather [hbm4b:s8+s3], $0x2800, $0x38;
	[tilespmem:$0x1D000] =	vst v63  }
0x16: {  	_ =	swait.ge [sflag:s19], $0x2800  }
0x17: {  	[sflag:s19] =	ssyncset.done $0x0  }
0x18: {  	[sflag:s19] =	ssyncadd.s32 $0xFFFFD800  }
0x19: {  	[tilespmem:s21], [sflag:$0x2] =	stream.linear.gather [hbm4b:s5+s3], $0x4000, $0x38;
	[tilespmem:$0x1D000] =	vst v63  }
0x1a: {  	_ =	swait.ge [sflag:s19], $0x4000  }
0x1b: {  	[sflag:s19] =	ssyncset.done $0x0  }
0x1c: {  	[sflag:s19] =	ssyncadd.s32 $0xFFFFC000  }
0x1d: {  	[spmem:s6] =	stream.linear.scatter [tilespmem:s21], [sflag:$0x2], $0x4000, $0x38;
	[tilespmem:$0x1D000] =	vst v63  }
0x1e: {  	_ =	swait.ge [sflag:s19], $0x4000  }
0x1f: {  	[sflag:s19] =	ssyncset.done $0x0  }
0x20: {  	[sflag:s19] =	ssyncadd.s32 $0xFFFFC000  }
0x21: {  	[spmem:s9] =	stream.linear.scatter [tilespmem:s21], [sflag:$0x2], $0x4000, $0x38;
	[tilespmem:$0x1D000] =	vst v63  }
0x22: {  	_ =	swait.ge [sflag:s19], $0x4000  }
0x23: {  	[sflag:s19] =	ssyncset.done $0x0  }
0x24: {  	[sflag:s19] =	ssyncadd.s32 $0xFFFFC000  }
0x25: {  	[spmem:s10] =	stream.linear.scatter [tilespmem:s21], [sflag:$0x2], $0x4000, $0x38;
	[tilespmem:$0x1D000] =	vst v63  }
0x26: {  	_ =	swait.ge [sflag:s19], $0x4000  }
0x27: {  	[sflag:s19] =	ssyncset.done $0x0  }
0x28: {  	[sflag:s19] =	ssyncadd.s32 $0xFFFFC000  }
0x29: {  	[spmem:s11] =	stream.linear.scatter [tilespmem:s21], [sflag:$0x2], $0x4000, $0x38;
	[tilespmem:$0x1D000] =	vst v63  }
0x2a: {  	_ =	swait.ge [sflag:s19], $0x4000  }
0x2b: {  	[sflag:s19] =	ssyncset.done $0x0  }
0x2c: {  	[sflag:s19] =	ssyncadd.s32 $0xFFFFC000  }
0x2d: {  	[spmem:s12] =	stream.linear.scatter [tilespmem:s21], [sflag:$0x2], $0x4000, $0x38;
	[tilespmem:$0x1D000] =	vst v63  }
0x2e: {  	_ =	swait.ge [sflag:s19], $0x4000  }
0x2f: {  	[sflag:s19] =	ssyncset.done $0x0  }
0x30: {  	[sflag:s19] =	ssyncadd.s32 $0xFFFFC000  }
0x31: {  	s25 =	simm.s32 $0x0;
	[bflag:$0x0] =	sbarrier.arrive $0xFFFF  }
0x32: {  	[tilespmem:s21], [sflag:$0x1] =	stream.indirect.gather [hbm4b:s4+s22], $0x80, s25, s22, $0xb8;
	[tilespmem:$0x1D000] =	vst v63  }
0x33: {  	_ =	swait.ge [sflag:s23], $0x4000  }
0x34: {  	[sflag:s23] =	ssyncset.done $0x0  }
0x35: {  	s31 =	simm.s32 $0x2800;
	[sflag:s23] =	ssyncadd.s32 $0xFFFFC000  }
0x36: {  	[spmem:s2] =	stream.indirect.scatter.add.f32 [tilespmem:s21], [sflag:$0x2], $0x80, s31, s22, $0xb8;
	[tilespmem:$0x1D000] =	vst v63  }
0x37: {  	_ =	swait.ge [sflag:s19], $0x4000  }
0x38: {  	s26 =	simm.s32 $0x400;
	s25 =	simm.s32 $0x200;
	[sflag:s19] =	ssyncset.done $0x0  }
.LBB2_2:
0x39: {  	s28 =	sshra.s32 s25, $0x2  }
0x3a: {  	[sflag:s19] =	ssyncadd.s32 $0xFFFFC000;
	s25 =	smov.u32 s26;
	s29 =	sadd.s32 $0x200, s26  }
0x3b: {  	[tilespmem:s21], [sflag:$0x1] =	stream.indirect.gather [hbm4b:s4+s22], $0x80, s28, s22, $0xb8;
	[tilespmem:$0x1D000] =	vst v63  }
0x3c: {  	p0 =	sne.s32 s26, $0x9E00;
	_ =	swait.ge [sflag:s23], $0x4000  }
.Ltmp0:
0x3d: {  	[sflag:s23] =	ssyncset.done $0x0;
	(pc) =	sbr.rel @p0 .LBB2_2-.Ltmp0, $4  }
0x3e: {  	s26 =	sadd.s32 $0x2800, s28;
	[sflag:s23] =	ssyncadd.s32 $0xFFFFC000  }
0x3f: {  	[spmem:s2] =	stream.indirect.scatter.add.f32 [tilespmem:s21], [sflag:$0x2], $0x80, s26, s22, $0xb8;
	[tilespmem:$0x1D000] =	vst v63  }
0x40: {  	_ =	swait.ge [sflag:s19], $0x4000  }
0x41: {  	s26 =	smov.u32 s29;
	[sflag:s19] =	ssyncset.done $0x0  }
0x42: {  	s25 =	sshra.s32 s25, $0x2;
	[sflag:s19] =	ssyncadd.s32 $0xFFFFC000  }
0x43: {  	[tilespmem:s21], [sflag:$0x1] =	stream.indirect.gather [hbm4b:s4+s22], $0x80, s25, s22, $0xb8;
	[tilespmem:$0x1D000] =	vst v63  }
0x44: {  	_ =	swait.ge [sflag:s23], $0x4000  }
0x45: {  	[sflag:s23] =	ssyncset.done $0x0  }
0x46: {  	s25 =	sadd.s32 $0x2800, s25;
	[sflag:s23] =	ssyncadd.s32 $0xFFFFC000  }
0x47: {  	[spmem:s2] =	stream.indirect.scatter.add.f32 [tilespmem:s21], [sflag:$0x2], $0x80, s25, s22, $0xb8;
	[tilespmem:$0x1D000] =	vst v63  }
0x48: {  	_ =	swait.ge [sflag:s19], $0x4000  }
0x49: {  	[sflag:s19] =	ssyncset.done $0x0  }
0x4a: {  	[sflag:s19] =	ssyncadd.s32 $0xFFFFC000  }
0x4b: {  	[bflag:$0x0] =	sbarrier.arrive $0xFFFF  }
0x4c: {  	[tilespmem:s21], [sflag:$0x2] =	stream.linear.gather [spmem:s6], $0x4000, $0x38;
	[tilespmem:$0x1D000] =	vst v63  }
0x4d: {  	_ =	swait.ge [sflag:s19], $0x4000  }
0x4e: {  	[sflag:s19] =	ssyncset.done $0x0  }
0x4f: {  	[sflag:s19] =	ssyncadd.s32 $0xFFFFC000  }
0x50: {  	[hbm4b:s13+s3] =	stream.linear.scatter [tilespmem:s21], [sflag:$0x2], $0x4000, $0x38;
	[tilespmem:$0x1D000] =	vst v63  }
0x51: {  	_ =	swait.ge [sflag:s19], $0x4000  }
0x52: {  	[sflag:s19] =	ssyncset.done $0x0  }
0x53: {  	[sflag:s19] =	ssyncadd.s32 $0xFFFFC000  }
0x54: {  	[tilespmem:s21], [sflag:$0x2] =	stream.linear.gather [spmem:s9], $0x4000, $0x38;
	[tilespmem:$0x1D000] =	vst v63  }
0x55: {  	_ =	swait.ge [sflag:s19], $0x4000  }
0x56: {  	[sflag:s19] =	ssyncset.done $0x0  }
0x57: {  	[sflag:s19] =	ssyncadd.s32 $0xFFFFC000  }
0x58: {  	[hbm4b:s14+s3] =	stream.linear.scatter [tilespmem:s21], [sflag:$0x2], $0x4000, $0x38;
	[tilespmem:$0x1D000] =	vst v63  }
0x59: {  	_ =	swait.ge [sflag:s19], $0x4000  }
0x5a: {  	[sflag:s19] =	ssyncset.done $0x0  }
0x5b: {  	[sflag:s19] =	ssyncadd.s32 $0xFFFFC000  }
0x5c: {  	[tilespmem:s21], [sflag:$0x2] =	stream.linear.gather [spmem:s10], $0x4000, $0x38;
	[tilespmem:$0x1D000] =	vst v63  }
0x5d: {  	_ =	swait.ge [sflag:s19], $0x4000  }
0x5e: {  	[sflag:s19] =	ssyncset.done $0x0  }
0x5f: {  	[sflag:s19] =	ssyncadd.s32 $0xFFFFC000  }
0x60: {  	[hbm4b:s15+s3] =	stream.linear.scatter [tilespmem:s21], [sflag:$0x2], $0x4000, $0x38;
	[tilespmem:$0x1D000] =	vst v63  }
0x61: {  	_ =	swait.ge [sflag:s19], $0x4000  }
0x62: {  	[sflag:s19] =	ssyncset.done $0x0  }
0x63: {  	[sflag:s19] =	ssyncadd.s32 $0xFFFFC000  }
0x64: {  	[tilespmem:s21], [sflag:$0x2] =	stream.linear.gather [spmem:s11], $0x4000, $0x38;
	[tilespmem:$0x1D000] =	vst v63  }
0x65: {  	_ =	swait.ge [sflag:s19], $0x4000  }
0x66: {  	[sflag:s19] =	ssyncset.done $0x0  }
0x67: {  	[sflag:s19] =	ssyncadd.s32 $0xFFFFC000  }
0x68: {  	[hbm4b:s16+s3] =	stream.linear.scatter [tilespmem:s21], [sflag:$0x2], $0x4000, $0x38;
	[tilespmem:$0x1D000] =	vst v63  }
0x69: {  	_ =	swait.ge [sflag:s19], $0x4000  }
0x6a: {  	[sflag:s19] =	ssyncset.done $0x0  }
0x6b: {  	[sflag:s19] =	ssyncadd.s32 $0xFFFFC000  }
0x6c: {  	[tilespmem:s21], [sflag:$0x2] =	stream.linear.gather [spmem:s12], $0x4000, $0x38;
	[tilespmem:$0x1D000] =	vst v63  }
0x6d: {  	s24 =	sadd.s32 $0x1, s24;
	_ =	swait.ge [sflag:s19], $0x4000  }
0x6e: {  	p0 =	sne.s32 s24, s18;
	[sflag:s19] =	ssyncset.done $0x0  }
.Ltmp1:
0x6f: {  	[sflag:s19] =	ssyncadd.s32 $0xFFFFC000;
	(pc) =	sbr.rel @p0 .LBB2_1-.Ltmp1, $4  }
0x70: {  	[hbm4b:s17+s3] =	stream.linear.scatter [tilespmem:s21], [sflag:$0x2], $0x4000, $0x38;
	[tilespmem:$0x1D000] =	vst v63  }
0x71: {  	_ =	swait.ge [sflag:s19], $0x4000  }
0x72: {  	[sflag:s19] =	ssyncset.done $0x0  }
0x73: {  	[sflag:s19] =	ssyncadd.s32 $0xFFFFC000  }
0x74: {  	_ =	sfence.sel $0x180000  }
0x75: {  	[bflag:$0x0] =	sbarrier.arrive $0xFFFF  }
0x76: {  	p0 =	sne.s32 s0, $0x0;
	_ =	strace $0x9000004A  }
0x77: {  	s0 =	sadd.s32 @!p0 $0x100000, s1;
	[bflag:$0x2] =	sbarrier.arrive $0xFFFF  }
0x78: {  	[sflag:s0] =	ssyncadd.tile.s32 @!p0 $0x1;
	_ =	shalt  }
.Lfunc_end2:
_tile_overlayer_lowered:
.L_overlay_start_2:
0x79: {  	(tag) =	ssettag $0x2  }
0x7a: {  	s0 =	rddreg [dreg:$0x0];
	s2 =	stileid.u32  }
0x7b: {  	s1 =	rddreg [dreg:$0x1];
	p0 =	sne.s32 s2, $0x0  }
0x7c: {  	s3 =	rddreg [dreg:$0x2];
	[bflag:$0x3] =	sbarrier.arrive $0xFFFF;
	s2 =	simm.s32 @!p0 $0x1C02  }
0x7d: {  	[timem:s3], [sflag:s2] =	dma.local @!p0 [hbm:s0], s1  }
0x7e: {  	s0 =	simm.s32 @!p0 $0x2  }
0x7f: {  	_ =	swait.ge @!p0 [sflag:s0], s1  }
0x80: {  	s1 =	ssub.s32 @!p0 $0x0, s1;
	[sflag:s0] =	ssyncset.done @!p0 $0x0  }
0x81: {  	[sflag:s0] =	ssyncadd.s32 @!p0 s1  }
0x82: {  	[bflag:$0x3] =	sbarrier.arrive $0xFFFF  }
0x83: {  	_ =	shalt  }

// kernel: kernel.23.cloned.1.call-start
scs
__scs_entry_jumppad:
0x0: {  	(pc) =	sbr.rel $0x88, $3  }
0x1: {  	(tag) =	ssettag $0x0;
	lr =	simm.s32 $0x1  }
0x2: {  	[smem:$0x3F8C] =	sst lr;
	_ =	strace $0xD0000000  }
0x3: {  	_ = 	snop  }
0x4: {  	_ = 	snop  }
0x5: {  	_ = 	snop  }
0x6: {  	_ = 	snop  }
0x7: {  	_ = 	snop  }
__scs_overlays_trampoline_lowered:
0x8: {  	[smem:$0x3F9B] =	sst s0  }
0x9: {  	[smem:$0x3F9C] =	sst s1  }
0xa: {  	[smem:$0x3F9D] =	sst s2  }
0xb: {  	[smem:$0x3F9E] =	sst s3  }
0xc: {  	[smem:$0x3F9F] =	sst s4  }
0xd: {  	[smem:$0x3FA0] =	sst s5  }
0xe: {  	[smem:$0x3FA1] =	sst s6  }
0xf: {  	[smem:$0x3FA2] =	sst s7  }
0x10: {  	[smem:$0x3FA3] =	sst s8  }
0x11: {  	[smem:$0x3FA4] =	sst s9;
	s0 =	simm.s32 @!p0 $0x0  }
0x12: {  	s1 =	sld [smem:$0x3F8A];
	s0 =	simm.s32 @p0 $0x1  }
0x13: {  	[smem:$0x3FA5] =	sst s0;
	s0 =	simm.s32 @!p1 $0x0  }
0x14: {  	s2 =	sld [smem:$0x3F89];
	s0 =	simm.s32 @p1 $0x1  }
0x15: {  	[smem:$0x3FA6] =	sst s0;
	s0 =	simm.s32 @!p2 $0x0  }
0x16: {  	s3 =	sld [smem:$0x3FDB];
	s0 =	simm.s32 @p2 $0x1  }
0x17: {  	s4 =	simm.s32 $0x1BF5;
	[smem:$0x3FA8] =	sst s0  }
0x18: {  	s0 =	sld [smem:$0x3F8B];
	_ =	swait.ge [sflag:s4], $0x0  }
0x19: {  	s7 =	sld [smem:$0x3F8C]  }
0x1a: {  	s8 =	sadd.s32 $0xFFFFE003, lr  }
0x1b: {  	s9 =	sadd.s32 $0xFFFFFEF7, lr;
	s5 =	simm.s32 $0xFFFFFFFF;
	p2 =	slt.u32 s8, $0xFFFFF086  }
0x1c: {  	p1 =	slt.u32 s9, $0xF7A;
	s5 =	simm.s32 @!p2 $0x0  }
0x1d: {  	s5 =	simm.s32 @p1 $0x1;
	p0 =	seq.s32 s7, s2  }
0x1e: {  	s7 =	smul.u32 @!p0 $0xF7A, s2;
	p2 =	seq.s32 @!p0 s5, $0x0  }
0x1f: {  	s9 =	smul.u32 $0xF7A, s1;
	s8 =	simm.s32 @!p0 $0x1BF5;
	p2 =	por !p2, p0  }
0x20: {  	[sflag:s8] =	ssyncset.s32 @!p0 $0xFFFFF086;
	s6 =	sadd.s32 @!p0 s3, s7;
	s7 =	simm.s32 @!p0 $0x108  }
0x21: {  	s3 =	sadd.s32 s3, s9;
	s6 =	sadd.s32 @!p0 $0x88, s6;
	s7 =	simm.s32 @p2 $0x1082  }
0x22: {  	[simem:s7], [sflag:s8] =	dma.local @!p0 [hbm:s6], $0xF7A  }
0x23: {  	s9 =	sor.u32 $0xD0000000, s2;
	s6 =	simm.s32 $0x108;
	_ =	swait.ge @!p0 [sflag:s8], $0x0  }
0x24: {  	s3 =	sadd.s32 $0x88, s3;
	s6 =	simm.s32 @!p1 $0x1082;
	[sflag:s4] =	ssyncset.s32 $0xFFFFF086  }
0x25: {  	[simem:s6], [sflag:s4] =	dma.local [hbm:s3], $0xF7A  }
0x26: {  	[smem:$0x3F8C] =	sst s1;
	(tag) =	ssettag s2;
	_ =	strace s9  }
0x27: {  	s1 =	sld [smem:$0x3F9C]  }
0x28: {  	s2 =	sld [smem:$0x3F9D]  }
0x29: {  	s4 =	sld [smem:$0x3F9F]  }
0x2a: {  	p0 =	seq.s32 s5, $0x0;
	s5 =	sld [smem:$0x3FA0]  }
0x2b: {  	s6 =	sld [smem:$0x3FA1]  }
0x2c: {  	s7 =	sld [smem:$0x3FA2]  }
0x2d: {  	s3 =	simm.s32 $0x108;
	s8 =	sld [smem:$0x3FA3]  }
0x2e: {  	s3 =	simm.s32 @!p0 $0x1082;
	s9 =	sld [smem:$0x3FA4]  }
0x2f: {  	lr =	sadd.s32 s0, s3;
	s0 =	sld [smem:$0x3F9B]  }
0x30: {  	s3 =	sld [smem:$0x3F9E]  }
0x31: {  	[smem:$0x3FA7] =	sst s10  }
0x32: {  	s10 =	sld [smem:$0x3FA5];
	_ =	sdelay $0x3  }
0x33: {  	p0 =	seq.s32 s10, $0x1;
	s10 =	sld [smem:$0x3FA7];
	_ =	sdelay $0x3  }
0x34: {  	[smem:$0x3FA7] =	sst s10  }
0x35: {  	s10 =	sld [smem:$0x3FA6];
	_ =	sdelay $0x3  }
0x36: {  	p1 =	seq.s32 s10, $0x1;
	s10 =	sld [smem:$0x3FA7];
	_ =	sdelay $0x3  }
0x37: {  	[smem:$0x3FA7] =	sst s10  }
0x38: {  	s10 =	sld [smem:$0x3FA8]  }
0x39: {  	_ = 	snop;
	(pc) =	sbr.ind lr, $3  }
0x3a: {  	_ = 	snop  }
0x3b: {  	_ = 	snop  }
0x3c: {  	p2 =	seq.s32 s10, $0x1;
	s10 =	sld [smem:$0x3FA7]  }
0x3d: {  	_ =	shalt  }
0x3e: {  	_ =	shalt  }
0x3f: {  	_ =	shalt  }
0x40: {  	_ =	shalt  }
0x41: {  	_ =	shalt  }
0x42: {  	_ =	shalt  }
0x43: {  	_ =	shalt  }
0x44: {  	_ =	shalt  }
0x45: {  	_ =	shalt  }
0x46: {  	_ =	shalt  }
0x47: {  	_ =	shalt  }
0x48: {  	_ =	shalt  }
0x49: {  	_ =	shalt  }
0x4a: {  	_ =	shalt  }
0x4b: {  	_ =	shalt  }
0x4c: {  	_ =	shalt  }
0x4d: {  	_ =	shalt  }
0x4e: {  	_ =	shalt  }
0x4f: {  	_ =	shalt  }
0x50: {  	_ =	shalt  }
0x51: {  	_ =	shalt  }
0x52: {  	_ =	shalt  }
0x53: {  	_ =	shalt  }
0x54: {  	_ =	shalt  }
0x55: {  	_ =	shalt  }
0x56: {  	_ =	shalt  }
0x57: {  	_ =	shalt  }
0x58: {  	_ =	shalt  }
0x59: {  	_ =	shalt  }
0x5a: {  	_ =	shalt  }
0x5b: {  	_ =	shalt  }
0x5c: {  	_ =	shalt  }
0x5d: {  	_ =	shalt  }
0x5e: {  	_ =	shalt  }
0x5f: {  	_ =	shalt  }
0x60: {  	_ =	shalt  }
0x61: {  	_ =	shalt  }
0x62: {  	_ =	shalt  }
0x63: {  	_ =	shalt  }
0x64: {  	_ =	shalt  }
0x65: {  	_ =	shalt  }
0x66: {  	_ =	shalt  }
0x67: {  	_ =	shalt  }
0x68: {  	_ =	shalt  }
0x69: {  	_ =	shalt  }
0x6a: {  	_ =	shalt  }
0x6b: {  	_ =	shalt  }
0x6c: {  	_ =	shalt  }
0x6d: {  	_ =	shalt  }
0x6e: {  	_ =	shalt  }
0x6f: {  	_ =	shalt  }
0x70: {  	_ =	shalt  }
0x71: {  	_ =	shalt  }
0x72: {  	_ =	shalt  }
0x73: {  	_ =	shalt  }
0x74: {  	_ =	shalt  }
0x75: {  	_ =	shalt  }
0x76: {  	_ =	shalt  }
0x77: {  	_ =	shalt  }
0x78: {  	_ =	shalt  }
0x79: {  	_ =	shalt  }
0x7a: {  	_ =	shalt  }
0x7b: {  	_ =	shalt  }
0x7c: {  	_ =	shalt  }
0x7d: {  	_ =	shalt  }
0x7e: {  	_ =	shalt  }
0x7f: {  	_ =	shalt  }
0x80: {  	_ =	shalt  }
0x81: {  	_ =	shalt  }
0x82: {  	_ =	shalt  }
0x83: {  	_ =	shalt  }
0x84: {  	_ =	shalt  }
0x85: {  	_ =	shalt  }
0x86: {  	_ =	shalt  }
0x87: {  	_ =	shalt  }
.Lfunc_end0:
.L_simem_size_0:
called_computation.2_lowered:
.L_overlay_start_0:
0x88: {  	s2 =	sld [smem:$0x3FD9]  }
0x89: {  	s3 =	sld [smem:$0x3FFE];
	_ =	sdelay $0x1  }
0x8a: {  	s1 =	srdreg.scid  }
0x8b: {  	s0 =	sand.u32 $0x1, s1  }
0x8c: {  	s16 =	sshll.u32 s0, $0xA;
	s2 =	sadd.s32 s3, s2  }
0x8d: {  	s2 =	sadd.s32 s2, s16  }
0x8e: {  	[smem:$0x3FB3] =	sst s2  }
0x8f: {  	_ = 	snop  }
0x90: {  	(tm) =	ssettm $0x1  }
0x91: {  	s17 =	sld [smem:$0x3FFB];
	_ =	sdelay $0x3  }
0x92: {  	_ =	strace s17  }
0x93: {  	s2 =	sld [smem:$0x3FFC];
	_ =	sdelay $0x3  }
0x94: {  	_ =	strace s2  }
0x95: {  	s2 =	sld [smem:$0x3FFD];
	_ =	sdelay $0x3  }
0x96: {  	_ =	strace s2  }
0x97: {  	_ =	strace $0x8FFFFFFF  }
0x98: {  	s18 =	sld [smem:$0x3FDB];
	_ =	sdelay $0x1  }
0x99: {  	s19 =	simm.s32 $_scs_section_size  }
0x9a: {  	s4 =	simm.s32 $_size__tile_overlayer_lowered;
	s5 =	simm.s32 $_tile_overlayer_lowered  }
0x9b: {  	s22 =	simm.s32 $0x1BFF;
	s21 =	sshll.u32 s5, $0x1;
	s2 =	sadd.s32 s19, s18  }
0x9c: {  	s6 =	simm.s32 $0x0;
	s20 =	sshll.u32 s4, $0x1;
	s4 =	sadd.s32 s21, s2  }
0x9d: {  	[timem:s6], [sflag:s22] =	dma.local [hbm:s4], s20  }
0x9e: {  	_ =	swait.ge [sflag:s22], s20  }
0x9f: {  	s3 =	ssub.s32 $0x0, s20;
	[sflag:s22] =	ssyncset.done $0x0  }
0xa0: {  	[sflag:s22] =	ssyncadd.s32 s3;
	_ =	sdelay $0x1  }
0xa1: {  	s23 =	simm.s32 $0x1B8B  }
0xa2: {  	_ =	swait.ge [sflag:s23], $0x1  }
0xa3: {  	[sflag:s23] =	ssyncset.done $0x0  }
0xa4: {  	s25 =	simm.s32 $0x1B8E;
	s24 =	sld [smem:$0x3FFE];
	[sflag:s23] =	ssyncadd.s32 $0xFFFFFFFF  }
0xa5: {  	s26 =	simm.s32 $execute0_lowered;
	[smem:$0x3FD2] =	sst s25  }
0xa6: {  	s4 =	sshll.u32 s26, $0x1;
	_ =	strace $0x8000004C;
	[dreg:$0x1] =	wrdreg $0xFFFFFFFF  }
0xa7: {  	s28 =	simm.s32 $_size_execute0_lowered;
	s2 =	sadd.s32 s2, s4;
	[dreg:$0x0] =	wrdreg $0x0  }
0xa8: {  	s4 =	sshll.u32 s28, $0x1;
	[dreg:$0x2] =	wrdreg s2  }
0xa9: {  	[dreg:$0x3] =	wrdreg s4  }
0xaa: {  	[dreg:$0x4] =	wrdreg $0xC0  }
0xab: {  	_ =	task [dreg:s6], $0x5FFFF  }
0xac: {  	[dreg:$0x1] =	wrdreg $0xFFFFFFFF  }
0xad: {  	[dreg:$0x0] =	wrdreg $0x60  }
0xae: {  	[dreg:$0x2] =	wrdreg s24  }
0xaf: {  	[dreg:$0x3] =	wrdreg $0x90000  }
0xb0: {  	[dreg:$0x4] =	wrdreg $0x9  }
0xb1: {  	_ =	task.clear_ibuf [dreg:s6], $0x5FFFF;
	_ =	strace $0x9000004C  }
0xb2: {  	s29 =	simm.s32 $0x9;
	_ =	strace $0x8000004E  }
0xb3: {  	_ =	swait.ge [sflag:s29], $0x1  }
0xb4: {  	[sflag:s29] =	ssyncadd.s32 $0xFFFFFFFF  }
0xb5: {  	_ =	strace $0x9000004E  }
0xb6: {  	_ =	sfence  }
0xb7: {  	s30 =	sld [smem:$0x0];
	_ =	sdelay $0x2  }
0xb8: {  	s31 =	sshll.u32 s1, $0xD;
	s1 =	sshrl.u32 s1, $0x2  }
0xb9: {  	s3 =	sand.u32 $0x4000, s31;
	s1 =	sadd.s32 s1, s30  }
0xba: {  	s0 =	sor.u32 s3, s0;
	s1 =	sshll.u32 s1, $0x11  }
0xbb: {  	s0 =	sor.u32 s1, s0  }
0xbc: {  	s0 =	sadd.s32 $0x8F2B, s0  }
0xbd: {  	[sflag:s0] =	ssyncadd.remote.s32 $0x1  }
0xbe: {  	_ =	sfence.sel $0xFFFF  }
0xbf: {  	[dreg:$0x0] =	wrdreg $0xFFFFFFFF;
	(pc) =	sbr.abs _section_cstart, $3  }
0xc0: {  	[dreg:$0x1] =	wrdreg $0xFFFFFFFF  }
0xc1: {  	_ =	task.clear_ibuf [dreg:s6], $0x2FFFF;
	_ =	strace $0x9FFFFFFF  }
0xc2: {  	(tm) =	ssettm $0x7FFFFFFF  }
0xc3: {  	_ =	shalt  }
tec
execute0_lowered:
.L_overlay_start_1:
0x0: {  	(tag) =	ssettag $0x1  }
0x1: {  	s7 =	rddreg [dreg:$0x0]  }
0x2: {  	s0 =	srdreg.scid;
	s2 =	rddreg [dreg:$0x1];
	s3 =	simm.s32 $0x0  }
0x3: {  	s19 =	simm.s32 $0x2;
	s20 =	simm.s32 $0x2800;
	s21 =	simm.s32 $0x5000  }
0x4: {  	s22 =	simm.s32 $0x80;
	s6 =	sand.u32 $0x1, s0;
	s0 =	stileid.u32  }
0x5: {  	s23 =	simm.s32 $0x1;
	s24 =	simm.s32 $0x0;
	s8 =	smul.u32 $0x500, s0  }
0x6: {  	[smem:$0x7FF] =	sst s3;
	s4 =	sadd.s32 $0x15600, s7;
	s9 =	smul.u32 $0x280, s0  }
0x7: {  	s1 =	sshll.u32 s6, $0x4;
	s10 =	smul.u32 $0x2800, s6;
	s6 =	ssub.s32 $0x2, s6  }
0x8: {  	s12 =	smul.u32 $0x50000, s0;
	s1 =	sor.u32 s0, s1;
	s31 =	sshrl.u32 s6, $0x1  }
0x9: {  	s5 =	smul.u32 $0x500, s1;
	s1 =	rddreg [dreg:$0x2];
	_ =	strace $0x8000004D  }
0xa: {  	s8 =	sadd.s32 s8, s7;
	s9 =	sadd.s32 s9, s10;
	s12 =	sshrl.u32 s12, $0x2  }
0xb: {  	s18 =	ssub.s32 s6, s31;
	s9 =	sshll.u32 s9, $0x4;
	s6 =	sadd.s32 s12, s2  }
0xc: {  	s8 =	sadd.s32 $0x10600, s8;
	s18 =	smax.u32 s18, $0x1;
	s11 =	sadd.s32 s5, s7  }
0xd: {  	s5 =	sadd.s32 $0x65600, s7;
	s17 =	sadd.s32 s9, s7;
	s9 =	sadd.s32 $0x4000, s6  }
0xe: {  	s10 =	sadd.s32 $0x8000, s6;
	s12 =	sadd.s32 $0x10000, s6;
	s7 =	sadd.s32 $0x6600, s11  }
0xf: {  	s11 =	sadd.s32 $0xC000, s6;
	s13 =	sadd.s32 $0x65E00, s17;
	s14 =	sadd.s32 $0x66600, s17  }
0x10: {  	s15 =	sadd.s32 $0x66E00, s17;
	s16 =	sadd.s32 $0x67600, s17;
	s17 =	sadd.s32 $0x67E00, s17  }
.LBB2_1:
0x11: {  	[tilespmem:s3], [sflag:$0x2] =	stream.linear.gather [hbm4b:s7+s3], $0x2800, $0x38;
	[tilespmem:$0x1D000] =	vst v63  }
0x12: {  	_ =	swait.ge [sflag:s19], $0x2800  }
0x13: {  	[sflag:s19] =	ssyncset.done $0x0  }
0x14: {  	[sflag:s19] =	ssyncadd.s32 $0xFFFFD800  }
0x15: {  	[tilespmem:s20], [sflag:$0x2] =	stream.linear.gather [hbm4b:s8+s3], $0x2800, $0x38;
	[tilespmem:$0x1D000] =	vst v63  }
0x16: {  	_ =	swait.ge [sflag:s19], $0x2800  }
0x17: {  	[sflag:s19] =	ssyncset.done $0x0  }
0x18: {  	[sflag:s19] =	ssyncadd.s32 $0xFFFFD800  }
0x19: {  	[tilespmem:s21], [sflag:$0x2] =	stream.linear.gather [hbm4b:s5+s3], $0x4000, $0x38;
	[tilespmem:$0x1D000] =	vst v63  }
0x1a: {  	_ =	swait.ge [sflag:s19], $0x4000  }
0x1b: {  	[sflag:s19] =	ssyncset.done $0x0  }
0x1c: {  	[sflag:s19] =	ssyncadd.s32 $0xFFFFC000  }
0x1d: {  	[spmem:s6] =	stream.linear.scatter [tilespmem:s21], [sflag:$0x2], $0x4000, $0x38;
	[tilespmem:$0x1D000] =	vst v63  }
0x1e: {  	_ =	swait.ge [sflag:s19], $0x4000  }
0x1f: {  	[sflag:s19] =	ssyncset.done $0x0  }
0x20: {  	[sflag:s19] =	ssyncadd.s32 $0xFFFFC000  }
0x21: {  	[spmem:s9] =	stream.linear.scatter [tilespmem:s21], [sflag:$0x2], $0x4000, $0x38;
	[tilespmem:$0x1D000] =	vst v63  }
0x22: {  	_ =	swait.ge [sflag:s19], $0x4000  }
0x23: {  	[sflag:s19] =	ssyncset.done $0x0  }
0x24: {  	[sflag:s19] =	ssyncadd.s32 $0xFFFFC000  }
0x25: {  	[spmem:s10] =	stream.linear.scatter [tilespmem:s21], [sflag:$0x2], $0x4000, $0x38;
	[tilespmem:$0x1D000] =	vst v63  }
0x26: {  	_ =	swait.ge [sflag:s19], $0x4000  }
0x27: {  	[sflag:s19] =	ssyncset.done $0x0  }
0x28: {  	[sflag:s19] =	ssyncadd.s32 $0xFFFFC000  }
0x29: {  	[spmem:s11] =	stream.linear.scatter [tilespmem:s21], [sflag:$0x2], $0x4000, $0x38;
	[tilespmem:$0x1D000] =	vst v63  }
0x2a: {  	_ =	swait.ge [sflag:s19], $0x4000  }
0x2b: {  	[sflag:s19] =	ssyncset.done $0x0  }
0x2c: {  	[sflag:s19] =	ssyncadd.s32 $0xFFFFC000  }
0x2d: {  	[spmem:s12] =	stream.linear.scatter [tilespmem:s21], [sflag:$0x2], $0x4000, $0x38;
	[tilespmem:$0x1D000] =	vst v63  }
0x2e: {  	_ =	swait.ge [sflag:s19], $0x4000  }
0x2f: {  	[sflag:s19] =	ssyncset.done $0x0  }
0x30: {  	[sflag:s19] =	ssyncadd.s32 $0xFFFFC000  }
0x31: {  	s25 =	simm.s32 $0x0;
	[bflag:$0x0] =	sbarrier.arrive $0xFFFF  }
0x32: {  	[tilespmem:s21], [sflag:$0x1] =	stream.indirect.gather [hbm4b:s4+s22], $0x80, s25, s22, $0xb8;
	[tilespmem:$0x1D000] =	vst v63  }
0x33: {  	_ =	swait.ge [sflag:s23], $0x4000  }
0x34: {  	[sflag:s23] =	ssyncset.done $0x0  }
0x35: {  	s31 =	simm.s32 $0x2800;
	[sflag:s23] =	ssyncadd.s32 $0xFFFFC000  }
0x36: {  	[spmem:s2] =	stream.indirect.scatter.add.f32 [tilespmem:s21], [sflag:$0x2], $0x80, s31, s22, $0xb8;
	[tilespmem:$0x1D000] =	vst v63  }
0x37: {  	_ =	swait.ge [sflag:s19], $0x4000  }
0x38: {  	s26 =	simm.s32 $0x400;
	s25 =	simm.s32 $0x200;
	[sflag:s19] =	ssyncset.done $0x0  }
.LBB2_2:
0x39: {  	s28 =	sshra.s32 s25, $0x2  }
0x3a: {  	[sflag:s19] =	ssyncadd.s32 $0xFFFFC000;
	s25 =	smov.u32 s26;
	s29 =	sadd.s32 $0x200, s26  }
0x3b: {  	[tilespmem:s21], [sflag:$0x1] =	stream.indirect.gather [hbm4b:s4+s22], $0x80, s28, s22, $0xb8;
	[tilespmem:$0x1D000] =	vst v63  }
0x3c: {  	p0 =	sne.s32 s26, $0x9E00;
	_ =	swait.ge [sflag:s23], $0x4000  }
.Ltmp0:
0x3d: {  	[sflag:s23] =	ssyncset.done $0x0;
	(pc) =	sbr.rel @p0 .LBB2_2-.Ltmp0, $4  }
0x3e: {  	s26 =	sadd.s32 $0x2800, s28;
	[sflag:s23] =	ssyncadd.s32 $0xFFFFC000  }
0x3f: {  	[spmem:s2] =	stream.indirect.scatter.add.f32 [tilespmem:s21], [sflag:$0x2], $0x80, s26, s22, $0xb8;
	[tilespmem:$0x1D000] =	vst v63  }
0x40: {  	_ =	swait.ge [sflag:s19], $0x4000  }
0x41: {  	s26 =	smov.u32 s29;
	[sflag:s19] =	ssyncset.done $0x0  }
0x42: {  	s25 =	sshra.s32 s25, $0x2;
	[sflag:s19] =	ssyncadd.s32 $0xFFFFC000  }
0x43: {  	[tilespmem:s21], [sflag:$0x1] =	stream.indirect.gather [hbm4b:s4+s22], $0x80, s25, s22, $0xb8;
	[tilespmem:$0x1D000] =	vst v63  }
0x44: {  	_ =	swait.ge [sflag:s23], $0x4000  }
0x45: {  	[sflag:s23] =	ssyncset.done $0x0  }
0x46: {  	s25 =	sadd.s32 $0x2800, s25;
	[sflag:s23] =	ssyncadd.s32 $0xFFFFC000  }
0x47: {  	[spmem:s2] =	stream.indirect.scatter.add.f32 [tilespmem:s21], [sflag:$0x2], $0x80, s25, s22, $0xb8;
	[tilespmem:$0x1D000] =	vst v63  }
0x48: {  	_ =	swait.ge [sflag:s19], $0x4000  }
0x49: {  	[sflag:s19] =	ssyncset.done $0x0  }
0x4a: {  	[sflag:s19] =	ssyncadd.s32 $0xFFFFC000  }
0x4b: {  	[bflag:$0x0] =	sbarrier.arrive $0xFFFF  }
0x4c: {  	[tilespmem:s21], [sflag:$0x2] =	stream.linear.gather [spmem:s6], $0x4000, $0x38;
	[tilespmem:$0x1D000] =	vst v63  }
0x4d: {  	_ =	swait.ge [sflag:s19], $0x4000  }
0x4e: {  	[sflag:s19] =	ssyncset.done $0x0  }
0x4f: {  	[sflag:s19] =	ssyncadd.s32 $0xFFFFC000  }
0x50: {  	[hbm4b:s13+s3] =	stream.linear.scatter [tilespmem:s21], [sflag:$0x2], $0x4000, $0x38;
	[tilespmem:$0x1D000] =	vst v63  }
0x51: {  	_ =	swait.ge [sflag:s19], $0x4000  }
0x52: {  	[sflag:s19] =	ssyncset.done $0x0  }
0x53: {  	[sflag:s19] =	ssyncadd.s32 $0xFFFFC000  }
0x54: {  	[tilespmem:s21], [sflag:$0x2] =	stream.linear.gather [spmem:s9], $0x4000, $0x38;
	[tilespmem:$0x1D000] =	vst v63  }
0x55: {  	_ =	swait.ge [sflag:s19], $0x4000  }
0x56: {  	[sflag:s19] =	ssyncset.done $0x0  }
0x57: {  	[sflag:s19] =	ssyncadd.s32 $0xFFFFC000  }
0x58: {  	[hbm4b:s14+s3] =	stream.linear.scatter [tilespmem:s21], [sflag:$0x2], $0x4000, $0x38;
	[tilespmem:$0x1D000] =	vst v63  }
0x59: {  	_ =	swait.ge [sflag:s19], $0x4000  }
0x5a: {  	[sflag:s19] =	ssyncset.done $0x0  }
0x5b: {  	[sflag:s19] =	ssyncadd.s32 $0xFFFFC000  }
0x5c: {  	[tilespmem:s21], [sflag:$0x2] =	stream.linear.gather [spmem:s10], $0x4000, $0x38;
	[tilespmem:$0x1D000] =	vst v63  }
0x5d: {  	_ =	swait.ge [sflag:s19], $0x4000  }
0x5e: {  	[sflag:s19] =	ssyncset.done $0x0  }
0x5f: {  	[sflag:s19] =	ssyncadd.s32 $0xFFFFC000  }
0x60: {  	[hbm4b:s15+s3] =	stream.linear.scatter [tilespmem:s21], [sflag:$0x2], $0x4000, $0x38;
	[tilespmem:$0x1D000] =	vst v63  }
0x61: {  	_ =	swait.ge [sflag:s19], $0x4000  }
0x62: {  	[sflag:s19] =	ssyncset.done $0x0  }
0x63: {  	[sflag:s19] =	ssyncadd.s32 $0xFFFFC000  }
0x64: {  	[tilespmem:s21], [sflag:$0x2] =	stream.linear.gather [spmem:s11], $0x4000, $0x38;
	[tilespmem:$0x1D000] =	vst v63  }
0x65: {  	_ =	swait.ge [sflag:s19], $0x4000  }
0x66: {  	[sflag:s19] =	ssyncset.done $0x0  }
0x67: {  	[sflag:s19] =	ssyncadd.s32 $0xFFFFC000  }
0x68: {  	[hbm4b:s16+s3] =	stream.linear.scatter [tilespmem:s21], [sflag:$0x2], $0x4000, $0x38;
	[tilespmem:$0x1D000] =	vst v63  }
0x69: {  	_ =	swait.ge [sflag:s19], $0x4000  }
0x6a: {  	[sflag:s19] =	ssyncset.done $0x0  }
0x6b: {  	[sflag:s19] =	ssyncadd.s32 $0xFFFFC000  }
0x6c: {  	[tilespmem:s21], [sflag:$0x2] =	stream.linear.gather [spmem:s12], $0x4000, $0x38;
	[tilespmem:$0x1D000] =	vst v63  }
0x6d: {  	s24 =	sadd.s32 $0x1, s24;
	_ =	swait.ge [sflag:s19], $0x4000  }
0x6e: {  	p0 =	sne.s32 s24, s18;
	[sflag:s19] =	ssyncset.done $0x0  }
.Ltmp1:
0x6f: {  	[sflag:s19] =	ssyncadd.s32 $0xFFFFC000;
	(pc) =	sbr.rel @p0 .LBB2_1-.Ltmp1, $4  }
0x70: {  	[hbm4b:s17+s3] =	stream.linear.scatter [tilespmem:s21], [sflag:$0x2], $0x4000, $0x38;
	[tilespmem:$0x1D000] =	vst v63  }
0x71: {  	_ =	swait.ge [sflag:s19], $0x4000  }
0x72: {  	[sflag:s19] =	ssyncset.done $0x0  }
0x73: {  	[sflag:s19] =	ssyncadd.s32 $0xFFFFC000  }
0x74: {  	_ =	sfence.sel $0x180000  }
0x75: {  	[bflag:$0x0] =	sbarrier.arrive $0xFFFF  }
0x76: {  	p0 =	sne.s32 s0, $0x0;
	_ =	strace $0x9000004D  }
0x77: {  	s0 =	sadd.s32 @!p0 $0x100000, s1;
	[bflag:$0x2] =	sbarrier.arrive $0xFFFF  }
0x78: {  	[sflag:s0] =	ssyncadd.tile.s32 @!p0 $0x1;
	_ =	shalt  }
.Lfunc_end2:
_tile_overlayer_lowered:
.L_overlay_start_2:
0x79: {  	(tag) =	ssettag $0x2  }
0x7a: {  	s0 =	rddreg [dreg:$0x0];
	s2 =	stileid.u32  }
0x7b: {  	s1 =	rddreg [dreg:$0x1];
	p0 =	sne.s32 s2, $0x0  }
0x7c: {  	s3 =	rddreg [dreg:$0x2];
	[bflag:$0x3] =	sbarrier.arrive $0xFFFF;
	s2 =	simm.s32 @!p0 $0x1C02  }
0x7d: {  	[timem:s3], [sflag:s2] =	dma.local @!p0 [hbm:s0], s1  }
0x7e: {  	s0 =	simm.s32 @!p0 $0x2  }
0x7f: {  	_ =	swait.ge @!p0 [sflag:s0], s1  }
0x80: {  	s1 =	ssub.s32 @!p0 $0x0, s1;
	[sflag:s0] =	ssyncset.done @!p0 $0x0  }
0x81: {  	[sflag:s0] =	ssyncadd.s32 @!p0 s1  }
0x82: {  	[bflag:$0x3] =	sbarrier.arrive $0xFFFF  }
0x83: {  	_ =	shalt  }

// kernel: kernel.26.cloned.1.call-start
scs
__scs_entry_jumppad:
0x0: {  	(pc) =	sbr.rel $0x88, $3  }
0x1: {  	(tag) =	ssettag $0x0;
	lr =	simm.s32 $0x1  }
0x2: {  	[smem:$0x3F8C] =	sst lr;
	_ =	strace $0xD0000000  }
0x3: {  	_ = 	snop  }
0x4: {  	_ = 	snop  }
0x5: {  	_ = 	snop  }
0x6: {  	_ = 	snop  }
0x7: {  	_ = 	snop  }
__scs_overlays_trampoline_lowered:
0x8: {  	[smem:$0x3F9B] =	sst s0  }
0x9: {  	[smem:$0x3F9C] =	sst s1  }
0xa: {  	[smem:$0x3F9D] =	sst s2  }
0xb: {  	[smem:$0x3F9E] =	sst s3  }
0xc: {  	[smem:$0x3F9F] =	sst s4  }
0xd: {  	[smem:$0x3FA0] =	sst s5  }
0xe: {  	[smem:$0x3FA1] =	sst s6  }
0xf: {  	[smem:$0x3FA2] =	sst s7  }
0x10: {  	[smem:$0x3FA3] =	sst s8  }
0x11: {  	[smem:$0x3FA4] =	sst s9;
	s0 =	simm.s32 @!p0 $0x0  }
0x12: {  	s1 =	sld [smem:$0x3F8A];
	s0 =	simm.s32 @p0 $0x1  }
0x13: {  	[smem:$0x3FA5] =	sst s0;
	s0 =	simm.s32 @!p1 $0x0  }
0x14: {  	s2 =	sld [smem:$0x3F89];
	s0 =	simm.s32 @p1 $0x1  }
0x15: {  	[smem:$0x3FA6] =	sst s0;
	s0 =	simm.s32 @!p2 $0x0  }
0x16: {  	s3 =	sld [smem:$0x3FDB];
	s0 =	simm.s32 @p2 $0x1  }
0x17: {  	s4 =	simm.s32 $0x1BF5;
	[smem:$0x3FA8] =	sst s0  }
0x18: {  	s0 =	sld [smem:$0x3F8B];
	_ =	swait.ge [sflag:s4], $0x0  }
0x19: {  	s7 =	sld [smem:$0x3F8C]  }
0x1a: {  	s8 =	sadd.s32 $0xFFFFE003, lr  }
0x1b: {  	s9 =	sadd.s32 $0xFFFFFEF7, lr;
	s5 =	simm.s32 $0xFFFFFFFF;
	p2 =	slt.u32 s8, $0xFFFFF086  }
0x1c: {  	p1 =	slt.u32 s9, $0xF7A;
	s5 =	simm.s32 @!p2 $0x0  }
0x1d: {  	s5 =	simm.s32 @p1 $0x1;
	p0 =	seq.s32 s7, s2  }
0x1e: {  	s7 =	smul.u32 @!p0 $0xF7A, s2;
	p2 =	seq.s32 @!p0 s5, $0x0  }
0x1f: {  	s9 =	smul.u32 $0xF7A, s1;
	s8 =	simm.s32 @!p0 $0x1BF5;
	p2 =	por !p2, p0  }
0x20: {  	[sflag:s8] =	ssyncset.s32 @!p0 $0xFFFFF086;
	s6 =	sadd.s32 @!p0 s3, s7;
	s7 =	simm.s32 @!p0 $0x108  }
0x21: {  	s3 =	sadd.s32 s3, s9;
	s6 =	sadd.s32 @!p0 $0x88, s6;
	s7 =	simm.s32 @p2 $0x1082  }
0x22: {  	[simem:s7], [sflag:s8] =	dma.local @!p0 [hbm:s6], $0xF7A  }
0x23: {  	s9 =	sor.u32 $0xD0000000, s2;
	s6 =	simm.s32 $0x108;
	_ =	swait.ge @!p0 [sflag:s8], $0x0  }
0x24: {  	s3 =	sadd.s32 $0x88, s3;
	s6 =	simm.s32 @!p1 $0x1082;
	[sflag:s4] =	ssyncset.s32 $0xFFFFF086  }
0x25: {  	[simem:s6], [sflag:s4] =	dma.local [hbm:s3], $0xF7A  }
0x26: {  	[smem:$0x3F8C] =	sst s1;
	(tag) =	ssettag s2;
	_ =	strace s9  }
0x27: {  	s1 =	sld [smem:$0x3F9C]  }
0x28: {  	s2 =	sld [smem:$0x3F9D]  }
0x29: {  	s4 =	sld [smem:$0x3F9F]  }
0x2a: {  	p0 =	seq.s32 s5, $0x0;
	s5 =	sld [smem:$0x3FA0]  }
0x2b: {  	s6 =	sld [smem:$0x3FA1]  }
0x2c: {  	s7 =	sld [smem:$0x3FA2]  }
0x2d: {  	s3 =	simm.s32 $0x108;
	s8 =	sld [smem:$0x3FA3]  }
0x2e: {  	s3 =	simm.s32 @!p0 $0x1082;
	s9 =	sld [smem:$0x3FA4]  }
0x2f: {  	lr =	sadd.s32 s0, s3;
	s0 =	sld [smem:$0x3F9B]  }
0x30: {  	s3 =	sld [smem:$0x3F9E]  }
0x31: {  	[smem:$0x3FA7] =	sst s10  }
0x32: {  	s10 =	sld [smem:$0x3FA5];
	_ =	sdelay $0x3  }
0x33: {  	p0 =	seq.s32 s10, $0x1;
	s10 =	sld [smem:$0x3FA7];
	_ =	sdelay $0x3  }
0x34: {  	[smem:$0x3FA7] =	sst s10  }
0x35: {  	s10 =	sld [smem:$0x3FA6];
	_ =	sdelay $0x3  }
0x36: {  	p1 =	seq.s32 s10, $0x1;
	s10 =	sld [smem:$0x3FA7];
	_ =	sdelay $0x3  }
0x37: {  	[smem:$0x3FA7] =	sst s10  }
0x38: {  	s10 =	sld [smem:$0x3FA8]  }
0x39: {  	_ = 	snop;
	(pc) =	sbr.ind lr, $3  }
0x3a: {  	_ = 	snop  }
0x3b: {  	_ = 	snop  }
0x3c: {  	p2 =	seq.s32 s10, $0x1;
	s10 =	sld [smem:$0x3FA7]  }
0x3d: {  	_ =	shalt  }
0x3e: {  	_ =	shalt  }
0x3f: {  	_ =	shalt  }
0x40: {  	_ =	shalt  }
0x41: {  	_ =	shalt  }
0x42: {  	_ =	shalt  }
0x43: {  	_ =	shalt  }
0x44: {  	_ =	shalt  }
0x45: {  	_ =	shalt  }
0x46: {  	_ =	shalt  }
0x47: {  	_ =	shalt  }
0x48: {  	_ =	shalt  }
0x49: {  	_ =	shalt  }
0x4a: {  	_ =	shalt  }
0x4b: {  	_ =	shalt  }
0x4c: {  	_ =	shalt  }
0x4d: {  	_ =	shalt  }
0x4e: {  	_ =	shalt  }
0x4f: {  	_ =	shalt  }
0x50: {  	_ =	shalt  }
0x51: {  	_ =	shalt  }
0x52: {  	_ =	shalt  }
0x53: {  	_ =	shalt  }
0x54: {  	_ =	shalt  }
0x55: {  	_ =	shalt  }
0x56: {  	_ =	shalt  }
0x57: {  	_ =	shalt  }
0x58: {  	_ =	shalt  }
0x59: {  	_ =	shalt  }
0x5a: {  	_ =	shalt  }
0x5b: {  	_ =	shalt  }
0x5c: {  	_ =	shalt  }
0x5d: {  	_ =	shalt  }
0x5e: {  	_ =	shalt  }
0x5f: {  	_ =	shalt  }
0x60: {  	_ =	shalt  }
0x61: {  	_ =	shalt  }
0x62: {  	_ =	shalt  }
0x63: {  	_ =	shalt  }
0x64: {  	_ =	shalt  }
0x65: {  	_ =	shalt  }
0x66: {  	_ =	shalt  }
0x67: {  	_ =	shalt  }
0x68: {  	_ =	shalt  }
0x69: {  	_ =	shalt  }
0x6a: {  	_ =	shalt  }
0x6b: {  	_ =	shalt  }
0x6c: {  	_ =	shalt  }
0x6d: {  	_ =	shalt  }
0x6e: {  	_ =	shalt  }
0x6f: {  	_ =	shalt  }
0x70: {  	_ =	shalt  }
0x71: {  	_ =	shalt  }
0x72: {  	_ =	shalt  }
0x73: {  	_ =	shalt  }
0x74: {  	_ =	shalt  }
0x75: {  	_ =	shalt  }
0x76: {  	_ =	shalt  }
0x77: {  	_ =	shalt  }
0x78: {  	_ =	shalt  }
0x79: {  	_ =	shalt  }
0x7a: {  	_ =	shalt  }
0x7b: {  	_ =	shalt  }
0x7c: {  	_ =	shalt  }
0x7d: {  	_ =	shalt  }
0x7e: {  	_ =	shalt  }
0x7f: {  	_ =	shalt  }
0x80: {  	_ =	shalt  }
0x81: {  	_ =	shalt  }
0x82: {  	_ =	shalt  }
0x83: {  	_ =	shalt  }
0x84: {  	_ =	shalt  }
0x85: {  	_ =	shalt  }
0x86: {  	_ =	shalt  }
0x87: {  	_ =	shalt  }
.Lfunc_end0:
.L_simem_size_0:
called_computation.3_lowered:
.L_overlay_start_0:
0x88: {  	s2 =	sld [smem:$0x3FD9]  }
0x89: {  	s3 =	sld [smem:$0x3FFE];
	_ =	sdelay $0x1  }
0x8a: {  	s1 =	srdreg.scid  }
0x8b: {  	s0 =	sand.u32 $0x1, s1  }
0x8c: {  	s16 =	sshll.u32 s0, $0xA;
	s2 =	sadd.s32 s3, s2  }
0x8d: {  	s2 =	sadd.s32 s2, s16  }
0x8e: {  	[smem:$0x3FB3] =	sst s2  }
0x8f: {  	_ = 	snop  }
0x90: {  	(tm) =	ssettm $0x1  }
0x91: {  	s17 =	sld [smem:$0x3FFB];
	_ =	sdelay $0x3  }
0x92: {  	_ =	strace s17  }
0x93: {  	s2 =	sld [smem:$0x3FFC];
	_ =	sdelay $0x3  }
0x94: {  	_ =	strace s2  }
0x95: {  	s2 =	sld [smem:$0x3FFD];
	_ =	sdelay $0x3  }
0x96: {  	_ =	strace s2  }
0x97: {  	_ =	strace $0x8FFFFFFF  }
0x98: {  	s18 =	sld [smem:$0x3FDB];
	_ =	sdelay $0x1  }
0x99: {  	s19 =	simm.s32 $_scs_section_size  }
0x9a: {  	s4 =	simm.s32 $_size__tile_overlayer_lowered;
	s5 =	simm.s32 $_tile_overlayer_lowered  }
0x9b: {  	s22 =	simm.s32 $0x1BFF;
	s21 =	sshll.u32 s5, $0x1;
	s2 =	sadd.s32 s19, s18  }
0x9c: {  	s6 =	simm.s32 $0x0;
	s20 =	sshll.u32 s4, $0x1;
	s4 =	sadd.s32 s21, s2  }
0x9d: {  	[timem:s6], [sflag:s22] =	dma.local [hbm:s4], s20  }
0x9e: {  	_ =	swait.ge [sflag:s22], s20  }
0x9f: {  	s3 =	ssub.s32 $0x0, s20;
	[sflag:s22] =	ssyncset.done $0x0  }
0xa0: {  	[sflag:s22] =	ssyncadd.s32 s3;
	_ =	sdelay $0x1  }
0xa1: {  	s23 =	simm.s32 $0x1B8B  }
0xa2: {  	_ =	swait.ge [sflag:s23], $0x1  }
0xa3: {  	[sflag:s23] =	ssyncset.done $0x0  }
0xa4: {  	s25 =	simm.s32 $0x1B8E;
	s24 =	sld [smem:$0x3FFE];
	[sflag:s23] =	ssyncadd.s32 $0xFFFFFFFF  }
0xa5: {  	s26 =	simm.s32 $execute0_lowered;
	[smem:$0x3FD2] =	sst s25  }
0xa6: {  	s4 =	sshll.u32 s26, $0x1;
	_ =	strace $0x8000004F;
	[dreg:$0x1] =	wrdreg $0xFFFFFFFF  }
0xa7: {  	s28 =	simm.s32 $_size_execute0_lowered;
	s2 =	sadd.s32 s2, s4;
	[dreg:$0x0] =	wrdreg $0x0  }
0xa8: {  	s4 =	sshll.u32 s28, $0x1;
	[dreg:$0x2] =	wrdreg s2  }
0xa9: {  	[dreg:$0x3] =	wrdreg s4  }
0xaa: {  	[dreg:$0x4] =	wrdreg $0xC0  }
0xab: {  	_ =	task [dreg:s6], $0x5FFFF  }
0xac: {  	[dreg:$0x1] =	wrdreg $0xFFFFFFFF  }
0xad: {  	[dreg:$0x0] =	wrdreg $0x60  }
0xae: {  	[dreg:$0x2] =	wrdreg s24  }
0xaf: {  	[dreg:$0x3] =	wrdreg $0x90000  }
0xb0: {  	[dreg:$0x4] =	wrdreg $0x9  }
0xb1: {  	_ =	task.clear_ibuf [dreg:s6], $0x5FFFF;
	_ =	strace $0x9000004F  }
0xb2: {  	s29 =	simm.s32 $0x9;
	_ =	strace $0x80000051  }
0xb3: {  	_ =	swait.ge [sflag:s29], $0x1  }
0xb4: {  	[sflag:s29] =	ssyncadd.s32 $0xFFFFFFFF  }
0xb5: {  	_ =	strace $0x90000051  }
0xb6: {  	_ =	sfence  }
0xb7: {  	s30 =	sld [smem:$0x0];
	_ =	sdelay $0x2  }
0xb8: {  	s31 =	sshll.u32 s1, $0xD;
	s1 =	sshrl.u32 s1, $0x2  }
0xb9: {  	s3 =	sand.u32 $0x4000, s31;
	s1 =	sadd.s32 s1, s30  }
0xba: {  	s0 =	sor.u32 s3, s0;
	s1 =	sshll.u32 s1, $0x11  }
0xbb: {  	s0 =	sor.u32 s1, s0  }
0xbc: {  	s0 =	sadd.s32 $0x8F2B, s0  }
0xbd: {  	[sflag:s0] =	ssyncadd.remote.s32 $0x1  }
0xbe: {  	_ =	sfence.sel $0xFFFF  }
0xbf: {  	[dreg:$0x0] =	wrdreg $0xFFFFFFFF;
	(pc) =	sbr.abs _section_cstart, $3  }
0xc0: {  	[dreg:$0x1] =	wrdreg $0xFFFFFFFF  }
0xc1: {  	_ =	task.clear_ibuf [dreg:s6], $0x2FFFF;
	_ =	strace $0x9FFFFFFF  }
0xc2: {  	(tm) =	ssettm $0x7FFFFFFF  }
0xc3: {  	_ =	shalt  }
tec
execute0_lowered:
.L_overlay_start_1:
0x0: {  	(tag) =	ssettag $0x1  }
0x1: {  	s7 =	rddreg [dreg:$0x0]  }
0x2: {  	s0 =	srdreg.scid;
	s2 =	rddreg [dreg:$0x1];
	s3 =	simm.s32 $0x0  }
0x3: {  	s19 =	simm.s32 $0x2;
	s20 =	simm.s32 $0x2800;
	s21 =	simm.s32 $0x5000  }
0x4: {  	s22 =	simm.s32 $0x80;
	s6 =	sand.u32 $0x1, s0;
	s0 =	stileid.u32  }
0x5: {  	s23 =	simm.s32 $0x1;
	s24 =	simm.s32 $0x0;
	s8 =	smul.u32 $0x500, s0  }
0x6: {  	[smem:$0x7FF] =	sst s3;
	s4 =	sadd.s32 $0x15600, s7;
	s9 =	smul.u32 $0x280, s0  }
0x7: {  	s1 =	sshll.u32 s6, $0x4;
	s10 =	smul.u32 $0x2800, s6;
	s6 =	ssub.s32 $0x2, s6  }
0x8: {  	s12 =	smul.u32 $0x50000, s0;
	s1 =	sor.u32 s0, s1;
	s31 =	sshrl.u32 s6, $0x1  }
0x9: {  	s5 =	smul.u32 $0x500, s1;
	s1 =	rddreg [dreg:$0x2];
	_ =	strace $0x80000050  }
0xa: {  	s8 =	sadd.s32 s8, s7;
	s9 =	sadd.s32 s9, s10;
	s12 =	sshrl.u32 s12, $0x2  }
0xb: {  	s18 =	ssub.s32 s6, s31;
	s9 =	sshll.u32 s9, $0x4;
	s6 =	sadd.s32 s12, s2  }
0xc: {  	s8 =	sadd.s32 $0x10600, s8;
	s18 =	smax.u32 s18, $0x1;
	s11 =	sadd.s32 s5, s7  }
0xd: {  	s5 =	sadd.s32 $0x65600, s7;
	s17 =	sadd.s32 s9, s7;
	s9 =	sadd.s32 $0x4000, s6  }
0xe: {  	s10 =	sadd.s32 $0x8000, s6;
	s12 =	sadd.s32 $0x10000, s6;
	s7 =	sadd.s32 $0x6600, s11  }
0xf: {  	s11 =	sadd.s32 $0xC000, s6;
	s13 =	sadd.s32 $0x65E00, s17;
	s14 =	sadd.s32 $0x66600, s17  }
0x10: {  	s15 =	sadd.s32 $0x66E00, s17;
	s16 =	sadd.s32 $0x67600, s17;
	s17 =	sadd.s32 $0x67E00, s17  }
.LBB2_1:
0x11: {  	[tilespmem:s3], [sflag:$0x2] =	stream.linear.gather [hbm4b:s7+s3], $0x2800, $0x38;
	[tilespmem:$0x1D000] =	vst v63  }
0x12: {  	_ =	swait.ge [sflag:s19], $0x2800  }
0x13: {  	[sflag:s19] =	ssyncset.done $0x0  }
0x14: {  	[sflag:s19] =	ssyncadd.s32 $0xFFFFD800  }
0x15: {  	[tilespmem:s20], [sflag:$0x2] =	stream.linear.gather [hbm4b:s8+s3], $0x2800, $0x38;
	[tilespmem:$0x1D000] =	vst v63  }
0x16: {  	_ =	swait.ge [sflag:s19], $0x2800  }
0x17: {  	[sflag:s19] =	ssyncset.done $0x0  }
0x18: {  	[sflag:s19] =	ssyncadd.s32 $0xFFFFD800  }
0x19: {  	[tilespmem:s21], [sflag:$0x2] =	stream.linear.gather [hbm4b:s5+s3], $0x4000, $0x38;
	[tilespmem:$0x1D000] =	vst v63  }
0x1a: {  	_ =	swait.ge [sflag:s19], $0x4000  }
0x1b: {  	[sflag:s19] =	ssyncset.done $0x0  }
0x1c: {  	[sflag:s19] =	ssyncadd.s32 $0xFFFFC000  }
0x1d: {  	[spmem:s6] =	stream.linear.scatter [tilespmem:s21], [sflag:$0x2], $0x4000, $0x38;
	[tilespmem:$0x1D000] =	vst v63  }
0x1e: {  	_ =	swait.ge [sflag:s19], $0x4000  }
0x1f: {  	[sflag:s19] =	ssyncset.done $0x0  }
0x20: {  	[sflag:s19] =	ssyncadd.s32 $0xFFFFC000  }
0x21: {  	[spmem:s9] =	stream.linear.scatter [tilespmem:s21], [sflag:$0x2], $0x4000, $0x38;
	[tilespmem:$0x1D000] =	vst v63  }
0x22: {  	_ =	swait.ge [sflag:s19], $0x4000  }
0x23: {  	[sflag:s19] =	ssyncset.done $0x0  }
0x24: {  	[sflag:s19] =	ssyncadd.s32 $0xFFFFC000  }
0x25: {  	[spmem:s10] =	stream.linear.scatter [tilespmem:s21], [sflag:$0x2], $0x4000, $0x38;
	[tilespmem:$0x1D000] =	vst v63  }
0x26: {  	_ =	swait.ge [sflag:s19], $0x4000  }
0x27: {  	[sflag:s19] =	ssyncset.done $0x0  }
0x28: {  	[sflag:s19] =	ssyncadd.s32 $0xFFFFC000  }
0x29: {  	[spmem:s11] =	stream.linear.scatter [tilespmem:s21], [sflag:$0x2], $0x4000, $0x38;
	[tilespmem:$0x1D000] =	vst v63  }
0x2a: {  	_ =	swait.ge [sflag:s19], $0x4000  }
0x2b: {  	[sflag:s19] =	ssyncset.done $0x0  }
0x2c: {  	[sflag:s19] =	ssyncadd.s32 $0xFFFFC000  }
0x2d: {  	[spmem:s12] =	stream.linear.scatter [tilespmem:s21], [sflag:$0x2], $0x4000, $0x38;
	[tilespmem:$0x1D000] =	vst v63  }
0x2e: {  	_ =	swait.ge [sflag:s19], $0x4000  }
0x2f: {  	[sflag:s19] =	ssyncset.done $0x0  }
0x30: {  	[sflag:s19] =	ssyncadd.s32 $0xFFFFC000  }
0x31: {  	s25 =	simm.s32 $0x0;
	[bflag:$0x0] =	sbarrier.arrive $0xFFFF  }
0x32: {  	[tilespmem:s21], [sflag:$0x1] =	stream.indirect.gather [hbm4b:s4+s22], $0x80, s25, s22, $0xb8;
	[tilespmem:$0x1D000] =	vst v63  }
0x33: {  	_ =	swait.ge [sflag:s23], $0x4000  }
0x34: {  	[sflag:s23] =	ssyncset.done $0x0  }
0x35: {  	s31 =	simm.s32 $0x2800;
	[sflag:s23] =	ssyncadd.s32 $0xFFFFC000  }
0x36: {  	[spmem:s2] =	stream.indirect.scatter.add.f32 [tilespmem:s21], [sflag:$0x2], $0x80, s31, s22, $0xb8;
	[tilespmem:$0x1D000] =	vst v63  }
0x37: {  	_ =	swait.ge [sflag:s19], $0x4000  }
0x38: {  	s26 =	simm.s32 $0x400;
	s25 =	simm.s32 $0x200;
	[sflag:s19] =	ssyncset.done $0x0  }
.LBB2_2:
0x39: {  	s28 =	sshra.s32 s25, $0x2  }
0x3a: {  	[sflag:s19] =	ssyncadd.s32 $0xFFFFC000;
	s25 =	smov.u32 s26;
	s29 =	sadd.s32 $0x200, s26  }
0x3b: {  	[tilespmem:s21], [sflag:$0x1] =	stream.indirect.gather [hbm4b:s4+s22], $0x80, s28, s22, $0xb8;
	[tilespmem:$0x1D000] =	vst v63  }
0x3c: {  	p0 =	sne.s32 s26, $0x9E00;
	_ =	swait.ge [sflag:s23], $0x4000  }
.Ltmp0:
0x3d: {  	[sflag:s23] =	ssyncset.done $0x0;
	(pc) =	sbr.rel @p0 .LBB2_2-.Ltmp0, $4  }
0x3e: {  	s26 =	sadd.s32 $0x2800, s28;
	[sflag:s23] =	ssyncadd.s32 $0xFFFFC000  }
0x3f: {  	[spmem:s2] =	stream.indirect.scatter.add.f32 [tilespmem:s21], [sflag:$0x2], $0x80, s26, s22, $0xb8;
	[tilespmem:$0x1D000] =	vst v63  }
0x40: {  	_ =	swait.ge [sflag:s19], $0x4000  }
0x41: {  	s26 =	smov.u32 s29;
	[sflag:s19] =	ssyncset.done $0x0  }
0x42: {  	s25 =	sshra.s32 s25, $0x2;
	[sflag:s19] =	ssyncadd.s32 $0xFFFFC000  }
0x43: {  	[tilespmem:s21], [sflag:$0x1] =	stream.indirect.gather [hbm4b:s4+s22], $0x80, s25, s22, $0xb8;
	[tilespmem:$0x1D000] =	vst v63  }
0x44: {  	_ =	swait.ge [sflag:s23], $0x4000  }
0x45: {  	[sflag:s23] =	ssyncset.done $0x0  }
0x46: {  	s25 =	sadd.s32 $0x2800, s25;
	[sflag:s23] =	ssyncadd.s32 $0xFFFFC000  }
0x47: {  	[spmem:s2] =	stream.indirect.scatter.add.f32 [tilespmem:s21], [sflag:$0x2], $0x80, s25, s22, $0xb8;
	[tilespmem:$0x1D000] =	vst v63  }
0x48: {  	_ =	swait.ge [sflag:s19], $0x4000  }
0x49: {  	[sflag:s19] =	ssyncset.done $0x0  }
0x4a: {  	[sflag:s19] =	ssyncadd.s32 $0xFFFFC000  }
0x4b: {  	[bflag:$0x0] =	sbarrier.arrive $0xFFFF  }
0x4c: {  	[tilespmem:s21], [sflag:$0x2] =	stream.linear.gather [spmem:s6], $0x4000, $0x38;
	[tilespmem:$0x1D000] =	vst v63  }
0x4d: {  	_ =	swait.ge [sflag:s19], $0x4000  }
0x4e: {  	[sflag:s19] =	ssyncset.done $0x0  }
0x4f: {  	[sflag:s19] =	ssyncadd.s32 $0xFFFFC000  }
0x50: {  	[hbm4b:s13+s3] =	stream.linear.scatter [tilespmem:s21], [sflag:$0x2], $0x4000, $0x38;
	[tilespmem:$0x1D000] =	vst v63  }
0x51: {  	_ =	swait.ge [sflag:s19], $0x4000  }
0x52: {  	[sflag:s19] =	ssyncset.done $0x0  }
0x53: {  	[sflag:s19] =	ssyncadd.s32 $0xFFFFC000  }
0x54: {  	[tilespmem:s21], [sflag:$0x2] =	stream.linear.gather [spmem:s9], $0x4000, $0x38;
	[tilespmem:$0x1D000] =	vst v63  }
0x55: {  	_ =	swait.ge [sflag:s19], $0x4000  }
0x56: {  	[sflag:s19] =	ssyncset.done $0x0  }
0x57: {  	[sflag:s19] =	ssyncadd.s32 $0xFFFFC000  }
0x58: {  	[hbm4b:s14+s3] =	stream.linear.scatter [tilespmem:s21], [sflag:$0x2], $0x4000, $0x38;
	[tilespmem:$0x1D000] =	vst v63  }
0x59: {  	_ =	swait.ge [sflag:s19], $0x4000  }
0x5a: {  	[sflag:s19] =	ssyncset.done $0x0  }
0x5b: {  	[sflag:s19] =	ssyncadd.s32 $0xFFFFC000  }
0x5c: {  	[tilespmem:s21], [sflag:$0x2] =	stream.linear.gather [spmem:s10], $0x4000, $0x38;
	[tilespmem:$0x1D000] =	vst v63  }
0x5d: {  	_ =	swait.ge [sflag:s19], $0x4000  }
0x5e: {  	[sflag:s19] =	ssyncset.done $0x0  }
0x5f: {  	[sflag:s19] =	ssyncadd.s32 $0xFFFFC000  }
0x60: {  	[hbm4b:s15+s3] =	stream.linear.scatter [tilespmem:s21], [sflag:$0x2], $0x4000, $0x38;
	[tilespmem:$0x1D000] =	vst v63  }
0x61: {  	_ =	swait.ge [sflag:s19], $0x4000  }
0x62: {  	[sflag:s19] =	ssyncset.done $0x0  }
0x63: {  	[sflag:s19] =	ssyncadd.s32 $0xFFFFC000  }
0x64: {  	[tilespmem:s21], [sflag:$0x2] =	stream.linear.gather [spmem:s11], $0x4000, $0x38;
	[tilespmem:$0x1D000] =	vst v63  }
0x65: {  	_ =	swait.ge [sflag:s19], $0x4000  }
0x66: {  	[sflag:s19] =	ssyncset.done $0x0  }
0x67: {  	[sflag:s19] =	ssyncadd.s32 $0xFFFFC000  }
0x68: {  	[hbm4b:s16+s3] =	stream.linear.scatter [tilespmem:s21], [sflag:$0x2], $0x4000, $0x38;
	[tilespmem:$0x1D000] =	vst v63  }
0x69: {  	_ =	swait.ge [sflag:s19], $0x4000  }
0x6a: {  	[sflag:s19] =	ssyncset.done $0x0  }
0x6b: {  	[sflag:s19] =	ssyncadd.s32 $0xFFFFC000  }
0x6c: {  	[tilespmem:s21], [sflag:$0x2] =	stream.linear.gather [spmem:s12], $0x4000, $0x38;
	[tilespmem:$0x1D000] =	vst v63  }
0x6d: {  	s24 =	sadd.s32 $0x1, s24;
	_ =	swait.ge [sflag:s19], $0x4000  }
0x6e: {  	p0 =	sne.s32 s24, s18;
	[sflag:s19] =	ssyncset.done $0x0  }
.Ltmp1:
0x6f: {  	[sflag:s19] =	ssyncadd.s32 $0xFFFFC000;
	(pc) =	sbr.rel @p0 .LBB2_1-.Ltmp1, $4  }
0x70: {  	[hbm4b:s17+s3] =	stream.linear.scatter [tilespmem:s21], [sflag:$0x2], $0x4000, $0x38;
	[tilespmem:$0x1D000] =	vst v63  }
0x71: {  	_ =	swait.ge [sflag:s19], $0x4000  }
0x72: {  	[sflag:s19] =	ssyncset.done $0x0  }
0x73: {  	[sflag:s19] =	ssyncadd.s32 $0xFFFFC000  }
0x74: {  	_ =	sfence.sel $0x180000  }
0x75: {  	[bflag:$0x0] =	sbarrier.arrive $0xFFFF  }
0x76: {  	p0 =	sne.s32 s0, $0x0;
	_ =	strace $0x90000050  }
0x77: {  	s0 =	sadd.s32 @!p0 $0x100000, s1;
	[bflag:$0x2] =	sbarrier.arrive $0xFFFF  }
0x78: {  	[sflag:s0] =	ssyncadd.tile.s32 @!p0 $0x1;
	_ =	shalt  }
.Lfunc_end2:
_tile_overlayer_lowered:
.L_overlay_start_2:
0x79: {  	(tag) =	ssettag $0x2  }
0x7a: {  	s0 =	rddreg [dreg:$0x0];
	s2 =	stileid.u32  }
0x7b: {  	s1 =	rddreg [dreg:$0x1];
	p0 =	sne.s32 s2, $0x0  }
0x7c: {  	s3 =	rddreg [dreg:$0x2];
	[bflag:$0x3] =	sbarrier.arrive $0xFFFF;
	s2 =	simm.s32 @!p0 $0x1C02  }
0x7d: {  	[timem:s3], [sflag:s2] =	dma.local @!p0 [hbm:s0], s1  }
0x7e: {  	s0 =	simm.s32 @!p0 $0x2  }
0x7f: {  	_ =	swait.ge @!p0 [sflag:s0], s1  }
0x80: {  	s1 =	ssub.s32 @!p0 $0x0, s1;
	[sflag:s0] =	ssyncset.done @!p0 $0x0  }
0x81: {  	[sflag:s0] =	ssyncadd.s32 @!p0 s1  }
0x82: {  	[bflag:$0x3] =	sbarrier.arrive $0xFFFF  }
0x83: {  	_ =	shalt  }

// kernel: kernel.29.cloned.1.call-start
scs
__scs_entry_jumppad:
0x0: {  	(pc) =	sbr.rel $0x88, $3  }
0x1: {  	(tag) =	ssettag $0x0;
	lr =	simm.s32 $0x1  }
0x2: {  	[smem:$0x3F8C] =	sst lr;
	_ =	strace $0xD0000000  }
0x3: {  	_ = 	snop  }
0x4: {  	_ = 	snop  }
0x5: {  	_ = 	snop  }
0x6: {  	_ = 	snop  }
0x7: {  	_ = 	snop  }
__scs_overlays_trampoline_lowered:
0x8: {  	[smem:$0x3F9B] =	sst s0  }
0x9: {  	[smem:$0x3F9C] =	sst s1  }
0xa: {  	[smem:$0x3F9D] =	sst s2  }
0xb: {  	[smem:$0x3F9E] =	sst s3  }
0xc: {  	[smem:$0x3F9F] =	sst s4  }
0xd: {  	[smem:$0x3FA0] =	sst s5  }
0xe: {  	[smem:$0x3FA1] =	sst s6  }
0xf: {  	[smem:$0x3FA2] =	sst s7  }
0x10: {  	[smem:$0x3FA3] =	sst s8  }
0x11: {  	[smem:$0x3FA4] =	sst s9;
	s0 =	simm.s32 @!p0 $0x0  }
0x12: {  	s1 =	sld [smem:$0x3F8A];
	s0 =	simm.s32 @p0 $0x1  }
0x13: {  	[smem:$0x3FA5] =	sst s0;
	s0 =	simm.s32 @!p1 $0x0  }
0x14: {  	s2 =	sld [smem:$0x3F89];
	s0 =	simm.s32 @p1 $0x1  }
0x15: {  	[smem:$0x3FA6] =	sst s0;
	s0 =	simm.s32 @!p2 $0x0  }
0x16: {  	s3 =	sld [smem:$0x3FDB];
	s0 =	simm.s32 @p2 $0x1  }
0x17: {  	s4 =	simm.s32 $0x1BF5;
	[smem:$0x3FA8] =	sst s0  }
0x18: {  	s0 =	sld [smem:$0x3F8B];
	_ =	swait.ge [sflag:s4], $0x0  }
0x19: {  	s7 =	sld [smem:$0x3F8C]  }
0x1a: {  	s8 =	sadd.s32 $0xFFFFE003, lr  }
0x1b: {  	s9 =	sadd.s32 $0xFFFFFEF7, lr;
	s5 =	simm.s32 $0xFFFFFFFF;
	p2 =	slt.u32 s8, $0xFFFFF086  }
0x1c: {  	p1 =	slt.u32 s9, $0xF7A;
	s5 =	simm.s32 @!p2 $0x0  }
0x1d: {  	s5 =	simm.s32 @p1 $0x1;
	p0 =	seq.s32 s7, s2  }
0x1e: {  	s7 =	smul.u32 @!p0 $0xF7A, s2;
	p2 =	seq.s32 @!p0 s5, $0x0  }
0x1f: {  	s9 =	smul.u32 $0xF7A, s1;
	s8 =	simm.s32 @!p0 $0x1BF5;
	p2 =	por !p2, p0  }
0x20: {  	[sflag:s8] =	ssyncset.s32 @!p0 $0xFFFFF086;
	s6 =	sadd.s32 @!p0 s3, s7;
	s7 =	simm.s32 @!p0 $0x108  }
0x21: {  	s3 =	sadd.s32 s3, s9;
	s6 =	sadd.s32 @!p0 $0x88, s6;
	s7 =	simm.s32 @p2 $0x1082  }
0x22: {  	[simem:s7], [sflag:s8] =	dma.local @!p0 [hbm:s6], $0xF7A  }
0x23: {  	s9 =	sor.u32 $0xD0000000, s2;
	s6 =	simm.s32 $0x108;
	_ =	swait.ge @!p0 [sflag:s8], $0x0  }
0x24: {  	s3 =	sadd.s32 $0x88, s3;
	s6 =	simm.s32 @!p1 $0x1082;
	[sflag:s4] =	ssyncset.s32 $0xFFFFF086  }
0x25: {  	[simem:s6], [sflag:s4] =	dma.local [hbm:s3], $0xF7A  }
0x26: {  	[smem:$0x3F8C] =	sst s1;
	(tag) =	ssettag s2;
	_ =	strace s9  }
0x27: {  	s1 =	sld [smem:$0x3F9C]  }
0x28: {  	s2 =	sld [smem:$0x3F9D]  }
0x29: {  	s4 =	sld [smem:$0x3F9F]  }
0x2a: {  	p0 =	seq.s32 s5, $0x0;
	s5 =	sld [smem:$0x3FA0]  }
0x2b: {  	s6 =	sld [smem:$0x3FA1]  }
0x2c: {  	s7 =	sld [smem:$0x3FA2]  }
0x2d: {  	s3 =	simm.s32 $0x108;
	s8 =	sld [smem:$0x3FA3]  }
0x2e: {  	s3 =	simm.s32 @!p0 $0x1082;
	s9 =	sld [smem:$0x3FA4]  }
0x2f: {  	lr =	sadd.s32 s0, s3;
	s0 =	sld [smem:$0x3F9B]  }
0x30: {  	s3 =	sld [smem:$0x3F9E]  }
0x31: {  	[smem:$0x3FA7] =	sst s10  }
0x32: {  	s10 =	sld [smem:$0x3FA5];
	_ =	sdelay $0x3  }
0x33: {  	p0 =	seq.s32 s10, $0x1;
	s10 =	sld [smem:$0x3FA7];
	_ =	sdelay $0x3  }
0x34: {  	[smem:$0x3FA7] =	sst s10  }
0x35: {  	s10 =	sld [smem:$0x3FA6];
	_ =	sdelay $0x3  }
0x36: {  	p1 =	seq.s32 s10, $0x1;
	s10 =	sld [smem:$0x3FA7];
	_ =	sdelay $0x3  }
0x37: {  	[smem:$0x3FA7] =	sst s10  }
0x38: {  	s10 =	sld [smem:$0x3FA8]  }
0x39: {  	_ = 	snop;
	(pc) =	sbr.ind lr, $3  }
0x3a: {  	_ = 	snop  }
0x3b: {  	_ = 	snop  }
0x3c: {  	p2 =	seq.s32 s10, $0x1;
	s10 =	sld [smem:$0x3FA7]  }
0x3d: {  	_ =	shalt  }
0x3e: {  	_ =	shalt  }
0x3f: {  	_ =	shalt  }
0x40: {  	_ =	shalt  }
0x41: {  	_ =	shalt  }
0x42: {  	_ =	shalt  }
0x43: {  	_ =	shalt  }
0x44: {  	_ =	shalt  }
0x45: {  	_ =	shalt  }
0x46: {  	_ =	shalt  }
0x47: {  	_ =	shalt  }
0x48: {  	_ =	shalt  }
0x49: {  	_ =	shalt  }
0x4a: {  	_ =	shalt  }
0x4b: {  	_ =	shalt  }
0x4c: {  	_ =	shalt  }
0x4d: {  	_ =	shalt  }
0x4e: {  	_ =	shalt  }
0x4f: {  	_ =	shalt  }
0x50: {  	_ =	shalt  }
0x51: {  	_ =	shalt  }
0x52: {  	_ =	shalt  }
0x53: {  	_ =	shalt  }
0x54: {  	_ =	shalt  }
0x55: {  	_ =	shalt  }
0x56: {  	_ =	shalt  }
0x57: {  	_ =	shalt  }
0x58: {  	_ =	shalt  }
0x59: {  	_ =	shalt  }
0x5a: {  	_ =	shalt  }
0x5b: {  	_ =	shalt  }
0x5c: {  	_ =	shalt  }
0x5d: {  	_ =	shalt  }
0x5e: {  	_ =	shalt  }
0x5f: {  	_ =	shalt  }
0x60: {  	_ =	shalt  }
0x61: {  	_ =	shalt  }
0x62: {  	_ =	shalt  }
0x63: {  	_ =	shalt  }
0x64: {  	_ =	shalt  }
0x65: {  	_ =	shalt  }
0x66: {  	_ =	shalt  }
0x67: {  	_ =	shalt  }
0x68: {  	_ =	shalt  }
0x69: {  	_ =	shalt  }
0x6a: {  	_ =	shalt  }
0x6b: {  	_ =	shalt  }
0x6c: {  	_ =	shalt  }
0x6d: {  	_ =	shalt  }
0x6e: {  	_ =	shalt  }
0x6f: {  	_ =	shalt  }
0x70: {  	_ =	shalt  }
0x71: {  	_ =	shalt  }
0x72: {  	_ =	shalt  }
0x73: {  	_ =	shalt  }
0x74: {  	_ =	shalt  }
0x75: {  	_ =	shalt  }
0x76: {  	_ =	shalt  }
0x77: {  	_ =	shalt  }
0x78: {  	_ =	shalt  }
0x79: {  	_ =	shalt  }
0x7a: {  	_ =	shalt  }
0x7b: {  	_ =	shalt  }
0x7c: {  	_ =	shalt  }
0x7d: {  	_ =	shalt  }
0x7e: {  	_ =	shalt  }
0x7f: {  	_ =	shalt  }
0x80: {  	_ =	shalt  }
0x81: {  	_ =	shalt  }
0x82: {  	_ =	shalt  }
0x83: {  	_ =	shalt  }
0x84: {  	_ =	shalt  }
0x85: {  	_ =	shalt  }
0x86: {  	_ =	shalt  }
0x87: {  	_ =	shalt  }
.Lfunc_end0:
.L_simem_size_0:
called_computation.4_lowered:
.L_overlay_start_0:
0x88: {  	s2 =	sld [smem:$0x3FD9]  }
0x89: {  	s3 =	sld [smem:$0x3FFE];
	_ =	sdelay $0x1  }
0x8a: {  	s1 =	srdreg.scid  }
0x8b: {  	s0 =	sand.u32 $0x1, s1  }
0x8c: {  	s16 =	sshll.u32 s0, $0xA;
	s2 =	sadd.s32 s3, s2  }
0x8d: {  	s2 =	sadd.s32 s2, s16  }
0x8e: {  	[smem:$0x3FB3] =	sst s2  }
0x8f: {  	_ = 	snop  }
0x90: {  	(tm) =	ssettm $0x1  }
0x91: {  	s17 =	sld [smem:$0x3FFB];
	_ =	sdelay $0x3  }
0x92: {  	_ =	strace s17  }
0x93: {  	s2 =	sld [smem:$0x3FFC];
	_ =	sdelay $0x3  }
0x94: {  	_ =	strace s2  }
0x95: {  	s2 =	sld [smem:$0x3FFD];
	_ =	sdelay $0x3  }
0x96: {  	_ =	strace s2  }
0x97: {  	_ =	strace $0x8FFFFFFF  }
0x98: {  	s18 =	sld [smem:$0x3FDB];
	_ =	sdelay $0x1  }
0x99: {  	s19 =	simm.s32 $_scs_section_size  }
0x9a: {  	s4 =	simm.s32 $_size__tile_overlayer_lowered;
	s5 =	simm.s32 $_tile_overlayer_lowered  }
0x9b: {  	s22 =	simm.s32 $0x1BFF;
	s21 =	sshll.u32 s5, $0x1;
	s2 =	sadd.s32 s19, s18  }
0x9c: {  	s6 =	simm.s32 $0x0;
	s20 =	sshll.u32 s4, $0x1;
	s4 =	sadd.s32 s21, s2  }
0x9d: {  	[timem:s6], [sflag:s22] =	dma.local [hbm:s4], s20  }
0x9e: {  	_ =	swait.ge [sflag:s22], s20  }
0x9f: {  	s3 =	ssub.s32 $0x0, s20;
	[sflag:s22] =	ssyncset.done $0x0  }
0xa0: {  	[sflag:s22] =	ssyncadd.s32 s3;
	_ =	sdelay $0x1  }
0xa1: {  	s23 =	simm.s32 $0x1B8B  }
0xa2: {  	_ =	swait.ge [sflag:s23], $0x1  }
0xa3: {  	[sflag:s23] =	ssyncset.done $0x0  }
0xa4: {  	s25 =	simm.s32 $0x1B8E;
	s24 =	sld [smem:$0x3FFE];
	[sflag:s23] =	ssyncadd.s32 $0xFFFFFFFF  }
0xa5: {  	s26 =	simm.s32 $execute0_lowered;
	[smem:$0x3FD2] =	sst s25  }
0xa6: {  	s4 =	sshll.u32 s26, $0x1;
	_ =	strace $0x80000052;
	[dreg:$0x1] =	wrdreg $0xFFFFFFFF  }
0xa7: {  	s28 =	simm.s32 $_size_execute0_lowered;
	s2 =	sadd.s32 s2, s4;
	[dreg:$0x0] =	wrdreg $0x0  }
0xa8: {  	s4 =	sshll.u32 s28, $0x1;
	[dreg:$0x2] =	wrdreg s2  }
0xa9: {  	[dreg:$0x3] =	wrdreg s4  }
0xaa: {  	[dreg:$0x4] =	wrdreg $0xC0  }
0xab: {  	_ =	task [dreg:s6], $0x5FFFF  }
0xac: {  	[dreg:$0x1] =	wrdreg $0xFFFFFFFF  }
0xad: {  	[dreg:$0x0] =	wrdreg $0x60  }
0xae: {  	[dreg:$0x2] =	wrdreg s24  }
0xaf: {  	[dreg:$0x3] =	wrdreg $0x90000  }
0xb0: {  	[dreg:$0x4] =	wrdreg $0x9  }
0xb1: {  	_ =	task.clear_ibuf [dreg:s6], $0x5FFFF;
	_ =	strace $0x90000052  }
0xb2: {  	s29 =	simm.s32 $0x9;
	_ =	strace $0x80000054  }
0xb3: {  	_ =	swait.ge [sflag:s29], $0x1  }
0xb4: {  	[sflag:s29] =	ssyncadd.s32 $0xFFFFFFFF  }
0xb5: {  	_ =	strace $0x90000054  }
0xb6: {  	_ =	sfence  }
0xb7: {  	s30 =	sld [smem:$0x0];
	_ =	sdelay $0x2  }
0xb8: {  	s31 =	sshll.u32 s1, $0xD;
	s1 =	sshrl.u32 s1, $0x2  }
0xb9: {  	s3 =	sand.u32 $0x4000, s31;
	s1 =	sadd.s32 s1, s30  }
0xba: {  	s0 =	sor.u32 s3, s0;
	s1 =	sshll.u32 s1, $0x11  }
0xbb: {  	s0 =	sor.u32 s1, s0  }
0xbc: {  	s0 =	sadd.s32 $0x8F2B, s0  }
0xbd: {  	[sflag:s0] =	ssyncadd.remote.s32 $0x1  }
0xbe: {  	_ =	sfence.sel $0xFFFF  }
0xbf: {  	[dreg:$0x0] =	wrdreg $0xFFFFFFFF;
	(pc) =	sbr.abs _section_cstart, $3  }
0xc0: {  	[dreg:$0x1] =	wrdreg $0xFFFFFFFF  }
0xc1: {  	_ =	task.clear_ibuf [dreg:s6], $0x2FFFF;
	_ =	strace $0x9FFFFFFF  }
0xc2: {  	(tm) =	ssettm $0x7FFFFFFF  }
0xc3: {  	_ =	shalt  }
tec
execute0_lowered:
.L_overlay_start_1:
0x0: {  	(tag) =	ssettag $0x1  }
0x1: {  	s7 =	rddreg [dreg:$0x0]  }
0x2: {  	s0 =	srdreg.scid;
	s2 =	rddreg [dreg:$0x1];
	s3 =	simm.s32 $0x0  }
0x3: {  	s19 =	simm.s32 $0x2;
	s20 =	simm.s32 $0x2800;
	s21 =	simm.s32 $0x5000  }
0x4: {  	s22 =	simm.s32 $0x80;
	s6 =	sand.u32 $0x1, s0;
	s0 =	stileid.u32  }
0x5: {  	s23 =	simm.s32 $0x1;
	s24 =	simm.s32 $0x0;
	s8 =	smul.u32 $0x500, s0  }
0x6: {  	[smem:$0x7FF] =	sst s3;
	s4 =	sadd.s32 $0x15600, s7;
	s9 =	smul.u32 $0x280, s0  }
0x7: {  	s1 =	sshll.u32 s6, $0x4;
	s10 =	smul.u32 $0x2800, s6;
	s6 =	ssub.s32 $0x2, s6  }
0x8: {  	s12 =	smul.u32 $0x50000, s0;
	s1 =	sor.u32 s0, s1;
	s31 =	sshrl.u32 s6, $0x1  }
0x9: {  	s5 =	smul.u32 $0x500, s1;
	s1 =	rddreg [dreg:$0x2];
	_ =	strace $0x80000053  }
0xa: {  	s8 =	sadd.s32 s8, s7;
	s9 =	sadd.s32 s9, s10;
	s12 =	sshrl.u32 s12, $0x2  }
0xb: {  	s18 =	ssub.s32 s6, s31;
	s9 =	sshll.u32 s9, $0x4;
	s6 =	sadd.s32 s12, s2  }
0xc: {  	s8 =	sadd.s32 $0x10600, s8;
	s18 =	smax.u32 s18, $0x1;
	s11 =	sadd.s32 s5, s7  }
0xd: {  	s5 =	sadd.s32 $0x65600, s7;
	s17 =	sadd.s32 s9, s7;
	s9 =	sadd.s32 $0x4000, s6  }
0xe: {  	s10 =	sadd.s32 $0x8000, s6;
	s12 =	sadd.s32 $0x10000, s6;
	s7 =	sadd.s32 $0x6600, s11  }
0xf: {  	s11 =	sadd.s32 $0xC000, s6;
	s13 =	sadd.s32 $0x65E00, s17;
	s14 =	sadd.s32 $0x66600, s17  }
0x10: {  	s15 =	sadd.s32 $0x66E00, s17;
	s16 =	sadd.s32 $0x67600, s17;
	s17 =	sadd.s32 $0x67E00, s17  }
.LBB2_1:
0x11: {  	[tilespmem:s3], [sflag:$0x2] =	stream.linear.gather [hbm4b:s7+s3], $0x2800, $0x38;
	[tilespmem:$0x1D000] =	vst v63  }
0x12: {  	_ =	swait.ge [sflag:s19], $0x2800  }
0x13: {  	[sflag:s19] =	ssyncset.done $0x0  }
0x14: {  	[sflag:s19] =	ssyncadd.s32 $0xFFFFD800  }
0x15: {  	[tilespmem:s20], [sflag:$0x2] =	stream.linear.gather [hbm4b:s8+s3], $0x2800, $0x38;
	[tilespmem:$0x1D000] =	vst v63  }
0x16: {  	_ =	swait.ge [sflag:s19], $0x2800  }
0x17: {  	[sflag:s19] =	ssyncset.done $0x0  }
0x18: {  	[sflag:s19] =	ssyncadd.s32 $0xFFFFD800  }
0x19: {  	[tilespmem:s21], [sflag:$0x2] =	stream.linear.gather [hbm4b:s5+s3], $0x4000, $0x38;
	[tilespmem:$0x1D000] =	vst v63  }
0x1a: {  	_ =	swait.ge [sflag:s19], $0x4000  }
0x1b: {  	[sflag:s19] =	ssyncset.done $0x0  }
0x1c: {  	[sflag:s19] =	ssyncadd.s32 $0xFFFFC000  }
0x1d: {  	[spmem:s6] =	stream.linear.scatter [tilespmem:s21], [sflag:$0x2], $0x4000, $0x38;
	[tilespmem:$0x1D000] =	vst v63  }
0x1e: {  	_ =	swait.ge [sflag:s19], $0x4000  }
0x1f: {  	[sflag:s19] =	ssyncset.done $0x0  }
0x20: {  	[sflag:s19] =	ssyncadd.s32 $0xFFFFC000  }
0x21: {  	[spmem:s9] =	stream.linear.scatter [tilespmem:s21], [sflag:$0x2], $0x4000, $0x38;
	[tilespmem:$0x1D000] =	vst v63  }
0x22: {  	_ =	swait.ge [sflag:s19], $0x4000  }
0x23: {  	[sflag:s19] =	ssyncset.done $0x0  }
0x24: {  	[sflag:s19] =	ssyncadd.s32 $0xFFFFC000  }
0x25: {  	[spmem:s10] =	stream.linear.scatter [tilespmem:s21], [sflag:$0x2], $0x4000, $0x38;
	[tilespmem:$0x1D000] =	vst v63  }
0x26: {  	_ =	swait.ge [sflag:s19], $0x4000  }
0x27: {  	[sflag:s19] =	ssyncset.done $0x0  }
0x28: {  	[sflag:s19] =	ssyncadd.s32 $0xFFFFC000  }
0x29: {  	[spmem:s11] =	stream.linear.scatter [tilespmem:s21], [sflag:$0x2], $0x4000, $0x38;
	[tilespmem:$0x1D000] =	vst v63  }
0x2a: {  	_ =	swait.ge [sflag:s19], $0x4000  }
0x2b: {  	[sflag:s19] =	ssyncset.done $0x0  }
0x2c: {  	[sflag:s19] =	ssyncadd.s32 $0xFFFFC000  }
0x2d: {  	[spmem:s12] =	stream.linear.scatter [tilespmem:s21], [sflag:$0x2], $0x4000, $0x38;
	[tilespmem:$0x1D000] =	vst v63  }
0x2e: {  	_ =	swait.ge [sflag:s19], $0x4000  }
0x2f: {  	[sflag:s19] =	ssyncset.done $0x0  }
0x30: {  	[sflag:s19] =	ssyncadd.s32 $0xFFFFC000  }
0x31: {  	s25 =	simm.s32 $0x0;
	[bflag:$0x0] =	sbarrier.arrive $0xFFFF  }
0x32: {  	[tilespmem:s21], [sflag:$0x1] =	stream.indirect.gather [hbm4b:s4+s22], $0x80, s25, s22, $0xb8;
	[tilespmem:$0x1D000] =	vst v63  }
0x33: {  	_ =	swait.ge [sflag:s23], $0x4000  }
0x34: {  	[sflag:s23] =	ssyncset.done $0x0  }
0x35: {  	s31 =	simm.s32 $0x2800;
	[sflag:s23] =	ssyncadd.s32 $0xFFFFC000  }
0x36: {  	[spmem:s2] =	stream.indirect.scatter.add.f32 [tilespmem:s21], [sflag:$0x2], $0x80, s31, s22, $0xb8;
	[tilespmem:$0x1D000] =	vst v63  }
0x37: {  	_ =	swait.ge [sflag:s19], $0x4000  }
0x38: {  	s26 =	simm.s32 $0x400;
	s25 =	simm.s32 $0x200;
	[sflag:s19] =	ssyncset.done $0x0  }
.LBB2_2:
0x39: {  	s28 =	sshra.s32 s25, $0x2  }
0x3a: {  	[sflag:s19] =	ssyncadd.s32 $0xFFFFC000;
	s25 =	smov.u32 s26;
	s29 =	sadd.s32 $0x200, s26  }
0x3b: {  	[tilespmem:s21], [sflag:$0x1] =	stream.indirect.gather [hbm4b:s4+s22], $0x80, s28, s22, $0xb8;
	[tilespmem:$0x1D000] =	vst v63  }
0x3c: {  	p0 =	sne.s32 s26, $0x9E00;
	_ =	swait.ge [sflag:s23], $0x4000  }
.Ltmp0:
0x3d: {  	[sflag:s23] =	ssyncset.done $0x0;
	(pc) =	sbr.rel @p0 .LBB2_2-.Ltmp0, $4  }
0x3e: {  	s26 =	sadd.s32 $0x2800, s28;
	[sflag:s23] =	ssyncadd.s32 $0xFFFFC000  }
0x3f: {  	[spmem:s2] =	stream.indirect.scatter.add.f32 [tilespmem:s21], [sflag:$0x2], $0x80, s26, s22, $0xb8;
	[tilespmem:$0x1D000] =	vst v63  }
0x40: {  	_ =	swait.ge [sflag:s19], $0x4000  }
0x41: {  	s26 =	smov.u32 s29;
	[sflag:s19] =	ssyncset.done $0x0  }
0x42: {  	s25 =	sshra.s32 s25, $0x2;
	[sflag:s19] =	ssyncadd.s32 $0xFFFFC000  }
0x43: {  	[tilespmem:s21], [sflag:$0x1] =	stream.indirect.gather [hbm4b:s4+s22], $0x80, s25, s22, $0xb8;
	[tilespmem:$0x1D000] =	vst v63  }
0x44: {  	_ =	swait.ge [sflag:s23], $0x4000  }
0x45: {  	[sflag:s23] =	ssyncset.done $0x0  }
0x46: {  	s25 =	sadd.s32 $0x2800, s25;
	[sflag:s23] =	ssyncadd.s32 $0xFFFFC000  }
0x47: {  	[spmem:s2] =	stream.indirect.scatter.add.f32 [tilespmem:s21], [sflag:$0x2], $0x80, s25, s22, $0xb8;
	[tilespmem:$0x1D000] =	vst v63  }
0x48: {  	_ =	swait.ge [sflag:s19], $0x4000  }
0x49: {  	[sflag:s19] =	ssyncset.done $0x0  }
0x4a: {  	[sflag:s19] =	ssyncadd.s32 $0xFFFFC000  }
0x4b: {  	[bflag:$0x0] =	sbarrier.arrive $0xFFFF  }
0x4c: {  	[tilespmem:s21], [sflag:$0x2] =	stream.linear.gather [spmem:s6], $0x4000, $0x38;
	[tilespmem:$0x1D000] =	vst v63  }
0x4d: {  	_ =	swait.ge [sflag:s19], $0x4000  }
0x4e: {  	[sflag:s19] =	ssyncset.done $0x0  }
0x4f: {  	[sflag:s19] =	ssyncadd.s32 $0xFFFFC000  }
0x50: {  	[hbm4b:s13+s3] =	stream.linear.scatter [tilespmem:s21], [sflag:$0x2], $0x4000, $0x38;
	[tilespmem:$0x1D000] =	vst v63  }
0x51: {  	_ =	swait.ge [sflag:s19], $0x4000  }
0x52: {  	[sflag:s19] =	ssyncset.done $0x0  }
0x53: {  	[sflag:s19] =	ssyncadd.s32 $0xFFFFC000  }
0x54: {  	[tilespmem:s21], [sflag:$0x2] =	stream.linear.gather [spmem:s9], $0x4000, $0x38;
	[tilespmem:$0x1D000] =	vst v63  }
0x55: {  	_ =	swait.ge [sflag:s19], $0x4000  }
0x56: {  	[sflag:s19] =	ssyncset.done $0x0  }
0x57: {  	[sflag:s19] =	ssyncadd.s32 $0xFFFFC000  }
0x58: {  	[hbm4b:s14+s3] =	stream.linear.scatter [tilespmem:s21], [sflag:$0x2], $0x4000, $0x38;
	[tilespmem:$0x1D000] =	vst v63  }
0x59: {  	_ =	swait.ge [sflag:s19], $0x4000  }
0x5a: {  	[sflag:s19] =	ssyncset.done $0x0  }
0x5b: {  	[sflag:s19] =	ssyncadd.s32 $0xFFFFC000  }
0x5c: {  	[tilespmem:s21], [sflag:$0x2] =	stream.linear.gather [spmem:s10], $0x4000, $0x38;
	[tilespmem:$0x1D000] =	vst v63  }
0x5d: {  	_ =	swait.ge [sflag:s19], $0x4000  }
0x5e: {  	[sflag:s19] =	ssyncset.done $0x0  }
0x5f: {  	[sflag:s19] =	ssyncadd.s32 $0xFFFFC000  }
0x60: {  	[hbm4b:s15+s3] =	stream.linear.scatter [tilespmem:s21], [sflag:$0x2], $0x4000, $0x38;
	[tilespmem:$0x1D000] =	vst v63  }
0x61: {  	_ =	swait.ge [sflag:s19], $0x4000  }
0x62: {  	[sflag:s19] =	ssyncset.done $0x0  }
0x63: {  	[sflag:s19] =	ssyncadd.s32 $0xFFFFC000  }
0x64: {  	[tilespmem:s21], [sflag:$0x2] =	stream.linear.gather [spmem:s11], $0x4000, $0x38;
	[tilespmem:$0x1D000] =	vst v63  }
0x65: {  	_ =	swait.ge [sflag:s19], $0x4000  }
0x66: {  	[sflag:s19] =	ssyncset.done $0x0  }
0x67: {  	[sflag:s19] =	ssyncadd.s32 $0xFFFFC000  }
0x68: {  	[hbm4b:s16+s3] =	stream.linear.scatter [tilespmem:s21], [sflag:$0x2], $0x4000, $0x38;
	[tilespmem:$0x1D000] =	vst v63  }
0x69: {  	_ =	swait.ge [sflag:s19], $0x4000  }
0x6a: {  	[sflag:s19] =	ssyncset.done $0x0  }
0x6b: {  	[sflag:s19] =	ssyncadd.s32 $0xFFFFC000  }
0x6c: {  	[tilespmem:s21], [sflag:$0x2] =	stream.linear.gather [spmem:s12], $0x4000, $0x38;
	[tilespmem:$0x1D000] =	vst v63  }
0x6d: {  	s24 =	sadd.s32 $0x1, s24;
	_ =	swait.ge [sflag:s19], $0x4000  }
0x6e: {  	p0 =	sne.s32 s24, s18;
	[sflag:s19] =	ssyncset.done $0x0  }
.Ltmp1:
0x6f: {  	[sflag:s19] =	ssyncadd.s32 $0xFFFFC000;
	(pc) =	sbr.rel @p0 .LBB2_1-.Ltmp1, $4  }
0x70: {  	[hbm4b:s17+s3] =	stream.linear.scatter [tilespmem:s21], [sflag:$0x2], $0x4000, $0x38;
	[tilespmem:$0x1D000] =	vst v63  }
0x71: {  	_ =	swait.ge [sflag:s19], $0x4000  }
0x72: {  	[sflag:s19] =	ssyncset.done $0x0  }
0x73: {  	[sflag:s19] =	ssyncadd.s32 $0xFFFFC000  }
0x74: {  	_ =	sfence.sel $0x180000  }
0x75: {  	[bflag:$0x0] =	sbarrier.arrive $0xFFFF  }
0x76: {  	p0 =	sne.s32 s0, $0x0;
	_ =	strace $0x90000053  }
0x77: {  	s0 =	sadd.s32 @!p0 $0x100000, s1;
	[bflag:$0x2] =	sbarrier.arrive $0xFFFF  }
0x78: {  	[sflag:s0] =	ssyncadd.tile.s32 @!p0 $0x1;
	_ =	shalt  }
.Lfunc_end2:
_tile_overlayer_lowered:
.L_overlay_start_2:
0x79: {  	(tag) =	ssettag $0x2  }
0x7a: {  	s0 =	rddreg [dreg:$0x0];
	s2 =	stileid.u32  }
0x7b: {  	s1 =	rddreg [dreg:$0x1];
	p0 =	sne.s32 s2, $0x0  }
0x7c: {  	s3 =	rddreg [dreg:$0x2];
	[bflag:$0x3] =	sbarrier.arrive $0xFFFF;
	s2 =	simm.s32 @!p0 $0x1C02  }
0x7d: {  	[timem:s3], [sflag:s2] =	dma.local @!p0 [hbm:s0], s1  }
0x7e: {  	s0 =	simm.s32 @!p0 $0x2  }
0x7f: {  	_ =	swait.ge @!p0 [sflag:s0], s1  }
0x80: {  	s1 =	ssub.s32 @!p0 $0x0, s1;
	[sflag:s0] =	ssyncset.done @!p0 $0x0  }
0x81: {  	[sflag:s0] =	ssyncadd.s32 @!p0 s1  }
0x82: {  	[bflag:$0x3] =	sbarrier.arrive $0xFFFF  }
0x83: {  	_ =	shalt  }

// kernel: kernel.32.cloned.1.call-start
scs
__scs_entry_jumppad:
0x0: {  	(pc) =	sbr.rel $0x88, $3  }
0x1: {  	(tag) =	ssettag $0x0;
	lr =	simm.s32 $0x1  }
0x2: {  	[smem:$0x3F8C] =	sst lr;
	_ =	strace $0xD0000000  }
0x3: {  	_ = 	snop  }
0x4: {  	_ = 	snop  }
0x5: {  	_ = 	snop  }
0x6: {  	_ = 	snop  }
0x7: {  	_ = 	snop  }
__scs_overlays_trampoline_lowered:
0x8: {  	[smem:$0x3F9B] =	sst s0  }
0x9: {  	[smem:$0x3F9C] =	sst s1  }
0xa: {  	[smem:$0x3F9D] =	sst s2  }
0xb: {  	[smem:$0x3F9E] =	sst s3  }
0xc: {  	[smem:$0x3F9F] =	sst s4  }
0xd: {  	[smem:$0x3FA0] =	sst s5  }
0xe: {  	[smem:$0x3FA1] =	sst s6  }
0xf: {  	[smem:$0x3FA2] =	sst s7  }
0x10: {  	[smem:$0x3FA3] =	sst s8  }
0x11: {  	[smem:$0x3FA4] =	sst s9;
	s0 =	simm.s32 @!p0 $0x0  }
0x12: {  	s1 =	sld [smem:$0x3F8A];
	s0 =	simm.s32 @p0 $0x1  }
0x13: {  	[smem:$0x3FA5] =	sst s0;
	s0 =	simm.s32 @!p1 $0x0  }
0x14: {  	s2 =	sld [smem:$0x3F89];
	s0 =	simm.s32 @p1 $0x1  }
0x15: {  	[smem:$0x3FA6] =	sst s0;
	s0 =	simm.s32 @!p2 $0x0  }
0x16: {  	s3 =	sld [smem:$0x3FDB];
	s0 =	simm.s32 @p2 $0x1  }
0x17: {  	s4 =	simm.s32 $0x1BF5;
	[smem:$0x3FA8] =	sst s0  }
0x18: {  	s0 =	sld [smem:$0x3F8B];
	_ =	swait.ge [sflag:s4], $0x0  }
0x19: {  	s7 =	sld [smem:$0x3F8C]  }
0x1a: {  	s8 =	sadd.s32 $0xFFFFE003, lr  }
0x1b: {  	s9 =	sadd.s32 $0xFFFFFEF7, lr;
	s5 =	simm.s32 $0xFFFFFFFF;
	p2 =	slt.u32 s8, $0xFFFFF086  }
0x1c: {  	p1 =	slt.u32 s9, $0xF7A;
	s5 =	simm.s32 @!p2 $0x0  }
0x1d: {  	s5 =	simm.s32 @p1 $0x1;
	p0 =	seq.s32 s7, s2  }
0x1e: {  	s7 =	smul.u32 @!p0 $0xF7A, s2;
	p2 =	seq.s32 @!p0 s5, $0x0  }
0x1f: {  	s9 =	smul.u32 $0xF7A, s1;
	s8 =	simm.s32 @!p0 $0x1BF5;
	p2 =	por !p2, p0  }
0x20: {  	[sflag:s8] =	ssyncset.s32 @!p0 $0xFFFFF086;
	s6 =	sadd.s32 @!p0 s3, s7;
	s7 =	simm.s32 @!p0 $0x108  }
0x21: {  	s3 =	sadd.s32 s3, s9;
	s6 =	sadd.s32 @!p0 $0x88, s6;
	s7 =	simm.s32 @p2 $0x1082  }
0x22: {  	[simem:s7], [sflag:s8] =	dma.local @!p0 [hbm:s6], $0xF7A  }
0x23: {  	s9 =	sor.u32 $0xD0000000, s2;
	s6 =	simm.s32 $0x108;
	_ =	swait.ge @!p0 [sflag:s8], $0x0  }
0x24: {  	s3 =	sadd.s32 $0x88, s3;
	s6 =	simm.s32 @!p1 $0x1082;
	[sflag:s4] =	ssyncset.s32 $0xFFFFF086  }
0x25: {  	[simem:s6], [sflag:s4] =	dma.local [hbm:s3], $0xF7A  }
0x26: {  	[smem:$0x3F8C] =	sst s1;
	(tag) =	ssettag s2;
	_ =	strace s9  }
0x27: {  	s1 =	sld [smem:$0x3F9C]  }
0x28: {  	s2 =	sld [smem:$0x3F9D]  }
0x29: {  	s4 =	sld [smem:$0x3F9F]  }
0x2a: {  	p0 =	seq.s32 s5, $0x0;
	s5 =	sld [smem:$0x3FA0]  }
0x2b: {  	s6 =	sld [smem:$0x3FA1]  }
0x2c: {  	s7 =	sld [smem:$0x3FA2]  }
0x2d: {  	s3 =	simm.s32 $0x108;
	s8 =	sld [smem:$0x3FA3]  }
0x2e: {  	s3 =	simm.s32 @!p0 $0x1082;
	s9 =	sld [smem:$0x3FA4]  }
0x2f: {  	lr =	sadd.s32 s0, s3;
	s0 =	sld [smem:$0x3F9B]  }
0x30: {  	s3 =	sld [smem:$0x3F9E]  }
0x31: {  	[smem:$0x3FA7] =	sst s10  }
0x32: {  	s10 =	sld [smem:$0x3FA5];
	_ =	sdelay $0x3  }
0x33: {  	p0 =	seq.s32 s10, $0x1;
	s10 =	sld [smem:$0x3FA7];
	_ =	sdelay $0x3  }
0x34: {  	[smem:$0x3FA7] =	sst s10  }
0x35: {  	s10 =	sld [smem:$0x3FA6];
	_ =	sdelay $0x3  }
0x36: {  	p1 =	seq.s32 s10, $0x1;
	s10 =	sld [smem:$0x3FA7];
	_ =	sdelay $0x3  }
0x37: {  	[smem:$0x3FA7] =	sst s10  }
0x38: {  	s10 =	sld [smem:$0x3FA8]  }
0x39: {  	_ = 	snop;
	(pc) =	sbr.ind lr, $3  }
0x3a: {  	_ = 	snop  }
0x3b: {  	_ = 	snop  }
0x3c: {  	p2 =	seq.s32 s10, $0x1;
	s10 =	sld [smem:$0x3FA7]  }
0x3d: {  	_ =	shalt  }
0x3e: {  	_ =	shalt  }
0x3f: {  	_ =	shalt  }
0x40: {  	_ =	shalt  }
0x41: {  	_ =	shalt  }
0x42: {  	_ =	shalt  }
0x43: {  	_ =	shalt  }
0x44: {  	_ =	shalt  }
0x45: {  	_ =	shalt  }
0x46: {  	_ =	shalt  }
0x47: {  	_ =	shalt  }
0x48: {  	_ =	shalt  }
0x49: {  	_ =	shalt  }
0x4a: {  	_ =	shalt  }
0x4b: {  	_ =	shalt  }
0x4c: {  	_ =	shalt  }
0x4d: {  	_ =	shalt  }
0x4e: {  	_ =	shalt  }
0x4f: {  	_ =	shalt  }
0x50: {  	_ =	shalt  }
0x51: {  	_ =	shalt  }
0x52: {  	_ =	shalt  }
0x53: {  	_ =	shalt  }
0x54: {  	_ =	shalt  }
0x55: {  	_ =	shalt  }
0x56: {  	_ =	shalt  }
0x57: {  	_ =	shalt  }
0x58: {  	_ =	shalt  }
0x59: {  	_ =	shalt  }
0x5a: {  	_ =	shalt  }
0x5b: {  	_ =	shalt  }
0x5c: {  	_ =	shalt  }
0x5d: {  	_ =	shalt  }
0x5e: {  	_ =	shalt  }
0x5f: {  	_ =	shalt  }
0x60: {  	_ =	shalt  }
0x61: {  	_ =	shalt  }
0x62: {  	_ =	shalt  }
0x63: {  	_ =	shalt  }
0x64: {  	_ =	shalt  }
0x65: {  	_ =	shalt  }
0x66: {  	_ =	shalt  }
0x67: {  	_ =	shalt  }
0x68: {  	_ =	shalt  }
0x69: {  	_ =	shalt  }
0x6a: {  	_ =	shalt  }
0x6b: {  	_ =	shalt  }
0x6c: {  	_ =	shalt  }
0x6d: {  	_ =	shalt  }
0x6e: {  	_ =	shalt  }
0x6f: {  	_ =	shalt  }
0x70: {  	_ =	shalt  }
0x71: {  	_ =	shalt  }
0x72: {  	_ =	shalt  }
0x73: {  	_ =	shalt  }
0x74: {  	_ =	shalt  }
0x75: {  	_ =	shalt  }
0x76: {  	_ =	shalt  }
0x77: {  	_ =	shalt  }
0x78: {  	_ =	shalt  }
0x79: {  	_ =	shalt  }
0x7a: {  	_ =	shalt  }
0x7b: {  	_ =	shalt  }
0x7c: {  	_ =	shalt  }
0x7d: {  	_ =	shalt  }
0x7e: {  	_ =	shalt  }
0x7f: {  	_ =	shalt  }
0x80: {  	_ =	shalt  }
0x81: {  	_ =	shalt  }
0x82: {  	_ =	shalt  }
0x83: {  	_ =	shalt  }
0x84: {  	_ =	shalt  }
0x85: {  	_ =	shalt  }
0x86: {  	_ =	shalt  }
0x87: {  	_ =	shalt  }
.Lfunc_end0:
.L_simem_size_0:
called_computation.5_lowered:
.L_overlay_start_0:
0x88: {  	s2 =	sld [smem:$0x3FD9]  }
0x89: {  	s3 =	sld [smem:$0x3FFE];
	_ =	sdelay $0x1  }
0x8a: {  	s1 =	srdreg.scid  }
0x8b: {  	s0 =	sand.u32 $0x1, s1  }
0x8c: {  	s16 =	sshll.u32 s0, $0xA;
	s2 =	sadd.s32 s3, s2  }
0x8d: {  	s2 =	sadd.s32 s2, s16  }
0x8e: {  	[smem:$0x3FB3] =	sst s2  }
0x8f: {  	_ = 	snop  }
0x90: {  	(tm) =	ssettm $0x1  }
0x91: {  	s17 =	sld [smem:$0x3FFB];
	_ =	sdelay $0x3  }
0x92: {  	_ =	strace s17  }
0x93: {  	s2 =	sld [smem:$0x3FFC];
	_ =	sdelay $0x3  }
0x94: {  	_ =	strace s2  }
0x95: {  	s2 =	sld [smem:$0x3FFD];
	_ =	sdelay $0x3  }
0x96: {  	_ =	strace s2  }
0x97: {  	_ =	strace $0x8FFFFFFF  }
0x98: {  	s18 =	sld [smem:$0x3FDB];
	_ =	sdelay $0x1  }
0x99: {  	s19 =	simm.s32 $_scs_section_size  }
0x9a: {  	s4 =	simm.s32 $_size__tile_overlayer_lowered;
	s5 =	simm.s32 $_tile_overlayer_lowered  }
0x9b: {  	s22 =	simm.s32 $0x1BFF;
	s21 =	sshll.u32 s5, $0x1;
	s2 =	sadd.s32 s19, s18  }
0x9c: {  	s6 =	simm.s32 $0x0;
	s20 =	sshll.u32 s4, $0x1;
	s4 =	sadd.s32 s21, s2  }
0x9d: {  	[timem:s6], [sflag:s22] =	dma.local [hbm:s4], s20  }
0x9e: {  	_ =	swait.ge [sflag:s22], s20  }
0x9f: {  	s3 =	ssub.s32 $0x0, s20;
	[sflag:s22] =	ssyncset.done $0x0  }
0xa0: {  	[sflag:s22] =	ssyncadd.s32 s3;
	_ =	sdelay $0x1  }
0xa1: {  	s23 =	simm.s32 $0x1B8B  }
0xa2: {  	_ =	swait.ge [sflag:s23], $0x1  }
0xa3: {  	[sflag:s23] =	ssyncset.done $0x0  }
0xa4: {  	s25 =	simm.s32 $0x1B8E;
	s24 =	sld [smem:$0x3FFE];
	[sflag:s23] =	ssyncadd.s32 $0xFFFFFFFF  }
0xa5: {  	s26 =	simm.s32 $execute0_lowered;
	[smem:$0x3FD2] =	sst s25  }
0xa6: {  	s4 =	sshll.u32 s26, $0x1;
	_ =	strace $0x80000055;
	[dreg:$0x1] =	wrdreg $0xFFFFFFFF  }
0xa7: {  	s28 =	simm.s32 $_size_execute0_lowered;
	s2 =	sadd.s32 s2, s4;
	[dreg:$0x0] =	wrdreg $0x0  }
0xa8: {  	s4 =	sshll.u32 s28, $0x1;
	[dreg:$0x2] =	wrdreg s2  }
0xa9: {  	[dreg:$0x3] =	wrdreg s4  }
0xaa: {  	[dreg:$0x4] =	wrdreg $0xC0  }
0xab: {  	_ =	task [dreg:s6], $0x5FFFF  }
0xac: {  	[dreg:$0x1] =	wrdreg $0xFFFFFFFF  }
0xad: {  	[dreg:$0x0] =	wrdreg $0x60  }
0xae: {  	[dreg:$0x2] =	wrdreg s24  }
0xaf: {  	[dreg:$0x3] =	wrdreg $0x90000  }
0xb0: {  	[dreg:$0x4] =	wrdreg $0x9  }
0xb1: {  	_ =	task.clear_ibuf [dreg:s6], $0x5FFFF;
	_ =	strace $0x90000055  }
0xb2: {  	s29 =	simm.s32 $0x9;
	_ =	strace $0x80000057  }
0xb3: {  	_ =	swait.ge [sflag:s29], $0x1  }
0xb4: {  	[sflag:s29] =	ssyncadd.s32 $0xFFFFFFFF  }
0xb5: {  	_ =	strace $0x90000057  }
0xb6: {  	_ =	sfence  }
0xb7: {  	s30 =	sld [smem:$0x0];
	_ =	sdelay $0x2  }
0xb8: {  	s31 =	sshll.u32 s1, $0xD;
	s1 =	sshrl.u32 s1, $0x2  }
0xb9: {  	s3 =	sand.u32 $0x4000, s31;
	s1 =	sadd.s32 s1, s30  }
0xba: {  	s0 =	sor.u32 s3, s0;
	s1 =	sshll.u32 s1, $0x11  }
0xbb: {  	s0 =	sor.u32 s1, s0  }
0xbc: {  	s0 =	sadd.s32 $0x8F2B, s0  }
0xbd: {  	[sflag:s0] =	ssyncadd.remote.s32 $0x1  }
0xbe: {  	_ =	sfence.sel $0xFFFF  }
0xbf: {  	[dreg:$0x0] =	wrdreg $0xFFFFFFFF;
	(pc) =	sbr.abs _section_cstart, $3  }
0xc0: {  	[dreg:$0x1] =	wrdreg $0xFFFFFFFF  }
0xc1: {  	_ =	task.clear_ibuf [dreg:s6], $0x2FFFF;
	_ =	strace $0x9FFFFFFF  }
0xc2: {  	(tm) =	ssettm $0x7FFFFFFF  }
0xc3: {  	_ =	shalt  }
tec
execute0_lowered:
.L_overlay_start_1:
0x0: {  	(tag) =	ssettag $0x1  }
0x1: {  	s7 =	rddreg [dreg:$0x0]  }
0x2: {  	s0 =	srdreg.scid;
	s2 =	rddreg [dreg:$0x1];
	s3 =	simm.s32 $0x0  }
0x3: {  	s19 =	simm.s32 $0x2;
	s20 =	simm.s32 $0x2800;
	s21 =	simm.s32 $0x5000  }
0x4: {  	s22 =	simm.s32 $0x80;
	s6 =	sand.u32 $0x1, s0;
	s0 =	stileid.u32  }
0x5: {  	s23 =	simm.s32 $0x1;
	s24 =	simm.s32 $0x0;
	s8 =	smul.u32 $0x500, s0  }
0x6: {  	[smem:$0x7FF] =	sst s3;
	s4 =	sadd.s32 $0x15600, s7;
	s9 =	smul.u32 $0x280, s0  }
0x7: {  	s1 =	sshll.u32 s6, $0x4;
	s10 =	smul.u32 $0x2800, s6;
	s6 =	ssub.s32 $0x2, s6  }
0x8: {  	s12 =	smul.u32 $0x50000, s0;
	s1 =	sor.u32 s0, s1;
	s31 =	sshrl.u32 s6, $0x1  }
0x9: {  	s5 =	smul.u32 $0x500, s1;
	s1 =	rddreg [dreg:$0x2];
	_ =	strace $0x80000056  }
0xa: {  	s8 =	sadd.s32 s8, s7;
	s9 =	sadd.s32 s9, s10;
	s12 =	sshrl.u32 s12, $0x2  }
0xb: {  	s18 =	ssub.s32 s6, s31;
	s9 =	sshll.u32 s9, $0x4;
	s6 =	sadd.s32 s12, s2  }
0xc: {  	s8 =	sadd.s32 $0x10600, s8;
	s18 =	smax.u32 s18, $0x1;
	s11 =	sadd.s32 s5, s7  }
0xd: {  	s5 =	sadd.s32 $0x65600, s7;
	s17 =	sadd.s32 s9, s7;
	s9 =	sadd.s32 $0x4000, s6  }
0xe: {  	s10 =	sadd.s32 $0x8000, s6;
	s12 =	sadd.s32 $0x10000, s6;
	s7 =	sadd.s32 $0x6600, s11  }
0xf: {  	s11 =	sadd.s32 $0xC000, s6;
	s13 =	sadd.s32 $0x65E00, s17;
	s14 =	sadd.s32 $0x66600, s17  }
0x10: {  	s15 =	sadd.s32 $0x66E00, s17;
	s16 =	sadd.s32 $0x67600, s17;
	s17 =	sadd.s32 $0x67E00, s17  }
.LBB2_1:
0x11: {  	[tilespmem:s3], [sflag:$0x2] =	stream.linear.gather [hbm4b:s7+s3], $0x2800, $0x38;
	[tilespmem:$0x1D000] =	vst v63  }
0x12: {  	_ =	swait.ge [sflag:s19], $0x2800  }
0x13: {  	[sflag:s19] =	ssyncset.done $0x0  }
0x14: {  	[sflag:s19] =	ssyncadd.s32 $0xFFFFD800  }
0x15: {  	[tilespmem:s20], [sflag:$0x2] =	stream.linear.gather [hbm4b:s8+s3], $0x2800, $0x38;
	[tilespmem:$0x1D000] =	vst v63  }
0x16: {  	_ =	swait.ge [sflag:s19], $0x2800  }
0x17: {  	[sflag:s19] =	ssyncset.done $0x0  }
0x18: {  	[sflag:s19] =	ssyncadd.s32 $0xFFFFD800  }
0x19: {  	[tilespmem:s21], [sflag:$0x2] =	stream.linear.gather [hbm4b:s5+s3], $0x4000, $0x38;
	[tilespmem:$0x1D000] =	vst v63  }
0x1a: {  	_ =	swait.ge [sflag:s19], $0x4000  }
0x1b: {  	[sflag:s19] =	ssyncset.done $0x0  }
0x1c: {  	[sflag:s19] =	ssyncadd.s32 $0xFFFFC000  }
0x1d: {  	[spmem:s6] =	stream.linear.scatter [tilespmem:s21], [sflag:$0x2], $0x4000, $0x38;
	[tilespmem:$0x1D000] =	vst v63  }
0x1e: {  	_ =	swait.ge [sflag:s19], $0x4000  }
0x1f: {  	[sflag:s19] =	ssyncset.done $0x0  }
0x20: {  	[sflag:s19] =	ssyncadd.s32 $0xFFFFC000  }
0x21: {  	[spmem:s9] =	stream.linear.scatter [tilespmem:s21], [sflag:$0x2], $0x4000, $0x38;
	[tilespmem:$0x1D000] =	vst v63  }
0x22: {  	_ =	swait.ge [sflag:s19], $0x4000  }
0x23: {  	[sflag:s19] =	ssyncset.done $0x0  }
0x24: {  	[sflag:s19] =	ssyncadd.s32 $0xFFFFC000  }
0x25: {  	[spmem:s10] =	stream.linear.scatter [tilespmem:s21], [sflag:$0x2], $0x4000, $0x38;
	[tilespmem:$0x1D000] =	vst v63  }
0x26: {  	_ =	swait.ge [sflag:s19], $0x4000  }
0x27: {  	[sflag:s19] =	ssyncset.done $0x0  }
0x28: {  	[sflag:s19] =	ssyncadd.s32 $0xFFFFC000  }
0x29: {  	[spmem:s11] =	stream.linear.scatter [tilespmem:s21], [sflag:$0x2], $0x4000, $0x38;
	[tilespmem:$0x1D000] =	vst v63  }
0x2a: {  	_ =	swait.ge [sflag:s19], $0x4000  }
0x2b: {  	[sflag:s19] =	ssyncset.done $0x0  }
0x2c: {  	[sflag:s19] =	ssyncadd.s32 $0xFFFFC000  }
0x2d: {  	[spmem:s12] =	stream.linear.scatter [tilespmem:s21], [sflag:$0x2], $0x4000, $0x38;
	[tilespmem:$0x1D000] =	vst v63  }
0x2e: {  	_ =	swait.ge [sflag:s19], $0x4000  }
0x2f: {  	[sflag:s19] =	ssyncset.done $0x0  }
0x30: {  	[sflag:s19] =	ssyncadd.s32 $0xFFFFC000  }
0x31: {  	s25 =	simm.s32 $0x0;
	[bflag:$0x0] =	sbarrier.arrive $0xFFFF  }
0x32: {  	[tilespmem:s21], [sflag:$0x1] =	stream.indirect.gather [hbm4b:s4+s22], $0x80, s25, s22, $0xb8;
	[tilespmem:$0x1D000] =	vst v63  }
0x33: {  	_ =	swait.ge [sflag:s23], $0x4000  }
0x34: {  	[sflag:s23] =	ssyncset.done $0x0  }
0x35: {  	s31 =	simm.s32 $0x2800;
	[sflag:s23] =	ssyncadd.s32 $0xFFFFC000  }
0x36: {  	[spmem:s2] =	stream.indirect.scatter.add.f32 [tilespmem:s21], [sflag:$0x2], $0x80, s31, s22, $0xb8;
	[tilespmem:$0x1D000] =	vst v63  }
0x37: {  	_ =	swait.ge [sflag:s19], $0x4000  }
0x38: {  	s26 =	simm.s32 $0x400;
	s25 =	simm.s32 $0x200;
	[sflag:s19] =	ssyncset.done $0x0  }
.LBB2_2:
0x39: {  	s28 =	sshra.s32 s25, $0x2  }
0x3a: {  	[sflag:s19] =	ssyncadd.s32 $0xFFFFC000;
	s25 =	smov.u32 s26;
	s29 =	sadd.s32 $0x200, s26  }
0x3b: {  	[tilespmem:s21], [sflag:$0x1] =	stream.indirect.gather [hbm4b:s4+s22], $0x80, s28, s22, $0xb8;
	[tilespmem:$0x1D000] =	vst v63  }
0x3c: {  	p0 =	sne.s32 s26, $0x9E00;
	_ =	swait.ge [sflag:s23], $0x4000  }
.Ltmp0:
0x3d: {  	[sflag:s23] =	ssyncset.done $0x0;
	(pc) =	sbr.rel @p0 .LBB2_2-.Ltmp0, $4  }
0x3e: {  	s26 =	sadd.s32 $0x2800, s28;
	[sflag:s23] =	ssyncadd.s32 $0xFFFFC000  }
0x3f: {  	[spmem:s2] =	stream.indirect.scatter.add.f32 [tilespmem:s21], [sflag:$0x2], $0x80, s26, s22, $0xb8;
	[tilespmem:$0x1D000] =	vst v63  }
0x40: {  	_ =	swait.ge [sflag:s19], $0x4000  }
0x41: {  	s26 =	smov.u32 s29;
	[sflag:s19] =	ssyncset.done $0x0  }
0x42: {  	s25 =	sshra.s32 s25, $0x2;
	[sflag:s19] =	ssyncadd.s32 $0xFFFFC000  }
0x43: {  	[tilespmem:s21], [sflag:$0x1] =	stream.indirect.gather [hbm4b:s4+s22], $0x80, s25, s22, $0xb8;
	[tilespmem:$0x1D000] =	vst v63  }
0x44: {  	_ =	swait.ge [sflag:s23], $0x4000  }
0x45: {  	[sflag:s23] =	ssyncset.done $0x0  }
0x46: {  	s25 =	sadd.s32 $0x2800, s25;
	[sflag:s23] =	ssyncadd.s32 $0xFFFFC000  }
0x47: {  	[spmem:s2] =	stream.indirect.scatter.add.f32 [tilespmem:s21], [sflag:$0x2], $0x80, s25, s22, $0xb8;
	[tilespmem:$0x1D000] =	vst v63  }
0x48: {  	_ =	swait.ge [sflag:s19], $0x4000  }
0x49: {  	[sflag:s19] =	ssyncset.done $0x0  }
0x4a: {  	[sflag:s19] =	ssyncadd.s32 $0xFFFFC000  }
0x4b: {  	[bflag:$0x0] =	sbarrier.arrive $0xFFFF  }
0x4c: {  	[tilespmem:s21], [sflag:$0x2] =	stream.linear.gather [spmem:s6], $0x4000, $0x38;
	[tilespmem:$0x1D000] =	vst v63  }
0x4d: {  	_ =	swait.ge [sflag:s19], $0x4000  }
0x4e: {  	[sflag:s19] =	ssyncset.done $0x0  }
0x4f: {  	[sflag:s19] =	ssyncadd.s32 $0xFFFFC000  }
0x50: {  	[hbm4b:s13+s3] =	stream.linear.scatter [tilespmem:s21], [sflag:$0x2], $0x4000, $0x38;
	[tilespmem:$0x1D000] =	vst v63  }
0x51: {  	_ =	swait.ge [sflag:s19], $0x4000  }
0x52: {  	[sflag:s19] =	ssyncset.done $0x0  }
0x53: {  	[sflag:s19] =	ssyncadd.s32 $0xFFFFC000  }
0x54: {  	[tilespmem:s21], [sflag:$0x2] =	stream.linear.gather [spmem:s9], $0x4000, $0x38;
	[tilespmem:$0x1D000] =	vst v63  }
0x55: {  	_ =	swait.ge [sflag:s19], $0x4000  }
0x56: {  	[sflag:s19] =	ssyncset.done $0x0  }
0x57: {  	[sflag:s19] =	ssyncadd.s32 $0xFFFFC000  }
0x58: {  	[hbm4b:s14+s3] =	stream.linear.scatter [tilespmem:s21], [sflag:$0x2], $0x4000, $0x38;
	[tilespmem:$0x1D000] =	vst v63  }
0x59: {  	_ =	swait.ge [sflag:s19], $0x4000  }
0x5a: {  	[sflag:s19] =	ssyncset.done $0x0  }
0x5b: {  	[sflag:s19] =	ssyncadd.s32 $0xFFFFC000  }
0x5c: {  	[tilespmem:s21], [sflag:$0x2] =	stream.linear.gather [spmem:s10], $0x4000, $0x38;
	[tilespmem:$0x1D000] =	vst v63  }
0x5d: {  	_ =	swait.ge [sflag:s19], $0x4000  }
0x5e: {  	[sflag:s19] =	ssyncset.done $0x0  }
0x5f: {  	[sflag:s19] =	ssyncadd.s32 $0xFFFFC000  }
0x60: {  	[hbm4b:s15+s3] =	stream.linear.scatter [tilespmem:s21], [sflag:$0x2], $0x4000, $0x38;
	[tilespmem:$0x1D000] =	vst v63  }
0x61: {  	_ =	swait.ge [sflag:s19], $0x4000  }
0x62: {  	[sflag:s19] =	ssyncset.done $0x0  }
0x63: {  	[sflag:s19] =	ssyncadd.s32 $0xFFFFC000  }
0x64: {  	[tilespmem:s21], [sflag:$0x2] =	stream.linear.gather [spmem:s11], $0x4000, $0x38;
	[tilespmem:$0x1D000] =	vst v63  }
0x65: {  	_ =	swait.ge [sflag:s19], $0x4000  }
0x66: {  	[sflag:s19] =	ssyncset.done $0x0  }
0x67: {  	[sflag:s19] =	ssyncadd.s32 $0xFFFFC000  }
0x68: {  	[hbm4b:s16+s3] =	stream.linear.scatter [tilespmem:s21], [sflag:$0x2], $0x4000, $0x38;
	[tilespmem:$0x1D000] =	vst v63  }
0x69: {  	_ =	swait.ge [sflag:s19], $0x4000  }
0x6a: {  	[sflag:s19] =	ssyncset.done $0x0  }
0x6b: {  	[sflag:s19] =	ssyncadd.s32 $0xFFFFC000  }
0x6c: {  	[tilespmem:s21], [sflag:$0x2] =	stream.linear.gather [spmem:s12], $0x4000, $0x38;
	[tilespmem:$0x1D000] =	vst v63  }
0x6d: {  	s24 =	sadd.s32 $0x1, s24;
	_ =	swait.ge [sflag:s19], $0x4000  }
0x6e: {  	p0 =	sne.s32 s24, s18;
	[sflag:s19] =	ssyncset.done $0x0  }
.Ltmp1:
0x6f: {  	[sflag:s19] =	ssyncadd.s32 $0xFFFFC000;
	(pc) =	sbr.rel @p0 .LBB2_1-.Ltmp1, $4  }
0x70: {  	[hbm4b:s17+s3] =	stream.linear.scatter [tilespmem:s21], [sflag:$0x2], $0x4000, $0x38;
	[tilespmem:$0x1D000] =	vst v63  }
0x71: {  	_ =	swait.ge [sflag:s19], $0x4000  }
0x72: {  	[sflag:s19] =	ssyncset.done $0x0  }
0x73: {  	[sflag:s19] =	ssyncadd.s32 $0xFFFFC000  }
0x74: {  	_ =	sfence.sel $0x180000  }
0x75: {  	[bflag:$0x0] =	sbarrier.arrive $0xFFFF  }
0x76: {  	p0 =	sne.s32 s0, $0x0;
	_ =	strace $0x90000056  }
0x77: {  	s0 =	sadd.s32 @!p0 $0x100000, s1;
	[bflag:$0x2] =	sbarrier.arrive $0xFFFF  }
0x78: {  	[sflag:s0] =	ssyncadd.tile.s32 @!p0 $0x1;
	_ =	shalt  }
.Lfunc_end2:
_tile_overlayer_lowered:
.L_overlay_start_2:
0x79: {  	(tag) =	ssettag $0x2  }
0x7a: {  	s0 =	rddreg [dreg:$0x0];
	s2 =	stileid.u32  }
0x7b: {  	s1 =	rddreg [dreg:$0x1];
	p0 =	sne.s32 s2, $0x0  }
0x7c: {  	s3 =	rddreg [dreg:$0x2];
	[bflag:$0x3] =	sbarrier.arrive $0xFFFF;
	s2 =	simm.s32 @!p0 $0x1C02  }
0x7d: {  	[timem:s3], [sflag:s2] =	dma.local @!p0 [hbm:s0], s1  }
0x7e: {  	s0 =	simm.s32 @!p0 $0x2  }
0x7f: {  	_ =	swait.ge @!p0 [sflag:s0], s1  }
0x80: {  	s1 =	ssub.s32 @!p0 $0x0, s1;
	[sflag:s0] =	ssyncset.done @!p0 $0x0  }
0x81: {  	[sflag:s0] =	ssyncadd.s32 @!p0 s1  }
0x82: {  	[bflag:$0x3] =	sbarrier.arrive $0xFFFF  }
0x83: {  	_ =	shalt  }

// kernel: kernel.35.cloned.1.call-start
scs
__scs_entry_jumppad:
0x0: {  	(pc) =	sbr.rel $0x88, $3  }
0x1: {  	(tag) =	ssettag $0x0;
	lr =	simm.s32 $0x1  }
0x2: {  	[smem:$0x3F8C] =	sst lr;
	_ =	strace $0xD0000000  }
0x3: {  	_ = 	snop  }
0x4: {  	_ = 	snop  }
0x5: {  	_ = 	snop  }
0x6: {  	_ = 	snop  }
0x7: {  	_ = 	snop  }
__scs_overlays_trampoline_lowered:
0x8: {  	[smem:$0x3F9B] =	sst s0  }
0x9: {  	[smem:$0x3F9C] =	sst s1  }
0xa: {  	[smem:$0x3F9D] =	sst s2  }
0xb: {  	[smem:$0x3F9E] =	sst s3  }
0xc: {  	[smem:$0x3F9F] =	sst s4  }
0xd: {  	[smem:$0x3FA0] =	sst s5  }
0xe: {  	[smem:$0x3FA1] =	sst s6  }
0xf: {  	[smem:$0x3FA2] =	sst s7  }
0x10: {  	[smem:$0x3FA3] =	sst s8  }
0x11: {  	[smem:$0x3FA4] =	sst s9;
	s0 =	simm.s32 @!p0 $0x0  }
0x12: {  	s1 =	sld [smem:$0x3F8A];
	s0 =	simm.s32 @p0 $0x1  }
0x13: {  	[smem:$0x3FA5] =	sst s0;
	s0 =	simm.s32 @!p1 $0x0  }
0x14: {  	s2 =	sld [smem:$0x3F89];
	s0 =	simm.s32 @p1 $0x1  }
0x15: {  	[smem:$0x3FA6] =	sst s0;
	s0 =	simm.s32 @!p2 $0x0  }
0x16: {  	s3 =	sld [smem:$0x3FDB];
	s0 =	simm.s32 @p2 $0x1  }
0x17: {  	s4 =	simm.s32 $0x1BF5;
	[smem:$0x3FA8] =	sst s0  }
0x18: {  	s0 =	sld [smem:$0x3F8B];
	_ =	swait.ge [sflag:s4], $0x0  }
0x19: {  	s7 =	sld [smem:$0x3F8C]  }
0x1a: {  	s8 =	sadd.s32 $0xFFFFE003, lr  }
0x1b: {  	s9 =	sadd.s32 $0xFFFFFEF7, lr;
	s5 =	simm.s32 $0xFFFFFFFF;
	p2 =	slt.u32 s8, $0xFFFFF086  }
0x1c: {  	p1 =	slt.u32 s9, $0xF7A;
	s5 =	simm.s32 @!p2 $0x0  }
0x1d: {  	s5 =	simm.s32 @p1 $0x1;
	p0 =	seq.s32 s7, s2  }
0x1e: {  	s7 =	smul.u32 @!p0 $0xF7A, s2;
	p2 =	seq.s32 @!p0 s5, $0x0  }
0x1f: {  	s9 =	smul.u32 $0xF7A, s1;
	s8 =	simm.s32 @!p0 $0x1BF5;
	p2 =	por !p2, p0  }
0x20: {  	[sflag:s8] =	ssyncset.s32 @!p0 $0xFFFFF086;
	s6 =	sadd.s32 @!p0 s3, s7;
	s7 =	simm.s32 @!p0 $0x108  }
0x21: {  	s3 =	sadd.s32 s3, s9;
	s6 =	sadd.s32 @!p0 $0x88, s6;
	s7 =	simm.s32 @p2 $0x1082  }
0x22: {  	[simem:s7], [sflag:s8] =	dma.local @!p0 [hbm:s6], $0xF7A  }
0x23: {  	s9 =	sor.u32 $0xD0000000, s2;
	s6 =	simm.s32 $0x108;
	_ =	swait.ge @!p0 [sflag:s8], $0x0  }
0x24: {  	s3 =	sadd.s32 $0x88, s3;
	s6 =	simm.s32 @!p1 $0x1082;
	[sflag:s4] =	ssyncset.s32 $0xFFFFF086  }
0x25: {  	[simem:s6], [sflag:s4] =	dma.local [hbm:s3], $0xF7A  }
0x26: {  	[smem:$0x3F8C] =	sst s1;
	(tag) =	ssettag s2;
	_ =	strace s9  }
0x27: {  	s1 =	sld [smem:$0x3F9C]  }
0x28: {  	s2 =	sld [smem:$0x3F9D]  }
0x29: {  	s4 =	sld [smem:$0x3F9F]  }
0x2a: {  	p0 =	seq.s32 s5, $0x0;
	s5 =	sld [smem:$0x3FA0]  }
0x2b: {  	s6 =	sld [smem:$0x3FA1]  }
0x2c: {  	s7 =	sld [smem:$0x3FA2]  }
0x2d: {  	s3 =	simm.s32 $0x108;
	s8 =	sld [smem:$0x3FA3]  }
0x2e: {  	s3 =	simm.s32 @!p0 $0x1082;
	s9 =	sld [smem:$0x3FA4]  }
0x2f: {  	lr =	sadd.s32 s0, s3;
	s0 =	sld [smem:$0x3F9B]  }
0x30: {  	s3 =	sld [smem:$0x3F9E]  }
0x31: {  	[smem:$0x3FA7] =	sst s10  }
0x32: {  	s10 =	sld [smem:$0x3FA5];
	_ =	sdelay $0x3  }
0x33: {  	p0 =	seq.s32 s10, $0x1;
	s10 =	sld [smem:$0x3FA7];
	_ =	sdelay $0x3  }
0x34: {  	[smem:$0x3FA7] =	sst s10  }
0x35: {  	s10 =	sld [smem:$0x3FA6];
	_ =	sdelay $0x3  }
0x36: {  	p1 =	seq.s32 s10, $0x1;
	s10 =	sld [smem:$0x3FA7];
	_ =	sdelay $0x3  }
0x37: {  	[smem:$0x3FA7] =	sst s10  }
0x38: {  	s10 =	sld [smem:$0x3FA8]  }
0x39: {  	_ = 	snop;
	(pc) =	sbr.ind lr, $3  }
0x3a: {  	_ = 	snop  }
0x3b: {  	_ = 	snop  }
0x3c: {  	p2 =	seq.s32 s10, $0x1;
	s10 =	sld [smem:$0x3FA7]  }
0x3d: {  	_ =	shalt  }
0x3e: {  	_ =	shalt  }
0x3f: {  	_ =	shalt  }
0x40: {  	_ =	shalt  }
0x41: {  	_ =	shalt  }
0x42: {  	_ =	shalt  }
0x43: {  	_ =	shalt  }
0x44: {  	_ =	shalt  }
0x45: {  	_ =	shalt  }
0x46: {  	_ =	shalt  }
0x47: {  	_ =	shalt  }
0x48: {  	_ =	shalt  }
0x49: {  	_ =	shalt  }
0x4a: {  	_ =	shalt  }
0x4b: {  	_ =	shalt  }
0x4c: {  	_ =	shalt  }
0x4d: {  	_ =	shalt  }
0x4e: {  	_ =	shalt  }
0x4f: {  	_ =	shalt  }
0x50: {  	_ =	shalt  }
0x51: {  	_ =	shalt  }
0x52: {  	_ =	shalt  }
0x53: {  	_ =	shalt  }
0x54: {  	_ =	shalt  }
0x55: {  	_ =	shalt  }
0x56: {  	_ =	shalt  }
0x57: {  	_ =	shalt  }
0x58: {  	_ =	shalt  }
0x59: {  	_ =	shalt  }
0x5a: {  	_ =	shalt  }
0x5b: {  	_ =	shalt  }
0x5c: {  	_ =	shalt  }
0x5d: {  	_ =	shalt  }
0x5e: {  	_ =	shalt  }
0x5f: {  	_ =	shalt  }
0x60: {  	_ =	shalt  }
0x61: {  	_ =	shalt  }
0x62: {  	_ =	shalt  }
0x63: {  	_ =	shalt  }
0x64: {  	_ =	shalt  }
0x65: {  	_ =	shalt  }
0x66: {  	_ =	shalt  }
0x67: {  	_ =	shalt  }
0x68: {  	_ =	shalt  }
0x69: {  	_ =	shalt  }
0x6a: {  	_ =	shalt  }
0x6b: {  	_ =	shalt  }
0x6c: {  	_ =	shalt  }
0x6d: {  	_ =	shalt  }
0x6e: {  	_ =	shalt  }
0x6f: {  	_ =	shalt  }
0x70: {  	_ =	shalt  }
0x71: {  	_ =	shalt  }
0x72: {  	_ =	shalt  }
0x73: {  	_ =	shalt  }
0x74: {  	_ =	shalt  }
0x75: {  	_ =	shalt  }
0x76: {  	_ =	shalt  }
0x77: {  	_ =	shalt  }
0x78: {  	_ =	shalt  }
0x79: {  	_ =	shalt  }
0x7a: {  	_ =	shalt  }
0x7b: {  	_ =	shalt  }
0x7c: {  	_ =	shalt  }
0x7d: {  	_ =	shalt  }
0x7e: {  	_ =	shalt  }
0x7f: {  	_ =	shalt  }
0x80: {  	_ =	shalt  }
0x81: {  	_ =	shalt  }
0x82: {  	_ =	shalt  }
0x83: {  	_ =	shalt  }
0x84: {  	_ =	shalt  }
0x85: {  	_ =	shalt  }
0x86: {  	_ =	shalt  }
0x87: {  	_ =	shalt  }
.Lfunc_end0:
.L_simem_size_0:
called_computation.6_lowered:
.L_overlay_start_0:
0x88: {  	s2 =	sld [smem:$0x3FD9]  }
0x89: {  	s3 =	sld [smem:$0x3FFE];
	_ =	sdelay $0x1  }
0x8a: {  	s1 =	srdreg.scid  }
0x8b: {  	s0 =	sand.u32 $0x1, s1  }
0x8c: {  	s16 =	sshll.u32 s0, $0xA;
	s2 =	sadd.s32 s3, s2  }
0x8d: {  	s2 =	sadd.s32 s2, s16  }
0x8e: {  	[smem:$0x3FB3] =	sst s2  }
0x8f: {  	_ = 	snop  }
0x90: {  	(tm) =	ssettm $0x1  }
0x91: {  	s17 =	sld [smem:$0x3FFB];
	_ =	sdelay $0x3  }
0x92: {  	_ =	strace s17  }
0x93: {  	s2 =	sld [smem:$0x3FFC];
	_ =	sdelay $0x3  }
0x94: {  	_ =	strace s2  }
0x95: {  	s2 =	sld [smem:$0x3FFD];
	_ =	sdelay $0x3  }
0x96: {  	_ =	strace s2  }
0x97: {  	_ =	strace $0x8FFFFFFF  }
0x98: {  	s18 =	sld [smem:$0x3FDB];
	_ =	sdelay $0x1  }
0x99: {  	s19 =	simm.s32 $_scs_section_size  }
0x9a: {  	s4 =	simm.s32 $_size__tile_overlayer_lowered;
	s5 =	simm.s32 $_tile_overlayer_lowered  }
0x9b: {  	s22 =	simm.s32 $0x1BFF;
	s21 =	sshll.u32 s5, $0x1;
	s2 =	sadd.s32 s19, s18  }
0x9c: {  	s6 =	simm.s32 $0x0;
	s20 =	sshll.u32 s4, $0x1;
	s4 =	sadd.s32 s21, s2  }
0x9d: {  	[timem:s6], [sflag:s22] =	dma.local [hbm:s4], s20  }
0x9e: {  	_ =	swait.ge [sflag:s22], s20  }
0x9f: {  	s3 =	ssub.s32 $0x0, s20;
	[sflag:s22] =	ssyncset.done $0x0  }
0xa0: {  	[sflag:s22] =	ssyncadd.s32 s3;
	_ =	sdelay $0x1  }
0xa1: {  	s23 =	simm.s32 $0x1B8B  }
0xa2: {  	_ =	swait.ge [sflag:s23], $0x1  }
0xa3: {  	[sflag:s23] =	ssyncset.done $0x0  }
0xa4: {  	s25 =	simm.s32 $0x1B8E;
	s24 =	sld [smem:$0x3FFE];
	[sflag:s23] =	ssyncadd.s32 $0xFFFFFFFF  }
0xa5: {  	s26 =	simm.s32 $execute0_lowered;
	[smem:$0x3FD2] =	sst s25  }
0xa6: {  	s4 =	sshll.u32 s26, $0x1;
	_ =	strace $0x80000058;
	[dreg:$0x1] =	wrdreg $0xFFFFFFFF  }
0xa7: {  	s28 =	simm.s32 $_size_execute0_lowered;
	s2 =	sadd.s32 s2, s4;
	[dreg:$0x0] =	wrdreg $0x0  }
0xa8: {  	s4 =	sshll.u32 s28, $0x1;
	[dreg:$0x2] =	wrdreg s2  }
0xa9: {  	[dreg:$0x3] =	wrdreg s4  }
0xaa: {  	[dreg:$0x4] =	wrdreg $0xC0  }
0xab: {  	_ =	task [dreg:s6], $0x5FFFF  }
0xac: {  	[dreg:$0x1] =	wrdreg $0xFFFFFFFF  }
0xad: {  	[dreg:$0x0] =	wrdreg $0x60  }
0xae: {  	[dreg:$0x2] =	wrdreg s24  }
0xaf: {  	[dreg:$0x3] =	wrdreg $0x9  }
0xb0: {  	_ =	task.clear_ibuf [dreg:s6], $0x4FFFF;
	_ =	strace $0x90000058  }
0xb1: {  	s29 =	simm.s32 $0x9;
	_ =	strace $0x8000005A  }
0xb2: {  	_ =	swait.ge [sflag:s29], $0x1  }
0xb3: {  	[sflag:s29] =	ssyncadd.s32 $0xFFFFFFFF  }
0xb4: {  	_ =	strace $0x9000005A  }
0xb5: {  	_ =	sfence  }
0xb6: {  	s30 =	sld [smem:$0x0];
	_ =	sdelay $0x2  }
0xb7: {  	s31 =	sshll.u32 s1, $0xD;
	s1 =	sshrl.u32 s1, $0x2  }
0xb8: {  	s3 =	sand.u32 $0x4000, s31;
	s1 =	sadd.s32 s1, s30  }
0xb9: {  	s0 =	sor.u32 s3, s0;
	s1 =	sshll.u32 s1, $0x11  }
0xba: {  	s0 =	sor.u32 s1, s0  }
0xbb: {  	s0 =	sadd.s32 $0x8F2B, s0  }
0xbc: {  	[sflag:s0] =	ssyncadd.remote.s32 $0x1  }
0xbd: {  	_ =	sfence.sel $0xFFFF  }
0xbe: {  	[dreg:$0x0] =	wrdreg $0xFFFFFFFF;
	(pc) =	sbr.abs _section_cstart, $3  }
0xbf: {  	[dreg:$0x1] =	wrdreg $0xFFFFFFFF  }
0xc0: {  	_ =	task.clear_ibuf [dreg:s6], $0x2FFFF;
	_ =	strace $0x9FFFFFFF  }
0xc1: {  	(tm) =	ssettm $0x7FFFFFFF  }
tec
execute0_lowered:
.L_overlay_start_1:
0x0: {  	(tag) =	ssettag $0x1  }
0x1: {  	s16 =	rddreg [dreg:$0x0]  }
0x2: {  	s1 =	stileid.u32;
	s2 =	srdreg.scid  }
0x3: {  	s0 =	rddreg [dreg:$0x1];
	s3 =	sshll.u32 s1, $0x6;
	s17 =	sand.u32 $0x1, s2  }
0x4: {  	s2 =	simm.s32 $0x0;
	s3 =	sadd.s32 s3, s16;
	s4 =	sshll.u32 s17, $0xA  }
0x5: {  	[smem:$0x7FF] =	sst s2;
	s3 =	sadd.s32 s4, s3  }
0x6: {  	_ =	strace $0x80000059;
	s4 =	sadd.s32 $0xB6E00, s3;
	s3 =	simm.s32 $0x5  }
0x7: {  	[tilespmem:s2], [sflag:$0x5] =	stream.linear.gather [hbm4b:s4+s2], $0x200, $0x38;
	[tilespmem:$0x10200] =	vst v63  }
0x8: {  	_ =	swait.ge [sflag:s3], $0x200  }
0x9: {  	s6 =	simm.s32 $0x80;
	[sflag:s3] =	ssyncset.done $0x0  }
0xa: {  	s7 =	simm.s32 $0x200;
	s5 =	sadd.s32 $0x6400, s16;
	[sflag:s3] =	ssyncadd.s32 $0xFFFFFE00  }
0xb: {  	[tilespmem:s7], [sflag:$0x1] =	stream.indirect.gather [hbm4b:s5+s6], $0x80, s2, s6, $0xb8;
	[tilespmem:$0x10200] =	vst v63  }
0xc: {  	s8 =	simm.s32 $0x4200  }
0xd: {  	[tilespmem:s8], [sflag:$0x2] =	stream.indirect.gather [hbm4b:s5+s6], $0x80, s6, s6, $0xb8;
	[tilespmem:$0x10200] =	vst v63  }
0xe: {  	s9 =	simm.s32 $0x100;
	s10 =	simm.s32 $0x8200  }
0xf: {  	[tilespmem:s10], [sflag:$0x3] =	stream.indirect.gather [hbm4b:s5+s6], $0x80, s9, s6, $0xb8;
	[tilespmem:$0x10200] =	vst v63  }
0x10: {  	s11 =	simm.s32 $0x180;
	s12 =	simm.s32 $0xC200;
	s13 =	simm.s32 $0x1  }
0x11: {  	[tilespmem:s12], [sflag:$0x4] =	stream.indirect.gather [hbm4b:s5+s6], $0x80, s11, s6, $0xb8;
	[tilespmem:$0x10200] =	vst v63  }
0x12: {  	_ =	swait.ge [sflag:s13], $0x4000  }
0x13: {  	[sflag:s13] =	ssyncset.done $0x0  }
0x14: {  	s14 =	simm.s32 $0x2;
	[sflag:s13] =	ssyncadd.s32 $0xFFFFC000  }
0x15: {  	_ =	swait.ge [sflag:s14], $0x4000  }
0x16: {  	[sflag:s14] =	ssyncset.done $0x0  }
0x17: {  	s15 =	simm.s32 $0x3;
	s19 =	ssub.s32 $0x2, s17;
	[sflag:s14] =	ssyncadd.s32 $0xFFFFC000  }
0x18: {  	s18 =	sshll.u32 s1, $0xD;
	s20 =	sshrl.u32 s19, $0x1;
	_ =	swait.ge [sflag:s15], $0x4000  }
0x19: {  	s18 =	sadd.s32 s18, s16;
	s19 =	ssub.s32 s19, s20;
	[sflag:s15] =	ssyncset.done $0x0  }
0x1a: {  	s16 =	simm.s32 $0x4;
	s31 =	smax.u32 s19, $0x1;
	[sflag:s15] =	ssyncadd.s32 $0xFFFFC000  }
0x1b: {  	s17 =	sshll.u32 s17, $0x11;
	p0 =	sne.s32 s31, $0x1;
	_ =	swait.ge [sflag:s16], $0x4000  }
.Ltmp0:
0x1c: {  	s17 =	sadd.s32 s17, s18;
	[sflag:s16] =	ssyncset.done $0x0;
	(pc) =	sbr.rel @!p0 .LBB2_2-.Ltmp0, $4  }
0x1d: {  	s17 =	sadd.s32 $0x56400, s17;
	[sflag:s16] =	ssyncadd.s32 $0xFFFFC000  }
0x1e: {  	[hbm4b:s17+s2] =	stream.linear.scatter [tilespmem:s7], [sflag:$0x5], $0x10000, $0x38;
	[tilespmem:$0x10200] =	vst v63  }
0x1f: {  	_ =	swait.ge [sflag:s3], $0x10000  }
0x20: {  	s18 =	sadd.s32 $0xFFFFFFFF, s31;
	[sflag:s3] =	ssyncset.done $0x0  }
.LBB2_1:
0x21: {  	p0 =	sne.s32 s18, $0x1;
	s18 =	sadd.s32 $0xFFFFFFFF, s18;
	[sflag:s3] =	ssyncadd.s32 $0xFFFF0000  }
0x22: {  	[tilespmem:s2], [sflag:$0x5] =	stream.linear.gather [hbm4b:s4+s2], $0x200, $0x38;
	[tilespmem:$0x10200] =	vst v63  }
0x23: {  	_ =	swait.ge [sflag:s3], $0x200  }
0x24: {  	[sflag:s3] =	ssyncset.done $0x0  }
0x25: {  	[sflag:s3] =	ssyncadd.s32 $0xFFFFFE00  }
0x26: {  	[tilespmem:s7], [sflag:$0x1] =	stream.indirect.gather [hbm4b:s5+s6], $0x80, s2, s6, $0xb8;
	[tilespmem:$0x10200] =	vst v63  }
0x27: {  	_ = 	snop  }
0x28: {  	[tilespmem:s8], [sflag:$0x2] =	stream.indirect.gather [hbm4b:s5+s6], $0x80, s6, s6, $0xb8;
	[tilespmem:$0x10200] =	vst v63  }
0x29: {  	_ = 	snop  }
0x2a: {  	[tilespmem:s10], [sflag:$0x3] =	stream.indirect.gather [hbm4b:s5+s6], $0x80, s9, s6, $0xb8;
	[tilespmem:$0x10200] =	vst v63  }
0x2b: {  	_ = 	snop  }
0x2c: {  	[tilespmem:s12], [sflag:$0x4] =	stream.indirect.gather [hbm4b:s5+s6], $0x80, s11, s6, $0xb8;
	[tilespmem:$0x10200] =	vst v63  }
0x2d: {  	_ =	swait.ge [sflag:s13], $0x4000  }
0x2e: {  	[sflag:s13] =	ssyncset.done $0x0  }
0x2f: {  	[sflag:s13] =	ssyncadd.s32 $0xFFFFC000  }
0x30: {  	_ =	swait.ge [sflag:s14], $0x4000  }
0x31: {  	[sflag:s14] =	ssyncset.done $0x0  }
0x32: {  	[sflag:s14] =	ssyncadd.s32 $0xFFFFC000  }
0x33: {  	_ =	swait.ge [sflag:s15], $0x4000  }
0x34: {  	[sflag:s15] =	ssyncset.done $0x0  }
0x35: {  	[sflag:s15] =	ssyncadd.s32 $0xFFFFC000  }
0x36: {  	_ =	swait.ge [sflag:s16], $0x4000  }
.Ltmp1:
0x37: {  	[sflag:s16] =	ssyncset.done $0x0;
	(pc) =	sbr.rel @p0 .LBB2_1-.Ltmp1, $4  }
0x38: {  	[sflag:s16] =	ssyncadd.s32 $0xFFFFC000  }
0x39: {  	[hbm4b:s17+s2] =	stream.linear.scatter [tilespmem:s7], [sflag:$0x5], $0x10000, $0x38;
	[tilespmem:$0x10200] =	vst v63  }
0x3a: {  	_ =	swait.ge [sflag:s3], $0x10000  }
0x3b: {  	[sflag:s3] =	ssyncset.done $0x0  }
.LBB2_2:
0x3c: {  	[sflag:s3] =	ssyncadd.s32 $0xFFFF0000  }
0x3d: {  	_ =	sfence.sel $0x180000  }
0x3e: {  	[bflag:$0x0] =	sbarrier.arrive $0xFFFF  }
0x3f: {  	p0 =	sne.s32 s1, $0x0;
	_ =	strace $0x90000059  }
0x40: {  	s0 =	sadd.s32 @!p0 $0x100000, s0;
	[bflag:$0x2] =	sbarrier.arrive $0xFFFF  }
0x41: {  	[sflag:s0] =	ssyncadd.tile.s32 @!p0 $0x1;
	_ =	shalt  }
.Lfunc_end2:
_tile_overlayer_lowered:
.L_overlay_start_2:
0x42: {  	(tag) =	ssettag $0x2  }
0x43: {  	s0 =	rddreg [dreg:$0x0];
	s2 =	stileid.u32  }
0x44: {  	s1 =	rddreg [dreg:$0x1];
	p0 =	sne.s32 s2, $0x0  }
0x45: {  	s3 =	rddreg [dreg:$0x2];
	[bflag:$0x3] =	sbarrier.arrive $0xFFFF;
	s2 =	simm.s32 @!p0 $0x1C05  }
0x46: {  	[timem:s3], [sflag:s2] =	dma.local @!p0 [hbm:s0], s1  }
0x47: {  	s0 =	simm.s32 @!p0 $0x5  }
0x48: {  	_ =	swait.ge @!p0 [sflag:s0], s1  }
0x49: {  	s1 =	ssub.s32 @!p0 $0x0, s1;
	[sflag:s0] =	ssyncset.done @!p0 $0x0  }
0x4a: {  	[sflag:s0] =	ssyncadd.s32 @!p0 s1  }
0x4b: {  	[bflag:$0x3] =	sbarrier.arrive $0xFFFF  }
0x4c: {  	_ =	shalt  }

</sc_bundles>
